<compile_context>
chip_gen: v7x
topology: tpu7x:2x2x1
jax: 0.10.2.dev20260603
libtpu: 0.0.44.dev20260713+nightly
codegen_flags: <defaults>
</compile_context>

<pallas_src>
import functools

import jax
import jax.numpy as jnp
from jax import lax
from jax.experimental import pallas as pl
from jax.experimental.pallas import tpu as pltpu
from jax.experimental.pallas import tpu_sc as plsc

N = 10000
F = 128
FH = F // 2
NROWS = 10240
PROWS = NROWS // 2
SCN = 2
NS = 16
NW = SCN * NS
B = 48
VL = 16
KV = F // VL
DMIN = 2048
DROWS = 10
LOFF = 0
WOFF = B * 2 * VL
AOFF = WOFF + 2 * B
MOFF = AOFF + F
FBUF = MOFF + 2 * VL
EPS = 1e-16



def _mm2_body(x_ref, wl_ref, wr_ref, o1_ref, o2_ref):
    xb = x_ref[...]
    o1_ref[...] = jnp.dot(xb, wl_ref[...], preferred_element_type=jnp.float32)
    o2_ref[...] = jnp.dot(xb, wr_ref[...], preferred_element_type=jnp.float32)


def _mm2(xp, wl, wr):
    br = 1024
    return pl.pallas_call(
        _mm2_body,
        grid=(NROWS // br,),
        in_specs=[
            pl.BlockSpec((br, F), lambda i: (i, 0)),
            pl.BlockSpec((F, F), lambda i: (0, 0)),
            pl.BlockSpec((F, F), lambda i: (0, 0)),
        ],
        out_specs=[
            pl.BlockSpec((br, F), lambda i: (i, 0)),
            pl.BlockSpec((br, F), lambda i: (i, 0)),
        ],
        out_shape=[jax.ShapeDtypeStruct((NROWS, F), jnp.float32)] * 2,
    )(xp, wl, wr)


def _psum(ref):
    s = ref[0]
    for c in range(1, ref.shape[0]):
        s = s + ref[c]
    return s


def _mid_body(pa_ref, d0_ref, d1_ref, b_ref, wl_ref, wr_ref,
              o1_ref, o2_ref):
    pid = pl.program_id(0)
    d0 = jnp.sum(d0_ref[...], axis=1, keepdims=True)
    d1 = jnp.sum(d1_ref[...], axis=1, keepdims=True)
    num = _psum(pa_ref)
    lanes = lax.broadcasted_iota(jnp.int32, num.shape, 1)
    h = num / (jnp.where(lanes < FH, d0, d1) + EPS)
    h = h + b_ref[...]
    h = jnp.where(h > 0, h, jnp.exp(h) - 1.0)
    row = pid * h.shape[0] + lax.broadcasted_iota(jnp.int32, (h.shape[0], 1), 0)
    h = jnp.where(row < N, h, 0.0)
    o1_ref[...] = jnp.dot(h, wl_ref[...], preferred_element_type=jnp.float32)
    o2_ref[...] = jnp.dot(h, wr_ref[...], preferred_element_type=jnp.float32)


def _mid(pa, d0, d1, b, wl, wr):
    br = 1024
    return pl.pallas_call(
        _mid_body,
        grid=(NROWS // br,),
        in_specs=[
            pl.BlockSpec((SCN, br, F), lambda i: (0, i, 0)),
            pl.BlockSpec((br, SCN * NS), lambda i: (i, 0)),
            pl.BlockSpec((br, SCN * NS), lambda i: (i, 0)),
            pl.BlockSpec((1, F), lambda i: (0, 0)),
            pl.BlockSpec((F, F), lambda i: (0, 0)),
            pl.BlockSpec((F, F), lambda i: (0, 0)),
        ],
        out_specs=[
            pl.BlockSpec((br, F), lambda i: (i, 0)),
            pl.BlockSpec((br, F), lambda i: (i, 0)),
        ],
        out_shape=[jax.ShapeDtypeStruct((NROWS, F), jnp.float32)] * 2,
    )(pa, d0, d1, b.reshape(1, F), wl, wr)


def _fin_body(pa_ref, d0_ref, b_ref, o_ref):
    d0 = jnp.sum(d0_ref[...], axis=1, keepdims=True)
    h = _psum(pa_ref) / (d0 + EPS)
    h = h + b_ref[...]
    o_ref[...] = jnp.where(h > 0, h, jnp.exp(h) - 1.0)


def _fin(pa, d0, b):
    br = 1000
    return pl.pallas_call(
        _fin_body,
        grid=(N // br,),
        in_specs=[
            pl.BlockSpec((SCN, br, F), lambda i: (0, i, 0)),
            pl.BlockSpec((br, SCN * NS), lambda i: (i, 0)),
            pl.BlockSpec((1, F), lambda i: (0, 0)),
        ],
        out_specs=pl.BlockSpec((br, F), lambda i: (i, 0)),
        out_shape=jax.ShapeDtypeStruct((N, F), jnp.float32),
    )(pa, d0, b.reshape(1, F))



def _edge_a(nblk):
    mesh = plsc.VectorSubcoreMesh(core_axis_name="c", subcore_axis_name="s",
                                  num_cores=SCN, num_subcores=NS)
    rows_per_tile = NROWS // NS

    @functools.partial(
        pl.kernel,
        out_type=(
            pltpu.HBM((SCN, NROWS, F), jnp.float32),
            pltpu.HBM((SCN, NS, DROWS, DMIN), jnp.float32),
        ),
        name="gat_edge_pass",
        mesh=mesh,
        scratch_types=[
            pltpu.VMEM((B,), jnp.int32),
            pltpu.VMEM((B,), jnp.int32),
            pltpu.VMEM((B, F), jnp.float32),
            pltpu.VMEM((B, F), jnp.float32),
            pltpu.VMEM((FBUF,), jnp.float32),
            pltpu.VMEM((DROWS, DMIN), jnp.float32),
            pltpu.VMEM_SHARED((NROWS, F), jnp.float32),
            pltpu.SemaphoreType.DMA,
            pltpu.SemaphoreType.DMA,
        ],
        compiler_params=pltpu.CompilerParams(needs_layout_passes=False),
    )
    def ek(xl_hbm, xr_hbm, src_hbm, dst_hbm, att_hbm, m_hbm, num_hbm, dh_hbm,
           src_v, dst_v, xl_b, xr_b, fbuf, denom_v, accum, sem1, sem2):
        cid = lax.axis_index("c")
        sid = lax.axis_index("s")
        wid = cid * NS + sid
        zero = jnp.zeros((VL,), jnp.float32)
        lane = lax.iota(jnp.int32, VL)

        @pl.loop(0, DROWS)
        def _zd(r):
            for c in range(DMIN // VL):
                denom_v[r, pl.ds(c * VL, VL)] = zero

        @pl.loop(0, B)
        def _zrow(r):
            for k in range(KV):
                xl_b[r, pl.ds(k * VL, VL)] = zero

        @pl.loop(0, rows_per_tile // B)
        def _zacc(t):
            pltpu.sync_copy(
                xl_b, accum.at[pl.ds(sid * rows_per_tile + t * B, B)])

        if rows_per_tile % B:
            pltpu.sync_copy(
                xl_b.at[pl.ds(0, rows_per_tile % B)],
                accum.at[pl.ds(
                    sid * rows_per_tile + (rows_per_tile // B) * B,
                    rows_per_tile % B)])

        plsc.subcore_barrier()

        pltpu.sync_copy(att_hbm, fbuf.at[pl.ds(AOFF, F)])
        pltpu.sync_copy(m_hbm, fbuf.at[pl.ds(MOFF, 2 * VL)])
        att = [fbuf[pl.ds(AOFF + k * VL, VL)] for k in range(KV)]
        m0 = fbuf[pl.ds(MOFF, VL)]
        m1 = fbuf[pl.ds(MOFF + VL, VL)]
        lanestep = lane * (2 * VL)
        hrow = jnp.minimum(lane, 1) * (DROWS // 2)
        base0 = wid * nblk * B

        @pl.loop(0, nblk)
        def _blk(j):
            base = base0 + j * B
            pltpu.sync_copy(src_hbm.at[pl.ds(base, B)], src_v)
            pltpu.sync_copy(dst_hbm.at[pl.ds(base, B)], dst_v)
            cp1 = pltpu.async_copy(xl_hbm.at[src_v], xl_b, sem1)
            cp2 = pltpu.async_copy(xr_hbm.at[dst_v], xr_b, sem2)
            cp1.wait()
            cp2.wait()

            @plsc.parallel_loop(0, B, unroll=4)
            def _edge(e):
                acc0 = zero
                acc1 = zero
                for k in range(KV):
                    z = xl_b[e, pl.ds(k * VL, VL)] + xr_b[e, pl.ds(k * VL, VL)]
                    t = jnp.maximum(z, 0.2 * z) * att[k]
                    if k >= KV // 2:
                        acc1 = acc1 + t
                    else:
                        acc0 = acc0 + t
                fbuf[pl.ds(e * 2 * VL, VL)] = acc0
                fbuf[pl.ds(e * 2 * VL + VL, VL)] = acc1

            @plsc.parallel_loop(0, B // VL, unroll=3)
            def _grp(g):
                gb = g * (2 * VL * VL)
                tots = []
                for h in range(2):
                    tot = zero
                    for c in range(VL):
                        idx = lanestep + (gb + h * VL + c)
                        tot = tot + plsc.load_gather(fbuf, [idx])
                    tots.append(tot)
                fbuf[pl.ds(WOFF + g * VL, VL)] = jnp.exp(tots[0])
                fbuf[pl.ds(WOFF + B + g * VL, VL)] = jnp.exp(tots[1])

            @pl.loop(0, B)
            def _scale(e):
                esplat = jnp.full((VL,), e, jnp.int32)
                w0 = plsc.load_gather(fbuf, [esplat + WOFF])
                w1 = plsc.load_gather(fbuf, [esplat + WOFF + B])
                s0 = w0 * (m0 + m1 * w1)
                s1 = w1 * (m0 + m1 * w0)
                wrow = jnp.where(lane == 0, s0,
                                 jnp.where(lane == 1, s1, 0.0))
                d = plsc.load_gather(dst_v, [esplat])
                for k in range(KV):
                    sk = s0 if k < KV // 2 else s1
                    xl_b[e, pl.ds(k * VL, VL)] = xl_b[e, pl.ds(k * VL, VL)] * sk
                plsc.addupdate_scatter(
                    denom_v,
                    [(d >> 11) + hrow, d & (DMIN - 1)],
                    wrow, mask=lane < 2)

            pltpu.sync_copy(xl_b, accum.at[dst_v], add=True)

        plsc.subcore_barrier()
        pltpu.sync_copy(accum.at[pl.ds(sid * rows_per_tile, rows_per_tile)],
                        num_hbm.at[cid, pl.ds(sid * rows_per_tile, rows_per_tile)])
        pltpu.sync_copy(denom_v, dh_hbm.at[cid, sid])

    return ek



def kernel(x, edge_index, W_l1, W_r1, att1, b1, W_l2, W_r2, att2, b2):
    n, d = x.shape
    e = edge_index.shape[1]
    etot = e + n
    epad = ((etot + NW * B - 1) // (NW * B)) * (NW * B)
    nblk = epad // (NW * B)

    loops = jnp.arange(n, dtype=jnp.int32)
    srcf = jnp.concatenate([edge_index[0].astype(jnp.int32), loops])
    dstf = jnp.concatenate([edge_index[1].astype(jnp.int32), loops])
    srcf = jnp.pad(srcf, (0, epad - etot))
    dstf = jnp.pad(dstf, (0, epad - etot), constant_values=n)

    xp = jnp.pad(x, ((0, NROWS - n), (0, 0)))

    eka = _edge_a(nblk)
    m_l1 = jnp.concatenate([jnp.ones((VL,), jnp.float32),
                            jnp.zeros((VL,), jnp.float32)])
    m_l2 = jnp.concatenate([jnp.zeros((VL,), jnp.float32),
                            jnp.ones((VL,), jnp.float32)])

    def _denoms(dh):
        d0 = dh[:, :, :NROWS // DMIN, :].reshape(SCN * NS, NROWS).T
        d1 = dh[:, :, DROWS // 2:DROWS // 2 + NROWS // DMIN, :].reshape(
            SCN * NS, NROWS).T
        return d0, d1

    xl1, xr1 = _mm2(xp, W_l1, W_r1)
    pa1, dh1 = eka(xl1, xr1, srcf, dstf, att1.reshape(-1), m_l1)
    d0, d1 = _denoms(dh1)
    xl2, xr2 = _mid(pa1, d0, d1, b1, W_l2, W_r2)
    pa2, dh2 = eka(xl2, xr2, srcf, dstf, att2.reshape(-1), m_l2)
    d0, _ = _denoms(dh2)
    return _fin(pa2, d0, b2)

# --- scband reference (transcript-rebuilt; emitter-appended) ---
"""Pipeline reference for scband-gatv2-aggregator-87454124081154 (READ-ONLY COPY).

The authoritative reference and input builder live on the scoring server;
editing this copy changes nothing except your own understanding.
"""

import jax, jax.numpy as jnp
import numpy as np

N = 10000
E = 320000
D = 128
HID = 64
HEADS = 2
OUT = 128


def setup_inputs(seed: int = 0) -> dict:
    key = jax.random.key(seed)
    ks = jax.random.split(key, 12)
    x = jax.random.normal(ks[0], (N, D), dtype=jnp.float32)
    src = jax.random.randint(ks[1], (E,), 0, N)
    dst = jax.random.randint(ks[2], (E,), 0, N)
    edge_index = jnp.stack([src, dst]).astype(jnp.int64)
    s1 = (2.0 / (D + HEADS * HID)) ** 0.5
    s2 = (2.0 / (HEADS * HID + OUT)) ** 0.5
    W_l1 = jax.random.normal(ks[3], (D, HEADS * HID), dtype=jnp.float32) * s1
    W_r1 = jax.random.normal(ks[4], (D, HEADS * HID), dtype=jnp.float32) * s1
    att1 = jax.random.normal(ks[5], (HEADS, HID), dtype=jnp.float32) * s1
    b1 = jnp.zeros((HEADS * HID,), dtype=jnp.float32)
    W_l2 = jax.random.normal(ks[6], (HEADS * HID, OUT), dtype=jnp.float32) * s2
    W_r2 = jax.random.normal(ks[7], (HEADS * HID, OUT), dtype=jnp.float32) * s2
    att2 = jax.random.normal(ks[8], (1, OUT), dtype=jnp.float32) * s2
    b2 = jnp.zeros((OUT,), dtype=jnp.float32)
    return {"x": x, "edge_index": edge_index,
            "W_l1": W_l1, "W_r1": W_r1, "att1": att1, "b1": b1,
            "W_l2": W_l2, "W_r2": W_r2, "att2": att2, "b2": b2}


def _gatv2_layer(x, edge_index, W_l, W_r, att, b, heads, out_ch, concat):
    n = x.shape[0]
    loops = jnp.arange(n, dtype=edge_index.dtype)
    src = jnp.concatenate([edge_index[0], loops])
    dst = jnp.concatenate([edge_index[1], loops])
    xl = (x @ W_l).reshape(n, heads, out_ch)
    xr = (x @ W_r).reshape(n, heads, out_ch)
    e = xl[src] + xr[dst]                       # (E+N, H, C) gather
    e = jax.nn.leaky_relu(e, negative_slope=0.2)  # GATv2: nonlinearity before attention
    logits = jnp.sum(e * att[None, :, :], axis=-1)  # (E+N, H)
    m = jax.ops.segment_max(logits, dst, num_segments=n)
    expv = jnp.exp(logits - m[dst])
    denom = jax.ops.segment_sum(expv, dst, num_segments=n)
    alpha = expv / (denom[dst] + 1e-16)
    msg = xl[src] * alpha[:, :, None]
    out = jax.ops.segment_sum(msg, dst, num_segments=n)
    if concat:
        out = out.reshape(n, heads * out_ch)
    else:
        out = out.mean(axis=1)
    return out + b


def reference(x, edge_index, W_l1, W_r1, att1, b1, W_l2, W_r2, att2, b2):
    h = jax.nn.elu(_gatv2_layer(x, edge_index, W_l1, W_r1, att1, b1, HEADS, HID, True))
    h = jax.nn.elu(_gatv2_layer(h, edge_index, W_l2, W_r2, att2, b2, 1, OUT, False))
    return h

if __name__ == "__main__":
    import jax
    _d = setup_inputs()
    print(jax.jit(kernel)(*tuple(_d.values())))

</pallas_src>

<mosaic_0001>
#map = affine_map<(d0, d1) -> (0, 0)>
#map1 = affine_map<(d0, d1) -> (0)>
#map2 = affine_map<(d0, d1) -> (0, 0, 0)>
#map3 = affine_map<(d0, d1) -> (0, 0, 0, 0)>
module attributes {stable_mosaic.version = 14 : i64} {
  func.func @gat_edge_pass(%arg0: i32, %arg1: i32, %arg2: memref<10240x128xf32, #tpu.memory_space<hbm>>, %arg3: memref<10240x128xf32, #tpu.memory_space<hbm>>, %arg4: memref<330240xi32, #tpu.memory_space<hbm>>, %arg5: memref<330240xi32, #tpu.memory_space<hbm>>, %arg6: memref<128xf32, #tpu.memory_space<hbm>>, %arg7: memref<32xf32, #tpu.memory_space<hbm>>, %arg8: memref<2x10240x128xf32, #tpu.memory_space<hbm>>, %arg9: memref<2x16x10x2048xf32, #tpu.memory_space<hbm>>, %arg10: memref<48xi32, #tpu.memory_space<vmem>>, %arg11: memref<48xi32, #tpu.memory_space<vmem>>, %arg12: memref<48x128xf32, #tpu.memory_space<vmem>>, %arg13: memref<48x128xf32, #tpu.memory_space<vmem>>, %arg14: memref<1792xf32, #tpu.memory_space<vmem>>, %arg15: memref<10x2048xf32, #tpu.memory_space<vmem>>, %arg16: memref<10240x128xf32, #tpu.memory_space<vmem_shared>>, %arg17: memref<!tpu.dma_semaphore, #tpu.memory_space<semaphore_mem>>, %arg18: memref<!tpu.dma_semaphore, #tpu.memory_space<semaphore_mem>>) attributes {dimension_semantics = [#tpu.dimension_semantics<core_parallel>, #tpu.dimension_semantics<subcore_parallel>], iteration_bounds = array<i64: 2, 16>, scalar_prefetch = 0 : i64, scratch_operands = 9 : i64, tpu.core_type = #tpu.core_type<sc_vector_subcore>, window_params = [{transform_indices = #map}, {transform_indices = #map}, {transform_indices = #map1}, {transform_indices = #map1}, {transform_indices = #map1}, {transform_indices = #map1}, {transform_indices = #map2}, {transform_indices = #map3}]} {
    %mul3A = arith.constant 16 : i32
    %mul3A_0 = arith.muli %arg0, %mul3A : i32
    %add3A = arith.addi %mul3A_0, %arg1 : i32
    %broadcast_in_dim3A = arith.constant 0.000000e+00 : f32
    %broadcast_in_dim3A_1 = vector.broadcast %broadcast_in_dim3A : f32 to vector<16xf32>
    %iota3A = tpu.iota {dimensions = array<i32: 0>} : vector<16xi32>
    %scan3A = arith.constant 0 : i32
    %scan3A_2 = arith.constant 10 : i32
    %scan3A_3 = arith.addi %scan3A, %scan3A_2 : i32
    %scan3A_4 = arith.constant 1 : i32
    scf.for %scan3A_61 = %scan3A to %scan3A_3 step %scan3A_4  : i32 {
      %mul3A_62 = arith.constant 1 : i32
      %mul3A_63 = arith.muli %scan3A_61, %mul3A_62 : i32
      %add3A_64 = arith.constant 0 : i32
      %add3A_65 = arith.addi %add3A_64, %mul3A_63 : i32
      %swap3A = arith.index_cast %add3A_65 : i32 to index
      %swap3A_66 = arith.constant 0 : index
      %swap3A_67 = tpu.vector_load %arg15[%swap3A, %swap3A_66] {strides = array<i32>} : memref<10x2048xf32, #tpu.memory_space<vmem>>, vector<16xf32>,
      tpu.vector_store %arg15[%swap3A, %swap3A_66], %broadcast_in_dim3A_1 {strides = array<i32>} : memref<10x2048xf32, #tpu.memory_space<vmem>>, vector<16xf32>,
      %swap3A_68 = arith.index_cast %add3A_65 : i32 to index
      %swap3A_69 = arith.constant 16 : index
      %swap3A_70 = tpu.vector_load %arg15[%swap3A_68, %swap3A_69] {strides = array<i32>} : memref<10x2048xf32, #tpu.memory_space<vmem>>, vector<16xf32>,
      tpu.vector_store %arg15[%swap3A_68, %swap3A_69], %broadcast_in_dim3A_1 {strides = array<i32>} : memref<10x2048xf32, #tpu.memory_space<vmem>>, vector<16xf32>,
      %swap3A_71 = arith.index_cast %add3A_65 : i32 to index
      %swap3A_72 = arith.constant 32 : index
      %swap3A_73 = tpu.vector_load %arg15[%swap3A_71, %swap3A_72] {strides = array<i32>} : memref<10x2048xf32, #tpu.memory_space<vmem>>, vector<16xf32>,
      tpu.vector_store %arg15[%swap3A_71, %swap3A_72], %broadcast_in_dim3A_1 {strides = array<i32>} : memref<10x2048xf32, #tpu.memory_space<vmem>>, vector<16xf32>,
      %swap3A_74 = arith.index_cast %add3A_65 : i32 to index
      %swap3A_75 = arith.constant 48 : index
      %swap3A_76 = tpu.vector_load %arg15[%swap3A_74, %swap3A_75] {strides = array<i32>} : memref<10x2048xf32, #tpu.memory_space<vmem>>, vector<16xf32>,
      tpu.vector_store %arg15[%swap3A_74, %swap3A_75], %broadcast_in_dim3A_1 {strides = array<i32>} : memref<10x2048xf32, #tpu.memory_space<vmem>>, vector<16xf32>,
      %swap3A_77 = arith.index_cast %add3A_65 : i32 to index
      %swap3A_78 = arith.constant 64 : index
      %swap3A_79 = tpu.vector_load %arg15[%swap3A_77, %swap3A_78] {strides = array<i32>} : memref<10x2048xf32, #tpu.memory_space<vmem>>, vector<16xf32>,
      tpu.vector_store %arg15[%swap3A_77, %swap3A_78], %broadcast_in_dim3A_1 {strides = array<i32>} : memref<10x2048xf32, #tpu.memory_space<vmem>>, vector<16xf32>,
      %swap3A_80 = arith.index_cast %add3A_65 : i32 to index
      %swap3A_81 = arith.constant 80 : index
      %swap3A_82 = tpu.vector_load %arg15[%swap3A_80, %swap3A_81] {strides = array<i32>} : memref<10x2048xf32, #tpu.memory_space<vmem>>, vector<16xf32>,
      tpu.vector_store %arg15[%swap3A_80, %swap3A_81], %broadcast_in_dim3A_1 {strides = array<i32>} : memref<10x2048xf32, #tpu.memory_space<vmem>>, vector<16xf32>,
      %swap3A_83 = arith.index_cast %add3A_65 : i32 to index
      %swap3A_84 = arith.constant 96 : index
      %swap3A_85 = tpu.vector_load %arg15[%swap3A_83, %swap3A_84] {strides = array<i32>} : memref<10x2048xf32, #tpu.memory_space<vmem>>, vector<16xf32>,
      tpu.vector_store %arg15[%swap3A_83, %swap3A_84], %broadcast_in_dim3A_1 {strides = array<i32>} : memref<10x2048xf32, #tpu.memory_space<vmem>>, vector<16xf32>,
      %swap3A_86 = arith.index_cast %add3A_65 : i32 to index
      %swap3A_87 = arith.constant 112 : index
      %swap3A_88 = tpu.vector_load %arg15[%swap3A_86, %swap3A_87] {strides = array<i32>} : memref<10x2048xf32, #tpu.memory_space<vmem>>, vector<16xf32>,
      tpu.vector_store %arg15[%swap3A_86, %swap3A_87], %broadcast_in_dim3A_1 {strides = array<i32>} : memref<10x2048xf32, #tpu.memory_space<vmem>>, vector<16xf32>,
      %swap3A_89 = arith.index_cast %add3A_65 : i32 to index
      %swap3A_90 = arith.constant 128 : index
      %swap3A_91 = tpu.vector_load %arg15[%swap3A_89, %swap3A_90] {strides = array<i32>} : memref<10x2048xf32, #tpu.memory_space<vmem>>, vector<16xf32>,
      tpu.vector_store %arg15[%swap3A_89, %swap3A_90], %broadcast_in_dim3A_1 {strides = array<i32>} : memref<10x2048xf32, #tpu.memory_space<vmem>>, vector<16xf32>,
      %swap3A_92 = arith.index_cast %add3A_65 : i32 to index
      %swap3A_93 = arith.constant 144 : index
      %swap3A_94 = tpu.vector_load %arg15[%swap3A_92, %swap3A_93] {strides = array<i32>} : memref<10x2048xf32, #tpu.memory_space<vmem>>, vector<16xf32>,
      tpu.vector_store %arg15[%swap3A_92, %swap3A_93], %broadcast_in_dim3A_1 {strides = array<i32>} : memref<10x2048xf32, #tpu.memory_space<vmem>>, vector<16xf32>,
      %swap3A_95 = arith.index_cast %add3A_65 : i32 to index
      %swap3A_96 = arith.constant 160 : index
      %swap3A_97 = tpu.vector_load %arg15[%swap3A_95, %swap3A_96] {strides = array<i32>} : memref<10x2048xf32, #tpu.memory_space<vmem>>, vector<16xf32>,
      tpu.vector_store %arg15[%swap3A_95, %swap3A_96], %broadcast_in_dim3A_1 {strides = array<i32>} : memref<10x2048xf32, #tpu.memory_space<vmem>>, vector<16xf32>,
      %swap3A_98 = arith.index_cast %add3A_65 : i32 to index
      %swap3A_99 = arith.constant 176 : index
      %swap3A_100 = tpu.vector_load %arg15[%swap3A_98, %swap3A_99] {strides = array<i32>} : memref<10x2048xf32, #tpu.memory_space<vmem>>, vector<16xf32>,
      tpu.vector_store %arg15[%swap3A_98, %swap3A_99], %broadcast_in_dim3A_1 {strides = array<i32>} : memref<10x2048xf32, #tpu.memory_space<vmem>>, vector<16xf32>,
      %swap3A_101 = arith.index_cast %add3A_65 : i32 to index
      %swap3A_102 = arith.constant 192 : index
      %swap3A_103 = tpu.vector_load %arg15[%swap3A_101, %swap3A_102] {strides = array<i32>} : memref<10x2048xf32, #tpu.memory_space<vmem>>, vector<16xf32>,
      tpu.vector_store %arg15[%swap3A_101, %swap3A_102], %broadcast_in_dim3A_1 {strides = array<i32>} : memref<10x2048xf32, #tpu.memory_space<vmem>>, vector<16xf32>,
      %swap3A_104 = arith.index_cast %add3A_65 : i32 to index
      %swap3A_105 = arith.constant 208 : index
      %swap3A_106 = tpu.vector_load %arg15[%swap3A_104, %swap3A_105] {strides = array<i32>} : memref<10x2048xf32, #tpu.memory_space<vmem>>, vector<16xf32>,
      tpu.vector_store %arg15[%swap3A_104, %swap3A_105], %broadcast_in_dim3A_1 {strides = array<i32>} : memref<10x2048xf32, #tpu.memory_space<vmem>>, vector<16xf32>,
      %swap3A_107 = arith.index_cast %add3A_65 : i32 to index
      %swap3A_108 = arith.constant 224 : index
      %swap3A_109 = tpu.vector_load %arg15[%swap3A_107, %swap3A_108] {strides = array<i32>} : memref<10x2048xf32, #tpu.memory_space<vmem>>, vector<16xf32>,
      tpu.vector_store %arg15[%swap3A_107, %swap3A_108], %broadcast_in_dim3A_1 {strides = array<i32>} : memref<10x2048xf32, #tpu.memory_space<vmem>>, vector<16xf32>,
      %swap3A_110 = arith.index_cast %add3A_65 : i32 to index
      %swap3A_111 = arith.constant 240 : index
      %swap3A_112 = tpu.vector_load %arg15[%swap3A_110, %swap3A_111] {strides = array<i32>} : memref<10x2048xf32, #tpu.memory_space<vmem>>, vector<16xf32>,
      tpu.vector_store %arg15[%swap3A_110, %swap3A_111], %broadcast_in_dim3A_1 {strides = array<i32>} : memref<10x2048xf32, #tpu.memory_space<vmem>>, vector<16xf32>,
      %swap3A_113 = arith.index_cast %add3A_65 : i32 to index
      %swap3A_114 = arith.constant 256 : index
      %swap3A_115 = tpu.vector_load %arg15[%swap3A_113, %swap3A_114] {strides = array<i32>} : memref<10x2048xf32, #tpu.memory_space<vmem>>, vector<16xf32>,
      tpu.vector_store %arg15[%swap3A_113, %swap3A_114], %broadcast_in_dim3A_1 {strides = array<i32>} : memref<10x2048xf32, #tpu.memory_space<vmem>>, vector<16xf32>,
      %swap3A_116 = arith.index_cast %add3A_65 : i32 to index
      %swap3A_117 = arith.constant 272 : index
      %swap3A_118 = tpu.vector_load %arg15[%swap3A_116, %swap3A_117] {strides = array<i32>} : memref<10x2048xf32, #tpu.memory_space<vmem>>, vector<16xf32>,
      tpu.vector_store %arg15[%swap3A_116, %swap3A_117], %broadcast_in_dim3A_1 {strides = array<i32>} : memref<10x2048xf32, #tpu.memory_space<vmem>>, vector<16xf32>,
      %swap3A_119 = arith.index_cast %add3A_65 : i32 to index
      %swap3A_120 = arith.constant 288 : index
      %swap3A_121 = tpu.vector_load %arg15[%swap3A_119, %swap3A_120] {strides = array<i32>} : memref<10x2048xf32, #tpu.memory_space<vmem>>, vector<16xf32>,
      tpu.vector_store %arg15[%swap3A_119, %swap3A_120], %broadcast_in_dim3A_1 {strides = array<i32>} : memref<10x2048xf32, #tpu.memory_space<vmem>>, vector<16xf32>,
      %swap3A_122 = arith.index_cast %add3A_65 : i32 to index
      %swap3A_123 = arith.constant 304 : index
      %swap3A_124 = tpu.vector_load %arg15[%swap3A_122, %swap3A_123] {strides = array<i32>} : memref<10x2048xf32, #tpu.memory_space<vmem>>, vector<16xf32>,
      tpu.vector_store %arg15[%swap3A_122, %swap3A_123], %broadcast_in_dim3A_1 {strides = array<i32>} : memref<10x2048xf32, #tpu.memory_space<vmem>>, vector<16xf32>,
      %swap3A_125 = arith.index_cast %add3A_65 : i32 to index
      %swap3A_126 = arith.constant 320 : index
      %swap3A_127 = tpu.vector_load %arg15[%swap3A_125, %swap3A_126] {strides = array<i32>} : memref<10x2048xf32, #tpu.memory_space<vmem>>, vector<16xf32>,
      tpu.vector_store %arg15[%swap3A_125, %swap3A_126], %broadcast_in_dim3A_1 {strides = array<i32>} : memref<10x2048xf32, #tpu.memory_space<vmem>>, vector<16xf32>,
      %swap3A_128 = arith.index_cast %add3A_65 : i32 to index
      %swap3A_129 = arith.constant 336 : index
      %swap3A_130 = tpu.vector_load %arg15[%swap3A_128, %swap3A_129] {strides = array<i32>} : memref<10x2048xf32, #tpu.memory_space<vmem>>, vector<16xf32>,
      tpu.vector_store %arg15[%swap3A_128, %swap3A_129], %broadcast_in_dim3A_1 {strides = array<i32>} : memref<10x2048xf32, #tpu.memory_space<vmem>>, vector<16xf32>,
      %swap3A_131 = arith.index_cast %add3A_65 : i32 to index
      %swap3A_132 = arith.constant 352 : index
      %swap3A_133 = tpu.vector_load %arg15[%swap3A_131, %swap3A_132] {strides = array<i32>} : memref<10x2048xf32, #tpu.memory_space<vmem>>, vector<16xf32>,
      tpu.vector_store %arg15[%swap3A_131, %swap3A_132], %broadcast_in_dim3A_1 {strides = array<i32>} : memref<10x2048xf32, #tpu.memory_space<vmem>>, vector<16xf32>,
      %swap3A_134 = arith.index_cast %add3A_65 : i32 to index
      %swap3A_135 = arith.constant 368 : index
      %swap3A_136 = tpu.vector_load %arg15[%swap3A_134, %swap3A_135] {strides = array<i32>} : memref<10x2048xf32, #tpu.memory_space<vmem>>, vector<16xf32>,
      tpu.vector_store %arg15[%swap3A_134, %swap3A_135], %broadcast_in_dim3A_1 {strides = array<i32>} : memref<10x2048xf32, #tpu.memory_space<vmem>>, vector<16xf32>,
      %swap3A_137 = arith.index_cast %add3A_65 : i32 to index
      %swap3A_138 = arith.constant 384 : index
      %swap3A_139 = tpu.vector_load %arg15[%swap3A_137, %swap3A_138] {strides = array<i32>} : memref<10x2048xf32, #tpu.memory_space<vmem>>, vector<16xf32>,
      tpu.vector_store %arg15[%swap3A_137, %swap3A_138], %broadcast_in_dim3A_1 {strides = array<i32>} : memref<10x2048xf32, #tpu.memory_space<vmem>>, vector<16xf32>,
      %swap3A_140 = arith.index_cast %add3A_65 : i32 to index
      %swap3A_141 = arith.constant 400 : index
      %swap3A_142 = tpu.vector_load %arg15[%swap3A_140, %swap3A_141] {strides = array<i32>} : memref<10x2048xf32, #tpu.memory_space<vmem>>, vector<16xf32>,
      tpu.vector_store %arg15[%swap3A_140, %swap3A_141], %broadcast_in_dim3A_1 {strides = array<i32>} : memref<10x2048xf32, #tpu.memory_space<vmem>>, vector<16xf32>,
      %swap3A_143 = arith.index_cast %add3A_65 : i32 to index
      %swap3A_144 = arith.constant 416 : index
      %swap3A_145 = tpu.vector_load %arg15[%swap3A_143, %swap3A_144] {strides = array<i32>} : memref<10x2048xf32, #tpu.memory_space<vmem>>, vector<16xf32>,
      tpu.vector_store %arg15[%swap3A_143, %swap3A_144], %broadcast_in_dim3A_1 {strides = array<i32>} : memref<10x2048xf32, #tpu.memory_space<vmem>>, vector<16xf32>,
      %swap3A_146 = arith.index_cast %add3A_65 : i32 to index
      %swap3A_147 = arith.constant 432 : index
      %swap3A_148 = tpu.vector_load %arg15[%swap3A_146, %swap3A_147] {strides = array<i32>} : memref<10x2048xf32, #tpu.memory_space<vmem>>, vector<16xf32>,
      tpu.vector_store %arg15[%swap3A_146, %swap3A_147], %broadcast_in_dim3A_1 {strides = array<i32>} : memref<10x2048xf32, #tpu.memory_space<vmem>>, vector<16xf32>,
      %swap3A_149 = arith.index_cast %add3A_65 : i32 to index
      %swap3A_150 = arith.constant 448 : index
      %swap3A_151 = tpu.vector_load %arg15[%swap3A_149, %swap3A_150] {strides = array<i32>} : memref<10x2048xf32, #tpu.memory_space<vmem>>, vector<16xf32>,
      tpu.vector_store %arg15[%swap3A_149, %swap3A_150], %broadcast_in_dim3A_1 {strides = array<i32>} : memref<10x2048xf32, #tpu.memory_space<vmem>>, vector<16xf32>,
      %swap3A_152 = arith.index_cast %add3A_65 : i32 to index
      %swap3A_153 = arith.constant 464 : index
      %swap3A_154 = tpu.vector_load %arg15[%swap3A_152, %swap3A_153] {strides = array<i32>} : memref<10x2048xf32, #tpu.memory_space<vmem>>, vector<16xf32>,
      tpu.vector_store %arg15[%swap3A_152, %swap3A_153], %broadcast_in_dim3A_1 {strides = array<i32>} : memref<10x2048xf32, #tpu.memory_space<vmem>>, vector<16xf32>,
      %swap3A_155 = arith.index_cast %add3A_65 : i32 to index
      %swap3A_156 = arith.constant 480 : index
      %swap3A_157 = tpu.vector_load %arg15[%swap3A_155, %swap3A_156] {strides = array<i32>} : memref<10x2048xf32, #tpu.memory_space<vmem>>, vector<16xf32>,
      tpu.vector_store %arg15[%swap3A_155, %swap3A_156], %broadcast_in_dim3A_1 {strides = array<i32>} : memref<10x2048xf32, #tpu.memory_space<vmem>>, vector<16xf32>,
      %swap3A_158 = arith.index_cast %add3A_65 : i32 to index
      %swap3A_159 = arith.constant 496 : index
      %swap3A_160 = tpu.vector_load %arg15[%swap3A_158, %swap3A_159] {strides = array<i32>} : memref<10x2048xf32, #tpu.memory_space<vmem>>, vector<16xf32>,
      tpu.vector_store %arg15[%swap3A_158, %swap3A_159], %broadcast_in_dim3A_1 {strides = array<i32>} : memref<10x2048xf32, #tpu.memory_space<vmem>>, vector<16xf32>,
      %swap3A_161 = arith.index_cast %add3A_65 : i32 to index
      %swap3A_162 = arith.constant 512 : index
      %swap3A_163 = tpu.vector_load %arg15[%swap3A_161, %swap3A_162] {strides = array<i32>} : memref<10x2048xf32, #tpu.memory_space<vmem>>, vector<16xf32>,
      tpu.vector_store %arg15[%swap3A_161, %swap3A_162], %broadcast_in_dim3A_1 {strides = array<i32>} : memref<10x2048xf32, #tpu.memory_space<vmem>>, vector<16xf32>,
      %swap3A_164 = arith.index_cast %add3A_65 : i32 to index
      %swap3A_165 = arith.constant 528 : index
      %swap3A_166 = tpu.vector_load %arg15[%swap3A_164, %swap3A_165] {strides = array<i32>} : memref<10x2048xf32, #tpu.memory_space<vmem>>, vector<16xf32>,
      tpu.vector_store %arg15[%swap3A_164, %swap3A_165], %broadcast_in_dim3A_1 {strides = array<i32>} : memref<10x2048xf32, #tpu.memory_space<vmem>>, vector<16xf32>,
      %swap3A_167 = arith.index_cast %add3A_65 : i32 to index
      %swap3A_168 = arith.constant 544 : index
      %swap3A_169 = tpu.vector_load %arg15[%swap3A_167, %swap3A_168] {strides = array<i32>} : memref<10x2048xf32, #tpu.memory_space<vmem>>, vector<16xf32>,
      tpu.vector_store %arg15[%swap3A_167, %swap3A_168], %broadcast_in_dim3A_1 {strides = array<i32>} : memref<10x2048xf32, #tpu.memory_space<vmem>>, vector<16xf32>,
      %swap3A_170 = arith.index_cast %add3A_65 : i32 to index
      %swap3A_171 = arith.constant 560 : index
      %swap3A_172 = tpu.vector_load %arg15[%swap3A_170, %swap3A_171] {strides = array<i32>} : memref<10x2048xf32, #tpu.memory_space<vmem>>, vector<16xf32>,
      tpu.vector_store %arg15[%swap3A_170, %swap3A_171], %broadcast_in_dim3A_1 {strides = array<i32>} : memref<10x2048xf32, #tpu.memory_space<vmem>>, vector<16xf32>,
      %swap3A_173 = arith.index_cast %add3A_65 : i32 to index
      %swap3A_174 = arith.constant 576 : index
      %swap3A_175 = tpu.vector_load %arg15[%swap3A_173, %swap3A_174] {strides = array<i32>} : memref<10x2048xf32, #tpu.memory_space<vmem>>, vector<16xf32>,
      tpu.vector_store %arg15[%swap3A_173, %swap3A_174], %broadcast_in_dim3A_1 {strides = array<i32>} : memref<10x2048xf32, #tpu.memory_space<vmem>>, vector<16xf32>,
      %swap3A_176 = arith.index_cast %add3A_65 : i32 to index
      %swap3A_177 = arith.constant 592 : index
      %swap3A_178 = tpu.vector_load %arg15[%swap3A_176, %swap3A_177] {strides = array<i32>} : memref<10x2048xf32, #tpu.memory_space<vmem>>, vector<16xf32>,
      tpu.vector_store %arg15[%swap3A_176, %swap3A_177], %broadcast_in_dim3A_1 {strides = array<i32>} : memref<10x2048xf32, #tpu.memory_space<vmem>>, vector<16xf32>,
      %swap3A_179 = arith.index_cast %add3A_65 : i32 to index
      %swap3A_180 = arith.constant 608 : index
      %swap3A_181 = tpu.vector_load %arg15[%swap3A_179, %swap3A_180] {strides = array<i32>} : memref<10x2048xf32, #tpu.memory_space<vmem>>, vector<16xf32>,
      tpu.vector_store %arg15[%swap3A_179, %swap3A_180], %broadcast_in_dim3A_1 {strides = array<i32>} : memref<10x2048xf32, #tpu.memory_space<vmem>>, vector<16xf32>,
      %swap3A_182 = arith.index_cast %add3A_65 : i32 to index
      %swap3A_183 = arith.constant 624 : index
      %swap3A_184 = tpu.vector_load %arg15[%swap3A_182, %swap3A_183] {strides = array<i32>} : memref<10x2048xf32, #tpu.memory_space<vmem>>, vector<16xf32>,
      tpu.vector_store %arg15[%swap3A_182, %swap3A_183], %broadcast_in_dim3A_1 {strides = array<i32>} : memref<10x2048xf32, #tpu.memory_space<vmem>>, vector<16xf32>,
      %swap3A_185 = arith.index_cast %add3A_65 : i32 to index
      %swap3A_186 = arith.constant 640 : index
      %swap3A_187 = tpu.vector_load %arg15[%swap3A_185, %swap3A_186] {strides = array<i32>} : memref<10x2048xf32, #tpu.memory_space<vmem>>, vector<16xf32>,
      tpu.vector_store %arg15[%swap3A_185, %swap3A_186], %broadcast_in_dim3A_1 {strides = array<i32>} : memref<10x2048xf32, #tpu.memory_space<vmem>>, vector<16xf32>,
      %swap3A_188 = arith.index_cast %add3A_65 : i32 to index
      %swap3A_189 = arith.constant 656 : index
      %swap3A_190 = tpu.vector_load %arg15[%swap3A_188, %swap3A_189] {strides = array<i32>} : memref<10x2048xf32, #tpu.memory_space<vmem>>, vector<16xf32>,
      tpu.vector_store %arg15[%swap3A_188, %swap3A_189], %broadcast_in_dim3A_1 {strides = array<i32>} : memref<10x2048xf32, #tpu.memory_space<vmem>>, vector<16xf32>,
      %swap3A_191 = arith.index_cast %add3A_65 : i32 to index
      %swap3A_192 = arith.constant 672 : index
      %swap3A_193 = tpu.vector_load %arg15[%swap3A_191, %swap3A_192] {strides = array<i32>} : memref<10x2048xf32, #tpu.memory_space<vmem>>, vector<16xf32>,
      tpu.vector_store %arg15[%swap3A_191, %swap3A_192], %broadcast_in_dim3A_1 {strides = array<i32>} : memref<10x2048xf32, #tpu.memory_space<vmem>>, vector<16xf32>,
      %swap3A_194 = arith.index_cast %add3A_65 : i32 to index
      %swap3A_195 = arith.constant 688 : index
      %swap3A_196 = tpu.vector_load %arg15[%swap3A_194, %swap3A_195] {strides = array<i32>} : memref<10x2048xf32, #tpu.memory_space<vmem>>, vector<16xf32>,
      tpu.vector_store %arg15[%swap3A_194, %swap3A_195], %broadcast_in_dim3A_1 {strides = array<i32>} : memref<10x2048xf32, #tpu.memory_space<vmem>>, vector<16xf32>,
      %swap3A_197 = arith.index_cast %add3A_65 : i32 to index
      %swap3A_198 = arith.constant 704 : index
      %swap3A_199 = tpu.vector_load %arg15[%swap3A_197, %swap3A_198] {strides = array<i32>} : memref<10x2048xf32, #tpu.memory_space<vmem>>, vector<16xf32>,
      tpu.vector_store %arg15[%swap3A_197, %swap3A_198], %broadcast_in_dim3A_1 {strides = array<i32>} : memref<10x2048xf32, #tpu.memory_space<vmem>>, vector<16xf32>,
      %swap3A_200 = arith.index_cast %add3A_65 : i32 to index
      %swap3A_201 = arith.constant 720 : index
      %swap3A_202 = tpu.vector_load %arg15[%swap3A_200, %swap3A_201] {strides = array<i32>} : memref<10x2048xf32, #tpu.memory_space<vmem>>, vector<16xf32>,
      tpu.vector_store %arg15[%swap3A_200, %swap3A_201], %broadcast_in_dim3A_1 {strides = array<i32>} : memref<10x2048xf32, #tpu.memory_space<vmem>>, vector<16xf32>,
      %swap3A_203 = arith.index_cast %add3A_65 : i32 to index
      %swap3A_204 = arith.constant 736 : index
      %swap3A_205 = tpu.vector_load %arg15[%swap3A_203, %swap3A_204] {strides = array<i32>} : memref<10x2048xf32, #tpu.memory_space<vmem>>, vector<16xf32>,
      tpu.vector_store %arg15[%swap3A_203, %swap3A_204], %broadcast_in_dim3A_1 {strides = array<i32>} : memref<10x2048xf32, #tpu.memory_space<vmem>>, vector<16xf32>,
      %swap3A_206 = arith.index_cast %add3A_65 : i32 to index
      %swap3A_207 = arith.constant 752 : index
      %swap3A_208 = tpu.vector_load %arg15[%swap3A_206, %swap3A_207] {strides = array<i32>} : memref<10x2048xf32, #tpu.memory_space<vmem>>, vector<16xf32>,
      tpu.vector_store %arg15[%swap3A_206, %swap3A_207], %broadcast_in_dim3A_1 {strides = array<i32>} : memref<10x2048xf32, #tpu.memory_space<vmem>>, vector<16xf32>,
      %swap3A_209 = arith.index_cast %add3A_65 : i32 to index
      %swap3A_210 = arith.constant 768 : index
      %swap3A_211 = tpu.vector_load %arg15[%swap3A_209, %swap3A_210] {strides = array<i32>} : memref<10x2048xf32, #tpu.memory_space<vmem>>, vector<16xf32>,
      tpu.vector_store %arg15[%swap3A_209, %swap3A_210], %broadcast_in_dim3A_1 {strides = array<i32>} : memref<10x2048xf32, #tpu.memory_space<vmem>>, vector<16xf32>,
      %swap3A_212 = arith.index_cast %add3A_65 : i32 to index
      %swap3A_213 = arith.constant 784 : index
      %swap3A_214 = tpu.vector_load %arg15[%swap3A_212, %swap3A_213] {strides = array<i32>} : memref<10x2048xf32, #tpu.memory_space<vmem>>, vector<16xf32>,
      tpu.vector_store %arg15[%swap3A_212, %swap3A_213], %broadcast_in_dim3A_1 {strides = array<i32>} : memref<10x2048xf32, #tpu.memory_space<vmem>>, vector<16xf32>,
      %swap3A_215 = arith.index_cast %add3A_65 : i32 to index
      %swap3A_216 = arith.constant 800 : index
      %swap3A_217 = tpu.vector_load %arg15[%swap3A_215, %swap3A_216] {strides = array<i32>} : memref<10x2048xf32, #tpu.memory_space<vmem>>, vector<16xf32>,
      tpu.vector_store %arg15[%swap3A_215, %swap3A_216], %broadcast_in_dim3A_1 {strides = array<i32>} : memref<10x2048xf32, #tpu.memory_space<vmem>>, vector<16xf32>,
      %swap3A_218 = arith.index_cast %add3A_65 : i32 to index
      %swap3A_219 = arith.constant 816 : index
      %swap3A_220 = tpu.vector_load %arg15[%swap3A_218, %swap3A_219] {strides = array<i32>} : memref<10x2048xf32, #tpu.memory_space<vmem>>, vector<16xf32>,
      tpu.vector_store %arg15[%swap3A_218, %swap3A_219], %broadcast_in_dim3A_1 {strides = array<i32>} : memref<10x2048xf32, #tpu.memory_space<vmem>>, vector<16xf32>,
      %swap3A_221 = arith.index_cast %add3A_65 : i32 to index
      %swap3A_222 = arith.constant 832 : index
      %swap3A_223 = tpu.vector_load %arg15[%swap3A_221, %swap3A_222] {strides = array<i32>} : memref<10x2048xf32, #tpu.memory_space<vmem>>, vector<16xf32>,
      tpu.vector_store %arg15[%swap3A_221, %swap3A_222], %broadcast_in_dim3A_1 {strides = array<i32>} : memref<10x2048xf32, #tpu.memory_space<vmem>>, vector<16xf32>,
      %swap3A_224 = arith.index_cast %add3A_65 : i32 to index
      %swap3A_225 = arith.constant 848 : index
      %swap3A_226 = tpu.vector_load %arg15[%swap3A_224, %swap3A_225] {strides = array<i32>} : memref<10x2048xf32, #tpu.memory_space<vmem>>, vector<16xf32>,
      tpu.vector_store %arg15[%swap3A_224, %swap3A_225], %broadcast_in_dim3A_1 {strides = array<i32>} : memref<10x2048xf32, #tpu.memory_space<vmem>>, vector<16xf32>,
      %swap3A_227 = arith.index_cast %add3A_65 : i32 to index
      %swap3A_228 = arith.constant 864 : index
      %swap3A_229 = tpu.vector_load %arg15[%swap3A_227, %swap3A_228] {strides = array<i32>} : memref<10x2048xf32, #tpu.memory_space<vmem>>, vector<16xf32>,
      tpu.vector_store %arg15[%swap3A_227, %swap3A_228], %broadcast_in_dim3A_1 {strides = array<i32>} : memref<10x2048xf32, #tpu.memory_space<vmem>>, vector<16xf32>,
      %swap3A_230 = arith.index_cast %add3A_65 : i32 to index
      %swap3A_231 = arith.constant 880 : index
      %swap3A_232 = tpu.vector_load %arg15[%swap3A_230, %swap3A_231] {strides = array<i32>} : memref<10x2048xf32, #tpu.memory_space<vmem>>, vector<16xf32>,
      tpu.vector_store %arg15[%swap3A_230, %swap3A_231], %broadcast_in_dim3A_1 {strides = array<i32>} : memref<10x2048xf32, #tpu.memory_space<vmem>>, vector<16xf32>,
      %swap3A_233 = arith.index_cast %add3A_65 : i32 to index
      %swap3A_234 = arith.constant 896 : index
      %swap3A_235 = tpu.vector_load %arg15[%swap3A_233, %swap3A_234] {strides = array<i32>} : memref<10x2048xf32, #tpu.memory_space<vmem>>, vector<16xf32>,
      tpu.vector_store %arg15[%swap3A_233, %swap3A_234], %broadcast_in_dim3A_1 {strides = array<i32>} : memref<10x2048xf32, #tpu.memory_space<vmem>>, vector<16xf32>,
      %swap3A_236 = arith.index_cast %add3A_65 : i32 to index
      %swap3A_237 = arith.constant 912 : index
      %swap3A_238 = tpu.vector_load %arg15[%swap3A_236, %swap3A_237] {strides = array<i32>} : memref<10x2048xf32, #tpu.memory_space<vmem>>, vector<16xf32>,
      tpu.vector_store %arg15[%swap3A_236, %swap3A_237], %broadcast_in_dim3A_1 {strides = array<i32>} : memref<10x2048xf32, #tpu.memory_space<vmem>>, vector<16xf32>,
      %swap3A_239 = arith.index_cast %add3A_65 : i32 to index
      %swap3A_240 = arith.constant 928 : index
      %swap3A_241 = tpu.vector_load %arg15[%swap3A_239, %swap3A_240] {strides = array<i32>} : memref<10x2048xf32, #tpu.memory_space<vmem>>, vector<16xf32>,
      tpu.vector_store %arg15[%swap3A_239, %swap3A_240], %broadcast_in_dim3A_1 {strides = array<i32>} : memref<10x2048xf32, #tpu.memory_space<vmem>>, vector<16xf32>,
      %swap3A_242 = arith.index_cast %add3A_65 : i32 to index
      %swap3A_243 = arith.constant 944 : index
      %swap3A_244 = tpu.vector_load %arg15[%swap3A_242, %swap3A_243] {strides = array<i32>} : memref<10x2048xf32, #tpu.memory_space<vmem>>, vector<16xf32>,
      tpu.vector_store %arg15[%swap3A_242, %swap3A_243], %broadcast_in_dim3A_1 {strides = array<i32>} : memref<10x2048xf32, #tpu.memory_space<vmem>>, vector<16xf32>,
      %swap3A_245 = arith.index_cast %add3A_65 : i32 to index
      %swap3A_246 = arith.constant 960 : index
      %swap3A_247 = tpu.vector_load %arg15[%swap3A_245, %swap3A_246] {strides = array<i32>} : memref<10x2048xf32, #tpu.memory_space<vmem>>, vector<16xf32>,
      tpu.vector_store %arg15[%swap3A_245, %swap3A_246], %broadcast_in_dim3A_1 {strides = array<i32>} : memref<10x2048xf32, #tpu.memory_space<vmem>>, vector<16xf32>,
      %swap3A_248 = arith.index_cast %add3A_65 : i32 to index
      %swap3A_249 = arith.constant 976 : index
      %swap3A_250 = tpu.vector_load %arg15[%swap3A_248, %swap3A_249] {strides = array<i32>} : memref<10x2048xf32, #tpu.memory_space<vmem>>, vector<16xf32>,
      tpu.vector_store %arg15[%swap3A_248, %swap3A_249], %broadcast_in_dim3A_1 {strides = array<i32>} : memref<10x2048xf32, #tpu.memory_space<vmem>>, vector<16xf32>,
      %swap3A_251 = arith.index_cast %add3A_65 : i32 to index
      %swap3A_252 = arith.constant 992 : index
      %swap3A_253 = tpu.vector_load %arg15[%swap3A_251, %swap3A_252] {strides = array<i32>} : memref<10x2048xf32, #tpu.memory_space<vmem>>, vector<16xf32>,
      tpu.vector_store %arg15[%swap3A_251, %swap3A_252], %broadcast_in_dim3A_1 {strides = array<i32>} : memref<10x2048xf32, #tpu.memory_space<vmem>>, vector<16xf32>,
      %swap3A_254 = arith.index_cast %add3A_65 : i32 to index
      %swap3A_255 = arith.constant 1008 : index
      %swap3A_256 = tpu.vector_load %arg15[%swap3A_254, %swap3A_255] {strides = array<i32>} : memref<10x2048xf32, #tpu.memory_space<vmem>>, vector<16xf32>,
      tpu.vector_store %arg15[%swap3A_254, %swap3A_255], %broadcast_in_dim3A_1 {strides = array<i32>} : memref<10x2048xf32, #tpu.memory_space<vmem>>, vector<16xf32>,
      %swap3A_257 = arith.index_cast %add3A_65 : i32 to index
      %swap3A_258 = arith.constant 1024 : index
      %swap3A_259 = tpu.vector_load %arg15[%swap3A_257, %swap3A_258] {strides = array<i32>} : memref<10x2048xf32, #tpu.memory_space<vmem>>, vector<16xf32>,
      tpu.vector_store %arg15[%swap3A_257, %swap3A_258], %broadcast_in_dim3A_1 {strides = array<i32>} : memref<10x2048xf32, #tpu.memory_space<vmem>>, vector<16xf32>,
      %swap3A_260 = arith.index_cast %add3A_65 : i32 to index
      %swap3A_261 = arith.constant 1040 : index
      %swap3A_262 = tpu.vector_load %arg15[%swap3A_260, %swap3A_261] {strides = array<i32>} : memref<10x2048xf32, #tpu.memory_space<vmem>>, vector<16xf32>,
      tpu.vector_store %arg15[%swap3A_260, %swap3A_261], %broadcast_in_dim3A_1 {strides = array<i32>} : memref<10x2048xf32, #tpu.memory_space<vmem>>, vector<16xf32>,
      %swap3A_263 = arith.index_cast %add3A_65 : i32 to index
      %swap3A_264 = arith.constant 1056 : index
      %swap3A_265 = tpu.vector_load %arg15[%swap3A_263, %swap3A_264] {strides = array<i32>} : memref<10x2048xf32, #tpu.memory_space<vmem>>, vector<16xf32>,
      tpu.vector_store %arg15[%swap3A_263, %swap3A_264], %broadcast_in_dim3A_1 {strides = array<i32>} : memref<10x2048xf32, #tpu.memory_space<vmem>>, vector<16xf32>,
      %swap3A_266 = arith.index_cast %add3A_65 : i32 to index
      %swap3A_267 = arith.constant 1072 : index
      %swap3A_268 = tpu.vector_load %arg15[%swap3A_266, %swap3A_267] {strides = array<i32>} : memref<10x2048xf32, #tpu.memory_space<vmem>>, vector<16xf32>,
      tpu.vector_store %arg15[%swap3A_266, %swap3A_267], %broadcast_in_dim3A_1 {strides = array<i32>} : memref<10x2048xf32, #tpu.memory_space<vmem>>, vector<16xf32>,
      %swap3A_269 = arith.index_cast %add3A_65 : i32 to index
      %swap3A_270 = arith.constant 1088 : index
      %swap3A_271 = tpu.vector_load %arg15[%swap3A_269, %swap3A_270] {strides = array<i32>} : memref<10x2048xf32, #tpu.memory_space<vmem>>, vector<16xf32>,
      tpu.vector_store %arg15[%swap3A_269, %swap3A_270], %broadcast_in_dim3A_1 {strides = array<i32>} : memref<10x2048xf32, #tpu.memory_space<vmem>>, vector<16xf32>,
      %swap3A_272 = arith.index_cast %add3A_65 : i32 to index
      %swap3A_273 = arith.constant 1104 : index
      %swap3A_274 = tpu.vector_load %arg15[%swap3A_272, %swap3A_273] {strides = array<i32>} : memref<10x2048xf32, #tpu.memory_space<vmem>>, vector<16xf32>,
      tpu.vector_store %arg15[%swap3A_272, %swap3A_273], %broadcast_in_dim3A_1 {strides = array<i32>} : memref<10x2048xf32, #tpu.memory_space<vmem>>, vector<16xf32>,
      %swap3A_275 = arith.index_cast %add3A_65 : i32 to index
      %swap3A_276 = arith.constant 1120 : index
      %swap3A_277 = tpu.vector_load %arg15[%swap3A_275, %swap3A_276] {strides = array<i32>} : memref<10x2048xf32, #tpu.memory_space<vmem>>, vector<16xf32>,
      tpu.vector_store %arg15[%swap3A_275, %swap3A_276], %broadcast_in_dim3A_1 {strides = array<i32>} : memref<10x2048xf32, #tpu.memory_space<vmem>>, vector<16xf32>,
      %swap3A_278 = arith.index_cast %add3A_65 : i32 to index
      %swap3A_279 = arith.constant 1136 : index
      %swap3A_280 = tpu.vector_load %arg15[%swap3A_278, %swap3A_279] {strides = array<i32>} : memref<10x2048xf32, #tpu.memory_space<vmem>>, vector<16xf32>,
      tpu.vector_store %arg15[%swap3A_278, %swap3A_279], %broadcast_in_dim3A_1 {strides = array<i32>} : memref<10x2048xf32, #tpu.memory_space<vmem>>, vector<16xf32>,
      %swap3A_281 = arith.index_cast %add3A_65 : i32 to index
      %swap3A_282 = arith.constant 1152 : index
      %swap3A_283 = tpu.vector_load %arg15[%swap3A_281, %swap3A_282] {strides = array<i32>} : memref<10x2048xf32, #tpu.memory_space<vmem>>, vector<16xf32>,
      tpu.vector_store %arg15[%swap3A_281, %swap3A_282], %broadcast_in_dim3A_1 {strides = array<i32>} : memref<10x2048xf32, #tpu.memory_space<vmem>>, vector<16xf32>,
      %swap3A_284 = arith.index_cast %add3A_65 : i32 to index
      %swap3A_285 = arith.constant 1168 : index
      %swap3A_286 = tpu.vector_load %arg15[%swap3A_284, %swap3A_285] {strides = array<i32>} : memref<10x2048xf32, #tpu.memory_space<vmem>>, vector<16xf32>,
      tpu.vector_store %arg15[%swap3A_284, %swap3A_285], %broadcast_in_dim3A_1 {strides = array<i32>} : memref<10x2048xf32, #tpu.memory_space<vmem>>, vector<16xf32>,
      %swap3A_287 = arith.index_cast %add3A_65 : i32 to index
      %swap3A_288 = arith.constant 1184 : index
      %swap3A_289 = tpu.vector_load %arg15[%swap3A_287, %swap3A_288] {strides = array<i32>} : memref<10x2048xf32, #tpu.memory_space<vmem>>, vector<16xf32>,
      tpu.vector_store %arg15[%swap3A_287, %swap3A_288], %broadcast_in_dim3A_1 {strides = array<i32>} : memref<10x2048xf32, #tpu.memory_space<vmem>>, vector<16xf32>,
      %swap3A_290 = arith.index_cast %add3A_65 : i32 to index
      %swap3A_291 = arith.constant 1200 : index
      %swap3A_292 = tpu.vector_load %arg15[%swap3A_290, %swap3A_291] {strides = array<i32>} : memref<10x2048xf32, #tpu.memory_space<vmem>>, vector<16xf32>,
      tpu.vector_store %arg15[%swap3A_290, %swap3A_291], %broadcast_in_dim3A_1 {strides = array<i32>} : memref<10x2048xf32, #tpu.memory_space<vmem>>, vector<16xf32>,
      %swap3A_293 = arith.index_cast %add3A_65 : i32 to index
      %swap3A_294 = arith.constant 1216 : index
      %swap3A_295 = tpu.vector_load %arg15[%swap3A_293, %swap3A_294] {strides = array<i32>} : memref<10x2048xf32, #tpu.memory_space<vmem>>, vector<16xf32>,
      tpu.vector_store %arg15[%swap3A_293, %swap3A_294], %broadcast_in_dim3A_1 {strides = array<i32>} : memref<10x2048xf32, #tpu.memory_space<vmem>>, vector<16xf32>,
      %swap3A_296 = arith.index_cast %add3A_65 : i32 to index
      %swap3A_297 = arith.constant 1232 : index
      %swap3A_298 = tpu.vector_load %arg15[%swap3A_296, %swap3A_297] {strides = array<i32>} : memref<10x2048xf32, #tpu.memory_space<vmem>>, vector<16xf32>,
      tpu.vector_store %arg15[%swap3A_296, %swap3A_297], %broadcast_in_dim3A_1 {strides = array<i32>} : memref<10x2048xf32, #tpu.memory_space<vmem>>, vector<16xf32>,
      %swap3A_299 = arith.index_cast %add3A_65 : i32 to index
      %swap3A_300 = arith.constant 1248 : index
      %swap3A_301 = tpu.vector_load %arg15[%swap3A_299, %swap3A_300] {strides = array<i32>} : memref<10x2048xf32, #tpu.memory_space<vmem>>, vector<16xf32>,
      tpu.vector_store %arg15[%swap3A_299, %swap3A_300], %broadcast_in_dim3A_1 {strides = array<i32>} : memref<10x2048xf32, #tpu.memory_space<vmem>>, vector<16xf32>,
      %swap3A_302 = arith.index_cast %add3A_65 : i32 to index
      %swap3A_303 = arith.constant 1264 : index
      %swap3A_304 = tpu.vector_load %arg15[%swap3A_302, %swap3A_303] {strides = array<i32>} : memref<10x2048xf32, #tpu.memory_space<vmem>>, vector<16xf32>,
      tpu.vector_store %arg15[%swap3A_302, %swap3A_303], %broadcast_in_dim3A_1 {strides = array<i32>} : memref<10x2048xf32, #tpu.memory_space<vmem>>, vector<16xf32>,
      %swap3A_305 = arith.index_cast %add3A_65 : i32 to index
      %swap3A_306 = arith.constant 1280 : index
      %swap3A_307 = tpu.vector_load %arg15[%swap3A_305, %swap3A_306] {strides = array<i32>} : memref<10x2048xf32, #tpu.memory_space<vmem>>, vector<16xf32>,
      tpu.vector_store %arg15[%swap3A_305, %swap3A_306], %broadcast_in_dim3A_1 {strides = array<i32>} : memref<10x2048xf32, #tpu.memory_space<vmem>>, vector<16xf32>,
      %swap3A_308 = arith.index_cast %add3A_65 : i32 to index
      %swap3A_309 = arith.constant 1296 : index
      %swap3A_310 = tpu.vector_load %arg15[%swap3A_308, %swap3A_309] {strides = array<i32>} : memref<10x2048xf32, #tpu.memory_space<vmem>>, vector<16xf32>,
      tpu.vector_store %arg15[%swap3A_308, %swap3A_309], %broadcast_in_dim3A_1 {strides = array<i32>} : memref<10x2048xf32, #tpu.memory_space<vmem>>, vector<16xf32>,
      %swap3A_311 = arith.index_cast %add3A_65 : i32 to index
      %swap3A_312 = arith.constant 1312 : index
      %swap3A_313 = tpu.vector_load %arg15[%swap3A_311, %swap3A_312] {strides = array<i32>} : memref<10x2048xf32, #tpu.memory_space<vmem>>, vector<16xf32>,
      tpu.vector_store %arg15[%swap3A_311, %swap3A_312], %broadcast_in_dim3A_1 {strides = array<i32>} : memref<10x2048xf32, #tpu.memory_space<vmem>>, vector<16xf32>,
      %swap3A_314 = arith.index_cast %add3A_65 : i32 to index
      %swap3A_315 = arith.constant 1328 : index
      %swap3A_316 = tpu.vector_load %arg15[%swap3A_314, %swap3A_315] {strides = array<i32>} : memref<10x2048xf32, #tpu.memory_space<vmem>>, vector<16xf32>,
      tpu.vector_store %arg15[%swap3A_314, %swap3A_315], %broadcast_in_dim3A_1 {strides = array<i32>} : memref<10x2048xf32, #tpu.memory_space<vmem>>, vector<16xf32>,
      %swap3A_317 = arith.index_cast %add3A_65 : i32 to index
      %swap3A_318 = arith.constant 1344 : index
      %swap3A_319 = tpu.vector_load %arg15[%swap3A_317, %swap3A_318] {strides = array<i32>} : memref<10x2048xf32, #tpu.memory_space<vmem>>, vector<16xf32>,
      tpu.vector_store %arg15[%swap3A_317, %swap3A_318], %broadcast_in_dim3A_1 {strides = array<i32>} : memref<10x2048xf32, #tpu.memory_space<vmem>>, vector<16xf32>,
      %swap3A_320 = arith.index_cast %add3A_65 : i32 to index
      %swap3A_321 = arith.constant 1360 : index
      %swap3A_322 = tpu.vector_load %arg15[%swap3A_320, %swap3A_321] {strides = array<i32>} : memref<10x2048xf32, #tpu.memory_space<vmem>>, vector<16xf32>,
      tpu.vector_store %arg15[%swap3A_320, %swap3A_321], %broadcast_in_dim3A_1 {strides = array<i32>} : memref<10x2048xf32, #tpu.memory_space<vmem>>, vector<16xf32>,
      %swap3A_323 = arith.index_cast %add3A_65 : i32 to index
      %swap3A_324 = arith.constant 1376 : index
      %swap3A_325 = tpu.vector_load %arg15[%swap3A_323, %swap3A_324] {strides = array<i32>} : memref<10x2048xf32, #tpu.memory_space<vmem>>, vector<16xf32>,
      tpu.vector_store %arg15[%swap3A_323, %swap3A_324], %broadcast_in_dim3A_1 {strides = array<i32>} : memref<10x2048xf32, #tpu.memory_space<vmem>>, vector<16xf32>,
      %swap3A_326 = arith.index_cast %add3A_65 : i32 to index
      %swap3A_327 = arith.constant 1392 : index
      %swap3A_328 = tpu.vector_load %arg15[%swap3A_326, %swap3A_327] {strides = array<i32>} : memref<10x2048xf32, #tpu.memory_space<vmem>>, vector<16xf32>,
      tpu.vector_store %arg15[%swap3A_326, %swap3A_327], %broadcast_in_dim3A_1 {strides = array<i32>} : memref<10x2048xf32, #tpu.memory_space<vmem>>, vector<16xf32>,
      %swap3A_329 = arith.index_cast %add3A_65 : i32 to index
      %swap3A_330 = arith.constant 1408 : index
      %swap3A_331 = tpu.vector_load %arg15[%swap3A_329, %swap3A_330] {strides = array<i32>} : memref<10x2048xf32, #tpu.memory_space<vmem>>, vector<16xf32>,
      tpu.vector_store %arg15[%swap3A_329, %swap3A_330], %broadcast_in_dim3A_1 {strides = array<i32>} : memref<10x2048xf32, #tpu.memory_space<vmem>>, vector<16xf32>,
      %swap3A_332 = arith.index_cast %add3A_65 : i32 to index
      %swap3A_333 = arith.constant 1424 : index
      %swap3A_334 = tpu.vector_load %arg15[%swap3A_332, %swap3A_333] {strides = array<i32>} : memref<10x2048xf32, #tpu.memory_space<vmem>>, vector<16xf32>,
      tpu.vector_store %arg15[%swap3A_332, %swap3A_333], %broadcast_in_dim3A_1 {strides = array<i32>} : memref<10x2048xf32, #tpu.memory_space<vmem>>, vector<16xf32>,
      %swap3A_335 = arith.index_cast %add3A_65 : i32 to index
      %swap3A_336 = arith.constant 1440 : index
      %swap3A_337 = tpu.vector_load %arg15[%swap3A_335, %swap3A_336] {strides = array<i32>} : memref<10x2048xf32, #tpu.memory_space<vmem>>, vector<16xf32>,
      tpu.vector_store %arg15[%swap3A_335, %swap3A_336], %broadcast_in_dim3A_1 {strides = array<i32>} : memref<10x2048xf32, #tpu.memory_space<vmem>>, vector<16xf32>,
      %swap3A_338 = arith.index_cast %add3A_65 : i32 to index
      %swap3A_339 = arith.constant 1456 : index
      %swap3A_340 = tpu.vector_load %arg15[%swap3A_338, %swap3A_339] {strides = array<i32>} : memref<10x2048xf32, #tpu.memory_space<vmem>>, vector<16xf32>,
      tpu.vector_store %arg15[%swap3A_338, %swap3A_339], %broadcast_in_dim3A_1 {strides = array<i32>} : memref<10x2048xf32, #tpu.memory_space<vmem>>, vector<16xf32>,
      %swap3A_341 = arith.index_cast %add3A_65 : i32 to index
      %swap3A_342 = arith.constant 1472 : index
      %swap3A_343 = tpu.vector_load %arg15[%swap3A_341, %swap3A_342] {strides = array<i32>} : memref<10x2048xf32, #tpu.memory_space<vmem>>, vector<16xf32>,
      tpu.vector_store %arg15[%swap3A_341, %swap3A_342], %broadcast_in_dim3A_1 {strides = array<i32>} : memref<10x2048xf32, #tpu.memory_space<vmem>>, vector<16xf32>,
      %swap3A_344 = arith.index_cast %add3A_65 : i32 to index
      %swap3A_345 = arith.constant 1488 : index
      %swap3A_346 = tpu.vector_load %arg15[%swap3A_344, %swap3A_345] {strides = array<i32>} : memref<10x2048xf32, #tpu.memory_space<vmem>>, vector<16xf32>,
      tpu.vector_store %arg15[%swap3A_344, %swap3A_345], %broadcast_in_dim3A_1 {strides = array<i32>} : memref<10x2048xf32, #tpu.memory_space<vmem>>, vector<16xf32>,
      %swap3A_347 = arith.index_cast %add3A_65 : i32 to index
      %swap3A_348 = arith.constant 1504 : index
      %swap3A_349 = tpu.vector_load %arg15[%swap3A_347, %swap3A_348] {strides = array<i32>} : memref<10x2048xf32, #tpu.memory_space<vmem>>, vector<16xf32>,
      tpu.vector_store %arg15[%swap3A_347, %swap3A_348], %broadcast_in_dim3A_1 {strides = array<i32>} : memref<10x2048xf32, #tpu.memory_space<vmem>>, vector<16xf32>,
      %swap3A_350 = arith.index_cast %add3A_65 : i32 to index
      %swap3A_351 = arith.constant 1520 : index
      %swap3A_352 = tpu.vector_load %arg15[%swap3A_350, %swap3A_351] {strides = array<i32>} : memref<10x2048xf32, #tpu.memory_space<vmem>>, vector<16xf32>,
      tpu.vector_store %arg15[%swap3A_350, %swap3A_351], %broadcast_in_dim3A_1 {strides = array<i32>} : memref<10x2048xf32, #tpu.memory_space<vmem>>, vector<16xf32>,
      %swap3A_353 = arith.index_cast %add3A_65 : i32 to index
      %swap3A_354 = arith.constant 1536 : index
      %swap3A_355 = tpu.vector_load %arg15[%swap3A_353, %swap3A_354] {strides = array<i32>} : memref<10x2048xf32, #tpu.memory_space<vmem>>, vector<16xf32>,
      tpu.vector_store %arg15[%swap3A_353, %swap3A_354], %broadcast_in_dim3A_1 {strides = array<i32>} : memref<10x2048xf32, #tpu.memory_space<vmem>>, vector<16xf32>,
      %swap3A_356 = arith.index_cast %add3A_65 : i32 to index
      %swap3A_357 = arith.constant 1552 : index
      %swap3A_358 = tpu.vector_load %arg15[%swap3A_356, %swap3A_357] {strides = array<i32>} : memref<10x2048xf32, #tpu.memory_space<vmem>>, vector<16xf32>,
      tpu.vector_store %arg15[%swap3A_356, %swap3A_357], %broadcast_in_dim3A_1 {strides = array<i32>} : memref<10x2048xf32, #tpu.memory_space<vmem>>, vector<16xf32>,
      %swap3A_359 = arith.index_cast %add3A_65 : i32 to index
      %swap3A_360 = arith.constant 1568 : index
      %swap3A_361 = tpu.vector_load %arg15[%swap3A_359, %swap3A_360] {strides = array<i32>} : memref<10x2048xf32, #tpu.memory_space<vmem>>, vector<16xf32>,
      tpu.vector_store %arg15[%swap3A_359, %swap3A_360], %broadcast_in_dim3A_1 {strides = array<i32>} : memref<10x2048xf32, #tpu.memory_space<vmem>>, vector<16xf32>,
      %swap3A_362 = arith.index_cast %add3A_65 : i32 to index
      %swap3A_363 = arith.constant 1584 : index
      %swap3A_364 = tpu.vector_load %arg15[%swap3A_362, %swap3A_363] {strides = array<i32>} : memref<10x2048xf32, #tpu.memory_space<vmem>>, vector<16xf32>,
      tpu.vector_store %arg15[%swap3A_362, %swap3A_363], %broadcast_in_dim3A_1 {strides = array<i32>} : memref<10x2048xf32, #tpu.memory_space<vmem>>, vector<16xf32>,
      %swap3A_365 = arith.index_cast %add3A_65 : i32 to index
      %swap3A_366 = arith.constant 1600 : index
      %swap3A_367 = tpu.vector_load %arg15[%swap3A_365, %swap3A_366] {strides = array<i32>} : memref<10x2048xf32, #tpu.memory_space<vmem>>, vector<16xf32>,
      tpu.vector_store %arg15[%swap3A_365, %swap3A_366], %broadcast_in_dim3A_1 {strides = array<i32>} : memref<10x2048xf32, #tpu.memory_space<vmem>>, vector<16xf32>,
      %swap3A_368 = arith.index_cast %add3A_65 : i32 to index
      %swap3A_369 = arith.constant 1616 : index
      %swap3A_370 = tpu.vector_load %arg15[%swap3A_368, %swap3A_369] {strides = array<i32>} : memref<10x2048xf32, #tpu.memory_space<vmem>>, vector<16xf32>,
      tpu.vector_store %arg15[%swap3A_368, %swap3A_369], %broadcast_in_dim3A_1 {strides = array<i32>} : memref<10x2048xf32, #tpu.memory_space<vmem>>, vector<16xf32>,
      %swap3A_371 = arith.index_cast %add3A_65 : i32 to index
      %swap3A_372 = arith.constant 1632 : index
      %swap3A_373 = tpu.vector_load %arg15[%swap3A_371, %swap3A_372] {strides = array<i32>} : memref<10x2048xf32, #tpu.memory_space<vmem>>, vector<16xf32>,
      tpu.vector_store %arg15[%swap3A_371, %swap3A_372], %broadcast_in_dim3A_1 {strides = array<i32>} : memref<10x2048xf32, #tpu.memory_space<vmem>>, vector<16xf32>,
      %swap3A_374 = arith.index_cast %add3A_65 : i32 to index
      %swap3A_375 = arith.constant 1648 : index
      %swap3A_376 = tpu.vector_load %arg15[%swap3A_374, %swap3A_375] {strides = array<i32>} : memref<10x2048xf32, #tpu.memory_space<vmem>>, vector<16xf32>,
      tpu.vector_store %arg15[%swap3A_374, %swap3A_375], %broadcast_in_dim3A_1 {strides = array<i32>} : memref<10x2048xf32, #tpu.memory_space<vmem>>, vector<16xf32>,
      %swap3A_377 = arith.index_cast %add3A_65 : i32 to index
      %swap3A_378 = arith.constant 1664 : index
      %swap3A_379 = tpu.vector_load %arg15[%swap3A_377, %swap3A_378] {strides = array<i32>} : memref<10x2048xf32, #tpu.memory_space<vmem>>, vector<16xf32>,
      tpu.vector_store %arg15[%swap3A_377, %swap3A_378], %broadcast_in_dim3A_1 {strides = array<i32>} : memref<10x2048xf32, #tpu.memory_space<vmem>>, vector<16xf32>,
      %swap3A_380 = arith.index_cast %add3A_65 : i32 to index
      %swap3A_381 = arith.constant 1680 : index
      %swap3A_382 = tpu.vector_load %arg15[%swap3A_380, %swap3A_381] {strides = array<i32>} : memref<10x2048xf32, #tpu.memory_space<vmem>>, vector<16xf32>,
      tpu.vector_store %arg15[%swap3A_380, %swap3A_381], %broadcast_in_dim3A_1 {strides = array<i32>} : memref<10x2048xf32, #tpu.memory_space<vmem>>, vector<16xf32>,
      %swap3A_383 = arith.index_cast %add3A_65 : i32 to index
      %swap3A_384 = arith.constant 1696 : index
      %swap3A_385 = tpu.vector_load %arg15[%swap3A_383, %swap3A_384] {strides = array<i32>} : memref<10x2048xf32, #tpu.memory_space<vmem>>, vector<16xf32>,
      tpu.vector_store %arg15[%swap3A_383, %swap3A_384], %broadcast_in_dim3A_1 {strides = array<i32>} : memref<10x2048xf32, #tpu.memory_space<vmem>>, vector<16xf32>,
      %swap3A_386 = arith.index_cast %add3A_65 : i32 to index
      %swap3A_387 = arith.constant 1712 : index
      %swap3A_388 = tpu.vector_load %arg15[%swap3A_386, %swap3A_387] {strides = array<i32>} : memref<10x2048xf32, #tpu.memory_space<vmem>>, vector<16xf32>,
      tpu.vector_store %arg15[%swap3A_386, %swap3A_387], %broadcast_in_dim3A_1 {strides = array<i32>} : memref<10x2048xf32, #tpu.memory_space<vmem>>, vector<16xf32>,
      %swap3A_389 = arith.index_cast %add3A_65 : i32 to index
      %swap3A_390 = arith.constant 1728 : index
      %swap3A_391 = tpu.vector_load %arg15[%swap3A_389, %swap3A_390] {strides = array<i32>} : memref<10x2048xf32, #tpu.memory_space<vmem>>, vector<16xf32>,
      tpu.vector_store %arg15[%swap3A_389, %swap3A_390], %broadcast_in_dim3A_1 {strides = array<i32>} : memref<10x2048xf32, #tpu.memory_space<vmem>>, vector<16xf32>,
      %swap3A_392 = arith.index_cast %add3A_65 : i32 to index
      %swap3A_393 = arith.constant 1744 : index
      %swap3A_394 = tpu.vector_load %arg15[%swap3A_392, %swap3A_393] {strides = array<i32>} : memref<10x2048xf32, #tpu.memory_space<vmem>>, vector<16xf32>,
      tpu.vector_store %arg15[%swap3A_392, %swap3A_393], %broadcast_in_dim3A_1 {strides = array<i32>} : memref<10x2048xf32, #tpu.memory_space<vmem>>, vector<16xf32>,
      %swap3A_395 = arith.index_cast %add3A_65 : i32 to index
      %swap3A_396 = arith.constant 1760 : index
      %swap3A_397 = tpu.vector_load %arg15[%swap3A_395, %swap3A_396] {strides = array<i32>} : memref<10x2048xf32, #tpu.memory_space<vmem>>, vector<16xf32>,
      tpu.vector_store %arg15[%swap3A_395, %swap3A_396], %broadcast_in_dim3A_1 {strides = array<i32>} : memref<10x2048xf32, #tpu.memory_space<vmem>>, vector<16xf32>,
      %swap3A_398 = arith.index_cast %add3A_65 : i32 to index
      %swap3A_399 = arith.constant 1776 : index
      %swap3A_400 = tpu.vector_load %arg15[%swap3A_398, %swap3A_399] {strides = array<i32>} : memref<10x2048xf32, #tpu.memory_space<vmem>>, vector<16xf32>,
      tpu.vector_store %arg15[%swap3A_398, %swap3A_399], %broadcast_in_dim3A_1 {strides = array<i32>} : memref<10x2048xf32, #tpu.memory_space<vmem>>, vector<16xf32>,
      %swap3A_401 = arith.index_cast %add3A_65 : i32 to index
      %swap3A_402 = arith.constant 1792 : index
      %swap3A_403 = tpu.vector_load %arg15[%swap3A_401, %swap3A_402] {strides = array<i32>} : memref<10x2048xf32, #tpu.memory_space<vmem>>, vector<16xf32>,
      tpu.vector_store %arg15[%swap3A_401, %swap3A_402], %broadcast_in_dim3A_1 {strides = array<i32>} : memref<10x2048xf32, #tpu.memory_space<vmem>>, vector<16xf32>,
      %swap3A_404 = arith.index_cast %add3A_65 : i32 to index
      %swap3A_405 = arith.constant 1808 : index
      %swap3A_406 = tpu.vector_load %arg15[%swap3A_404, %swap3A_405] {strides = array<i32>} : memref<10x2048xf32, #tpu.memory_space<vmem>>, vector<16xf32>,
      tpu.vector_store %arg15[%swap3A_404, %swap3A_405], %broadcast_in_dim3A_1 {strides = array<i32>} : memref<10x2048xf32, #tpu.memory_space<vmem>>, vector<16xf32>,
      %swap3A_407 = arith.index_cast %add3A_65 : i32 to index
      %swap3A_408 = arith.constant 1824 : index
      %swap3A_409 = tpu.vector_load %arg15[%swap3A_407, %swap3A_408] {strides = array<i32>} : memref<10x2048xf32, #tpu.memory_space<vmem>>, vector<16xf32>,
      tpu.vector_store %arg15[%swap3A_407, %swap3A_408], %broadcast_in_dim3A_1 {strides = array<i32>} : memref<10x2048xf32, #tpu.memory_space<vmem>>, vector<16xf32>,
      %swap3A_410 = arith.index_cast %add3A_65 : i32 to index
      %swap3A_411 = arith.constant 1840 : index
      %swap3A_412 = tpu.vector_load %arg15[%swap3A_410, %swap3A_411] {strides = array<i32>} : memref<10x2048xf32, #tpu.memory_space<vmem>>, vector<16xf32>,
      tpu.vector_store %arg15[%swap3A_410, %swap3A_411], %broadcast_in_dim3A_1 {strides = array<i32>} : memref<10x2048xf32, #tpu.memory_space<vmem>>, vector<16xf32>,
      %swap3A_413 = arith.index_cast %add3A_65 : i32 to index
      %swap3A_414 = arith.constant 1856 : index
      %swap3A_415 = tpu.vector_load %arg15[%swap3A_413, %swap3A_414] {strides = array<i32>} : memref<10x2048xf32, #tpu.memory_space<vmem>>, vector<16xf32>,
      tpu.vector_store %arg15[%swap3A_413, %swap3A_414], %broadcast_in_dim3A_1 {strides = array<i32>} : memref<10x2048xf32, #tpu.memory_space<vmem>>, vector<16xf32>,
      %swap3A_416 = arith.index_cast %add3A_65 : i32 to index
      %swap3A_417 = arith.constant 1872 : index
      %swap3A_418 = tpu.vector_load %arg15[%swap3A_416, %swap3A_417] {strides = array<i32>} : memref<10x2048xf32, #tpu.memory_space<vmem>>, vector<16xf32>,
      tpu.vector_store %arg15[%swap3A_416, %swap3A_417], %broadcast_in_dim3A_1 {strides = array<i32>} : memref<10x2048xf32, #tpu.memory_space<vmem>>, vector<16xf32>,
      %swap3A_419 = arith.index_cast %add3A_65 : i32 to index
      %swap3A_420 = arith.constant 1888 : index
      %swap3A_421 = tpu.vector_load %arg15[%swap3A_419, %swap3A_420] {strides = array<i32>} : memref<10x2048xf32, #tpu.memory_space<vmem>>, vector<16xf32>,
      tpu.vector_store %arg15[%swap3A_419, %swap3A_420], %broadcast_in_dim3A_1 {strides = array<i32>} : memref<10x2048xf32, #tpu.memory_space<vmem>>, vector<16xf32>,
      %swap3A_422 = arith.index_cast %add3A_65 : i32 to index
      %swap3A_423 = arith.constant 1904 : index
      %swap3A_424 = tpu.vector_load %arg15[%swap3A_422, %swap3A_423] {strides = array<i32>} : memref<10x2048xf32, #tpu.memory_space<vmem>>, vector<16xf32>,
      tpu.vector_store %arg15[%swap3A_422, %swap3A_423], %broadcast_in_dim3A_1 {strides = array<i32>} : memref<10x2048xf32, #tpu.memory_space<vmem>>, vector<16xf32>,
      %swap3A_425 = arith.index_cast %add3A_65 : i32 to index
      %swap3A_426 = arith.constant 1920 : index
      %swap3A_427 = tpu.vector_load %arg15[%swap3A_425, %swap3A_426] {strides = array<i32>} : memref<10x2048xf32, #tpu.memory_space<vmem>>, vector<16xf32>,
      tpu.vector_store %arg15[%swap3A_425, %swap3A_426], %broadcast_in_dim3A_1 {strides = array<i32>} : memref<10x2048xf32, #tpu.memory_space<vmem>>, vector<16xf32>,
      %swap3A_428 = arith.index_cast %add3A_65 : i32 to index
      %swap3A_429 = arith.constant 1936 : index
      %swap3A_430 = tpu.vector_load %arg15[%swap3A_428, %swap3A_429] {strides = array<i32>} : memref<10x2048xf32, #tpu.memory_space<vmem>>, vector<16xf32>,
      tpu.vector_store %arg15[%swap3A_428, %swap3A_429], %broadcast_in_dim3A_1 {strides = array<i32>} : memref<10x2048xf32, #tpu.memory_space<vmem>>, vector<16xf32>,
      %swap3A_431 = arith.index_cast %add3A_65 : i32 to index
      %swap3A_432 = arith.constant 1952 : index
      %swap3A_433 = tpu.vector_load %arg15[%swap3A_431, %swap3A_432] {strides = array<i32>} : memref<10x2048xf32, #tpu.memory_space<vmem>>, vector<16xf32>,
      tpu.vector_store %arg15[%swap3A_431, %swap3A_432], %broadcast_in_dim3A_1 {strides = array<i32>} : memref<10x2048xf32, #tpu.memory_space<vmem>>, vector<16xf32>,
      %swap3A_434 = arith.index_cast %add3A_65 : i32 to index
      %swap3A_435 = arith.constant 1968 : index
      %swap3A_436 = tpu.vector_load %arg15[%swap3A_434, %swap3A_435] {strides = array<i32>} : memref<10x2048xf32, #tpu.memory_space<vmem>>, vector<16xf32>,
      tpu.vector_store %arg15[%swap3A_434, %swap3A_435], %broadcast_in_dim3A_1 {strides = array<i32>} : memref<10x2048xf32, #tpu.memory_space<vmem>>, vector<16xf32>,
      %swap3A_437 = arith.index_cast %add3A_65 : i32 to index
      %swap3A_438 = arith.constant 1984 : index
      %swap3A_439 = tpu.vector_load %arg15[%swap3A_437, %swap3A_438] {strides = array<i32>} : memref<10x2048xf32, #tpu.memory_space<vmem>>, vector<16xf32>,
      tpu.vector_store %arg15[%swap3A_437, %swap3A_438], %broadcast_in_dim3A_1 {strides = array<i32>} : memref<10x2048xf32, #tpu.memory_space<vmem>>, vector<16xf32>,
      %swap3A_440 = arith.index_cast %add3A_65 : i32 to index
      %swap3A_441 = arith.constant 2000 : index
      %swap3A_442 = tpu.vector_load %arg15[%swap3A_440, %swap3A_441] {strides = array<i32>} : memref<10x2048xf32, #tpu.memory_space<vmem>>, vector<16xf32>,
      tpu.vector_store %arg15[%swap3A_440, %swap3A_441], %broadcast_in_dim3A_1 {strides = array<i32>} : memref<10x2048xf32, #tpu.memory_space<vmem>>, vector<16xf32>,
      %swap3A_443 = arith.index_cast %add3A_65 : i32 to index
      %swap3A_444 = arith.constant 2016 : index
      %swap3A_445 = tpu.vector_load %arg15[%swap3A_443, %swap3A_444] {strides = array<i32>} : memref<10x2048xf32, #tpu.memory_space<vmem>>, vector<16xf32>,
      tpu.vector_store %arg15[%swap3A_443, %swap3A_444], %broadcast_in_dim3A_1 {strides = array<i32>} : memref<10x2048xf32, #tpu.memory_space<vmem>>, vector<16xf32>,
      %swap3A_446 = arith.index_cast %add3A_65 : i32 to index
      %swap3A_447 = arith.constant 2032 : index
      %swap3A_448 = tpu.vector_load %arg15[%swap3A_446, %swap3A_447] {strides = array<i32>} : memref<10x2048xf32, #tpu.memory_space<vmem>>, vector<16xf32>,
      tpu.vector_store %arg15[%swap3A_446, %swap3A_447], %broadcast_in_dim3A_1 {strides = array<i32>} : memref<10x2048xf32, #tpu.memory_space<vmem>>, vector<16xf32>,
    }
    %scan3A_5 = arith.constant 10 : i32
    %scan3A_6 = arith.constant 0 : i32
    %scan3A_7 = arith.constant 48 : i32
    %scan3A_8 = arith.addi %scan3A_6, %scan3A_7 : i32
    %scan3A_9 = arith.constant 1 : i32
    scf.for %scan3A_61 = %scan3A_6 to %scan3A_8 step %scan3A_9  : i32 {
      %mul3A_62 = arith.constant 1 : i32
      %mul3A_63 = arith.muli %scan3A_61, %mul3A_62 : i32
      %add3A_64 = arith.constant 0 : i32
      %add3A_65 = arith.addi %add3A_64, %mul3A_63 : i32
      %swap3A = arith.index_cast %add3A_65 : i32 to index
      %swap3A_66 = arith.constant 0 : index
      %swap3A_67 = tpu.vector_load %arg12[%swap3A, %swap3A_66] {strides = array<i32>} : memref<48x128xf32, #tpu.memory_space<vmem>>, vector<16xf32>,
      tpu.vector_store %arg12[%swap3A, %swap3A_66], %broadcast_in_dim3A_1 {strides = array<i32>} : memref<48x128xf32, #tpu.memory_space<vmem>>, vector<16xf32>,
      %swap3A_68 = arith.index_cast %add3A_65 : i32 to index
      %swap3A_69 = arith.constant 16 : index
      %swap3A_70 = tpu.vector_load %arg12[%swap3A_68, %swap3A_69] {strides = array<i32>} : memref<48x128xf32, #tpu.memory_space<vmem>>, vector<16xf32>,
      tpu.vector_store %arg12[%swap3A_68, %swap3A_69], %broadcast_in_dim3A_1 {strides = array<i32>} : memref<48x128xf32, #tpu.memory_space<vmem>>, vector<16xf32>,
      %swap3A_71 = arith.index_cast %add3A_65 : i32 to index
      %swap3A_72 = arith.constant 32 : index
      %swap3A_73 = tpu.vector_load %arg12[%swap3A_71, %swap3A_72] {strides = array<i32>} : memref<48x128xf32, #tpu.memory_space<vmem>>, vector<16xf32>,
      tpu.vector_store %arg12[%swap3A_71, %swap3A_72], %broadcast_in_dim3A_1 {strides = array<i32>} : memref<48x128xf32, #tpu.memory_space<vmem>>, vector<16xf32>,
      %swap3A_74 = arith.index_cast %add3A_65 : i32 to index
      %swap3A_75 = arith.constant 48 : index
      %swap3A_76 = tpu.vector_load %arg12[%swap3A_74, %swap3A_75] {strides = array<i32>} : memref<48x128xf32, #tpu.memory_space<vmem>>, vector<16xf32>,
      tpu.vector_store %arg12[%swap3A_74, %swap3A_75], %broadcast_in_dim3A_1 {strides = array<i32>} : memref<48x128xf32, #tpu.memory_space<vmem>>, vector<16xf32>,
      %swap3A_77 = arith.index_cast %add3A_65 : i32 to index
      %swap3A_78 = arith.constant 64 : index
      %swap3A_79 = tpu.vector_load %arg12[%swap3A_77, %swap3A_78] {strides = array<i32>} : memref<48x128xf32, #tpu.memory_space<vmem>>, vector<16xf32>,
      tpu.vector_store %arg12[%swap3A_77, %swap3A_78], %broadcast_in_dim3A_1 {strides = array<i32>} : memref<48x128xf32, #tpu.memory_space<vmem>>, vector<16xf32>,
      %swap3A_80 = arith.index_cast %add3A_65 : i32 to index
      %swap3A_81 = arith.constant 80 : index
      %swap3A_82 = tpu.vector_load %arg12[%swap3A_80, %swap3A_81] {strides = array<i32>} : memref<48x128xf32, #tpu.memory_space<vmem>>, vector<16xf32>,
      tpu.vector_store %arg12[%swap3A_80, %swap3A_81], %broadcast_in_dim3A_1 {strides = array<i32>} : memref<48x128xf32, #tpu.memory_space<vmem>>, vector<16xf32>,
      %swap3A_83 = arith.index_cast %add3A_65 : i32 to index
      %swap3A_84 = arith.constant 96 : index
      %swap3A_85 = tpu.vector_load %arg12[%swap3A_83, %swap3A_84] {strides = array<i32>} : memref<48x128xf32, #tpu.memory_space<vmem>>, vector<16xf32>,
      tpu.vector_store %arg12[%swap3A_83, %swap3A_84], %broadcast_in_dim3A_1 {strides = array<i32>} : memref<48x128xf32, #tpu.memory_space<vmem>>, vector<16xf32>,
      %swap3A_86 = arith.index_cast %add3A_65 : i32 to index
      %swap3A_87 = arith.constant 112 : index
      %swap3A_88 = tpu.vector_load %arg12[%swap3A_86, %swap3A_87] {strides = array<i32>} : memref<48x128xf32, #tpu.memory_space<vmem>>, vector<16xf32>,
      tpu.vector_store %arg12[%swap3A_86, %swap3A_87], %broadcast_in_dim3A_1 {strides = array<i32>} : memref<48x128xf32, #tpu.memory_space<vmem>>, vector<16xf32>,
    }
    %scan3A_10 = arith.constant 48 : i32
    %scan3A_11 = arith.constant 0 : i32
    %scan3A_12 = arith.constant 13 : i32
    %scan3A_13 = arith.addi %scan3A_11, %scan3A_12 : i32
    %scan3A_14 = arith.constant 1 : i32
    scf.for %scan3A_61 = %scan3A_11 to %scan3A_13 step %scan3A_14  : i32 {
      %mul3A_62 = arith.constant 1 : i32
      %mul3A_63 = arith.muli %scan3A_61, %mul3A_62 : i32
      %add3A_64 = arith.constant 0 : i32
      %add3A_65 = arith.addi %add3A_64, %mul3A_63 : i32
      %mul3A_66 = arith.constant 640 : i32
      %mul3A_67 = arith.muli %arg1, %mul3A_66 : i32
      %mul3A_68 = arith.constant 48 : i32
      %mul3A_69 = arith.muli %add3A_65, %mul3A_68 : i32
      %add3A_70 = arith.addi %mul3A_67, %mul3A_69 : i32
      "tpu.region"() ({
        %run_scoped3A = tpu.sem_alloc : memref<!tpu.dma_semaphore, #tpu.memory_space<semaphore_mem>>
        %dma_start3A = arith.constant 0 : i32
        %dma_start3A_71 = tpu.memref_slice %arg16[%add3A_70, %dma_start3A] : memref<10240x128xf32, #tpu.memory_space<vmem_shared>> -> memref<48x128xf32, #tpu.memory_space<vmem_shared>>
        %dma_start3A_72 = arith.constant 0 : i32
        %dma_start3A_73 = tpu.memref_slice %arg16[%add3A_70, %dma_start3A_72] : memref<10240x128xf32, #tpu.memory_space<vmem_shared>> -> memref<48x128xf32, #tpu.memory_space<vmem_shared>>
        tpu.enqueue_dma source(%arg12 : memref<48x128xf32, #tpu.memory_space<vmem>>) target(%dma_start3A_73 : memref<48x128xf32, #tpu.memory_space<vmem_shared>>) target_semaphore(%run_scoped3A : memref<!tpu.dma_semaphore, #tpu.memory_space<semaphore_mem>>)
        %dma_wait3A = arith.constant 0 : i32
        %dma_wait3A_74 = tpu.memref_slice %arg16[%add3A_70, %dma_wait3A] : memref<10240x128xf32, #tpu.memory_space<vmem_shared>> -> memref<48x128xf32, #tpu.memory_space<vmem_shared>>
        %dma_wait3A_75 = arith.constant 0 : i32
        %dma_wait3A_76 = tpu.memref_slice %arg16[%add3A_70, %dma_wait3A_75] : memref<10240x128xf32, #tpu.memory_space<vmem_shared>> -> memref<48x128xf32, #tpu.memory_space<vmem_shared>>
        tpu.wait_dma2 semaphore(%run_scoped3A : memref<!tpu.dma_semaphore, #tpu.memory_space<semaphore_mem>>) src(%arg12 : memref<48x128xf32, #tpu.memory_space<vmem>>) dst(%dma_wait3A_76 : memref<48x128xf32, #tpu.memory_space<vmem_shared>>)
        tpu.yield
      }) : () -> ()
    }
    %scan3A_15 = arith.constant 13 : i32
    %mul3A_16 = arith.constant 640 : i32
    %mul3A_17 = arith.muli %arg1, %mul3A_16 : i32
    %add3A_18 = arith.constant 624 : i32
    %add3A_19 = arith.addi %mul3A_17, %add3A_18 : i32
    "tpu.region"() ({
      %run_scoped3A = tpu.sem_alloc : memref<!tpu.dma_semaphore, #tpu.memory_space<semaphore_mem>>
      %dma_start3A = arith.constant 0 : i32
      %dma_start3A_61 = arith.constant 0 : i32
      %dma_start3A_62 = tpu.memref_slice %arg12[%dma_start3A, %dma_start3A_61] : memref<48x128xf32, #tpu.memory_space<vmem>> -> memref<16x128xf32, #tpu.memory_space<vmem>>
      %dma_start3A_63 = arith.constant 0 : i32
      %dma_start3A_64 = tpu.memref_slice %arg16[%add3A_19, %dma_start3A_63] : memref<10240x128xf32, #tpu.memory_space<vmem_shared>> -> memref<16x128xf32, #tpu.memory_space<vmem_shared>>
      %dma_start3A_65 = arith.constant 0 : i32
      %dma_start3A_66 = tpu.memref_slice %arg16[%add3A_19, %dma_start3A_65] : memref<10240x128xf32, #tpu.memory_space<vmem_shared>> -> memref<16x128xf32, #tpu.memory_space<vmem_shared>>
      %dma_start3A_67 = arith.constant 0 : i32
      %dma_start3A_68 = arith.constant 0 : i32
      %dma_start3A_69 = tpu.memref_slice %arg12[%dma_start3A_67, %dma_start3A_68] : memref<48x128xf32, #tpu.memory_space<vmem>> -> memref<16x128xf32, #tpu.memory_space<vmem>>
      tpu.enqueue_dma source(%dma_start3A_69 : memref<16x128xf32, #tpu.memory_space<vmem>>) target(%dma_start3A_66 : memref<16x128xf32, #tpu.memory_space<vmem_shared>>) target_semaphore(%run_scoped3A : memref<!tpu.dma_semaphore, #tpu.memory_space<semaphore_mem>>)
      %dma_wait3A = arith.constant 0 : i32
      %dma_wait3A_70 = arith.constant 0 : i32
      %dma_wait3A_71 = tpu.memref_slice %arg12[%dma_wait3A, %dma_wait3A_70] : memref<48x128xf32, #tpu.memory_space<vmem>> -> memref<16x128xf32, #tpu.memory_space<vmem>>
      %dma_wait3A_72 = arith.constant 0 : i32
      %dma_wait3A_73 = tpu.memref_slice %arg16[%add3A_19, %dma_wait3A_72] : memref<10240x128xf32, #tpu.memory_space<vmem_shared>> -> memref<16x128xf32, #tpu.memory_space<vmem_shared>>
      %dma_wait3A_74 = arith.constant 0 : i32
      %dma_wait3A_75 = tpu.memref_slice %arg16[%add3A_19, %dma_wait3A_74] : memref<10240x128xf32, #tpu.memory_space<vmem_shared>> -> memref<16x128xf32, #tpu.memory_space<vmem_shared>>
      %dma_wait3A_76 = arith.constant 0 : i32
      %dma_wait3A_77 = arith.constant 0 : i32
      %dma_wait3A_78 = tpu.memref_slice %arg12[%dma_wait3A_76, %dma_wait3A_77] : memref<48x128xf32, #tpu.memory_space<vmem>> -> memref<16x128xf32, #tpu.memory_space<vmem>>
      tpu.wait_dma2 semaphore(%run_scoped3A : memref<!tpu.dma_semaphore, #tpu.memory_space<semaphore_mem>>) src(%dma_wait3A_78 : memref<16x128xf32, #tpu.memory_space<vmem>>) dst(%dma_wait3A_75 : memref<16x128xf32, #tpu.memory_space<vmem_shared>>)
      tpu.yield
    }) : () -> ()
    %barrier3A = arith.constant 0 : index
    tpu.barrier barrier_id(%barrier3A)
    "tpu.region"() ({
      %run_scoped3A = tpu.sem_alloc : memref<!tpu.dma_semaphore, #tpu.memory_space<semaphore_mem>>
      %dma_start3A = arith.constant 1632 : i32
      %dma_start3A_61 = tpu.memref_slice %arg14[%dma_start3A] : memref<1792xf32, #tpu.memory_space<vmem>> -> memref<128xf32, #tpu.memory_space<vmem>>
      %dma_start3A_62 = arith.constant 1632 : i32
      %dma_start3A_63 = tpu.memref_slice %arg14[%dma_start3A_62] : memref<1792xf32, #tpu.memory_space<vmem>> -> memref<128xf32, #tpu.memory_space<vmem>>
      tpu.enqueue_dma source(%arg6 : memref<128xf32, #tpu.memory_space<hbm>>) target(%dma_start3A_63 : memref<128xf32, #tpu.memory_space<vmem>>) target_semaphore(%run_scoped3A : memref<!tpu.dma_semaphore, #tpu.memory_space<semaphore_mem>>)
      %dma_wait3A = arith.constant 1632 : i32
      %dma_wait3A_64 = tpu.memref_slice %arg14[%dma_wait3A] : memref<1792xf32, #tpu.memory_space<vmem>> -> memref<128xf32, #tpu.memory_space<vmem>>
      %dma_wait3A_65 = arith.constant 1632 : i32
      %dma_wait3A_66 = tpu.memref_slice %arg14[%dma_wait3A_65] : memref<1792xf32, #tpu.memory_space<vmem>> -> memref<128xf32, #tpu.memory_space<vmem>>
      tpu.wait_dma2 semaphore(%run_scoped3A : memref<!tpu.dma_semaphore, #tpu.memory_space<semaphore_mem>>) src(%arg6 : memref<128xf32, #tpu.memory_space<hbm>>) dst(%dma_wait3A_66 : memref<128xf32, #tpu.memory_space<vmem>>)
      tpu.yield
    }) : () -> ()
    "tpu.region"() ({
      %run_scoped3A = tpu.sem_alloc : memref<!tpu.dma_semaphore, #tpu.memory_space<semaphore_mem>>
      %dma_start3A = arith.constant 1760 : i32
      %dma_start3A_61 = tpu.memref_slice %arg14[%dma_start3A] : memref<1792xf32, #tpu.memory_space<vmem>> -> memref<32xf32, #tpu.memory_space<vmem>>
      %dma_start3A_62 = arith.constant 1760 : i32
      %dma_start3A_63 = tpu.memref_slice %arg14[%dma_start3A_62] : memref<1792xf32, #tpu.memory_space<vmem>> -> memref<32xf32, #tpu.memory_space<vmem>>
      tpu.enqueue_dma source(%arg7 : memref<32xf32, #tpu.memory_space<hbm>>) target(%dma_start3A_63 : memref<32xf32, #tpu.memory_space<vmem>>) target_semaphore(%run_scoped3A : memref<!tpu.dma_semaphore, #tpu.memory_space<semaphore_mem>>)
      %dma_wait3A = arith.constant 1760 : i32
      %dma_wait3A_64 = tpu.memref_slice %arg14[%dma_wait3A] : memref<1792xf32, #tpu.memory_space<vmem>> -> memref<32xf32, #tpu.memory_space<vmem>>
      %dma_wait3A_65 = arith.constant 1760 : i32
      %dma_wait3A_66 = tpu.memref_slice %arg14[%dma_wait3A_65] : memref<1792xf32, #tpu.memory_space<vmem>> -> memref<32xf32, #tpu.memory_space<vmem>>
      tpu.wait_dma2 semaphore(%run_scoped3A : memref<!tpu.dma_semaphore, #tpu.memory_space<semaphore_mem>>) src(%arg7 : memref<32xf32, #tpu.memory_space<hbm>>) dst(%dma_wait3A_66 : memref<32xf32, #tpu.memory_space<vmem>>)
      tpu.yield
    }) : () -> ()
    %get3A = arith.constant 1632 : index
    %get3A_20 = tpu.vector_load %arg14[%get3A] {strides = array<i32>} : memref<1792xf32, #tpu.memory_space<vmem>>, vector<16xf32>,
    %get3A_21 = arith.constant 1648 : index
    %get3A_22 = tpu.vector_load %arg14[%get3A_21] {strides = array<i32>} : memref<1792xf32, #tpu.memory_space<vmem>>, vector<16xf32>,
    %get3A_23 = arith.constant 1664 : index
    %get3A_24 = tpu.vector_load %arg14[%get3A_23] {strides = array<i32>} : memref<1792xf32, #tpu.memory_space<vmem>>, vector<16xf32>,
    %get3A_25 = arith.constant 1680 : index
    %get3A_26 = tpu.vector_load %arg14[%get3A_25] {strides = array<i32>} : memref<1792xf32, #tpu.memory_space<vmem>>, vector<16xf32>,
    %get3A_27 = arith.constant 1696 : index
    %get3A_28 = tpu.vector_load %arg14[%get3A_27] {strides = array<i32>} : memref<1792xf32, #tpu.memory_space<vmem>>, vector<16xf32>,
    %get3A_29 = arith.constant 1712 : index
    %get3A_30 = tpu.vector_load %arg14[%get3A_29] {strides = array<i32>} : memref<1792xf32, #tpu.memory_space<vmem>>, vector<16xf32>,
    %get3A_31 = arith.constant 1728 : index
    %get3A_32 = tpu.vector_load %arg14[%get3A_31] {strides = array<i32>} : memref<1792xf32, #tpu.memory_space<vmem>>, vector<16xf32>,
    %get3A_33 = arith.constant 1744 : index
    %get3A_34 = tpu.vector_load %arg14[%get3A_33] {strides = array<i32>} : memref<1792xf32, #tpu.memory_space<vmem>>, vector<16xf32>,
    %get3A_35 = arith.constant 1760 : index
    %get3A_36 = tpu.vector_load %arg14[%get3A_35] {strides = array<i32>} : memref<1792xf32, #tpu.memory_space<vmem>>, vector<16xf32>,
    %get3A_37 = arith.constant 1776 : index
    %get3A_38 = tpu.vector_load %arg14[%get3A_37] {strides = array<i32>} : memref<1792xf32, #tpu.memory_space<vmem>>, vector<16xf32>,
    %mul3A_39 = arith.constant 32 : i32
    %mul3A_40 = vector.broadcast %mul3A_39 : i32 to vector<16xi32>
    %mul3A_41 = arith.muli %iota3A, %mul3A_40 : vector<16xi32>
    %min3A = arith.constant 1 : i32
    %min3A_42 = vector.broadcast %min3A : i32 to vector<16xi32>
    %min3A_43 = arith.minsi %iota3A, %min3A_42 : vector<16xi32>
    %mul3A_44 = arith.constant 5 : i32
    %mul3A_45 = vector.broadcast %mul3A_44 : i32 to vector<16xi32>
    %mul3A_46 = arith.muli %min3A_43, %mul3A_45 : vector<16xi32>
    %mul3A_47 = arith.constant 215 : i32
    %mul3A_48 = arith.muli %add3A, %mul3A_47 : i32
    %mul3A_49 = arith.constant 48 : i32
    %mul3A_50 = arith.muli %mul3A_48, %mul3A_49 : i32
    %scan3A_51 = arith.constant 0 : i32
    %scan3A_52 = arith.constant 215 : i32
    %scan3A_53 = arith.addi %scan3A_51, %scan3A_52 : i32
    %scan3A_54 = arith.constant 1 : i32
    scf.for %scan3A_61 = %scan3A_51 to %scan3A_53 step %scan3A_54  : i32 {
      %mul3A_62 = arith.constant 1 : i32
      %mul3A_63 = arith.muli %scan3A_61, %mul3A_62 : i32
      %add3A_64 = arith.constant 0 : i32
      %add3A_65 = arith.addi %add3A_64, %mul3A_63 : i32
      %mul3A_66 = arith.constant 48 : i32
      %mul3A_67 = arith.muli %add3A_65, %mul3A_66 : i32
      %add3A_68 = arith.addi %mul3A_50, %mul3A_67 : i32
      "tpu.region"() ({
        %run_scoped3A = tpu.sem_alloc : memref<!tpu.dma_semaphore, #tpu.memory_space<semaphore_mem>>
        %dma_start3A_89 = tpu.memref_slice %arg4[%add3A_68] : memref<330240xi32, #tpu.memory_space<hbm>> -> memref<48xi32, #tpu.memory_space<hbm>>
        %dma_start3A_90 = tpu.memref_slice %arg4[%add3A_68] : memref<330240xi32, #tpu.memory_space<hbm>> -> memref<48xi32, #tpu.memory_space<hbm>>
        tpu.enqueue_dma source(%dma_start3A_90 : memref<48xi32, #tpu.memory_space<hbm>>) target(%arg10 : memref<48xi32, #tpu.memory_space<vmem>>) target_semaphore(%run_scoped3A : memref<!tpu.dma_semaphore, #tpu.memory_space<semaphore_mem>>)
        %dma_wait3A_91 = tpu.memref_slice %arg4[%add3A_68] : memref<330240xi32, #tpu.memory_space<hbm>> -> memref<48xi32, #tpu.memory_space<hbm>>
        %dma_wait3A_92 = tpu.memref_slice %arg4[%add3A_68] : memref<330240xi32, #tpu.memory_space<hbm>> -> memref<48xi32, #tpu.memory_space<hbm>>
        tpu.wait_dma2 semaphore(%run_scoped3A : memref<!tpu.dma_semaphore, #tpu.memory_space<semaphore_mem>>) src(%dma_wait3A_92 : memref<48xi32, #tpu.memory_space<hbm>>) dst(%arg10 : memref<48xi32, #tpu.memory_space<vmem>>)
        tpu.yield
      }) : () -> ()
      "tpu.region"() ({
        %run_scoped3A = tpu.sem_alloc : memref<!tpu.dma_semaphore, #tpu.memory_space<semaphore_mem>>
        %dma_start3A_89 = tpu.memref_slice %arg5[%add3A_68] : memref<330240xi32, #tpu.memory_space<hbm>> -> memref<48xi32, #tpu.memory_space<hbm>>
        %dma_start3A_90 = tpu.memref_slice %arg5[%add3A_68] : memref<330240xi32, #tpu.memory_space<hbm>> -> memref<48xi32, #tpu.memory_space<hbm>>
        tpu.enqueue_dma source(%dma_start3A_90 : memref<48xi32, #tpu.memory_space<hbm>>) target(%arg11 : memref<48xi32, #tpu.memory_space<vmem>>) target_semaphore(%run_scoped3A : memref<!tpu.dma_semaphore, #tpu.memory_space<semaphore_mem>>)
        %dma_wait3A_91 = tpu.memref_slice %arg5[%add3A_68] : memref<330240xi32, #tpu.memory_space<hbm>> -> memref<48xi32, #tpu.memory_space<hbm>>
        %dma_wait3A_92 = tpu.memref_slice %arg5[%add3A_68] : memref<330240xi32, #tpu.memory_space<hbm>> -> memref<48xi32, #tpu.memory_space<hbm>>
        tpu.wait_dma2 semaphore(%run_scoped3A : memref<!tpu.dma_semaphore, #tpu.memory_space<semaphore_mem>>) src(%dma_wait3A_92 : memref<48xi32, #tpu.memory_space<hbm>>) dst(%arg11 : memref<48xi32, #tpu.memory_space<vmem>>)
        tpu.yield
      }) : () -> ()
      %dma_start3A = arith.constant 0 : i32
      %dma_start3A_69 = arith.constant 0 : i32
      %dma_start3A_70 = tpu.memref_slice %arg2[%dma_start3A, %dma_start3A_69] : memref<10240x128xf32, #tpu.memory_space<hbm>> -> memref<10240x128xf32, #tpu.memory_space<hbm>>
      tpu.enqueue_indirect_dma source(%dma_start3A_70 : memref<10240x128xf32, #tpu.memory_space<hbm>>) target(%arg12 : memref<48x128xf32, #tpu.memory_space<vmem>>) offsets(%arg10 : memref<48xi32, #tpu.memory_space<vmem>>) semaphore(%arg17 : memref<!tpu.dma_semaphore, #tpu.memory_space<semaphore_mem>>)
      %dma_start3A_71 = arith.constant 0 : i32
      %dma_start3A_72 = arith.constant 0 : i32
      %dma_start3A_73 = tpu.memref_slice %arg3[%dma_start3A_71, %dma_start3A_72] : memref<10240x128xf32, #tpu.memory_space<hbm>> -> memref<10240x128xf32, #tpu.memory_space<hbm>>
      tpu.enqueue_indirect_dma source(%dma_start3A_73 : memref<10240x128xf32, #tpu.memory_space<hbm>>) target(%arg13 : memref<48x128xf32, #tpu.memory_space<vmem>>) offsets(%arg11 : memref<48xi32, #tpu.memory_space<vmem>>) semaphore(%arg18 : memref<!tpu.dma_semaphore, #tpu.memory_space<semaphore_mem>>)
      %dma_wait3A = arith.constant 0 : i32
      %dma_wait3A_74 = arith.constant 0 : i32
      %dma_wait3A_75 = tpu.memref_slice %arg2[%dma_wait3A, %dma_wait3A_74] : memref<10240x128xf32, #tpu.memory_space<hbm>> -> memref<10240x128xf32, #tpu.memory_space<hbm>>
      tpu.wait_indirect_dma semaphore(%arg17 : memref<!tpu.dma_semaphore, #tpu.memory_space<semaphore_mem>>) src(%dma_wait3A_75 : memref<10240x128xf32, #tpu.memory_space<hbm>>) dst(%arg12 : memref<48x128xf32, #tpu.memory_space<vmem>>)
      %dma_wait3A_76 = arith.constant 0 : i32
      %dma_wait3A_77 = arith.constant 0 : i32
      %dma_wait3A_78 = tpu.memref_slice %arg3[%dma_wait3A_76, %dma_wait3A_77] : memref<10240x128xf32, #tpu.memory_space<hbm>> -> memref<10240x128xf32, #tpu.memory_space<hbm>>
      tpu.wait_indirect_dma semaphore(%arg18 : memref<!tpu.dma_semaphore, #tpu.memory_space<semaphore_mem>>) src(%dma_wait3A_78 : memref<10240x128xf32, #tpu.memory_space<hbm>>) dst(%arg13 : memref<48x128xf32, #tpu.memory_space<vmem>>)
      %parallel_loop3A = arith.constant 0 : i32
      %parallel_loop3A_79 = arith.constant 48 : i32
      %parallel_loop3A_80 = arith.constant 1 : i32
      scf.for %parallel_loop3A_89 = %parallel_loop3A to %parallel_loop3A_79 step %parallel_loop3A_80  : i32 {
        %parallel_loop3A_90 = arith.index_cast %parallel_loop3A_89 : i32 to index
        %parallel_loop3A_91 = arith.constant 0 : index
        %parallel_loop3A_92 = tpu.vector_load %arg12[%parallel_loop3A_90, %parallel_loop3A_91] {strides = array<i32>} : memref<48x128xf32, #tpu.memory_space<vmem>>, vector<16xf32>,
        %parallel_loop3A_93 = arith.index_cast %parallel_loop3A_89 : i32 to index
        %parallel_loop3A_94 = arith.constant 0 : index
        %parallel_loop3A_95 = tpu.vector_load %arg13[%parallel_loop3A_93, %parallel_loop3A_94] {strides = array<i32>} : memref<48x128xf32, #tpu.memory_space<vmem>>, vector<16xf32>,
        %parallel_loop3A_96 = arith.addf %parallel_loop3A_92, %parallel_loop3A_95 : vector<16xf32>
        %parallel_loop3A_97 = arith.constant 2.000000e-01 : f32
        %parallel_loop3A_98 = vector.broadcast %parallel_loop3A_97 : f32 to vector<16xf32>
        %parallel_loop3A_99 = arith.mulf %parallel_loop3A_98, %parallel_loop3A_96 : vector<16xf32>
        %parallel_loop3A_100 = arith.maximumf %parallel_loop3A_96, %parallel_loop3A_99 : vector<16xf32>
        %parallel_loop3A_101 = arith.mulf %parallel_loop3A_100, %get3A_20 : vector<16xf32>
        %parallel_loop3A_102 = arith.addf %broadcast_in_dim3A_1, %parallel_loop3A_101 : vector<16xf32>
        %parallel_loop3A_103 = arith.index_cast %parallel_loop3A_89 : i32 to index
        %parallel_loop3A_104 = arith.constant 16 : index
        %parallel_loop3A_105 = tpu.vector_load %arg12[%parallel_loop3A_103, %parallel_loop3A_104] {strides = array<i32>} : memref<48x128xf32, #tpu.memory_space<vmem>>, vector<16xf32>,
        %parallel_loop3A_106 = arith.index_cast %parallel_loop3A_89 : i32 to index
        %parallel_loop3A_107 = arith.constant 16 : index
        %parallel_loop3A_108 = tpu.vector_load %arg13[%parallel_loop3A_106, %parallel_loop3A_107] {strides = array<i32>} : memref<48x128xf32, #tpu.memory_space<vmem>>, vector<16xf32>,
        %parallel_loop3A_109 = arith.addf %parallel_loop3A_105, %parallel_loop3A_108 : vector<16xf32>
        %parallel_loop3A_110 = arith.constant 2.000000e-01 : f32
        %parallel_loop3A_111 = vector.broadcast %parallel_loop3A_110 : f32 to vector<16xf32>
        %parallel_loop3A_112 = arith.mulf %parallel_loop3A_111, %parallel_loop3A_109 : vector<16xf32>
        %parallel_loop3A_113 = arith.maximumf %parallel_loop3A_109, %parallel_loop3A_112 : vector<16xf32>
        %parallel_loop3A_114 = arith.mulf %parallel_loop3A_113, %get3A_22 : vector<16xf32>
        %parallel_loop3A_115 = arith.addf %parallel_loop3A_102, %parallel_loop3A_114 : vector<16xf32>
        %parallel_loop3A_116 = arith.index_cast %parallel_loop3A_89 : i32 to index
        %parallel_loop3A_117 = arith.constant 32 : index
        %parallel_loop3A_118 = tpu.vector_load %arg12[%parallel_loop3A_116, %parallel_loop3A_117] {strides = array<i32>} : memref<48x128xf32, #tpu.memory_space<vmem>>, vector<16xf32>,
        %parallel_loop3A_119 = arith.index_cast %parallel_loop3A_89 : i32 to index
        %parallel_loop3A_120 = arith.constant 32 : index
        %parallel_loop3A_121 = tpu.vector_load %arg13[%parallel_loop3A_119, %parallel_loop3A_120] {strides = array<i32>} : memref<48x128xf32, #tpu.memory_space<vmem>>, vector<16xf32>,
        %parallel_loop3A_122 = arith.addf %parallel_loop3A_118, %parallel_loop3A_121 : vector<16xf32>
        %parallel_loop3A_123 = arith.constant 2.000000e-01 : f32
        %parallel_loop3A_124 = vector.broadcast %parallel_loop3A_123 : f32 to vector<16xf32>
        %parallel_loop3A_125 = arith.mulf %parallel_loop3A_124, %parallel_loop3A_122 : vector<16xf32>
        %parallel_loop3A_126 = arith.maximumf %parallel_loop3A_122, %parallel_loop3A_125 : vector<16xf32>
        %parallel_loop3A_127 = arith.mulf %parallel_loop3A_126, %get3A_24 : vector<16xf32>
        %parallel_loop3A_128 = arith.addf %parallel_loop3A_115, %parallel_loop3A_127 : vector<16xf32>
        %parallel_loop3A_129 = arith.index_cast %parallel_loop3A_89 : i32 to index
        %parallel_loop3A_130 = arith.constant 48 : index
        %parallel_loop3A_131 = tpu.vector_load %arg12[%parallel_loop3A_129, %parallel_loop3A_130] {strides = array<i32>} : memref<48x128xf32, #tpu.memory_space<vmem>>, vector<16xf32>,
        %parallel_loop3A_132 = arith.index_cast %parallel_loop3A_89 : i32 to index
        %parallel_loop3A_133 = arith.constant 48 : index
        %parallel_loop3A_134 = tpu.vector_load %arg13[%parallel_loop3A_132, %parallel_loop3A_133] {strides = array<i32>} : memref<48x128xf32, #tpu.memory_space<vmem>>, vector<16xf32>,
        %parallel_loop3A_135 = arith.addf %parallel_loop3A_131, %parallel_loop3A_134 : vector<16xf32>
        %parallel_loop3A_136 = arith.constant 2.000000e-01 : f32
        %parallel_loop3A_137 = vector.broadcast %parallel_loop3A_136 : f32 to vector<16xf32>
        %parallel_loop3A_138 = arith.mulf %parallel_loop3A_137, %parallel_loop3A_135 : vector<16xf32>
        %parallel_loop3A_139 = arith.maximumf %parallel_loop3A_135, %parallel_loop3A_138 : vector<16xf32>
        %parallel_loop3A_140 = arith.mulf %parallel_loop3A_139, %get3A_26 : vector<16xf32>
        %parallel_loop3A_141 = arith.addf %parallel_loop3A_128, %parallel_loop3A_140 : vector<16xf32>
        %parallel_loop3A_142 = arith.index_cast %parallel_loop3A_89 : i32 to index
        %parallel_loop3A_143 = arith.constant 64 : index
        %parallel_loop3A_144 = tpu.vector_load %arg12[%parallel_loop3A_142, %parallel_loop3A_143] {strides = array<i32>} : memref<48x128xf32, #tpu.memory_space<vmem>>, vector<16xf32>,
        %parallel_loop3A_145 = arith.index_cast %parallel_loop3A_89 : i32 to index
        %parallel_loop3A_146 = arith.constant 64 : index
        %parallel_loop3A_147 = tpu.vector_load %arg13[%parallel_loop3A_145, %parallel_loop3A_146] {strides = array<i32>} : memref<48x128xf32, #tpu.memory_space<vmem>>, vector<16xf32>,
        %parallel_loop3A_148 = arith.addf %parallel_loop3A_144, %parallel_loop3A_147 : vector<16xf32>
        %parallel_loop3A_149 = arith.constant 2.000000e-01 : f32
        %parallel_loop3A_150 = vector.broadcast %parallel_loop3A_149 : f32 to vector<16xf32>
        %parallel_loop3A_151 = arith.mulf %parallel_loop3A_150, %parallel_loop3A_148 : vector<16xf32>
        %parallel_loop3A_152 = arith.maximumf %parallel_loop3A_148, %parallel_loop3A_151 : vector<16xf32>
        %parallel_loop3A_153 = arith.mulf %parallel_loop3A_152, %get3A_28 : vector<16xf32>
        %parallel_loop3A_154 = arith.addf %broadcast_in_dim3A_1, %parallel_loop3A_153 : vector<16xf32>
        %parallel_loop3A_155 = arith.index_cast %parallel_loop3A_89 : i32 to index
        %parallel_loop3A_156 = arith.constant 80 : index
        %parallel_loop3A_157 = tpu.vector_load %arg12[%parallel_loop3A_155, %parallel_loop3A_156] {strides = array<i32>} : memref<48x128xf32, #tpu.memory_space<vmem>>, vector<16xf32>,
        %parallel_loop3A_158 = arith.index_cast %parallel_loop3A_89 : i32 to index
        %parallel_loop3A_159 = arith.constant 80 : index
        %parallel_loop3A_160 = tpu.vector_load %arg13[%parallel_loop3A_158, %parallel_loop3A_159] {strides = array<i32>} : memref<48x128xf32, #tpu.memory_space<vmem>>, vector<16xf32>,
        %parallel_loop3A_161 = arith.addf %parallel_loop3A_157, %parallel_loop3A_160 : vector<16xf32>
        %parallel_loop3A_162 = arith.constant 2.000000e-01 : f32
        %parallel_loop3A_163 = vector.broadcast %parallel_loop3A_162 : f32 to vector<16xf32>
        %parallel_loop3A_164 = arith.mulf %parallel_loop3A_163, %parallel_loop3A_161 : vector<16xf32>
        %parallel_loop3A_165 = arith.maximumf %parallel_loop3A_161, %parallel_loop3A_164 : vector<16xf32>
        %parallel_loop3A_166 = arith.mulf %parallel_loop3A_165, %get3A_30 : vector<16xf32>
        %parallel_loop3A_167 = arith.addf %parallel_loop3A_154, %parallel_loop3A_166 : vector<16xf32>
        %parallel_loop3A_168 = arith.index_cast %parallel_loop3A_89 : i32 to index
        %parallel_loop3A_169 = arith.constant 96 : index
        %parallel_loop3A_170 = tpu.vector_load %arg12[%parallel_loop3A_168, %parallel_loop3A_169] {strides = array<i32>} : memref<48x128xf32, #tpu.memory_space<vmem>>, vector<16xf32>,
        %parallel_loop3A_171 = arith.index_cast %parallel_loop3A_89 : i32 to index
        %parallel_loop3A_172 = arith.constant 96 : index
        %parallel_loop3A_173 = tpu.vector_load %arg13[%parallel_loop3A_171, %parallel_loop3A_172] {strides = array<i32>} : memref<48x128xf32, #tpu.memory_space<vmem>>, vector<16xf32>,
        %parallel_loop3A_174 = arith.addf %parallel_loop3A_170, %parallel_loop3A_173 : vector<16xf32>
        %parallel_loop3A_175 = arith.constant 2.000000e-01 : f32
        %parallel_loop3A_176 = vector.broadcast %parallel_loop3A_175 : f32 to vector<16xf32>
        %parallel_loop3A_177 = arith.mulf %parallel_loop3A_176, %parallel_loop3A_174 : vector<16xf32>
        %parallel_loop3A_178 = arith.maximumf %parallel_loop3A_174, %parallel_loop3A_177 : vector<16xf32>
        %parallel_loop3A_179 = arith.mulf %parallel_loop3A_178, %get3A_32 : vector<16xf32>
        %parallel_loop3A_180 = arith.addf %parallel_loop3A_167, %parallel_loop3A_179 : vector<16xf32>
        %parallel_loop3A_181 = arith.index_cast %parallel_loop3A_89 : i32 to index
        %parallel_loop3A_182 = arith.constant 112 : index
        %parallel_loop3A_183 = tpu.vector_load %arg12[%parallel_loop3A_181, %parallel_loop3A_182] {strides = array<i32>} : memref<48x128xf32, #tpu.memory_space<vmem>>, vector<16xf32>,
        %parallel_loop3A_184 = arith.index_cast %parallel_loop3A_89 : i32 to index
        %parallel_loop3A_185 = arith.constant 112 : index
        %parallel_loop3A_186 = tpu.vector_load %arg13[%parallel_loop3A_184, %parallel_loop3A_185] {strides = array<i32>} : memref<48x128xf32, #tpu.memory_space<vmem>>, vector<16xf32>,
        %parallel_loop3A_187 = arith.addf %parallel_loop3A_183, %parallel_loop3A_186 : vector<16xf32>
        %parallel_loop3A_188 = arith.constant 2.000000e-01 : f32
        %parallel_loop3A_189 = vector.broadcast %parallel_loop3A_188 : f32 to vector<16xf32>
        %parallel_loop3A_190 = arith.mulf %parallel_loop3A_189, %parallel_loop3A_187 : vector<16xf32>
        %parallel_loop3A_191 = arith.maximumf %parallel_loop3A_187, %parallel_loop3A_190 : vector<16xf32>
        %parallel_loop3A_192 = arith.mulf %parallel_loop3A_191, %get3A_34 : vector<16xf32>
        %parallel_loop3A_193 = arith.addf %parallel_loop3A_180, %parallel_loop3A_192 : vector<16xf32>
        %parallel_loop3A_194 = arith.constant 2 : i32
        %parallel_loop3A_195 = arith.muli %parallel_loop3A_89, %parallel_loop3A_194 : i32
        %parallel_loop3A_196 = arith.constant 16 : i32
        %parallel_loop3A_197 = arith.muli %parallel_loop3A_195, %parallel_loop3A_196 : i32
        %parallel_loop3A_198 = arith.index_cast %parallel_loop3A_197 : i32 to index
        %parallel_loop3A_199 = tpu.vector_load %arg14[%parallel_loop3A_198] {strides = array<i32>} : memref<1792xf32, #tpu.memory_space<vmem>>, vector<16xf32>,
        tpu.vector_store %arg14[%parallel_loop3A_198], %parallel_loop3A_141 {strides = array<i32>} : memref<1792xf32, #tpu.memory_space<vmem>>, vector<16xf32>,
        %parallel_loop3A_200 = arith.constant 2 : i32
        %parallel_loop3A_201 = arith.muli %parallel_loop3A_89, %parallel_loop3A_200 : i32
        %parallel_loop3A_202 = arith.constant 16 : i32
        %parallel_loop3A_203 = arith.muli %parallel_loop3A_201, %parallel_loop3A_202 : i32
        %parallel_loop3A_204 = arith.constant 16 : i32
        %parallel_loop3A_205 = arith.addi %parallel_loop3A_203, %parallel_loop3A_204 : i32
        %parallel_loop3A_206 = arith.index_cast %parallel_loop3A_205 : i32 to index
        %parallel_loop3A_207 = tpu.vector_load %arg14[%parallel_loop3A_206] {strides = array<i32>} : memref<1792xf32, #tpu.memory_space<vmem>>, vector<16xf32>,
        tpu.vector_store %arg14[%parallel_loop3A_206], %parallel_loop3A_193 {strides = array<i32>} : memref<1792xf32, #tpu.memory_space<vmem>>, vector<16xf32>,
      } {sc.loop_unroll_factor = 4 : i64, sc.parallel_access}
      %parallel_loop3A_81 = arith.constant 0 : i32
      %parallel_loop3A_82 = arith.constant 3 : i32
      %parallel_loop3A_83 = arith.constant 1 : i32
      scf.for %parallel_loop3A_89 = %parallel_loop3A_81 to %parallel_loop3A_82 step %parallel_loop3A_83  : i32 {
        %parallel_loop3A_90 = arith.constant 512 : i32
        %parallel_loop3A_91 = arith.muli %parallel_loop3A_89, %parallel_loop3A_90 : i32
        %parallel_loop3A_92 = arith.constant 0 : i32
        %parallel_loop3A_93 = arith.addi %parallel_loop3A_91, %parallel_loop3A_92 : i32
        %parallel_loop3A_94 = arith.constant 0 : i32
        %parallel_loop3A_95 = arith.addi %parallel_loop3A_93, %parallel_loop3A_94 : i32
        %parallel_loop3A_96 = vector.broadcast %parallel_loop3A_95 : i32 to vector<16xi32>
        %parallel_loop3A_97 = arith.addi %mul3A_41, %parallel_loop3A_96 : vector<16xi32>
        %parallel_loop3A_98 = tpu.vector_load_idx %arg14[%parallel_loop3A_97] : memref<1792xf32, #tpu.memory_space<vmem>>[vector<16xi32>], vector<16xf32>,
        %parallel_loop3A_99 = arith.addf %broadcast_in_dim3A_1, %parallel_loop3A_98 : vector<16xf32>
        %parallel_loop3A_100 = arith.constant 0 : i32
        %parallel_loop3A_101 = arith.addi %parallel_loop3A_91, %parallel_loop3A_100 : i32
        %parallel_loop3A_102 = arith.constant 1 : i32
        %parallel_loop3A_103 = arith.addi %parallel_loop3A_101, %parallel_loop3A_102 : i32
        %parallel_loop3A_104 = vector.broadcast %parallel_loop3A_103 : i32 to vector<16xi32>
        %parallel_loop3A_105 = arith.addi %mul3A_41, %parallel_loop3A_104 : vector<16xi32>
        %parallel_loop3A_106 = tpu.vector_load_idx %arg14[%parallel_loop3A_105] : memref<1792xf32, #tpu.memory_space<vmem>>[vector<16xi32>], vector<16xf32>,
        %parallel_loop3A_107 = arith.addf %parallel_loop3A_99, %parallel_loop3A_106 : vector<16xf32>
        %parallel_loop3A_108 = arith.constant 0 : i32
        %parallel_loop3A_109 = arith.addi %parallel_loop3A_91, %parallel_loop3A_108 : i32
        %parallel_loop3A_110 = arith.constant 2 : i32
        %parallel_loop3A_111 = arith.addi %parallel_loop3A_109, %parallel_loop3A_110 : i32
        %parallel_loop3A_112 = vector.broadcast %parallel_loop3A_111 : i32 to vector<16xi32>
        %parallel_loop3A_113 = arith.addi %mul3A_41, %parallel_loop3A_112 : vector<16xi32>
        %parallel_loop3A_114 = tpu.vector_load_idx %arg14[%parallel_loop3A_113] : memref<1792xf32, #tpu.memory_space<vmem>>[vector<16xi32>], vector<16xf32>,
        %parallel_loop3A_115 = arith.addf %parallel_loop3A_107, %parallel_loop3A_114 : vector<16xf32>
        %parallel_loop3A_116 = arith.constant 0 : i32
        %parallel_loop3A_117 = arith.addi %parallel_loop3A_91, %parallel_loop3A_116 : i32
        %parallel_loop3A_118 = arith.constant 3 : i32
        %parallel_loop3A_119 = arith.addi %parallel_loop3A_117, %parallel_loop3A_118 : i32
        %parallel_loop3A_120 = vector.broadcast %parallel_loop3A_119 : i32 to vector<16xi32>
        %parallel_loop3A_121 = arith.addi %mul3A_41, %parallel_loop3A_120 : vector<16xi32>
        %parallel_loop3A_122 = tpu.vector_load_idx %arg14[%parallel_loop3A_121] : memref<1792xf32, #tpu.memory_space<vmem>>[vector<16xi32>], vector<16xf32>,
        %parallel_loop3A_123 = arith.addf %parallel_loop3A_115, %parallel_loop3A_122 : vector<16xf32>
        %parallel_loop3A_124 = arith.constant 0 : i32
        %parallel_loop3A_125 = arith.addi %parallel_loop3A_91, %parallel_loop3A_124 : i32
        %parallel_loop3A_126 = arith.constant 4 : i32
        %parallel_loop3A_127 = arith.addi %parallel_loop3A_125, %parallel_loop3A_126 : i32
        %parallel_loop3A_128 = vector.broadcast %parallel_loop3A_127 : i32 to vector<16xi32>
        %parallel_loop3A_129 = arith.addi %mul3A_41, %parallel_loop3A_128 : vector<16xi32>
        %parallel_loop3A_130 = tpu.vector_load_idx %arg14[%parallel_loop3A_129] : memref<1792xf32, #tpu.memory_space<vmem>>[vector<16xi32>], vector<16xf32>,
        %parallel_loop3A_131 = arith.addf %parallel_loop3A_123, %parallel_loop3A_130 : vector<16xf32>
        %parallel_loop3A_132 = arith.constant 0 : i32
        %parallel_loop3A_133 = arith.addi %parallel_loop3A_91, %parallel_loop3A_132 : i32
        %parallel_loop3A_134 = arith.constant 5 : i32
        %parallel_loop3A_135 = arith.addi %parallel_loop3A_133, %parallel_loop3A_134 : i32
        %parallel_loop3A_136 = vector.broadcast %parallel_loop3A_135 : i32 to vector<16xi32>
        %parallel_loop3A_137 = arith.addi %mul3A_41, %parallel_loop3A_136 : vector<16xi32>
        %parallel_loop3A_138 = tpu.vector_load_idx %arg14[%parallel_loop3A_137] : memref<1792xf32, #tpu.memory_space<vmem>>[vector<16xi32>], vector<16xf32>,
        %parallel_loop3A_139 = arith.addf %parallel_loop3A_131, %parallel_loop3A_138 : vector<16xf32>
        %parallel_loop3A_140 = arith.constant 0 : i32
        %parallel_loop3A_141 = arith.addi %parallel_loop3A_91, %parallel_loop3A_140 : i32
        %parallel_loop3A_142 = arith.constant 6 : i32
        %parallel_loop3A_143 = arith.addi %parallel_loop3A_141, %parallel_loop3A_142 : i32
        %parallel_loop3A_144 = vector.broadcast %parallel_loop3A_143 : i32 to vector<16xi32>
        %parallel_loop3A_145 = arith.addi %mul3A_41, %parallel_loop3A_144 : vector<16xi32>
        %parallel_loop3A_146 = tpu.vector_load_idx %arg14[%parallel_loop3A_145] : memref<1792xf32, #tpu.memory_space<vmem>>[vector<16xi32>], vector<16xf32>,
        %parallel_loop3A_147 = arith.addf %parallel_loop3A_139, %parallel_loop3A_146 : vector<16xf32>
        %parallel_loop3A_148 = arith.constant 0 : i32
        %parallel_loop3A_149 = arith.addi %parallel_loop3A_91, %parallel_loop3A_148 : i32
        %parallel_loop3A_150 = arith.constant 7 : i32
        %parallel_loop3A_151 = arith.addi %parallel_loop3A_149, %parallel_loop3A_150 : i32
        %parallel_loop3A_152 = vector.broadcast %parallel_loop3A_151 : i32 to vector<16xi32>
        %parallel_loop3A_153 = arith.addi %mul3A_41, %parallel_loop3A_152 : vector<16xi32>
        %parallel_loop3A_154 = tpu.vector_load_idx %arg14[%parallel_loop3A_153] : memref<1792xf32, #tpu.memory_space<vmem>>[vector<16xi32>], vector<16xf32>,
        %parallel_loop3A_155 = arith.addf %parallel_loop3A_147, %parallel_loop3A_154 : vector<16xf32>
        %parallel_loop3A_156 = arith.constant 0 : i32
        %parallel_loop3A_157 = arith.addi %parallel_loop3A_91, %parallel_loop3A_156 : i32
        %parallel_loop3A_158 = arith.constant 8 : i32
        %parallel_loop3A_159 = arith.addi %parallel_loop3A_157, %parallel_loop3A_158 : i32
        %parallel_loop3A_160 = vector.broadcast %parallel_loop3A_159 : i32 to vector<16xi32>
        %parallel_loop3A_161 = arith.addi %mul3A_41, %parallel_loop3A_160 : vector<16xi32>
        %parallel_loop3A_162 = tpu.vector_load_idx %arg14[%parallel_loop3A_161] : memref<1792xf32, #tpu.memory_space<vmem>>[vector<16xi32>], vector<16xf32>,
        %parallel_loop3A_163 = arith.addf %parallel_loop3A_155, %parallel_loop3A_162 : vector<16xf32>
        %parallel_loop3A_164 = arith.constant 0 : i32
        %parallel_loop3A_165 = arith.addi %parallel_loop3A_91, %parallel_loop3A_164 : i32
        %parallel_loop3A_166 = arith.constant 9 : i32
        %parallel_loop3A_167 = arith.addi %parallel_loop3A_165, %parallel_loop3A_166 : i32
        %parallel_loop3A_168 = vector.broadcast %parallel_loop3A_167 : i32 to vector<16xi32>
        %parallel_loop3A_169 = arith.addi %mul3A_41, %parallel_loop3A_168 : vector<16xi32>
        %parallel_loop3A_170 = tpu.vector_load_idx %arg14[%parallel_loop3A_169] : memref<1792xf32, #tpu.memory_space<vmem>>[vector<16xi32>], vector<16xf32>,
        %parallel_loop3A_171 = arith.addf %parallel_loop3A_163, %parallel_loop3A_170 : vector<16xf32>
        %parallel_loop3A_172 = arith.constant 0 : i32
        %parallel_loop3A_173 = arith.addi %parallel_loop3A_91, %parallel_loop3A_172 : i32
        %parallel_loop3A_174 = arith.constant 10 : i32
        %parallel_loop3A_175 = arith.addi %parallel_loop3A_173, %parallel_loop3A_174 : i32
        %parallel_loop3A_176 = vector.broadcast %parallel_loop3A_175 : i32 to vector<16xi32>
        %parallel_loop3A_177 = arith.addi %mul3A_41, %parallel_loop3A_176 : vector<16xi32>
        %parallel_loop3A_178 = tpu.vector_load_idx %arg14[%parallel_loop3A_177] : memref<1792xf32, #tpu.memory_space<vmem>>[vector<16xi32>], vector<16xf32>,
        %parallel_loop3A_179 = arith.addf %parallel_loop3A_171, %parallel_loop3A_178 : vector<16xf32>
        %parallel_loop3A_180 = arith.constant 0 : i32
        %parallel_loop3A_181 = arith.addi %parallel_loop3A_91, %parallel_loop3A_180 : i32
        %parallel_loop3A_182 = arith.constant 11 : i32
        %parallel_loop3A_183 = arith.addi %parallel_loop3A_181, %parallel_loop3A_182 : i32
        %parallel_loop3A_184 = vector.broadcast %parallel_loop3A_183 : i32 to vector<16xi32>
        %parallel_loop3A_185 = arith.addi %mul3A_41, %parallel_loop3A_184 : vector<16xi32>
        %parallel_loop3A_186 = tpu.vector_load_idx %arg14[%parallel_loop3A_185] : memref<1792xf32, #tpu.memory_space<vmem>>[vector<16xi32>], vector<16xf32>,
        %parallel_loop3A_187 = arith.addf %parallel_loop3A_179, %parallel_loop3A_186 : vector<16xf32>
        %parallel_loop3A_188 = arith.constant 0 : i32
        %parallel_loop3A_189 = arith.addi %parallel_loop3A_91, %parallel_loop3A_188 : i32
        %parallel_loop3A_190 = arith.constant 12 : i32
        %parallel_loop3A_191 = arith.addi %parallel_loop3A_189, %parallel_loop3A_190 : i32
        %parallel_loop3A_192 = vector.broadcast %parallel_loop3A_191 : i32 to vector<16xi32>
        %parallel_loop3A_193 = arith.addi %mul3A_41, %parallel_loop3A_192 : vector<16xi32>
        %parallel_loop3A_194 = tpu.vector_load_idx %arg14[%parallel_loop3A_193] : memref<1792xf32, #tpu.memory_space<vmem>>[vector<16xi32>], vector<16xf32>,
        %parallel_loop3A_195 = arith.addf %parallel_loop3A_187, %parallel_loop3A_194 : vector<16xf32>
        %parallel_loop3A_196 = arith.constant 0 : i32
        %parallel_loop3A_197 = arith.addi %parallel_loop3A_91, %parallel_loop3A_196 : i32
        %parallel_loop3A_198 = arith.constant 13 : i32
        %parallel_loop3A_199 = arith.addi %parallel_loop3A_197, %parallel_loop3A_198 : i32
        %parallel_loop3A_200 = vector.broadcast %parallel_loop3A_199 : i32 to vector<16xi32>
        %parallel_loop3A_201 = arith.addi %mul3A_41, %parallel_loop3A_200 : vector<16xi32>
        %parallel_loop3A_202 = tpu.vector_load_idx %arg14[%parallel_loop3A_201] : memref<1792xf32, #tpu.memory_space<vmem>>[vector<16xi32>], vector<16xf32>,
        %parallel_loop3A_203 = arith.addf %parallel_loop3A_195, %parallel_loop3A_202 : vector<16xf32>
        %parallel_loop3A_204 = arith.constant 0 : i32
        %parallel_loop3A_205 = arith.addi %parallel_loop3A_91, %parallel_loop3A_204 : i32
        %parallel_loop3A_206 = arith.constant 14 : i32
        %parallel_loop3A_207 = arith.addi %parallel_loop3A_205, %parallel_loop3A_206 : i32
        %parallel_loop3A_208 = vector.broadcast %parallel_loop3A_207 : i32 to vector<16xi32>
        %parallel_loop3A_209 = arith.addi %mul3A_41, %parallel_loop3A_208 : vector<16xi32>
        %parallel_loop3A_210 = tpu.vector_load_idx %arg14[%parallel_loop3A_209] : memref<1792xf32, #tpu.memory_space<vmem>>[vector<16xi32>], vector<16xf32>,
        %parallel_loop3A_211 = arith.addf %parallel_loop3A_203, %parallel_loop3A_210 : vector<16xf32>
        %parallel_loop3A_212 = arith.constant 0 : i32
        %parallel_loop3A_213 = arith.addi %parallel_loop3A_91, %parallel_loop3A_212 : i32
        %parallel_loop3A_214 = arith.constant 15 : i32
        %parallel_loop3A_215 = arith.addi %parallel_loop3A_213, %parallel_loop3A_214 : i32
        %parallel_loop3A_216 = vector.broadcast %parallel_loop3A_215 : i32 to vector<16xi32>
        %parallel_loop3A_217 = arith.addi %mul3A_41, %parallel_loop3A_216 : vector<16xi32>
        %parallel_loop3A_218 = tpu.vector_load_idx %arg14[%parallel_loop3A_217] : memref<1792xf32, #tpu.memory_space<vmem>>[vector<16xi32>], vector<16xf32>,
        %parallel_loop3A_219 = arith.addf %parallel_loop3A_211, %parallel_loop3A_218 : vector<16xf32>
        %parallel_loop3A_220 = arith.constant 16 : i32
        %parallel_loop3A_221 = arith.addi %parallel_loop3A_91, %parallel_loop3A_220 : i32
        %parallel_loop3A_222 = arith.constant 0 : i32
        %parallel_loop3A_223 = arith.addi %parallel_loop3A_221, %parallel_loop3A_222 : i32
        %parallel_loop3A_224 = vector.broadcast %parallel_loop3A_223 : i32 to vector<16xi32>
        %parallel_loop3A_225 = arith.addi %mul3A_41, %parallel_loop3A_224 : vector<16xi32>
        %parallel_loop3A_226 = tpu.vector_load_idx %arg14[%parallel_loop3A_225] : memref<1792xf32, #tpu.memory_space<vmem>>[vector<16xi32>], vector<16xf32>,
        %parallel_loop3A_227 = arith.addf %broadcast_in_dim3A_1, %parallel_loop3A_226 : vector<16xf32>
        %parallel_loop3A_228 = arith.constant 16 : i32
        %parallel_loop3A_229 = arith.addi %parallel_loop3A_91, %parallel_loop3A_228 : i32
        %parallel_loop3A_230 = arith.constant 1 : i32
        %parallel_loop3A_231 = arith.addi %parallel_loop3A_229, %parallel_loop3A_230 : i32
        %parallel_loop3A_232 = vector.broadcast %parallel_loop3A_231 : i32 to vector<16xi32>
        %parallel_loop3A_233 = arith.addi %mul3A_41, %parallel_loop3A_232 : vector<16xi32>
        %parallel_loop3A_234 = tpu.vector_load_idx %arg14[%parallel_loop3A_233] : memref<1792xf32, #tpu.memory_space<vmem>>[vector<16xi32>], vector<16xf32>,
        %parallel_loop3A_235 = arith.addf %parallel_loop3A_227, %parallel_loop3A_234 : vector<16xf32>
        %parallel_loop3A_236 = arith.constant 16 : i32
        %parallel_loop3A_237 = arith.addi %parallel_loop3A_91, %parallel_loop3A_236 : i32
        %parallel_loop3A_238 = arith.constant 2 : i32
        %parallel_loop3A_239 = arith.addi %parallel_loop3A_237, %parallel_loop3A_238 : i32
        %parallel_loop3A_240 = vector.broadcast %parallel_loop3A_239 : i32 to vector<16xi32>
        %parallel_loop3A_241 = arith.addi %mul3A_41, %parallel_loop3A_240 : vector<16xi32>
        %parallel_loop3A_242 = tpu.vector_load_idx %arg14[%parallel_loop3A_241] : memref<1792xf32, #tpu.memory_space<vmem>>[vector<16xi32>], vector<16xf32>,
        %parallel_loop3A_243 = arith.addf %parallel_loop3A_235, %parallel_loop3A_242 : vector<16xf32>
        %parallel_loop3A_244 = arith.constant 16 : i32
        %parallel_loop3A_245 = arith.addi %parallel_loop3A_91, %parallel_loop3A_244 : i32
        %parallel_loop3A_246 = arith.constant 3 : i32
        %parallel_loop3A_247 = arith.addi %parallel_loop3A_245, %parallel_loop3A_246 : i32
        %parallel_loop3A_248 = vector.broadcast %parallel_loop3A_247 : i32 to vector<16xi32>
        %parallel_loop3A_249 = arith.addi %mul3A_41, %parallel_loop3A_248 : vector<16xi32>
        %parallel_loop3A_250 = tpu.vector_load_idx %arg14[%parallel_loop3A_249] : memref<1792xf32, #tpu.memory_space<vmem>>[vector<16xi32>], vector<16xf32>,
        %parallel_loop3A_251 = arith.addf %parallel_loop3A_243, %parallel_loop3A_250 : vector<16xf32>
        %parallel_loop3A_252 = arith.constant 16 : i32
        %parallel_loop3A_253 = arith.addi %parallel_loop3A_91, %parallel_loop3A_252 : i32
        %parallel_loop3A_254 = arith.constant 4 : i32
        %parallel_loop3A_255 = arith.addi %parallel_loop3A_253, %parallel_loop3A_254 : i32
        %parallel_loop3A_256 = vector.broadcast %parallel_loop3A_255 : i32 to vector<16xi32>
        %parallel_loop3A_257 = arith.addi %mul3A_41, %parallel_loop3A_256 : vector<16xi32>
        %parallel_loop3A_258 = tpu.vector_load_idx %arg14[%parallel_loop3A_257] : memref<1792xf32, #tpu.memory_space<vmem>>[vector<16xi32>], vector<16xf32>,
        %parallel_loop3A_259 = arith.addf %parallel_loop3A_251, %parallel_loop3A_258 : vector<16xf32>
        %parallel_loop3A_260 = arith.constant 16 : i32
        %parallel_loop3A_261 = arith.addi %parallel_loop3A_91, %parallel_loop3A_260 : i32
        %parallel_loop3A_262 = arith.constant 5 : i32
        %parallel_loop3A_263 = arith.addi %parallel_loop3A_261, %parallel_loop3A_262 : i32
        %parallel_loop3A_264 = vector.broadcast %parallel_loop3A_263 : i32 to vector<16xi32>
        %parallel_loop3A_265 = arith.addi %mul3A_41, %parallel_loop3A_264 : vector<16xi32>
        %parallel_loop3A_266 = tpu.vector_load_idx %arg14[%parallel_loop3A_265] : memref<1792xf32, #tpu.memory_space<vmem>>[vector<16xi32>], vector<16xf32>,
        %parallel_loop3A_267 = arith.addf %parallel_loop3A_259, %parallel_loop3A_266 : vector<16xf32>
        %parallel_loop3A_268 = arith.constant 16 : i32
        %parallel_loop3A_269 = arith.addi %parallel_loop3A_91, %parallel_loop3A_268 : i32
        %parallel_loop3A_270 = arith.constant 6 : i32
        %parallel_loop3A_271 = arith.addi %parallel_loop3A_269, %parallel_loop3A_270 : i32
        %parallel_loop3A_272 = vector.broadcast %parallel_loop3A_271 : i32 to vector<16xi32>
        %parallel_loop3A_273 = arith.addi %mul3A_41, %parallel_loop3A_272 : vector<16xi32>
        %parallel_loop3A_274 = tpu.vector_load_idx %arg14[%parallel_loop3A_273] : memref<1792xf32, #tpu.memory_space<vmem>>[vector<16xi32>], vector<16xf32>,
        %parallel_loop3A_275 = arith.addf %parallel_loop3A_267, %parallel_loop3A_274 : vector<16xf32>
        %parallel_loop3A_276 = arith.constant 16 : i32
        %parallel_loop3A_277 = arith.addi %parallel_loop3A_91, %parallel_loop3A_276 : i32
        %parallel_loop3A_278 = arith.constant 7 : i32
        %parallel_loop3A_279 = arith.addi %parallel_loop3A_277, %parallel_loop3A_278 : i32
        %parallel_loop3A_280 = vector.broadcast %parallel_loop3A_279 : i32 to vector<16xi32>
        %parallel_loop3A_281 = arith.addi %mul3A_41, %parallel_loop3A_280 : vector<16xi32>
        %parallel_loop3A_282 = tpu.vector_load_idx %arg14[%parallel_loop3A_281] : memref<1792xf32, #tpu.memory_space<vmem>>[vector<16xi32>], vector<16xf32>,
        %parallel_loop3A_283 = arith.addf %parallel_loop3A_275, %parallel_loop3A_282 : vector<16xf32>
        %parallel_loop3A_284 = arith.constant 16 : i32
        %parallel_loop3A_285 = arith.addi %parallel_loop3A_91, %parallel_loop3A_284 : i32
        %parallel_loop3A_286 = arith.constant 8 : i32
        %parallel_loop3A_287 = arith.addi %parallel_loop3A_285, %parallel_loop3A_286 : i32
        %parallel_loop3A_288 = vector.broadcast %parallel_loop3A_287 : i32 to vector<16xi32>
        %parallel_loop3A_289 = arith.addi %mul3A_41, %parallel_loop3A_288 : vector<16xi32>
        %parallel_loop3A_290 = tpu.vector_load_idx %arg14[%parallel_loop3A_289] : memref<1792xf32, #tpu.memory_space<vmem>>[vector<16xi32>], vector<16xf32>,
        %parallel_loop3A_291 = arith.addf %parallel_loop3A_283, %parallel_loop3A_290 : vector<16xf32>
        %parallel_loop3A_292 = arith.constant 16 : i32
        %parallel_loop3A_293 = arith.addi %parallel_loop3A_91, %parallel_loop3A_292 : i32
        %parallel_loop3A_294 = arith.constant 9 : i32
        %parallel_loop3A_295 = arith.addi %parallel_loop3A_293, %parallel_loop3A_294 : i32
        %parallel_loop3A_296 = vector.broadcast %parallel_loop3A_295 : i32 to vector<16xi32>
        %parallel_loop3A_297 = arith.addi %mul3A_41, %parallel_loop3A_296 : vector<16xi32>
        %parallel_loop3A_298 = tpu.vector_load_idx %arg14[%parallel_loop3A_297] : memref<1792xf32, #tpu.memory_space<vmem>>[vector<16xi32>], vector<16xf32>,
        %parallel_loop3A_299 = arith.addf %parallel_loop3A_291, %parallel_loop3A_298 : vector<16xf32>
        %parallel_loop3A_300 = arith.constant 16 : i32
        %parallel_loop3A_301 = arith.addi %parallel_loop3A_91, %parallel_loop3A_300 : i32
        %parallel_loop3A_302 = arith.constant 10 : i32
        %parallel_loop3A_303 = arith.addi %parallel_loop3A_301, %parallel_loop3A_302 : i32
        %parallel_loop3A_304 = vector.broadcast %parallel_loop3A_303 : i32 to vector<16xi32>
        %parallel_loop3A_305 = arith.addi %mul3A_41, %parallel_loop3A_304 : vector<16xi32>
        %parallel_loop3A_306 = tpu.vector_load_idx %arg14[%parallel_loop3A_305] : memref<1792xf32, #tpu.memory_space<vmem>>[vector<16xi32>], vector<16xf32>,
        %parallel_loop3A_307 = arith.addf %parallel_loop3A_299, %parallel_loop3A_306 : vector<16xf32>
        %parallel_loop3A_308 = arith.constant 16 : i32
        %parallel_loop3A_309 = arith.addi %parallel_loop3A_91, %parallel_loop3A_308 : i32
        %parallel_loop3A_310 = arith.constant 11 : i32
        %parallel_loop3A_311 = arith.addi %parallel_loop3A_309, %parallel_loop3A_310 : i32
        %parallel_loop3A_312 = vector.broadcast %parallel_loop3A_311 : i32 to vector<16xi32>
        %parallel_loop3A_313 = arith.addi %mul3A_41, %parallel_loop3A_312 : vector<16xi32>
        %parallel_loop3A_314 = tpu.vector_load_idx %arg14[%parallel_loop3A_313] : memref<1792xf32, #tpu.memory_space<vmem>>[vector<16xi32>], vector<16xf32>,
        %parallel_loop3A_315 = arith.addf %parallel_loop3A_307, %parallel_loop3A_314 : vector<16xf32>
        %parallel_loop3A_316 = arith.constant 16 : i32
        %parallel_loop3A_317 = arith.addi %parallel_loop3A_91, %parallel_loop3A_316 : i32
        %parallel_loop3A_318 = arith.constant 12 : i32
        %parallel_loop3A_319 = arith.addi %parallel_loop3A_317, %parallel_loop3A_318 : i32
        %parallel_loop3A_320 = vector.broadcast %parallel_loop3A_319 : i32 to vector<16xi32>
        %parallel_loop3A_321 = arith.addi %mul3A_41, %parallel_loop3A_320 : vector<16xi32>
        %parallel_loop3A_322 = tpu.vector_load_idx %arg14[%parallel_loop3A_321] : memref<1792xf32, #tpu.memory_space<vmem>>[vector<16xi32>], vector<16xf32>,
        %parallel_loop3A_323 = arith.addf %parallel_loop3A_315, %parallel_loop3A_322 : vector<16xf32>
        %parallel_loop3A_324 = arith.constant 16 : i32
        %parallel_loop3A_325 = arith.addi %parallel_loop3A_91, %parallel_loop3A_324 : i32
        %parallel_loop3A_326 = arith.constant 13 : i32
        %parallel_loop3A_327 = arith.addi %parallel_loop3A_325, %parallel_loop3A_326 : i32
        %parallel_loop3A_328 = vector.broadcast %parallel_loop3A_327 : i32 to vector<16xi32>
        %parallel_loop3A_329 = arith.addi %mul3A_41, %parallel_loop3A_328 : vector<16xi32>
        %parallel_loop3A_330 = tpu.vector_load_idx %arg14[%parallel_loop3A_329] : memref<1792xf32, #tpu.memory_space<vmem>>[vector<16xi32>], vector<16xf32>,
        %parallel_loop3A_331 = arith.addf %parallel_loop3A_323, %parallel_loop3A_330 : vector<16xf32>
        %parallel_loop3A_332 = arith.constant 16 : i32
        %parallel_loop3A_333 = arith.addi %parallel_loop3A_91, %parallel_loop3A_332 : i32
        %parallel_loop3A_334 = arith.constant 14 : i32
        %parallel_loop3A_335 = arith.addi %parallel_loop3A_333, %parallel_loop3A_334 : i32
        %parallel_loop3A_336 = vector.broadcast %parallel_loop3A_335 : i32 to vector<16xi32>
        %parallel_loop3A_337 = arith.addi %mul3A_41, %parallel_loop3A_336 : vector<16xi32>
        %parallel_loop3A_338 = tpu.vector_load_idx %arg14[%parallel_loop3A_337] : memref<1792xf32, #tpu.memory_space<vmem>>[vector<16xi32>], vector<16xf32>,
        %parallel_loop3A_339 = arith.addf %parallel_loop3A_331, %parallel_loop3A_338 : vector<16xf32>
        %parallel_loop3A_340 = arith.constant 16 : i32
        %parallel_loop3A_341 = arith.addi %parallel_loop3A_91, %parallel_loop3A_340 : i32
        %parallel_loop3A_342 = arith.constant 15 : i32
        %parallel_loop3A_343 = arith.addi %parallel_loop3A_341, %parallel_loop3A_342 : i32
        %parallel_loop3A_344 = vector.broadcast %parallel_loop3A_343 : i32 to vector<16xi32>
        %parallel_loop3A_345 = arith.addi %mul3A_41, %parallel_loop3A_344 : vector<16xi32>
        %parallel_loop3A_346 = tpu.vector_load_idx %arg14[%parallel_loop3A_345] : memref<1792xf32, #tpu.memory_space<vmem>>[vector<16xi32>], vector<16xf32>,
        %parallel_loop3A_347 = arith.addf %parallel_loop3A_339, %parallel_loop3A_346 : vector<16xf32>
        %parallel_loop3A_348 = math.exp %parallel_loop3A_219 : vector<16xf32>
        %parallel_loop3A_349 = arith.constant 16 : i32
        %parallel_loop3A_350 = arith.muli %parallel_loop3A_89, %parallel_loop3A_349 : i32
        %parallel_loop3A_351 = arith.constant 1536 : i32
        %parallel_loop3A_352 = arith.addi %parallel_loop3A_351, %parallel_loop3A_350 : i32
        %parallel_loop3A_353 = arith.index_cast %parallel_loop3A_352 : i32 to index
        %parallel_loop3A_354 = tpu.vector_load %arg14[%parallel_loop3A_353] {strides = array<i32>} : memref<1792xf32, #tpu.memory_space<vmem>>, vector<16xf32>,
        tpu.vector_store %arg14[%parallel_loop3A_353], %parallel_loop3A_348 {strides = array<i32>} : memref<1792xf32, #tpu.memory_space<vmem>>, vector<16xf32>,
        %parallel_loop3A_355 = math.exp %parallel_loop3A_347 : vector<16xf32>
        %parallel_loop3A_356 = arith.constant 16 : i32
        %parallel_loop3A_357 = arith.muli %parallel_loop3A_89, %parallel_loop3A_356 : i32
        %parallel_loop3A_358 = arith.constant 1584 : i32
        %parallel_loop3A_359 = arith.addi %parallel_loop3A_358, %parallel_loop3A_357 : i32
        %parallel_loop3A_360 = arith.index_cast %parallel_loop3A_359 : i32 to index
        %parallel_loop3A_361 = tpu.vector_load %arg14[%parallel_loop3A_360] {strides = array<i32>} : memref<1792xf32, #tpu.memory_space<vmem>>, vector<16xf32>,
        tpu.vector_store %arg14[%parallel_loop3A_360], %parallel_loop3A_355 {strides = array<i32>} : memref<1792xf32, #tpu.memory_space<vmem>>, vector<16xf32>,
      } {sc.loop_unroll_factor = 3 : i64, sc.parallel_access}
      %scan3A_84 = arith.constant 0 : i32
      %scan3A_85 = arith.constant 48 : i32
      %scan3A_86 = arith.addi %scan3A_84, %scan3A_85 : i32
      %scan3A_87 = arith.constant 1 : i32
      scf.for %scan3A_89 = %scan3A_84 to %scan3A_86 step %scan3A_87  : i32 {
        %mul3A_90 = arith.constant 1 : i32
        %mul3A_91 = arith.muli %scan3A_89, %mul3A_90 : i32
        %add3A_92 = arith.constant 0 : i32
        %add3A_93 = arith.addi %add3A_92, %mul3A_91 : i32
        %broadcast_in_dim3A_94 = vector.broadcast %add3A_93 : i32 to vector<16xi32>
        %add3A_95 = arith.constant 1536 : i32
        %add3A_96 = vector.broadcast %add3A_95 : i32 to vector<16xi32>
        %add3A_97 = arith.addi %broadcast_in_dim3A_94, %add3A_96 : vector<16xi32>
        %gather3A = tpu.vector_load_idx %arg14[%add3A_97] : memref<1792xf32, #tpu.memory_space<vmem>>[vector<16xi32>], vector<16xf32>,
        %add3A_98 = arith.constant 1536 : i32
        %add3A_99 = vector.broadcast %add3A_98 : i32 to vector<16xi32>
        %add3A_100 = arith.addi %broadcast_in_dim3A_94, %add3A_99 : vector<16xi32>
        %add3A_101 = arith.constant 48 : i32
        %add3A_102 = vector.broadcast %add3A_101 : i32 to vector<16xi32>
        %add3A_103 = arith.addi %add3A_100, %add3A_102 : vector<16xi32>
        %gather3A_104 = tpu.vector_load_idx %arg14[%add3A_103] : memref<1792xf32, #tpu.memory_space<vmem>>[vector<16xi32>], vector<16xf32>,
        %mul3A_105 = arith.mulf %get3A_38, %gather3A_104 : vector<16xf32>
        %add3A_106 = arith.addf %get3A_36, %mul3A_105 : vector<16xf32>
        %mul3A_107 = arith.mulf %gather3A, %add3A_106 : vector<16xf32>
        %mul3A_108 = arith.mulf %get3A_38, %gather3A : vector<16xf32>
        %add3A_109 = arith.addf %get3A_36, %mul3A_108 : vector<16xf32>
        %mul3A_110 = arith.mulf %gather3A_104, %add3A_109 : vector<16xf32>
        %eq3A = arith.constant 0 : i32
        %eq3A_111 = vector.broadcast %eq3A : i32 to vector<16xi32>
        %eq3A_112 = arith.cmpi eq, %iota3A, %eq3A_111 : vector<16xi32>
        %eq3A_113 = arith.constant 1 : i32
        %eq3A_114 = vector.broadcast %eq3A_113 : i32 to vector<16xi32>
        %eq3A_115 = arith.cmpi eq, %iota3A, %eq3A_114 : vector<16xi32>
        %jit3A = arith.constant 0.000000e+00 : f32
        %broadcast_in_dim3A_116 = vector.broadcast %jit3A : f32 to vector<16xf32>
        %select_n3A = arith.select %eq3A_115, %mul3A_110, %broadcast_in_dim3A_116 : vector<16xi1>, vector<16xf32>
        %select_n3A_117 = arith.select %eq3A_112, %mul3A_107, %select_n3A : vector<16xi1>, vector<16xf32>
        %gather3A_118 = tpu.vector_load_idx %arg11[%broadcast_in_dim3A_94] : memref<48xi32, #tpu.memory_space<vmem>>[vector<16xi32>], vector<16xi32>,
        %get3A_119 = arith.index_cast %add3A_93 : i32 to index
        %get3A_120 = arith.constant 0 : index
        %get3A_121 = tpu.vector_load %arg12[%get3A_119, %get3A_120] {strides = array<i32>} : memref<48x128xf32, #tpu.memory_space<vmem>>, vector<16xf32>,
        %mul3A_122 = arith.mulf %get3A_121, %mul3A_107 : vector<16xf32>
        %swap3A = arith.index_cast %add3A_93 : i32 to index
        %swap3A_123 = arith.constant 0 : index
        %swap3A_124 = tpu.vector_load %arg12[%swap3A, %swap3A_123] {strides = array<i32>} : memref<48x128xf32, #tpu.memory_space<vmem>>, vector<16xf32>,
        tpu.vector_store %arg12[%swap3A, %swap3A_123], %mul3A_122 {strides = array<i32>} : memref<48x128xf32, #tpu.memory_space<vmem>>, vector<16xf32>,
        %get3A_125 = arith.index_cast %add3A_93 : i32 to index
        %get3A_126 = arith.constant 16 : index
        %get3A_127 = tpu.vector_load %arg12[%get3A_125, %get3A_126] {strides = array<i32>} : memref<48x128xf32, #tpu.memory_space<vmem>>, vector<16xf32>,
        %mul3A_128 = arith.mulf %get3A_127, %mul3A_107 : vector<16xf32>
        %swap3A_129 = arith.index_cast %add3A_93 : i32 to index
        %swap3A_130 = arith.constant 16 : index
        %swap3A_131 = tpu.vector_load %arg12[%swap3A_129, %swap3A_130] {strides = array<i32>} : memref<48x128xf32, #tpu.memory_space<vmem>>, vector<16xf32>,
        tpu.vector_store %arg12[%swap3A_129, %swap3A_130], %mul3A_128 {strides = array<i32>} : memref<48x128xf32, #tpu.memory_space<vmem>>, vector<16xf32>,
        %get3A_132 = arith.index_cast %add3A_93 : i32 to index
        %get3A_133 = arith.constant 32 : index
        %get3A_134 = tpu.vector_load %arg12[%get3A_132, %get3A_133] {strides = array<i32>} : memref<48x128xf32, #tpu.memory_space<vmem>>, vector<16xf32>,
        %mul3A_135 = arith.mulf %get3A_134, %mul3A_107 : vector<16xf32>
        %swap3A_136 = arith.index_cast %add3A_93 : i32 to index
        %swap3A_137 = arith.constant 32 : index
        %swap3A_138 = tpu.vector_load %arg12[%swap3A_136, %swap3A_137] {strides = array<i32>} : memref<48x128xf32, #tpu.memory_space<vmem>>, vector<16xf32>,
        tpu.vector_store %arg12[%swap3A_136, %swap3A_137], %mul3A_135 {strides = array<i32>} : memref<48x128xf32, #tpu.memory_space<vmem>>, vector<16xf32>,
        %get3A_139 = arith.index_cast %add3A_93 : i32 to index
        %get3A_140 = arith.constant 48 : index
        %get3A_141 = tpu.vector_load %arg12[%get3A_139, %get3A_140] {strides = array<i32>} : memref<48x128xf32, #tpu.memory_space<vmem>>, vector<16xf32>,
        %mul3A_142 = arith.mulf %get3A_141, %mul3A_107 : vector<16xf32>
        %swap3A_143 = arith.index_cast %add3A_93 : i32 to index
        %swap3A_144 = arith.constant 48 : index
        %swap3A_145 = tpu.vector_load %arg12[%swap3A_143, %swap3A_144] {strides = array<i32>} : memref<48x128xf32, #tpu.memory_space<vmem>>, vector<16xf32>,
        tpu.vector_store %arg12[%swap3A_143, %swap3A_144], %mul3A_142 {strides = array<i32>} : memref<48x128xf32, #tpu.memory_space<vmem>>, vector<16xf32>,
        %get3A_146 = arith.index_cast %add3A_93 : i32 to index
        %get3A_147 = arith.constant 64 : index
        %get3A_148 = tpu.vector_load %arg12[%get3A_146, %get3A_147] {strides = array<i32>} : memref<48x128xf32, #tpu.memory_space<vmem>>, vector<16xf32>,
        %mul3A_149 = arith.mulf %get3A_148, %mul3A_110 : vector<16xf32>
        %swap3A_150 = arith.index_cast %add3A_93 : i32 to index
        %swap3A_151 = arith.constant 64 : index
        %swap3A_152 = tpu.vector_load %arg12[%swap3A_150, %swap3A_151] {strides = array<i32>} : memref<48x128xf32, #tpu.memory_space<vmem>>, vector<16xf32>,
        tpu.vector_store %arg12[%swap3A_150, %swap3A_151], %mul3A_149 {strides = array<i32>} : memref<48x128xf32, #tpu.memory_space<vmem>>, vector<16xf32>,
        %get3A_153 = arith.index_cast %add3A_93 : i32 to index
        %get3A_154 = arith.constant 80 : index
        %get3A_155 = tpu.vector_load %arg12[%get3A_153, %get3A_154] {strides = array<i32>} : memref<48x128xf32, #tpu.memory_space<vmem>>, vector<16xf32>,
        %mul3A_156 = arith.mulf %get3A_155, %mul3A_110 : vector<16xf32>
        %swap3A_157 = arith.index_cast %add3A_93 : i32 to index
        %swap3A_158 = arith.constant 80 : index
        %swap3A_159 = tpu.vector_load %arg12[%swap3A_157, %swap3A_158] {strides = array<i32>} : memref<48x128xf32, #tpu.memory_space<vmem>>, vector<16xf32>,
        tpu.vector_store %arg12[%swap3A_157, %swap3A_158], %mul3A_156 {strides = array<i32>} : memref<48x128xf32, #tpu.memory_space<vmem>>, vector<16xf32>,
        %get3A_160 = arith.index_cast %add3A_93 : i32 to index
        %get3A_161 = arith.constant 96 : index
        %get3A_162 = tpu.vector_load %arg12[%get3A_160, %get3A_161] {strides = array<i32>} : memref<48x128xf32, #tpu.memory_space<vmem>>, vector<16xf32>,
        %mul3A_163 = arith.mulf %get3A_162, %mul3A_110 : vector<16xf32>
        %swap3A_164 = arith.index_cast %add3A_93 : i32 to index
        %swap3A_165 = arith.constant 96 : index
        %swap3A_166 = tpu.vector_load %arg12[%swap3A_164, %swap3A_165] {strides = array<i32>} : memref<48x128xf32, #tpu.memory_space<vmem>>, vector<16xf32>,
        tpu.vector_store %arg12[%swap3A_164, %swap3A_165], %mul3A_163 {strides = array<i32>} : memref<48x128xf32, #tpu.memory_space<vmem>>, vector<16xf32>,
        %get3A_167 = arith.index_cast %add3A_93 : i32 to index
        %get3A_168 = arith.constant 112 : index
        %get3A_169 = tpu.vector_load %arg12[%get3A_167, %get3A_168] {strides = array<i32>} : memref<48x128xf32, #tpu.memory_space<vmem>>, vector<16xf32>,
        %mul3A_170 = arith.mulf %get3A_169, %mul3A_110 : vector<16xf32>
        %swap3A_171 = arith.index_cast %add3A_93 : i32 to index
        %swap3A_172 = arith.constant 112 : index
        %swap3A_173 = tpu.vector_load %arg12[%swap3A_171, %swap3A_172] {strides = array<i32>} : memref<48x128xf32, #tpu.memory_space<vmem>>, vector<16xf32>,
        tpu.vector_store %arg12[%swap3A_171, %swap3A_172], %mul3A_170 {strides = array<i32>} : memref<48x128xf32, #tpu.memory_space<vmem>>, vector<16xf32>,
        %shift_right_arithmetic3A = arith.constant 11 : i32
        %shift_right_arithmetic3A_174 = vector.broadcast %shift_right_arithmetic3A : i32 to vector<16xi32>
        %shift_right_arithmetic3A_175 = arith.shrsi %gather3A_118, %shift_right_arithmetic3A_174 : vector<16xi32>
        %add3A_176 = arith.addi %shift_right_arithmetic3A_175, %mul3A_46 : vector<16xi32>
        %and3A = arith.constant 2047 : i32
        %and3A_177 = vector.broadcast %and3A : i32 to vector<16xi32>
        %and3A_178 = arith.andi %gather3A_118, %and3A_177 : vector<16xi32>
        %lt3A = arith.constant 2 : i32
        %lt3A_179 = vector.broadcast %lt3A : i32 to vector<16xi32>
        %lt3A_180 = arith.cmpi slt, %iota3A, %lt3A_179 : vector<16xi32>
        tpu.vector_store_idx %arg15[%add3A_176, %and3A_178], %select_n3A_117 masked %lt3A_180 {add = true} : memref<10x2048xf32, #tpu.memory_space<vmem>>[vector<16xi32>, vector<16xi32>], vector<16xf32>, vector<16xi1>
      }
      %scan3A_88 = arith.constant 48 : i32
      "tpu.region"() ({
        %run_scoped3A = tpu.sem_alloc : memref<!tpu.dma_semaphore, #tpu.memory_space<semaphore_mem>>
        %dma_start3A_89 = arith.constant 0 : i32
        %dma_start3A_90 = arith.constant 0 : i32
        %dma_start3A_91 = tpu.memref_slice %arg16[%dma_start3A_89, %dma_start3A_90] : memref<10240x128xf32, #tpu.memory_space<vmem_shared>> -> memref<10240x128xf32, #tpu.memory_space<vmem_shared>>
        tpu.enqueue_indirect_dma source(%arg12 : memref<48x128xf32, #tpu.memory_space<vmem>>) target(%dma_start3A_91 : memref<10240x128xf32, #tpu.memory_space<vmem_shared>>) offsets(%arg11 : memref<48xi32, #tpu.memory_space<vmem>>) semaphore(%run_scoped3A : memref<!tpu.dma_semaphore, #tpu.memory_space<semaphore_mem>>) {add = true}
        %dma_wait3A_92 = arith.constant 0 : i32
        %dma_wait3A_93 = arith.constant 0 : i32
        %dma_wait3A_94 = tpu.memref_slice %arg16[%dma_wait3A_92, %dma_wait3A_93] : memref<10240x128xf32, #tpu.memory_space<vmem_shared>> -> memref<10240x128xf32, #tpu.memory_space<vmem_shared>>
        tpu.wait_indirect_dma semaphore(%run_scoped3A : memref<!tpu.dma_semaphore, #tpu.memory_space<semaphore_mem>>) src(%arg12 : memref<48x128xf32, #tpu.memory_space<vmem>>) dst(%dma_wait3A_94 : memref<10240x128xf32, #tpu.memory_space<vmem_shared>>)
        tpu.yield
      }) : () -> ()
    }
    %scan3A_55 = arith.constant 215 : i32
    %barrier3A_56 = arith.constant 0 : index
    tpu.barrier barrier_id(%barrier3A_56)
    %mul3A_57 = arith.constant 640 : i32
    %mul3A_58 = arith.muli %arg1, %mul3A_57 : i32
    %mul3A_59 = arith.constant 640 : i32
    %mul3A_60 = arith.muli %arg1, %mul3A_59 : i32
    "tpu.region"() ({
      %run_scoped3A = tpu.sem_alloc : memref<!tpu.dma_semaphore, #tpu.memory_space<semaphore_mem>>
      %dma_start3A = arith.constant 0 : i32
      %dma_start3A_61 = tpu.memref_slice %arg8[%arg0, %mul3A_60, %dma_start3A] : memref<2x10240x128xf32, #tpu.memory_space<hbm>> -> memref<1x640x128xf32, #tpu.memory_space<hbm>>
      %dma_start3A_62 = tpu.memref_squeeze %dma_start3A_61 : memref<1x640x128xf32, #tpu.memory_space<hbm>> -> memref<640x128xf32, #tpu.memory_space<hbm>>
      %dma_start3A_63 = arith.constant 0 : i32
      %dma_start3A_64 = tpu.memref_slice %arg16[%mul3A_58, %dma_start3A_63] : memref<10240x128xf32, #tpu.memory_space<vmem_shared>> -> memref<640x128xf32, #tpu.memory_space<vmem_shared>>
      tpu.enqueue_dma source(%dma_start3A_64 : memref<640x128xf32, #tpu.memory_space<vmem_shared>>) target(%dma_start3A_62 : memref<640x128xf32, #tpu.memory_space<hbm>>) target_semaphore(%run_scoped3A : memref<!tpu.dma_semaphore, #tpu.memory_space<semaphore_mem>>)
      %dma_wait3A = arith.constant 0 : i32
      %dma_wait3A_65 = tpu.memref_slice %arg8[%arg0, %mul3A_60, %dma_wait3A] : memref<2x10240x128xf32, #tpu.memory_space<hbm>> -> memref<1x640x128xf32, #tpu.memory_space<hbm>>
      %dma_wait3A_66 = tpu.memref_squeeze %dma_wait3A_65 : memref<1x640x128xf32, #tpu.memory_space<hbm>> -> memref<640x128xf32, #tpu.memory_space<hbm>>
      %dma_wait3A_67 = arith.constant 0 : i32
      %dma_wait3A_68 = tpu.memref_slice %arg16[%mul3A_58, %dma_wait3A_67] : memref<10240x128xf32, #tpu.memory_space<vmem_shared>> -> memref<640x128xf32, #tpu.memory_space<vmem_shared>>
      tpu.wait_dma2 semaphore(%run_scoped3A : memref<!tpu.dma_semaphore, #tpu.memory_space<semaphore_mem>>) src(%dma_wait3A_68 : memref<640x128xf32, #tpu.memory_space<vmem_shared>>) dst(%dma_wait3A_66 : memref<640x128xf32, #tpu.memory_space<hbm>>)
      tpu.yield
    }) : () -> ()
    "tpu.region"() ({
      %run_scoped3A = tpu.sem_alloc : memref<!tpu.dma_semaphore, #tpu.memory_space<semaphore_mem>>
      %dma_start3A = arith.constant 0 : i32
      %dma_start3A_61 = arith.constant 0 : i32
      %dma_start3A_62 = tpu.memref_slice %arg9[%arg0, %arg1, %dma_start3A, %dma_start3A_61] : memref<2x16x10x2048xf32, #tpu.memory_space<hbm>> -> memref<1x1x10x2048xf32, #tpu.memory_space<hbm>>
      %dma_start3A_63 = tpu.memref_squeeze %dma_start3A_62 : memref<1x1x10x2048xf32, #tpu.memory_space<hbm>> -> memref<10x2048xf32, #tpu.memory_space<hbm>>
      %dma_start3A_64 = arith.constant 0 : i32
      %dma_start3A_65 = arith.constant 0 : i32
      %dma_start3A_66 = tpu.memref_slice %arg9[%arg0, %arg1, %dma_start3A_64, %dma_start3A_65] : memref<2x16x10x2048xf32, #tpu.memory_space<hbm>> -> memref<1x1x10x2048xf32, #tpu.memory_space<hbm>>
      %dma_start3A_67 = tpu.memref_squeeze %dma_start3A_66 : memref<1x1x10x2048xf32, #tpu.memory_space<hbm>> -> memref<10x2048xf32, #tpu.memory_space<hbm>>
      tpu.enqueue_dma source(%arg15 : memref<10x2048xf32, #tpu.memory_space<vmem>>) target(%dma_start3A_67 : memref<10x2048xf32, #tpu.memory_space<hbm>>) target_semaphore(%run_scoped3A : memref<!tpu.dma_semaphore, #tpu.memory_space<semaphore_mem>>)
      %dma_wait3A = arith.constant 0 : i32
      %dma_wait3A_68 = arith.constant 0 : i32
      %dma_wait3A_69 = tpu.memref_slice %arg9[%arg0, %arg1, %dma_wait3A, %dma_wait3A_68] : memref<2x16x10x2048xf32, #tpu.memory_space<hbm>> -> memref<1x1x10x2048xf32, #tpu.memory_space<hbm>>
      %dma_wait3A_70 = tpu.memref_squeeze %dma_wait3A_69 : memref<1x1x10x2048xf32, #tpu.memory_space<hbm>> -> memref<10x2048xf32, #tpu.memory_space<hbm>>
      %dma_wait3A_71 = arith.constant 0 : i32
      %dma_wait3A_72 = arith.constant 0 : i32
      %dma_wait3A_73 = tpu.memref_slice %arg9[%arg0, %arg1, %dma_wait3A_71, %dma_wait3A_72] : memref<2x16x10x2048xf32, #tpu.memory_space<hbm>> -> memref<1x1x10x2048xf32, #tpu.memory_space<hbm>>
      %dma_wait3A_74 = tpu.memref_squeeze %dma_wait3A_73 : memref<1x1x10x2048xf32, #tpu.memory_space<hbm>> -> memref<10x2048xf32, #tpu.memory_space<hbm>>
      tpu.wait_dma2 semaphore(%run_scoped3A : memref<!tpu.dma_semaphore, #tpu.memory_space<semaphore_mem>>) src(%arg15 : memref<10x2048xf32, #tpu.memory_space<vmem>>) dst(%dma_wait3A_74 : memref<10x2048xf32, #tpu.memory_space<hbm>>)
      tpu.yield
    }) : () -> ()
    return
  }
}

#map = affine_map<(d0, d1) -> (0, 0)>
#map1 = affine_map<(d0, d1) -> (0)>
#map2 = affine_map<(d0, d1) -> (0, 0, 0)>
#map3 = affine_map<(d0, d1) -> (0, 0, 0, 0)>
module attributes {stable_mosaic.version = 14 : i64} {
  func.func @gat_edge_pass(%arg0: i32, %arg1: i32, %arg2: memref<10240x128xf32, #tpu.memory_space<hbm>>, %arg3: memref<10240x128xf32, #tpu.memory_space<hbm>>, %arg4: memref<330240xi32, #tpu.memory_space<hbm>>, %arg5: memref<330240xi32, #tpu.memory_space<hbm>>, %arg6: memref<128xf32, #tpu.memory_space<hbm>>, %arg7: memref<32xf32, #tpu.memory_space<hbm>>, %arg8: memref<2x10240x128xf32, #tpu.memory_space<hbm>>, %arg9: memref<2x16x10x2048xf32, #tpu.memory_space<hbm>>, %arg10: memref<48xi32, #tpu.memory_space<vmem>>, %arg11: memref<48xi32, #tpu.memory_space<vmem>>, %arg12: memref<48x128xf32, #tpu.memory_space<vmem>>, %arg13: memref<48x128xf32, #tpu.memory_space<vmem>>, %arg14: memref<1792xf32, #tpu.memory_space<vmem>>, %arg15: memref<10x2048xf32, #tpu.memory_space<vmem>>, %arg16: memref<10240x128xf32, #tpu.memory_space<vmem_shared>>, %arg17: memref<!tpu.dma_semaphore, #tpu.memory_space<semaphore_mem>>, %arg18: memref<!tpu.dma_semaphore, #tpu.memory_space<semaphore_mem>>) attributes {dimension_semantics = [#tpu.dimension_semantics<core_parallel>, #tpu.dimension_semantics<subcore_parallel>], iteration_bounds = array<i64: 2, 16>, scalar_prefetch = 0 : i64, scratch_operands = 9 : i64, tpu.core_type = #tpu.core_type<sc_vector_subcore>, window_params = [{transform_indices = #map}, {transform_indices = #map}, {transform_indices = #map1}, {transform_indices = #map1}, {transform_indices = #map1}, {transform_indices = #map1}, {transform_indices = #map2}, {transform_indices = #map3}]} {
    %mul3A = arith.constant 16 : i32
    %mul3A_0 = arith.muli %arg0, %mul3A : i32
    %add3A = arith.addi %mul3A_0, %arg1 : i32
    %broadcast_in_dim3A = arith.constant 0.000000e+00 : f32
    %broadcast_in_dim3A_1 = vector.broadcast %broadcast_in_dim3A : f32 to vector<16xf32>
    %iota3A = tpu.iota {dimensions = array<i32: 0>} : vector<16xi32>
    %scan3A = arith.constant 0 : i32
    %scan3A_2 = arith.constant 10 : i32
    %scan3A_3 = arith.addi %scan3A, %scan3A_2 : i32
    %scan3A_4 = arith.constant 1 : i32
    scf.for %scan3A_61 = %scan3A to %scan3A_3 step %scan3A_4  : i32 {
      %mul3A_62 = arith.constant 1 : i32
      %mul3A_63 = arith.muli %scan3A_61, %mul3A_62 : i32
      %add3A_64 = arith.constant 0 : i32
      %add3A_65 = arith.addi %add3A_64, %mul3A_63 : i32
      %swap3A = arith.index_cast %add3A_65 : i32 to index
      %swap3A_66 = arith.constant 0 : index
      %swap3A_67 = tpu.vector_load %arg15[%swap3A, %swap3A_66] {strides = array<i32>} : memref<10x2048xf32, #tpu.memory_space<vmem>>, vector<16xf32>,
      tpu.vector_store %arg15[%swap3A, %swap3A_66], %broadcast_in_dim3A_1 {strides = array<i32>} : memref<10x2048xf32, #tpu.memory_space<vmem>>, vector<16xf32>,
      %swap3A_68 = arith.index_cast %add3A_65 : i32 to index
      %swap3A_69 = arith.constant 16 : index
      %swap3A_70 = tpu.vector_load %arg15[%swap3A_68, %swap3A_69] {strides = array<i32>} : memref<10x2048xf32, #tpu.memory_space<vmem>>, vector<16xf32>,
      tpu.vector_store %arg15[%swap3A_68, %swap3A_69], %broadcast_in_dim3A_1 {strides = array<i32>} : memref<10x2048xf32, #tpu.memory_space<vmem>>, vector<16xf32>,
      %swap3A_71 = arith.index_cast %add3A_65 : i32 to index
      %swap3A_72 = arith.constant 32 : index
      %swap3A_73 = tpu.vector_load %arg15[%swap3A_71, %swap3A_72] {strides = array<i32>} : memref<10x2048xf32, #tpu.memory_space<vmem>>, vector<16xf32>,
      tpu.vector_store %arg15[%swap3A_71, %swap3A_72], %broadcast_in_dim3A_1 {strides = array<i32>} : memref<10x2048xf32, #tpu.memory_space<vmem>>, vector<16xf32>,
      %swap3A_74 = arith.index_cast %add3A_65 : i32 to index
      %swap3A_75 = arith.constant 48 : index
      %swap3A_76 = tpu.vector_load %arg15[%swap3A_74, %swap3A_75] {strides = array<i32>} : memref<10x2048xf32, #tpu.memory_space<vmem>>, vector<16xf32>,
      tpu.vector_store %arg15[%swap3A_74, %swap3A_75], %broadcast_in_dim3A_1 {strides = array<i32>} : memref<10x2048xf32, #tpu.memory_space<vmem>>, vector<16xf32>,
      %swap3A_77 = arith.index_cast %add3A_65 : i32 to index
      %swap3A_78 = arith.constant 64 : index
      %swap3A_79 = tpu.vector_load %arg15[%swap3A_77, %swap3A_78] {strides = array<i32>} : memref<10x2048xf32, #tpu.memory_space<vmem>>, vector<16xf32>,
      tpu.vector_store %arg15[%swap3A_77, %swap3A_78], %broadcast_in_dim3A_1 {strides = array<i32>} : memref<10x2048xf32, #tpu.memory_space<vmem>>, vector<16xf32>,
      %swap3A_80 = arith.index_cast %add3A_65 : i32 to index
      %swap3A_81 = arith.constant 80 : index
      %swap3A_82 = tpu.vector_load %arg15[%swap3A_80, %swap3A_81] {strides = array<i32>} : memref<10x2048xf32, #tpu.memory_space<vmem>>, vector<16xf32>,
      tpu.vector_store %arg15[%swap3A_80, %swap3A_81], %broadcast_in_dim3A_1 {strides = array<i32>} : memref<10x2048xf32, #tpu.memory_space<vmem>>, vector<16xf32>,
      %swap3A_83 = arith.index_cast %add3A_65 : i32 to index
      %swap3A_84 = arith.constant 96 : index
      %swap3A_85 = tpu.vector_load %arg15[%swap3A_83, %swap3A_84] {strides = array<i32>} : memref<10x2048xf32, #tpu.memory_space<vmem>>, vector<16xf32>,
      tpu.vector_store %arg15[%swap3A_83, %swap3A_84], %broadcast_in_dim3A_1 {strides = array<i32>} : memref<10x2048xf32, #tpu.memory_space<vmem>>, vector<16xf32>,
      %swap3A_86 = arith.index_cast %add3A_65 : i32 to index
      %swap3A_87 = arith.constant 112 : index
      %swap3A_88 = tpu.vector_load %arg15[%swap3A_86, %swap3A_87] {strides = array<i32>} : memref<10x2048xf32, #tpu.memory_space<vmem>>, vector<16xf32>,
      tpu.vector_store %arg15[%swap3A_86, %swap3A_87], %broadcast_in_dim3A_1 {strides = array<i32>} : memref<10x2048xf32, #tpu.memory_space<vmem>>, vector<16xf32>,
      %swap3A_89 = arith.index_cast %add3A_65 : i32 to index
      %swap3A_90 = arith.constant 128 : index
      %swap3A_91 = tpu.vector_load %arg15[%swap3A_89, %swap3A_90] {strides = array<i32>} : memref<10x2048xf32, #tpu.memory_space<vmem>>, vector<16xf32>,
      tpu.vector_store %arg15[%swap3A_89, %swap3A_90], %broadcast_in_dim3A_1 {strides = array<i32>} : memref<10x2048xf32, #tpu.memory_space<vmem>>, vector<16xf32>,
      %swap3A_92 = arith.index_cast %add3A_65 : i32 to index
      %swap3A_93 = arith.constant 144 : index
      %swap3A_94 = tpu.vector_load %arg15[%swap3A_92, %swap3A_93] {strides = array<i32>} : memref<10x2048xf32, #tpu.memory_space<vmem>>, vector<16xf32>,
      tpu.vector_store %arg15[%swap3A_92, %swap3A_93], %broadcast_in_dim3A_1 {strides = array<i32>} : memref<10x2048xf32, #tpu.memory_space<vmem>>, vector<16xf32>,
      %swap3A_95 = arith.index_cast %add3A_65 : i32 to index
      %swap3A_96 = arith.constant 160 : index
      %swap3A_97 = tpu.vector_load %arg15[%swap3A_95, %swap3A_96] {strides = array<i32>} : memref<10x2048xf32, #tpu.memory_space<vmem>>, vector<16xf32>,
      tpu.vector_store %arg15[%swap3A_95, %swap3A_96], %broadcast_in_dim3A_1 {strides = array<i32>} : memref<10x2048xf32, #tpu.memory_space<vmem>>, vector<16xf32>,
      %swap3A_98 = arith.index_cast %add3A_65 : i32 to index
      %swap3A_99 = arith.constant 176 : index
      %swap3A_100 = tpu.vector_load %arg15[%swap3A_98, %swap3A_99] {strides = array<i32>} : memref<10x2048xf32, #tpu.memory_space<vmem>>, vector<16xf32>,
      tpu.vector_store %arg15[%swap3A_98, %swap3A_99], %broadcast_in_dim3A_1 {strides = array<i32>} : memref<10x2048xf32, #tpu.memory_space<vmem>>, vector<16xf32>,
      %swap3A_101 = arith.index_cast %add3A_65 : i32 to index
      %swap3A_102 = arith.constant 192 : index
      %swap3A_103 = tpu.vector_load %arg15[%swap3A_101, %swap3A_102] {strides = array<i32>} : memref<10x2048xf32, #tpu.memory_space<vmem>>, vector<16xf32>,
      tpu.vector_store %arg15[%swap3A_101, %swap3A_102], %broadcast_in_dim3A_1 {strides = array<i32>} : memref<10x2048xf32, #tpu.memory_space<vmem>>, vector<16xf32>,
      %swap3A_104 = arith.index_cast %add3A_65 : i32 to index
      %swap3A_105 = arith.constant 208 : index
      %swap3A_106 = tpu.vector_load %arg15[%swap3A_104, %swap3A_105] {strides = array<i32>} : memref<10x2048xf32, #tpu.memory_space<vmem>>, vector<16xf32>,
      tpu.vector_store %arg15[%swap3A_104, %swap3A_105], %broadcast_in_dim3A_1 {strides = array<i32>} : memref<10x2048xf32, #tpu.memory_space<vmem>>, vector<16xf32>,
      %swap3A_107 = arith.index_cast %add3A_65 : i32 to index
      %swap3A_108 = arith.constant 224 : index
      %swap3A_109 = tpu.vector_load %arg15[%swap3A_107, %swap3A_108] {strides = array<i32>} : memref<10x2048xf32, #tpu.memory_space<vmem>>, vector<16xf32>,
      tpu.vector_store %arg15[%swap3A_107, %swap3A_108], %broadcast_in_dim3A_1 {strides = array<i32>} : memref<10x2048xf32, #tpu.memory_space<vmem>>, vector<16xf32>,
      %swap3A_110 = arith.index_cast %add3A_65 : i32 to index
      %swap3A_111 = arith.constant 240 : index
      %swap3A_112 = tpu.vector_load %arg15[%swap3A_110, %swap3A_111] {strides = array<i32>} : memref<10x2048xf32, #tpu.memory_space<vmem>>, vector<16xf32>,
      tpu.vector_store %arg15[%swap3A_110, %swap3A_111], %broadcast_in_dim3A_1 {strides = array<i32>} : memref<10x2048xf32, #tpu.memory_space<vmem>>, vector<16xf32>,
      %swap3A_113 = arith.index_cast %add3A_65 : i32 to index
      %swap3A_114 = arith.constant 256 : index
      %swap3A_115 = tpu.vector_load %arg15[%swap3A_113, %swap3A_114] {strides = array<i32>} : memref<10x2048xf32, #tpu.memory_space<vmem>>, vector<16xf32>,
      tpu.vector_store %arg15[%swap3A_113, %swap3A_114], %broadcast_in_dim3A_1 {strides = array<i32>} : memref<10x2048xf32, #tpu.memory_space<vmem>>, vector<16xf32>,
      %swap3A_116 = arith.index_cast %add3A_65 : i32 to index
      %swap3A_117 = arith.constant 272 : index
      %swap3A_118 = tpu.vector_load %arg15[%swap3A_116, %swap3A_117] {strides = array<i32>} : memref<10x2048xf32, #tpu.memory_space<vmem>>, vector<16xf32>,
      tpu.vector_store %arg15[%swap3A_116, %swap3A_117], %broadcast_in_dim3A_1 {strides = array<i32>} : memref<10x2048xf32, #tpu.memory_space<vmem>>, vector<16xf32>,
      %swap3A_119 = arith.index_cast %add3A_65 : i32 to index
      %swap3A_120 = arith.constant 288 : index
      %swap3A_121 = tpu.vector_load %arg15[%swap3A_119, %swap3A_120] {strides = array<i32>} : memref<10x2048xf32, #tpu.memory_space<vmem>>, vector<16xf32>,
      tpu.vector_store %arg15[%swap3A_119, %swap3A_120], %broadcast_in_dim3A_1 {strides = array<i32>} : memref<10x2048xf32, #tpu.memory_space<vmem>>, vector<16xf32>,
      %swap3A_122 = arith.index_cast %add3A_65 : i32 to index
      %swap3A_123 = arith.constant 304 : index
      %swap3A_124 = tpu.vector_load %arg15[%swap3A_122, %swap3A_123] {strides = array<i32>} : memref<10x2048xf32, #tpu.memory_space<vmem>>, vector<16xf32>,
      tpu.vector_store %arg15[%swap3A_122, %swap3A_123], %broadcast_in_dim3A_1 {strides = array<i32>} : memref<10x2048xf32, #tpu.memory_space<vmem>>, vector<16xf32>,
      %swap3A_125 = arith.index_cast %add3A_65 : i32 to index
      %swap3A_126 = arith.constant 320 : index
      %swap3A_127 = tpu.vector_load %arg15[%swap3A_125, %swap3A_126] {strides = array<i32>} : memref<10x2048xf32, #tpu.memory_space<vmem>>, vector<16xf32>,
      tpu.vector_store %arg15[%swap3A_125, %swap3A_126], %broadcast_in_dim3A_1 {strides = array<i32>} : memref<10x2048xf32, #tpu.memory_space<vmem>>, vector<16xf32>,
      %swap3A_128 = arith.index_cast %add3A_65 : i32 to index
      %swap3A_129 = arith.constant 336 : index
      %swap3A_130 = tpu.vector_load %arg15[%swap3A_128, %swap3A_129] {strides = array<i32>} : memref<10x2048xf32, #tpu.memory_space<vmem>>, vector<16xf32>,
      tpu.vector_store %arg15[%swap3A_128, %swap3A_129], %broadcast_in_dim3A_1 {strides = array<i32>} : memref<10x2048xf32, #tpu.memory_space<vmem>>, vector<16xf32>,
      %swap3A_131 = arith.index_cast %add3A_65 : i32 to index
      %swap3A_132 = arith.constant 352 : index
      %swap3A_133 = tpu.vector_load %arg15[%swap3A_131, %swap3A_132] {strides = array<i32>} : memref<10x2048xf32, #tpu.memory_space<vmem>>, vector<16xf32>,
      tpu.vector_store %arg15[%swap3A_131, %swap3A_132], %broadcast_in_dim3A_1 {strides = array<i32>} : memref<10x2048xf32, #tpu.memory_space<vmem>>, vector<16xf32>,
      %swap3A_134 = arith.index_cast %add3A_65 : i32 to index
      %swap3A_135 = arith.constant 368 : index
      %swap3A_136 = tpu.vector_load %arg15[%swap3A_134, %swap3A_135] {strides = array<i32>} : memref<10x2048xf32, #tpu.memory_space<vmem>>, vector<16xf32>,
      tpu.vector_store %arg15[%swap3A_134, %swap3A_135], %broadcast_in_dim3A_1 {strides = array<i32>} : memref<10x2048xf32, #tpu.memory_space<vmem>>, vector<16xf32>,
      %swap3A_137 = arith.index_cast %add3A_65 : i32 to index
      %swap3A_138 = arith.constant 384 : index
      %swap3A_139 = tpu.vector_load %arg15[%swap3A_137, %swap3A_138] {strides = array<i32>} : memref<10x2048xf32, #tpu.memory_space<vmem>>, vector<16xf32>,
      tpu.vector_store %arg15[%swap3A_137, %swap3A_138], %broadcast_in_dim3A_1 {strides = array<i32>} : memref<10x2048xf32, #tpu.memory_space<vmem>>, vector<16xf32>,
      %swap3A_140 = arith.index_cast %add3A_65 : i32 to index
      %swap3A_141 = arith.constant 400 : index
      %swap3A_142 = tpu.vector_load %arg15[%swap3A_140, %swap3A_141] {strides = array<i32>} : memref<10x2048xf32, #tpu.memory_space<vmem>>, vector<16xf32>,
      tpu.vector_store %arg15[%swap3A_140, %swap3A_141], %broadcast_in_dim3A_1 {strides = array<i32>} : memref<10x2048xf32, #tpu.memory_space<vmem>>, vector<16xf32>,
      %swap3A_143 = arith.index_cast %add3A_65 : i32 to index
      %swap3A_144 = arith.constant 416 : index
      %swap3A_145 = tpu.vector_load %arg15[%swap3A_143, %swap3A_144] {strides = array<i32>} : memref<10x2048xf32, #tpu.memory_space<vmem>>, vector<16xf32>,
      tpu.vector_store %arg15[%swap3A_143, %swap3A_144], %broadcast_in_dim3A_1 {strides = array<i32>} : memref<10x2048xf32, #tpu.memory_space<vmem>>, vector<16xf32>,
      %swap3A_146 = arith.index_cast %add3A_65 : i32 to index
      %swap3A_147 = arith.constant 432 : index
      %swap3A_148 = tpu.vector_load %arg15[%swap3A_146, %swap3A_147] {strides = array<i32>} : memref<10x2048xf32, #tpu.memory_space<vmem>>, vector<16xf32>,
      tpu.vector_store %arg15[%swap3A_146, %swap3A_147], %broadcast_in_dim3A_1 {strides = array<i32>} : memref<10x2048xf32, #tpu.memory_space<vmem>>, vector<16xf32>,
      %swap3A_149 = arith.index_cast %add3A_65 : i32 to index
      %swap3A_150 = arith.constant 448 : index
      %swap3A_151 = tpu.vector_load %arg15[%swap3A_149, %swap3A_150] {strides = array<i32>} : memref<10x2048xf32, #tpu.memory_space<vmem>>, vector<16xf32>,
      tpu.vector_store %arg15[%swap3A_149, %swap3A_150], %broadcast_in_dim3A_1 {strides = array<i32>} : memref<10x2048xf32, #tpu.memory_space<vmem>>, vector<16xf32>,
      %swap3A_152 = arith.index_cast %add3A_65 : i32 to index
      %swap3A_153 = arith.constant 464 : index
      %swap3A_154 = tpu.vector_load %arg15[%swap3A_152, %swap3A_153] {strides = array<i32>} : memref<10x2048xf32, #tpu.memory_space<vmem>>, vector<16xf32>,
      tpu.vector_store %arg15[%swap3A_152, %swap3A_153], %broadcast_in_dim3A_1 {strides = array<i32>} : memref<10x2048xf32, #tpu.memory_space<vmem>>, vector<16xf32>,
      %swap3A_155 = arith.index_cast %add3A_65 : i32 to index
      %swap3A_156 = arith.constant 480 : index
      %swap3A_157 = tpu.vector_load %arg15[%swap3A_155, %swap3A_156] {strides = array<i32>} : memref<10x2048xf32, #tpu.memory_space<vmem>>, vector<16xf32>,
      tpu.vector_store %arg15[%swap3A_155, %swap3A_156], %broadcast_in_dim3A_1 {strides = array<i32>} : memref<10x2048xf32, #tpu.memory_space<vmem>>, vector<16xf32>,
      %swap3A_158 = arith.index_cast %add3A_65 : i32 to index
      %swap3A_159 = arith.constant 496 : index
      %swap3A_160 = tpu.vector_load %arg15[%swap3A_158, %swap3A_159] {strides = array<i32>} : memref<10x2048xf32, #tpu.memory_space<vmem>>, vector<16xf32>,
      tpu.vector_store %arg15[%swap3A_158, %swap3A_159], %broadcast_in_dim3A_1 {strides = array<i32>} : memref<10x2048xf32, #tpu.memory_space<vmem>>, vector<16xf32>,
      %swap3A_161 = arith.index_cast %add3A_65 : i32 to index
      %swap3A_162 = arith.constant 512 : index
      %swap3A_163 = tpu.vector_load %arg15[%swap3A_161, %swap3A_162] {strides = array<i32>} : memref<10x2048xf32, #tpu.memory_space<vmem>>, vector<16xf32>,
      tpu.vector_store %arg15[%swap3A_161, %swap3A_162], %broadcast_in_dim3A_1 {strides = array<i32>} : memref<10x2048xf32, #tpu.memory_space<vmem>>, vector<16xf32>,
      %swap3A_164 = arith.index_cast %add3A_65 : i32 to index
      %swap3A_165 = arith.constant 528 : index
      %swap3A_166 = tpu.vector_load %arg15[%swap3A_164, %swap3A_165] {strides = array<i32>} : memref<10x2048xf32, #tpu.memory_space<vmem>>, vector<16xf32>,
      tpu.vector_store %arg15[%swap3A_164, %swap3A_165], %broadcast_in_dim3A_1 {strides = array<i32>} : memref<10x2048xf32, #tpu.memory_space<vmem>>, vector<16xf32>,
      %swap3A_167 = arith.index_cast %add3A_65 : i32 to index
      %swap3A_168 = arith.constant 544 : index
      %swap3A_169 = tpu.vector_load %arg15[%swap3A_167, %swap3A_168] {strides = array<i32>} : memref<10x2048xf32, #tpu.memory_space<vmem>>, vector<16xf32>,
      tpu.vector_store %arg15[%swap3A_167, %swap3A_168], %broadcast_in_dim3A_1 {strides = array<i32>} : memref<10x2048xf32, #tpu.memory_space<vmem>>, vector<16xf32>,
      %swap3A_170 = arith.index_cast %add3A_65 : i32 to index
      %swap3A_171 = arith.constant 560 : index
      %swap3A_172 = tpu.vector_load %arg15[%swap3A_170, %swap3A_171] {strides = array<i32>} : memref<10x2048xf32, #tpu.memory_space<vmem>>, vector<16xf32>,
      tpu.vector_store %arg15[%swap3A_170, %swap3A_171], %broadcast_in_dim3A_1 {strides = array<i32>} : memref<10x2048xf32, #tpu.memory_space<vmem>>, vector<16xf32>,
      %swap3A_173 = arith.index_cast %add3A_65 : i32 to index
      %swap3A_174 = arith.constant 576 : index
      %swap3A_175 = tpu.vector_load %arg15[%swap3A_173, %swap3A_174] {strides = array<i32>} : memref<10x2048xf32, #tpu.memory_space<vmem>>, vector<16xf32>,
      tpu.vector_store %arg15[%swap3A_173, %swap3A_174], %broadcast_in_dim3A_1 {strides = array<i32>} : memref<10x2048xf32, #tpu.memory_space<vmem>>, vector<16xf32>,
      %swap3A_176 = arith.index_cast %add3A_65 : i32 to index
      %swap3A_177 = arith.constant 592 : index
      %swap3A_178 = tpu.vector_load %arg15[%swap3A_176, %swap3A_177] {strides = array<i32>} : memref<10x2048xf32, #tpu.memory_space<vmem>>, vector<16xf32>,
      tpu.vector_store %arg15[%swap3A_176, %swap3A_177], %broadcast_in_dim3A_1 {strides = array<i32>} : memref<10x2048xf32, #tpu.memory_space<vmem>>, vector<16xf32>,
      %swap3A_179 = arith.index_cast %add3A_65 : i32 to index
      %swap3A_180 = arith.constant 608 : index
      %swap3A_181 = tpu.vector_load %arg15[%swap3A_179, %swap3A_180] {strides = array<i32>} : memref<10x2048xf32, #tpu.memory_space<vmem>>, vector<16xf32>,
      tpu.vector_store %arg15[%swap3A_179, %swap3A_180], %broadcast_in_dim3A_1 {strides = array<i32>} : memref<10x2048xf32, #tpu.memory_space<vmem>>, vector<16xf32>,
      %swap3A_182 = arith.index_cast %add3A_65 : i32 to index
      %swap3A_183 = arith.constant 624 : index
      %swap3A_184 = tpu.vector_load %arg15[%swap3A_182, %swap3A_183] {strides = array<i32>} : memref<10x2048xf32, #tpu.memory_space<vmem>>, vector<16xf32>,
      tpu.vector_store %arg15[%swap3A_182, %swap3A_183], %broadcast_in_dim3A_1 {strides = array<i32>} : memref<10x2048xf32, #tpu.memory_space<vmem>>, vector<16xf32>,
      %swap3A_185 = arith.index_cast %add3A_65 : i32 to index
      %swap3A_186 = arith.constant 640 : index
      %swap3A_187 = tpu.vector_load %arg15[%swap3A_185, %swap3A_186] {strides = array<i32>} : memref<10x2048xf32, #tpu.memory_space<vmem>>, vector<16xf32>,
      tpu.vector_store %arg15[%swap3A_185, %swap3A_186], %broadcast_in_dim3A_1 {strides = array<i32>} : memref<10x2048xf32, #tpu.memory_space<vmem>>, vector<16xf32>,
      %swap3A_188 = arith.index_cast %add3A_65 : i32 to index
      %swap3A_189 = arith.constant 656 : index
      %swap3A_190 = tpu.vector_load %arg15[%swap3A_188, %swap3A_189] {strides = array<i32>} : memref<10x2048xf32, #tpu.memory_space<vmem>>, vector<16xf32>,
      tpu.vector_store %arg15[%swap3A_188, %swap3A_189], %broadcast_in_dim3A_1 {strides = array<i32>} : memref<10x2048xf32, #tpu.memory_space<vmem>>, vector<16xf32>,
      %swap3A_191 = arith.index_cast %add3A_65 : i32 to index
      %swap3A_192 = arith.constant 672 : index
      %swap3A_193 = tpu.vector_load %arg15[%swap3A_191, %swap3A_192] {strides = array<i32>} : memref<10x2048xf32, #tpu.memory_space<vmem>>, vector<16xf32>,
      tpu.vector_store %arg15[%swap3A_191, %swap3A_192], %broadcast_in_dim3A_1 {strides = array<i32>} : memref<10x2048xf32, #tpu.memory_space<vmem>>, vector<16xf32>,
      %swap3A_194 = arith.index_cast %add3A_65 : i32 to index
      %swap3A_195 = arith.constant 688 : index
      %swap3A_196 = tpu.vector_load %arg15[%swap3A_194, %swap3A_195] {strides = array<i32>} : memref<10x2048xf32, #tpu.memory_space<vmem>>, vector<16xf32>,
      tpu.vector_store %arg15[%swap3A_194, %swap3A_195], %broadcast_in_dim3A_1 {strides = array<i32>} : memref<10x2048xf32, #tpu.memory_space<vmem>>, vector<16xf32>,
      %swap3A_197 = arith.index_cast %add3A_65 : i32 to index
      %swap3A_198 = arith.constant 704 : index
      %swap3A_199 = tpu.vector_load %arg15[%swap3A_197, %swap3A_198] {strides = array<i32>} : memref<10x2048xf32, #tpu.memory_space<vmem>>, vector<16xf32>,
      tpu.vector_store %arg15[%swap3A_197, %swap3A_198], %broadcast_in_dim3A_1 {strides = array<i32>} : memref<10x2048xf32, #tpu.memory_space<vmem>>, vector<16xf32>,
      %swap3A_200 = arith.index_cast %add3A_65 : i32 to index
      %swap3A_201 = arith.constant 720 : index
      %swap3A_202 = tpu.vector_load %arg15[%swap3A_200, %swap3A_201] {strides = array<i32>} : memref<10x2048xf32, #tpu.memory_space<vmem>>, vector<16xf32>,
      tpu.vector_store %arg15[%swap3A_200, %swap3A_201], %broadcast_in_dim3A_1 {strides = array<i32>} : memref<10x2048xf32, #tpu.memory_space<vmem>>, vector<16xf32>,
      %swap3A_203 = arith.index_cast %add3A_65 : i32 to index
      %swap3A_204 = arith.constant 736 : index
      %swap3A_205 = tpu.vector_load %arg15[%swap3A_203, %swap3A_204] {strides = array<i32>} : memref<10x2048xf32, #tpu.memory_space<vmem>>, vector<16xf32>,
      tpu.vector_store %arg15[%swap3A_203, %swap3A_204], %broadcast_in_dim3A_1 {strides = array<i32>} : memref<10x2048xf32, #tpu.memory_space<vmem>>, vector<16xf32>,
      %swap3A_206 = arith.index_cast %add3A_65 : i32 to index
      %swap3A_207 = arith.constant 752 : index
      %swap3A_208 = tpu.vector_load %arg15[%swap3A_206, %swap3A_207] {strides = array<i32>} : memref<10x2048xf32, #tpu.memory_space<vmem>>, vector<16xf32>,
      tpu.vector_store %arg15[%swap3A_206, %swap3A_207], %broadcast_in_dim3A_1 {strides = array<i32>} : memref<10x2048xf32, #tpu.memory_space<vmem>>, vector<16xf32>,
      %swap3A_209 = arith.index_cast %add3A_65 : i32 to index
      %swap3A_210 = arith.constant 768 : index
      %swap3A_211 = tpu.vector_load %arg15[%swap3A_209, %swap3A_210] {strides = array<i32>} : memref<10x2048xf32, #tpu.memory_space<vmem>>, vector<16xf32>,
      tpu.vector_store %arg15[%swap3A_209, %swap3A_210], %broadcast_in_dim3A_1 {strides = array<i32>} : memref<10x2048xf32, #tpu.memory_space<vmem>>, vector<16xf32>,
      %swap3A_212 = arith.index_cast %add3A_65 : i32 to index
      %swap3A_213 = arith.constant 784 : index
      %swap3A_214 = tpu.vector_load %arg15[%swap3A_212, %swap3A_213] {strides = array<i32>} : memref<10x2048xf32, #tpu.memory_space<vmem>>, vector<16xf32>,
      tpu.vector_store %arg15[%swap3A_212, %swap3A_213], %broadcast_in_dim3A_1 {strides = array<i32>} : memref<10x2048xf32, #tpu.memory_space<vmem>>, vector<16xf32>,
      %swap3A_215 = arith.index_cast %add3A_65 : i32 to index
      %swap3A_216 = arith.constant 800 : index
      %swap3A_217 = tpu.vector_load %arg15[%swap3A_215, %swap3A_216] {strides = array<i32>} : memref<10x2048xf32, #tpu.memory_space<vmem>>, vector<16xf32>,
      tpu.vector_store %arg15[%swap3A_215, %swap3A_216], %broadcast_in_dim3A_1 {strides = array<i32>} : memref<10x2048xf32, #tpu.memory_space<vmem>>, vector<16xf32>,
      %swap3A_218 = arith.index_cast %add3A_65 : i32 to index
      %swap3A_219 = arith.constant 816 : index
      %swap3A_220 = tpu.vector_load %arg15[%swap3A_218, %swap3A_219] {strides = array<i32>} : memref<10x2048xf32, #tpu.memory_space<vmem>>, vector<16xf32>,
      tpu.vector_store %arg15[%swap3A_218, %swap3A_219], %broadcast_in_dim3A_1 {strides = array<i32>} : memref<10x2048xf32, #tpu.memory_space<vmem>>, vector<16xf32>,
      %swap3A_221 = arith.index_cast %add3A_65 : i32 to index
      %swap3A_222 = arith.constant 832 : index
      %swap3A_223 = tpu.vector_load %arg15[%swap3A_221, %swap3A_222] {strides = array<i32>} : memref<10x2048xf32, #tpu.memory_space<vmem>>, vector<16xf32>,
      tpu.vector_store %arg15[%swap3A_221, %swap3A_222], %broadcast_in_dim3A_1 {strides = array<i32>} : memref<10x2048xf32, #tpu.memory_space<vmem>>, vector<16xf32>,
      %swap3A_224 = arith.index_cast %add3A_65 : i32 to index
      %swap3A_225 = arith.constant 848 : index
      %swap3A_226 = tpu.vector_load %arg15[%swap3A_224, %swap3A_225] {strides = array<i32>} : memref<10x2048xf32, #tpu.memory_space<vmem>>, vector<16xf32>,
      tpu.vector_store %arg15[%swap3A_224, %swap3A_225], %broadcast_in_dim3A_1 {strides = array<i32>} : memref<10x2048xf32, #tpu.memory_space<vmem>>, vector<16xf32>,
      %swap3A_227 = arith.index_cast %add3A_65 : i32 to index
      %swap3A_228 = arith.constant 864 : index
      %swap3A_229 = tpu.vector_load %arg15[%swap3A_227, %swap3A_228] {strides = array<i32>} : memref<10x2048xf32, #tpu.memory_space<vmem>>, vector<16xf32>,
      tpu.vector_store %arg15[%swap3A_227, %swap3A_228], %broadcast_in_dim3A_1 {strides = array<i32>} : memref<10x2048xf32, #tpu.memory_space<vmem>>, vector<16xf32>,
      %swap3A_230 = arith.index_cast %add3A_65 : i32 to index
      %swap3A_231 = arith.constant 880 : index
      %swap3A_232 = tpu.vector_load %arg15[%swap3A_230, %swap3A_231] {strides = array<i32>} : memref<10x2048xf32, #tpu.memory_space<vmem>>, vector<16xf32>,
      tpu.vector_store %arg15[%swap3A_230, %swap3A_231], %broadcast_in_dim3A_1 {strides = array<i32>} : memref<10x2048xf32, #tpu.memory_space<vmem>>, vector<16xf32>,
      %swap3A_233 = arith.index_cast %add3A_65 : i32 to index
      %swap3A_234 = arith.constant 896 : index
      %swap3A_235 = tpu.vector_load %arg15[%swap3A_233, %swap3A_234] {strides = array<i32>} : memref<10x2048xf32, #tpu.memory_space<vmem>>, vector<16xf32>,
      tpu.vector_store %arg15[%swap3A_233, %swap3A_234], %broadcast_in_dim3A_1 {strides = array<i32>} : memref<10x2048xf32, #tpu.memory_space<vmem>>, vector<16xf32>,
      %swap3A_236 = arith.index_cast %add3A_65 : i32 to index
      %swap3A_237 = arith.constant 912 : index
      %swap3A_238 = tpu.vector_load %arg15[%swap3A_236, %swap3A_237] {strides = array<i32>} : memref<10x2048xf32, #tpu.memory_space<vmem>>, vector<16xf32>,
      tpu.vector_store %arg15[%swap3A_236, %swap3A_237], %broadcast_in_dim3A_1 {strides = array<i32>} : memref<10x2048xf32, #tpu.memory_space<vmem>>, vector<16xf32>,
      %swap3A_239 = arith.index_cast %add3A_65 : i32 to index
      %swap3A_240 = arith.constant 928 : index
      %swap3A_241 = tpu.vector_load %arg15[%swap3A_239, %swap3A_240] {strides = array<i32>} : memref<10x2048xf32, #tpu.memory_space<vmem>>, vector<16xf32>,
      tpu.vector_store %arg15[%swap3A_239, %swap3A_240], %broadcast_in_dim3A_1 {strides = array<i32>} : memref<10x2048xf32, #tpu.memory_space<vmem>>, vector<16xf32>,
      %swap3A_242 = arith.index_cast %add3A_65 : i32 to index
      %swap3A_243 = arith.constant 944 : index
      %swap3A_244 = tpu.vector_load %arg15[%swap3A_242, %swap3A_243] {strides = array<i32>} : memref<10x2048xf32, #tpu.memory_space<vmem>>, vector<16xf32>,
      tpu.vector_store %arg15[%swap3A_242, %swap3A_243], %broadcast_in_dim3A_1 {strides = array<i32>} : memref<10x2048xf32, #tpu.memory_space<vmem>>, vector<16xf32>,
      %swap3A_245 = arith.index_cast %add3A_65 : i32 to index
      %swap3A_246 = arith.constant 960 : index
      %swap3A_247 = tpu.vector_load %arg15[%swap3A_245, %swap3A_246] {strides = array<i32>} : memref<10x2048xf32, #tpu.memory_space<vmem>>, vector<16xf32>,
      tpu.vector_store %arg15[%swap3A_245, %swap3A_246], %broadcast_in_dim3A_1 {strides = array<i32>} : memref<10x2048xf32, #tpu.memory_space<vmem>>, vector<16xf32>,
      %swap3A_248 = arith.index_cast %add3A_65 : i32 to index
      %swap3A_249 = arith.constant 976 : index
      %swap3A_250 = tpu.vector_load %arg15[%swap3A_248, %swap3A_249] {strides = array<i32>} : memref<10x2048xf32, #tpu.memory_space<vmem>>, vector<16xf32>,
      tpu.vector_store %arg15[%swap3A_248, %swap3A_249], %broadcast_in_dim3A_1 {strides = array<i32>} : memref<10x2048xf32, #tpu.memory_space<vmem>>, vector<16xf32>,
      %swap3A_251 = arith.index_cast %add3A_65 : i32 to index
      %swap3A_252 = arith.constant 992 : index
      %swap3A_253 = tpu.vector_load %arg15[%swap3A_251, %swap3A_252] {strides = array<i32>} : memref<10x2048xf32, #tpu.memory_space<vmem>>, vector<16xf32>,
      tpu.vector_store %arg15[%swap3A_251, %swap3A_252], %broadcast_in_dim3A_1 {strides = array<i32>} : memref<10x2048xf32, #tpu.memory_space<vmem>>, vector<16xf32>,
      %swap3A_254 = arith.index_cast %add3A_65 : i32 to index
      %swap3A_255 = arith.constant 1008 : index
      %swap3A_256 = tpu.vector_load %arg15[%swap3A_254, %swap3A_255] {strides = array<i32>} : memref<10x2048xf32, #tpu.memory_space<vmem>>, vector<16xf32>,
      tpu.vector_store %arg15[%swap3A_254, %swap3A_255], %broadcast_in_dim3A_1 {strides = array<i32>} : memref<10x2048xf32, #tpu.memory_space<vmem>>, vector<16xf32>,
      %swap3A_257 = arith.index_cast %add3A_65 : i32 to index
      %swap3A_258 = arith.constant 1024 : index
      %swap3A_259 = tpu.vector_load %arg15[%swap3A_257, %swap3A_258] {strides = array<i32>} : memref<10x2048xf32, #tpu.memory_space<vmem>>, vector<16xf32>,
      tpu.vector_store %arg15[%swap3A_257, %swap3A_258], %broadcast_in_dim3A_1 {strides = array<i32>} : memref<10x2048xf32, #tpu.memory_space<vmem>>, vector<16xf32>,
      %swap3A_260 = arith.index_cast %add3A_65 : i32 to index
      %swap3A_261 = arith.constant 1040 : index
      %swap3A_262 = tpu.vector_load %arg15[%swap3A_260, %swap3A_261] {strides = array<i32>} : memref<10x2048xf32, #tpu.memory_space<vmem>>, vector<16xf32>,
      tpu.vector_store %arg15[%swap3A_260, %swap3A_261], %broadcast_in_dim3A_1 {strides = array<i32>} : memref<10x2048xf32, #tpu.memory_space<vmem>>, vector<16xf32>,
      %swap3A_263 = arith.index_cast %add3A_65 : i32 to index
      %swap3A_264 = arith.constant 1056 : index
      %swap3A_265 = tpu.vector_load %arg15[%swap3A_263, %swap3A_264] {strides = array<i32>} : memref<10x2048xf32, #tpu.memory_space<vmem>>, vector<16xf32>,
      tpu.vector_store %arg15[%swap3A_263, %swap3A_264], %broadcast_in_dim3A_1 {strides = array<i32>} : memref<10x2048xf32, #tpu.memory_space<vmem>>, vector<16xf32>,
      %swap3A_266 = arith.index_cast %add3A_65 : i32 to index
      %swap3A_267 = arith.constant 1072 : index
      %swap3A_268 = tpu.vector_load %arg15[%swap3A_266, %swap3A_267] {strides = array<i32>} : memref<10x2048xf32, #tpu.memory_space<vmem>>, vector<16xf32>,
      tpu.vector_store %arg15[%swap3A_266, %swap3A_267], %broadcast_in_dim3A_1 {strides = array<i32>} : memref<10x2048xf32, #tpu.memory_space<vmem>>, vector<16xf32>,
      %swap3A_269 = arith.index_cast %add3A_65 : i32 to index
      %swap3A_270 = arith.constant 1088 : index
      %swap3A_271 = tpu.vector_load %arg15[%swap3A_269, %swap3A_270] {strides = array<i32>} : memref<10x2048xf32, #tpu.memory_space<vmem>>, vector<16xf32>,
      tpu.vector_store %arg15[%swap3A_269, %swap3A_270], %broadcast_in_dim3A_1 {strides = array<i32>} : memref<10x2048xf32, #tpu.memory_space<vmem>>, vector<16xf32>,
      %swap3A_272 = arith.index_cast %add3A_65 : i32 to index
      %swap3A_273 = arith.constant 1104 : index
      %swap3A_274 = tpu.vector_load %arg15[%swap3A_272, %swap3A_273] {strides = array<i32>} : memref<10x2048xf32, #tpu.memory_space<vmem>>, vector<16xf32>,
      tpu.vector_store %arg15[%swap3A_272, %swap3A_273], %broadcast_in_dim3A_1 {strides = array<i32>} : memref<10x2048xf32, #tpu.memory_space<vmem>>, vector<16xf32>,
      %swap3A_275 = arith.index_cast %add3A_65 : i32 to index
      %swap3A_276 = arith.constant 1120 : index
      %swap3A_277 = tpu.vector_load %arg15[%swap3A_275, %swap3A_276] {strides = array<i32>} : memref<10x2048xf32, #tpu.memory_space<vmem>>, vector<16xf32>,
      tpu.vector_store %arg15[%swap3A_275, %swap3A_276], %broadcast_in_dim3A_1 {strides = array<i32>} : memref<10x2048xf32, #tpu.memory_space<vmem>>, vector<16xf32>,
      %swap3A_278 = arith.index_cast %add3A_65 : i32 to index
      %swap3A_279 = arith.constant 1136 : index
      %swap3A_280 = tpu.vector_load %arg15[%swap3A_278, %swap3A_279] {strides = array<i32>} : memref<10x2048xf32, #tpu.memory_space<vmem>>, vector<16xf32>,
      tpu.vector_store %arg15[%swap3A_278, %swap3A_279], %broadcast_in_dim3A_1 {strides = array<i32>} : memref<10x2048xf32, #tpu.memory_space<vmem>>, vector<16xf32>,
      %swap3A_281 = arith.index_cast %add3A_65 : i32 to index
      %swap3A_282 = arith.constant 1152 : index
      %swap3A_283 = tpu.vector_load %arg15[%swap3A_281, %swap3A_282] {strides = array<i32>} : memref<10x2048xf32, #tpu.memory_space<vmem>>, vector<16xf32>,
      tpu.vector_store %arg15[%swap3A_281, %swap3A_282], %broadcast_in_dim3A_1 {strides = array<i32>} : memref<10x2048xf32, #tpu.memory_space<vmem>>, vector<16xf32>,
      %swap3A_284 = arith.index_cast %add3A_65 : i32 to index
      %swap3A_285 = arith.constant 1168 : index
      %swap3A_286 = tpu.vector_load %arg15[%swap3A_284, %swap3A_285] {strides = array<i32>} : memref<10x2048xf32, #tpu.memory_space<vmem>>, vector<16xf32>,
      tpu.vector_store %arg15[%swap3A_284, %swap3A_285], %broadcast_in_dim3A_1 {strides = array<i32>} : memref<10x2048xf32, #tpu.memory_space<vmem>>, vector<16xf32>,
      %swap3A_287 = arith.index_cast %add3A_65 : i32 to index
      %swap3A_288 = arith.constant 1184 : index
      %swap3A_289 = tpu.vector_load %arg15[%swap3A_287, %swap3A_288] {strides = array<i32>} : memref<10x2048xf32, #tpu.memory_space<vmem>>, vector<16xf32>,
      tpu.vector_store %arg15[%swap3A_287, %swap3A_288], %broadcast_in_dim3A_1 {strides = array<i32>} : memref<10x2048xf32, #tpu.memory_space<vmem>>, vector<16xf32>,
      %swap3A_290 = arith.index_cast %add3A_65 : i32 to index
      %swap3A_291 = arith.constant 1200 : index
      %swap3A_292 = tpu.vector_load %arg15[%swap3A_290, %swap3A_291] {strides = array<i32>} : memref<10x2048xf32, #tpu.memory_space<vmem>>, vector<16xf32>,
      tpu.vector_store %arg15[%swap3A_290, %swap3A_291], %broadcast_in_dim3A_1 {strides = array<i32>} : memref<10x2048xf32, #tpu.memory_space<vmem>>, vector<16xf32>,
      %swap3A_293 = arith.index_cast %add3A_65 : i32 to index
      %swap3A_294 = arith.constant 1216 : index
      %swap3A_295 = tpu.vector_load %arg15[%swap3A_293, %swap3A_294] {strides = array<i32>} : memref<10x2048xf32, #tpu.memory_space<vmem>>, vector<16xf32>,
      tpu.vector_store %arg15[%swap3A_293, %swap3A_294], %broadcast_in_dim3A_1 {strides = array<i32>} : memref<10x2048xf32, #tpu.memory_space<vmem>>, vector<16xf32>,
      %swap3A_296 = arith.index_cast %add3A_65 : i32 to index
      %swap3A_297 = arith.constant 1232 : index
      %swap3A_298 = tpu.vector_load %arg15[%swap3A_296, %swap3A_297] {strides = array<i32>} : memref<10x2048xf32, #tpu.memory_space<vmem>>, vector<16xf32>,
      tpu.vector_store %arg15[%swap3A_296, %swap3A_297], %broadcast_in_dim3A_1 {strides = array<i32>} : memref<10x2048xf32, #tpu.memory_space<vmem>>, vector<16xf32>,
      %swap3A_299 = arith.index_cast %add3A_65 : i32 to index
      %swap3A_300 = arith.constant 1248 : index
      %swap3A_301 = tpu.vector_load %arg15[%swap3A_299, %swap3A_300] {strides = array<i32>} : memref<10x2048xf32, #tpu.memory_space<vmem>>, vector<16xf32>,
      tpu.vector_store %arg15[%swap3A_299, %swap3A_300], %broadcast_in_dim3A_1 {strides = array<i32>} : memref<10x2048xf32, #tpu.memory_space<vmem>>, vector<16xf32>,
      %swap3A_302 = arith.index_cast %add3A_65 : i32 to index
      %swap3A_303 = arith.constant 1264 : index
      %swap3A_304 = tpu.vector_load %arg15[%swap3A_302, %swap3A_303] {strides = array<i32>} : memref<10x2048xf32, #tpu.memory_space<vmem>>, vector<16xf32>,
      tpu.vector_store %arg15[%swap3A_302, %swap3A_303], %broadcast_in_dim3A_1 {strides = array<i32>} : memref<10x2048xf32, #tpu.memory_space<vmem>>, vector<16xf32>,
      %swap3A_305 = arith.index_cast %add3A_65 : i32 to index
      %swap3A_306 = arith.constant 1280 : index
      %swap3A_307 = tpu.vector_load %arg15[%swap3A_305, %swap3A_306] {strides = array<i32>} : memref<10x2048xf32, #tpu.memory_space<vmem>>, vector<16xf32>,
      tpu.vector_store %arg15[%swap3A_305, %swap3A_306], %broadcast_in_dim3A_1 {strides = array<i32>} : memref<10x2048xf32, #tpu.memory_space<vmem>>, vector<16xf32>,
      %swap3A_308 = arith.index_cast %add3A_65 : i32 to index
      %swap3A_309 = arith.constant 1296 : index
      %swap3A_310 = tpu.vector_load %arg15[%swap3A_308, %swap3A_309] {strides = array<i32>} : memref<10x2048xf32, #tpu.memory_space<vmem>>, vector<16xf32>,
      tpu.vector_store %arg15[%swap3A_308, %swap3A_309], %broadcast_in_dim3A_1 {strides = array<i32>} : memref<10x2048xf32, #tpu.memory_space<vmem>>, vector<16xf32>,
      %swap3A_311 = arith.index_cast %add3A_65 : i32 to index
      %swap3A_312 = arith.constant 1312 : index
      %swap3A_313 = tpu.vector_load %arg15[%swap3A_311, %swap3A_312] {strides = array<i32>} : memref<10x2048xf32, #tpu.memory_space<vmem>>, vector<16xf32>,
      tpu.vector_store %arg15[%swap3A_311, %swap3A_312], %broadcast_in_dim3A_1 {strides = array<i32>} : memref<10x2048xf32, #tpu.memory_space<vmem>>, vector<16xf32>,
      %swap3A_314 = arith.index_cast %add3A_65 : i32 to index
      %swap3A_315 = arith.constant 1328 : index
      %swap3A_316 = tpu.vector_load %arg15[%swap3A_314, %swap3A_315] {strides = array<i32>} : memref<10x2048xf32, #tpu.memory_space<vmem>>, vector<16xf32>,
      tpu.vector_store %arg15[%swap3A_314, %swap3A_315], %broadcast_in_dim3A_1 {strides = array<i32>} : memref<10x2048xf32, #tpu.memory_space<vmem>>, vector<16xf32>,
      %swap3A_317 = arith.index_cast %add3A_65 : i32 to index
      %swap3A_318 = arith.constant 1344 : index
      %swap3A_319 = tpu.vector_load %arg15[%swap3A_317, %swap3A_318] {strides = array<i32>} : memref<10x2048xf32, #tpu.memory_space<vmem>>, vector<16xf32>,
      tpu.vector_store %arg15[%swap3A_317, %swap3A_318], %broadcast_in_dim3A_1 {strides = array<i32>} : memref<10x2048xf32, #tpu.memory_space<vmem>>, vector<16xf32>,
      %swap3A_320 = arith.index_cast %add3A_65 : i32 to index
      %swap3A_321 = arith.constant 1360 : index
      %swap3A_322 = tpu.vector_load %arg15[%swap3A_320, %swap3A_321] {strides = array<i32>} : memref<10x2048xf32, #tpu.memory_space<vmem>>, vector<16xf32>,
      tpu.vector_store %arg15[%swap3A_320, %swap3A_321], %broadcast_in_dim3A_1 {strides = array<i32>} : memref<10x2048xf32, #tpu.memory_space<vmem>>, vector<16xf32>,
      %swap3A_323 = arith.index_cast %add3A_65 : i32 to index
      %swap3A_324 = arith.constant 1376 : index
      %swap3A_325 = tpu.vector_load %arg15[%swap3A_323, %swap3A_324] {strides = array<i32>} : memref<10x2048xf32, #tpu.memory_space<vmem>>, vector<16xf32>,
      tpu.vector_store %arg15[%swap3A_323, %swap3A_324], %broadcast_in_dim3A_1 {strides = array<i32>} : memref<10x2048xf32, #tpu.memory_space<vmem>>, vector<16xf32>,
      %swap3A_326 = arith.index_cast %add3A_65 : i32 to index
      %swap3A_327 = arith.constant 1392 : index
      %swap3A_328 = tpu.vector_load %arg15[%swap3A_326, %swap3A_327] {strides = array<i32>} : memref<10x2048xf32, #tpu.memory_space<vmem>>, vector<16xf32>,
      tpu.vector_store %arg15[%swap3A_326, %swap3A_327], %broadcast_in_dim3A_1 {strides = array<i32>} : memref<10x2048xf32, #tpu.memory_space<vmem>>, vector<16xf32>,
      %swap3A_329 = arith.index_cast %add3A_65 : i32 to index
      %swap3A_330 = arith.constant 1408 : index
      %swap3A_331 = tpu.vector_load %arg15[%swap3A_329, %swap3A_330] {strides = array<i32>} : memref<10x2048xf32, #tpu.memory_space<vmem>>, vector<16xf32>,
      tpu.vector_store %arg15[%swap3A_329, %swap3A_330], %broadcast_in_dim3A_1 {strides = array<i32>} : memref<10x2048xf32, #tpu.memory_space<vmem>>, vector<16xf32>,
      %swap3A_332 = arith.index_cast %add3A_65 : i32 to index
      %swap3A_333 = arith.constant 1424 : index
      %swap3A_334 = tpu.vector_load %arg15[%swap3A_332, %swap3A_333] {strides = array<i32>} : memref<10x2048xf32, #tpu.memory_space<vmem>>, vector<16xf32>,
      tpu.vector_store %arg15[%swap3A_332, %swap3A_333], %broadcast_in_dim3A_1 {strides = array<i32>} : memref<10x2048xf32, #tpu.memory_space<vmem>>, vector<16xf32>,
      %swap3A_335 = arith.index_cast %add3A_65 : i32 to index
      %swap3A_336 = arith.constant 1440 : index
      %swap3A_337 = tpu.vector_load %arg15[%swap3A_335, %swap3A_336] {strides = array<i32>} : memref<10x2048xf32, #tpu.memory_space<vmem>>, vector<16xf32>,
      tpu.vector_store %arg15[%swap3A_335, %swap3A_336], %broadcast_in_dim3A_1 {strides = array<i32>} : memref<10x2048xf32, #tpu.memory_space<vmem>>, vector<16xf32>,
      %swap3A_338 = arith.index_cast %add3A_65 : i32 to index
      %swap3A_339 = arith.constant 1456 : index
      %swap3A_340 = tpu.vector_load %arg15[%swap3A_338, %swap3A_339] {strides = array<i32>} : memref<10x2048xf32, #tpu.memory_space<vmem>>, vector<16xf32>,
      tpu.vector_store %arg15[%swap3A_338, %swap3A_339], %broadcast_in_dim3A_1 {strides = array<i32>} : memref<10x2048xf32, #tpu.memory_space<vmem>>, vector<16xf32>,
      %swap3A_341 = arith.index_cast %add3A_65 : i32 to index
      %swap3A_342 = arith.constant 1472 : index
      %swap3A_343 = tpu.vector_load %arg15[%swap3A_341, %swap3A_342] {strides = array<i32>} : memref<10x2048xf32, #tpu.memory_space<vmem>>, vector<16xf32>,
      tpu.vector_store %arg15[%swap3A_341, %swap3A_342], %broadcast_in_dim3A_1 {strides = array<i32>} : memref<10x2048xf32, #tpu.memory_space<vmem>>, vector<16xf32>,
      %swap3A_344 = arith.index_cast %add3A_65 : i32 to index
      %swap3A_345 = arith.constant 1488 : index
      %swap3A_346 = tpu.vector_load %arg15[%swap3A_344, %swap3A_345] {strides = array<i32>} : memref<10x2048xf32, #tpu.memory_space<vmem>>, vector<16xf32>,
      tpu.vector_store %arg15[%swap3A_344, %swap3A_345], %broadcast_in_dim3A_1 {strides = array<i32>} : memref<10x2048xf32, #tpu.memory_space<vmem>>, vector<16xf32>,
      %swap3A_347 = arith.index_cast %add3A_65 : i32 to index
      %swap3A_348 = arith.constant 1504 : index
      %swap3A_349 = tpu.vector_load %arg15[%swap3A_347, %swap3A_348] {strides = array<i32>} : memref<10x2048xf32, #tpu.memory_space<vmem>>, vector<16xf32>,
      tpu.vector_store %arg15[%swap3A_347, %swap3A_348], %broadcast_in_dim3A_1 {strides = array<i32>} : memref<10x2048xf32, #tpu.memory_space<vmem>>, vector<16xf32>,
      %swap3A_350 = arith.index_cast %add3A_65 : i32 to index
      %swap3A_351 = arith.constant 1520 : index
      %swap3A_352 = tpu.vector_load %arg15[%swap3A_350, %swap3A_351] {strides = array<i32>} : memref<10x2048xf32, #tpu.memory_space<vmem>>, vector<16xf32>,
      tpu.vector_store %arg15[%swap3A_350, %swap3A_351], %broadcast_in_dim3A_1 {strides = array<i32>} : memref<10x2048xf32, #tpu.memory_space<vmem>>, vector<16xf32>,
      %swap3A_353 = arith.index_cast %add3A_65 : i32 to index
      %swap3A_354 = arith.constant 1536 : index
      %swap3A_355 = tpu.vector_load %arg15[%swap3A_353, %swap3A_354] {strides = array<i32>} : memref<10x2048xf32, #tpu.memory_space<vmem>>, vector<16xf32>,
      tpu.vector_store %arg15[%swap3A_353, %swap3A_354], %broadcast_in_dim3A_1 {strides = array<i32>} : memref<10x2048xf32, #tpu.memory_space<vmem>>, vector<16xf32>,
      %swap3A_356 = arith.index_cast %add3A_65 : i32 to index
      %swap3A_357 = arith.constant 1552 : index
      %swap3A_358 = tpu.vector_load %arg15[%swap3A_356, %swap3A_357] {strides = array<i32>} : memref<10x2048xf32, #tpu.memory_space<vmem>>, vector<16xf32>,
      tpu.vector_store %arg15[%swap3A_356, %swap3A_357], %broadcast_in_dim3A_1 {strides = array<i32>} : memref<10x2048xf32, #tpu.memory_space<vmem>>, vector<16xf32>,
      %swap3A_359 = arith.index_cast %add3A_65 : i32 to index
      %swap3A_360 = arith.constant 1568 : index
      %swap3A_361 = tpu.vector_load %arg15[%swap3A_359, %swap3A_360] {strides = array<i32>} : memref<10x2048xf32, #tpu.memory_space<vmem>>, vector<16xf32>,
      tpu.vector_store %arg15[%swap3A_359, %swap3A_360], %broadcast_in_dim3A_1 {strides = array<i32>} : memref<10x2048xf32, #tpu.memory_space<vmem>>, vector<16xf32>,
      %swap3A_362 = arith.index_cast %add3A_65 : i32 to index
      %swap3A_363 = arith.constant 1584 : index
      %swap3A_364 = tpu.vector_load %arg15[%swap3A_362, %swap3A_363] {strides = array<i32>} : memref<10x2048xf32, #tpu.memory_space<vmem>>, vector<16xf32>,
      tpu.vector_store %arg15[%swap3A_362, %swap3A_363], %broadcast_in_dim3A_1 {strides = array<i32>} : memref<10x2048xf32, #tpu.memory_space<vmem>>, vector<16xf32>,
      %swap3A_365 = arith.index_cast %add3A_65 : i32 to index
      %swap3A_366 = arith.constant 1600 : index
      %swap3A_367 = tpu.vector_load %arg15[%swap3A_365, %swap3A_366] {strides = array<i32>} : memref<10x2048xf32, #tpu.memory_space<vmem>>, vector<16xf32>,
      tpu.vector_store %arg15[%swap3A_365, %swap3A_366], %broadcast_in_dim3A_1 {strides = array<i32>} : memref<10x2048xf32, #tpu.memory_space<vmem>>, vector<16xf32>,
      %swap3A_368 = arith.index_cast %add3A_65 : i32 to index
      %swap3A_369 = arith.constant 1616 : index
      %swap3A_370 = tpu.vector_load %arg15[%swap3A_368, %swap3A_369] {strides = array<i32>} : memref<10x2048xf32, #tpu.memory_space<vmem>>, vector<16xf32>,
      tpu.vector_store %arg15[%swap3A_368, %swap3A_369], %broadcast_in_dim3A_1 {strides = array<i32>} : memref<10x2048xf32, #tpu.memory_space<vmem>>, vector<16xf32>,
      %swap3A_371 = arith.index_cast %add3A_65 : i32 to index
      %swap3A_372 = arith.constant 1632 : index
      %swap3A_373 = tpu.vector_load %arg15[%swap3A_371, %swap3A_372] {strides = array<i32>} : memref<10x2048xf32, #tpu.memory_space<vmem>>, vector<16xf32>,
      tpu.vector_store %arg15[%swap3A_371, %swap3A_372], %broadcast_in_dim3A_1 {strides = array<i32>} : memref<10x2048xf32, #tpu.memory_space<vmem>>, vector<16xf32>,
      %swap3A_374 = arith.index_cast %add3A_65 : i32 to index
      %swap3A_375 = arith.constant 1648 : index
      %swap3A_376 = tpu.vector_load %arg15[%swap3A_374, %swap3A_375] {strides = array<i32>} : memref<10x2048xf32, #tpu.memory_space<vmem>>, vector<16xf32>,
      tpu.vector_store %arg15[%swap3A_374, %swap3A_375], %broadcast_in_dim3A_1 {strides = array<i32>} : memref<10x2048xf32, #tpu.memory_space<vmem>>, vector<16xf32>,
      %swap3A_377 = arith.index_cast %add3A_65 : i32 to index
      %swap3A_378 = arith.constant 1664 : index
      %swap3A_379 = tpu.vector_load %arg15[%swap3A_377, %swap3A_378] {strides = array<i32>} : memref<10x2048xf32, #tpu.memory_space<vmem>>, vector<16xf32>,
      tpu.vector_store %arg15[%swap3A_377, %swap3A_378], %broadcast_in_dim3A_1 {strides = array<i32>} : memref<10x2048xf32, #tpu.memory_space<vmem>>, vector<16xf32>,
      %swap3A_380 = arith.index_cast %add3A_65 : i32 to index
      %swap3A_381 = arith.constant 1680 : index
      %swap3A_382 = tpu.vector_load %arg15[%swap3A_380, %swap3A_381] {strides = array<i32>} : memref<10x2048xf32, #tpu.memory_space<vmem>>, vector<16xf32>,
      tpu.vector_store %arg15[%swap3A_380, %swap3A_381], %broadcast_in_dim3A_1 {strides = array<i32>} : memref<10x2048xf32, #tpu.memory_space<vmem>>, vector<16xf32>,
      %swap3A_383 = arith.index_cast %add3A_65 : i32 to index
      %swap3A_384 = arith.constant 1696 : index
      %swap3A_385 = tpu.vector_load %arg15[%swap3A_383, %swap3A_384] {strides = array<i32>} : memref<10x2048xf32, #tpu.memory_space<vmem>>, vector<16xf32>,
      tpu.vector_store %arg15[%swap3A_383, %swap3A_384], %broadcast_in_dim3A_1 {strides = array<i32>} : memref<10x2048xf32, #tpu.memory_space<vmem>>, vector<16xf32>,
      %swap3A_386 = arith.index_cast %add3A_65 : i32 to index
      %swap3A_387 = arith.constant 1712 : index
      %swap3A_388 = tpu.vector_load %arg15[%swap3A_386, %swap3A_387] {strides = array<i32>} : memref<10x2048xf32, #tpu.memory_space<vmem>>, vector<16xf32>,
      tpu.vector_store %arg15[%swap3A_386, %swap3A_387], %broadcast_in_dim3A_1 {strides = array<i32>} : memref<10x2048xf32, #tpu.memory_space<vmem>>, vector<16xf32>,
      %swap3A_389 = arith.index_cast %add3A_65 : i32 to index
      %swap3A_390 = arith.constant 1728 : index
      %swap3A_391 = tpu.vector_load %arg15[%swap3A_389, %swap3A_390] {strides = array<i32>} : memref<10x2048xf32, #tpu.memory_space<vmem>>, vector<16xf32>,
      tpu.vector_store %arg15[%swap3A_389, %swap3A_390], %broadcast_in_dim3A_1 {strides = array<i32>} : memref<10x2048xf32, #tpu.memory_space<vmem>>, vector<16xf32>,
      %swap3A_392 = arith.index_cast %add3A_65 : i32 to index
      %swap3A_393 = arith.constant 1744 : index
      %swap3A_394 = tpu.vector_load %arg15[%swap3A_392, %swap3A_393] {strides = array<i32>} : memref<10x2048xf32, #tpu.memory_space<vmem>>, vector<16xf32>,
      tpu.vector_store %arg15[%swap3A_392, %swap3A_393], %broadcast_in_dim3A_1 {strides = array<i32>} : memref<10x2048xf32, #tpu.memory_space<vmem>>, vector<16xf32>,
      %swap3A_395 = arith.index_cast %add3A_65 : i32 to index
      %swap3A_396 = arith.constant 1760 : index
      %swap3A_397 = tpu.vector_load %arg15[%swap3A_395, %swap3A_396] {strides = array<i32>} : memref<10x2048xf32, #tpu.memory_space<vmem>>, vector<16xf32>,
      tpu.vector_store %arg15[%swap3A_395, %swap3A_396], %broadcast_in_dim3A_1 {strides = array<i32>} : memref<10x2048xf32, #tpu.memory_space<vmem>>, vector<16xf32>,
      %swap3A_398 = arith.index_cast %add3A_65 : i32 to index
      %swap3A_399 = arith.constant 1776 : index
      %swap3A_400 = tpu.vector_load %arg15[%swap3A_398, %swap3A_399] {strides = array<i32>} : memref<10x2048xf32, #tpu.memory_space<vmem>>, vector<16xf32>,
      tpu.vector_store %arg15[%swap3A_398, %swap3A_399], %broadcast_in_dim3A_1 {strides = array<i32>} : memref<10x2048xf32, #tpu.memory_space<vmem>>, vector<16xf32>,
      %swap3A_401 = arith.index_cast %add3A_65 : i32 to index
      %swap3A_402 = arith.constant 1792 : index
      %swap3A_403 = tpu.vector_load %arg15[%swap3A_401, %swap3A_402] {strides = array<i32>} : memref<10x2048xf32, #tpu.memory_space<vmem>>, vector<16xf32>,
      tpu.vector_store %arg15[%swap3A_401, %swap3A_402], %broadcast_in_dim3A_1 {strides = array<i32>} : memref<10x2048xf32, #tpu.memory_space<vmem>>, vector<16xf32>,
      %swap3A_404 = arith.index_cast %add3A_65 : i32 to index
      %swap3A_405 = arith.constant 1808 : index
      %swap3A_406 = tpu.vector_load %arg15[%swap3A_404, %swap3A_405] {strides = array<i32>} : memref<10x2048xf32, #tpu.memory_space<vmem>>, vector<16xf32>,
      tpu.vector_store %arg15[%swap3A_404, %swap3A_405], %broadcast_in_dim3A_1 {strides = array<i32>} : memref<10x2048xf32, #tpu.memory_space<vmem>>, vector<16xf32>,
      %swap3A_407 = arith.index_cast %add3A_65 : i32 to index
      %swap3A_408 = arith.constant 1824 : index
      %swap3A_409 = tpu.vector_load %arg15[%swap3A_407, %swap3A_408] {strides = array<i32>} : memref<10x2048xf32, #tpu.memory_space<vmem>>, vector<16xf32>,
      tpu.vector_store %arg15[%swap3A_407, %swap3A_408], %broadcast_in_dim3A_1 {strides = array<i32>} : memref<10x2048xf32, #tpu.memory_space<vmem>>, vector<16xf32>,
      %swap3A_410 = arith.index_cast %add3A_65 : i32 to index
      %swap3A_411 = arith.constant 1840 : index
      %swap3A_412 = tpu.vector_load %arg15[%swap3A_410, %swap3A_411] {strides = array<i32>} : memref<10x2048xf32, #tpu.memory_space<vmem>>, vector<16xf32>,
      tpu.vector_store %arg15[%swap3A_410, %swap3A_411], %broadcast_in_dim3A_1 {strides = array<i32>} : memref<10x2048xf32, #tpu.memory_space<vmem>>, vector<16xf32>,
      %swap3A_413 = arith.index_cast %add3A_65 : i32 to index
      %swap3A_414 = arith.constant 1856 : index
      %swap3A_415 = tpu.vector_load %arg15[%swap3A_413, %swap3A_414] {strides = array<i32>} : memref<10x2048xf32, #tpu.memory_space<vmem>>, vector<16xf32>,
      tpu.vector_store %arg15[%swap3A_413, %swap3A_414], %broadcast_in_dim3A_1 {strides = array<i32>} : memref<10x2048xf32, #tpu.memory_space<vmem>>, vector<16xf32>,
      %swap3A_416 = arith.index_cast %add3A_65 : i32 to index
      %swap3A_417 = arith.constant 1872 : index
      %swap3A_418 = tpu.vector_load %arg15[%swap3A_416, %swap3A_417] {strides = array<i32>} : memref<10x2048xf32, #tpu.memory_space<vmem>>, vector<16xf32>,
      tpu.vector_store %arg15[%swap3A_416, %swap3A_417], %broadcast_in_dim3A_1 {strides = array<i32>} : memref<10x2048xf32, #tpu.memory_space<vmem>>, vector<16xf32>,
      %swap3A_419 = arith.index_cast %add3A_65 : i32 to index
      %swap3A_420 = arith.constant 1888 : index
      %swap3A_421 = tpu.vector_load %arg15[%swap3A_419, %swap3A_420] {strides = array<i32>} : memref<10x2048xf32, #tpu.memory_space<vmem>>, vector<16xf32>,
      tpu.vector_store %arg15[%swap3A_419, %swap3A_420], %broadcast_in_dim3A_1 {strides = array<i32>} : memref<10x2048xf32, #tpu.memory_space<vmem>>, vector<16xf32>,
      %swap3A_422 = arith.index_cast %add3A_65 : i32 to index
      %swap3A_423 = arith.constant 1904 : index
      %swap3A_424 = tpu.vector_load %arg15[%swap3A_422, %swap3A_423] {strides = array<i32>} : memref<10x2048xf32, #tpu.memory_space<vmem>>, vector<16xf32>,
      tpu.vector_store %arg15[%swap3A_422, %swap3A_423], %broadcast_in_dim3A_1 {strides = array<i32>} : memref<10x2048xf32, #tpu.memory_space<vmem>>, vector<16xf32>,
      %swap3A_425 = arith.index_cast %add3A_65 : i32 to index
      %swap3A_426 = arith.constant 1920 : index
      %swap3A_427 = tpu.vector_load %arg15[%swap3A_425, %swap3A_426] {strides = array<i32>} : memref<10x2048xf32, #tpu.memory_space<vmem>>, vector<16xf32>,
      tpu.vector_store %arg15[%swap3A_425, %swap3A_426], %broadcast_in_dim3A_1 {strides = array<i32>} : memref<10x2048xf32, #tpu.memory_space<vmem>>, vector<16xf32>,
      %swap3A_428 = arith.index_cast %add3A_65 : i32 to index
      %swap3A_429 = arith.constant 1936 : index
      %swap3A_430 = tpu.vector_load %arg15[%swap3A_428, %swap3A_429] {strides = array<i32>} : memref<10x2048xf32, #tpu.memory_space<vmem>>, vector<16xf32>,
      tpu.vector_store %arg15[%swap3A_428, %swap3A_429], %broadcast_in_dim3A_1 {strides = array<i32>} : memref<10x2048xf32, #tpu.memory_space<vmem>>, vector<16xf32>,
      %swap3A_431 = arith.index_cast %add3A_65 : i32 to index
      %swap3A_432 = arith.constant 1952 : index
      %swap3A_433 = tpu.vector_load %arg15[%swap3A_431, %swap3A_432] {strides = array<i32>} : memref<10x2048xf32, #tpu.memory_space<vmem>>, vector<16xf32>,
      tpu.vector_store %arg15[%swap3A_431, %swap3A_432], %broadcast_in_dim3A_1 {strides = array<i32>} : memref<10x2048xf32, #tpu.memory_space<vmem>>, vector<16xf32>,
      %swap3A_434 = arith.index_cast %add3A_65 : i32 to index
      %swap3A_435 = arith.constant 1968 : index
      %swap3A_436 = tpu.vector_load %arg15[%swap3A_434, %swap3A_435] {strides = array<i32>} : memref<10x2048xf32, #tpu.memory_space<vmem>>, vector<16xf32>,
      tpu.vector_store %arg15[%swap3A_434, %swap3A_435], %broadcast_in_dim3A_1 {strides = array<i32>} : memref<10x2048xf32, #tpu.memory_space<vmem>>, vector<16xf32>,
      %swap3A_437 = arith.index_cast %add3A_65 : i32 to index
      %swap3A_438 = arith.constant 1984 : index
      %swap3A_439 = tpu.vector_load %arg15[%swap3A_437, %swap3A_438] {strides = array<i32>} : memref<10x2048xf32, #tpu.memory_space<vmem>>, vector<16xf32>,
      tpu.vector_store %arg15[%swap3A_437, %swap3A_438], %broadcast_in_dim3A_1 {strides = array<i32>} : memref<10x2048xf32, #tpu.memory_space<vmem>>, vector<16xf32>,
      %swap3A_440 = arith.index_cast %add3A_65 : i32 to index
      %swap3A_441 = arith.constant 2000 : index
      %swap3A_442 = tpu.vector_load %arg15[%swap3A_440, %swap3A_441] {strides = array<i32>} : memref<10x2048xf32, #tpu.memory_space<vmem>>, vector<16xf32>,
      tpu.vector_store %arg15[%swap3A_440, %swap3A_441], %broadcast_in_dim3A_1 {strides = array<i32>} : memref<10x2048xf32, #tpu.memory_space<vmem>>, vector<16xf32>,
      %swap3A_443 = arith.index_cast %add3A_65 : i32 to index
      %swap3A_444 = arith.constant 2016 : index
      %swap3A_445 = tpu.vector_load %arg15[%swap3A_443, %swap3A_444] {strides = array<i32>} : memref<10x2048xf32, #tpu.memory_space<vmem>>, vector<16xf32>,
      tpu.vector_store %arg15[%swap3A_443, %swap3A_444], %broadcast_in_dim3A_1 {strides = array<i32>} : memref<10x2048xf32, #tpu.memory_space<vmem>>, vector<16xf32>,
      %swap3A_446 = arith.index_cast %add3A_65 : i32 to index
      %swap3A_447 = arith.constant 2032 : index
      %swap3A_448 = tpu.vector_load %arg15[%swap3A_446, %swap3A_447] {strides = array<i32>} : memref<10x2048xf32, #tpu.memory_space<vmem>>, vector<16xf32>,
      tpu.vector_store %arg15[%swap3A_446, %swap3A_447], %broadcast_in_dim3A_1 {strides = array<i32>} : memref<10x2048xf32, #tpu.memory_space<vmem>>, vector<16xf32>,
    }
    %scan3A_5 = arith.constant 10 : i32
    %scan3A_6 = arith.constant 0 : i32
    %scan3A_7 = arith.constant 48 : i32
    %scan3A_8 = arith.addi %scan3A_6, %scan3A_7 : i32
    %scan3A_9 = arith.constant 1 : i32
    scf.for %scan3A_61 = %scan3A_6 to %scan3A_8 step %scan3A_9  : i32 {
      %mul3A_62 = arith.constant 1 : i32
      %mul3A_63 = arith.muli %scan3A_61, %mul3A_62 : i32
      %add3A_64 = arith.constant 0 : i32
      %add3A_65 = arith.addi %add3A_64, %mul3A_63 : i32
      %swap3A = arith.index_cast %add3A_65 : i32 to index
      %swap3A_66 = arith.constant 0 : index
      %swap3A_67 = tpu.vector_load %arg12[%swap3A, %swap3A_66] {strides = array<i32>} : memref<48x128xf32, #tpu.memory_space<vmem>>, vector<16xf32>,
      tpu.vector_store %arg12[%swap3A, %swap3A_66], %broadcast_in_dim3A_1 {strides = array<i32>} : memref<48x128xf32, #tpu.memory_space<vmem>>, vector<16xf32>,
      %swap3A_68 = arith.index_cast %add3A_65 : i32 to index
      %swap3A_69 = arith.constant 16 : index
      %swap3A_70 = tpu.vector_load %arg12[%swap3A_68, %swap3A_69] {strides = array<i32>} : memref<48x128xf32, #tpu.memory_space<vmem>>, vector<16xf32>,
      tpu.vector_store %arg12[%swap3A_68, %swap3A_69], %broadcast_in_dim3A_1 {strides = array<i32>} : memref<48x128xf32, #tpu.memory_space<vmem>>, vector<16xf32>,
      %swap3A_71 = arith.index_cast %add3A_65 : i32 to index
      %swap3A_72 = arith.constant 32 : index
      %swap3A_73 = tpu.vector_load %arg12[%swap3A_71, %swap3A_72] {strides = array<i32>} : memref<48x128xf32, #tpu.memory_space<vmem>>, vector<16xf32>,
      tpu.vector_store %arg12[%swap3A_71, %swap3A_72], %broadcast_in_dim3A_1 {strides = array<i32>} : memref<48x128xf32, #tpu.memory_space<vmem>>, vector<16xf32>,
      %swap3A_74 = arith.index_cast %add3A_65 : i32 to index
      %swap3A_75 = arith.constant 48 : index
      %swap3A_76 = tpu.vector_load %arg12[%swap3A_74, %swap3A_75] {strides = array<i32>} : memref<48x128xf32, #tpu.memory_space<vmem>>, vector<16xf32>,
      tpu.vector_store %arg12[%swap3A_74, %swap3A_75], %broadcast_in_dim3A_1 {strides = array<i32>} : memref<48x128xf32, #tpu.memory_space<vmem>>, vector<16xf32>,
      %swap3A_77 = arith.index_cast %add3A_65 : i32 to index
      %swap3A_78 = arith.constant 64 : index
      %swap3A_79 = tpu.vector_load %arg12[%swap3A_77, %swap3A_78] {strides = array<i32>} : memref<48x128xf32, #tpu.memory_space<vmem>>, vector<16xf32>,
      tpu.vector_store %arg12[%swap3A_77, %swap3A_78], %broadcast_in_dim3A_1 {strides = array<i32>} : memref<48x128xf32, #tpu.memory_space<vmem>>, vector<16xf32>,
      %swap3A_80 = arith.index_cast %add3A_65 : i32 to index
      %swap3A_81 = arith.constant 80 : index
      %swap3A_82 = tpu.vector_load %arg12[%swap3A_80, %swap3A_81] {strides = array<i32>} : memref<48x128xf32, #tpu.memory_space<vmem>>, vector<16xf32>,
      tpu.vector_store %arg12[%swap3A_80, %swap3A_81], %broadcast_in_dim3A_1 {strides = array<i32>} : memref<48x128xf32, #tpu.memory_space<vmem>>, vector<16xf32>,
      %swap3A_83 = arith.index_cast %add3A_65 : i32 to index
      %swap3A_84 = arith.constant 96 : index
      %swap3A_85 = tpu.vector_load %arg12[%swap3A_83, %swap3A_84] {strides = array<i32>} : memref<48x128xf32, #tpu.memory_space<vmem>>, vector<16xf32>,
      tpu.vector_store %arg12[%swap3A_83, %swap3A_84], %broadcast_in_dim3A_1 {strides = array<i32>} : memref<48x128xf32, #tpu.memory_space<vmem>>, vector<16xf32>,
      %swap3A_86 = arith.index_cast %add3A_65 : i32 to index
      %swap3A_87 = arith.constant 112 : index
      %swap3A_88 = tpu.vector_load %arg12[%swap3A_86, %swap3A_87] {strides = array<i32>} : memref<48x128xf32, #tpu.memory_space<vmem>>, vector<16xf32>,
      tpu.vector_store %arg12[%swap3A_86, %swap3A_87], %broadcast_in_dim3A_1 {strides = array<i32>} : memref<48x128xf32, #tpu.memory_space<vmem>>, vector<16xf32>,
    }
    %scan3A_10 = arith.constant 48 : i32
    %scan3A_11 = arith.constant 0 : i32
    %scan3A_12 = arith.constant 13 : i32
    %scan3A_13 = arith.addi %scan3A_11, %scan3A_12 : i32
    %scan3A_14 = arith.constant 1 : i32
    scf.for %scan3A_61 = %scan3A_11 to %scan3A_13 step %scan3A_14  : i32 {
      %mul3A_62 = arith.constant 1 : i32
      %mul3A_63 = arith.muli %scan3A_61, %mul3A_62 : i32
      %add3A_64 = arith.constant 0 : i32
      %add3A_65 = arith.addi %add3A_64, %mul3A_63 : i32
      %mul3A_66 = arith.constant 640 : i32
      %mul3A_67 = arith.muli %arg1, %mul3A_66 : i32
      %mul3A_68 = arith.constant 48 : i32
      %mul3A_69 = arith.muli %add3A_65, %mul3A_68 : i32
      %add3A_70 = arith.addi %mul3A_67, %mul3A_69 : i32
      "tpu.region"() ({
        %run_scoped3A = tpu.sem_alloc : memref<!tpu.dma_semaphore, #tpu.memory_space<semaphore_mem>>
        %dma_start3A = arith.constant 0 : i32
        %dma_start3A_71 = tpu.memref_slice %arg16[%add3A_70, %dma_start3A] : memref<10240x128xf32, #tpu.memory_space<vmem_shared>> -> memref<48x128xf32, #tpu.memory_space<vmem_shared>>
        %dma_start3A_72 = arith.constant 0 : i32
        %dma_start3A_73 = tpu.memref_slice %arg16[%add3A_70, %dma_start3A_72] : memref<10240x128xf32, #tpu.memory_space<vmem_shared>> -> memref<48x128xf32, #tpu.memory_space<vmem_shared>>
        tpu.enqueue_dma source(%arg12 : memref<48x128xf32, #tpu.memory_space<vmem>>) target(%dma_start3A_73 : memref<48x128xf32, #tpu.memory_space<vmem_shared>>) target_semaphore(%run_scoped3A : memref<!tpu.dma_semaphore, #tpu.memory_space<semaphore_mem>>)
        %dma_wait3A = arith.constant 0 : i32
        %dma_wait3A_74 = tpu.memref_slice %arg16[%add3A_70, %dma_wait3A] : memref<10240x128xf32, #tpu.memory_space<vmem_shared>> -> memref<48x128xf32, #tpu.memory_space<vmem_shared>>
        %dma_wait3A_75 = arith.constant 0 : i32
        %dma_wait3A_76 = tpu.memref_slice %arg16[%add3A_70, %dma_wait3A_75] : memref<10240x128xf32, #tpu.memory_space<vmem_shared>> -> memref<48x128xf32, #tpu.memory_space<vmem_shared>>
        tpu.wait_dma2 semaphore(%run_scoped3A : memref<!tpu.dma_semaphore, #tpu.memory_space<semaphore_mem>>) src(%arg12 : memref<48x128xf32, #tpu.memory_space<vmem>>) dst(%dma_wait3A_76 : memref<48x128xf32, #tpu.memory_space<vmem_shared>>)
        tpu.yield
      }) : () -> ()
    }
    %scan3A_15 = arith.constant 13 : i32
    %mul3A_16 = arith.constant 640 : i32
    %mul3A_17 = arith.muli %arg1, %mul3A_16 : i32
    %add3A_18 = arith.constant 624 : i32
    %add3A_19 = arith.addi %mul3A_17, %add3A_18 : i32
    "tpu.region"() ({
      %run_scoped3A = tpu.sem_alloc : memref<!tpu.dma_semaphore, #tpu.memory_space<semaphore_mem>>
      %dma_start3A = arith.constant 0 : i32
      %dma_start3A_61 = arith.constant 0 : i32
      %dma_start3A_62 = tpu.memref_slice %arg12[%dma_start3A, %dma_start3A_61] : memref<48x128xf32, #tpu.memory_space<vmem>> -> memref<16x128xf32, #tpu.memory_space<vmem>>
      %dma_start3A_63 = arith.constant 0 : i32
      %dma_start3A_64 = tpu.memref_slice %arg16[%add3A_19, %dma_start3A_63] : memref<10240x128xf32, #tpu.memory_space<vmem_shared>> -> memref<16x128xf32, #tpu.memory_space<vmem_shared>>
      %dma_start3A_65 = arith.constant 0 : i32
      %dma_start3A_66 = tpu.memref_slice %arg16[%add3A_19, %dma_start3A_65] : memref<10240x128xf32, #tpu.memory_space<vmem_shared>> -> memref<16x128xf32, #tpu.memory_space<vmem_shared>>
      %dma_start3A_67 = arith.constant 0 : i32
      %dma_start3A_68 = arith.constant 0 : i32
      %dma_start3A_69 = tpu.memref_slice %arg12[%dma_start3A_67, %dma_start3A_68] : memref<48x128xf32, #tpu.memory_space<vmem>> -> memref<16x128xf32, #tpu.memory_space<vmem>>
      tpu.enqueue_dma source(%dma_start3A_69 : memref<16x128xf32, #tpu.memory_space<vmem>>) target(%dma_start3A_66 : memref<16x128xf32, #tpu.memory_space<vmem_shared>>) target_semaphore(%run_scoped3A : memref<!tpu.dma_semaphore, #tpu.memory_space<semaphore_mem>>)
      %dma_wait3A = arith.constant 0 : i32
      %dma_wait3A_70 = arith.constant 0 : i32
      %dma_wait3A_71 = tpu.memref_slice %arg12[%dma_wait3A, %dma_wait3A_70] : memref<48x128xf32, #tpu.memory_space<vmem>> -> memref<16x128xf32, #tpu.memory_space<vmem>>
      %dma_wait3A_72 = arith.constant 0 : i32
      %dma_wait3A_73 = tpu.memref_slice %arg16[%add3A_19, %dma_wait3A_72] : memref<10240x128xf32, #tpu.memory_space<vmem_shared>> -> memref<16x128xf32, #tpu.memory_space<vmem_shared>>
      %dma_wait3A_74 = arith.constant 0 : i32
      %dma_wait3A_75 = tpu.memref_slice %arg16[%add3A_19, %dma_wait3A_74] : memref<10240x128xf32, #tpu.memory_space<vmem_shared>> -> memref<16x128xf32, #tpu.memory_space<vmem_shared>>
      %dma_wait3A_76 = arith.constant 0 : i32
      %dma_wait3A_77 = arith.constant 0 : i32
      %dma_wait3A_78 = tpu.memref_slice %arg12[%dma_wait3A_76, %dma_wait3A_77] : memref<48x128xf32, #tpu.memory_space<vmem>> -> memref<16x128xf32, #tpu.memory_space<vmem>>
      tpu.wait_dma2 semaphore(%run_scoped3A : memref<!tpu.dma_semaphore, #tpu.memory_space<semaphore_mem>>) src(%dma_wait3A_78 : memref<16x128xf32, #tpu.memory_space<vmem>>) dst(%dma_wait3A_75 : memref<16x128xf32, #tpu.memory_space<vmem_shared>>)
      tpu.yield
    }) : () -> ()
    %barrier3A = arith.constant 0 : index
    tpu.barrier barrier_id(%barrier3A)
    "tpu.region"() ({
      %run_scoped3A = tpu.sem_alloc : memref<!tpu.dma_semaphore, #tpu.memory_space<semaphore_mem>>
      %dma_start3A = arith.constant 1632 : i32
      %dma_start3A_61 = tpu.memref_slice %arg14[%dma_start3A] : memref<1792xf32, #tpu.memory_space<vmem>> -> memref<128xf32, #tpu.memory_space<vmem>>
      %dma_start3A_62 = arith.constant 1632 : i32
      %dma_start3A_63 = tpu.memref_slice %arg14[%dma_start3A_62] : memref<1792xf32, #tpu.memory_space<vmem>> -> memref<128xf32, #tpu.memory_space<vmem>>
      tpu.enqueue_dma source(%arg6 : memref<128xf32, #tpu.memory_space<hbm>>) target(%dma_start3A_63 : memref<128xf32, #tpu.memory_space<vmem>>) target_semaphore(%run_scoped3A : memref<!tpu.dma_semaphore, #tpu.memory_space<semaphore_mem>>)
      %dma_wait3A = arith.constant 1632 : i32
      %dma_wait3A_64 = tpu.memref_slice %arg14[%dma_wait3A] : memref<1792xf32, #tpu.memory_space<vmem>> -> memref<128xf32, #tpu.memory_space<vmem>>
      %dma_wait3A_65 = arith.constant 1632 : i32
      %dma_wait3A_66 = tpu.memref_slice %arg14[%dma_wait3A_65] : memref<1792xf32, #tpu.memory_space<vmem>> -> memref<128xf32, #tpu.memory_space<vmem>>
      tpu.wait_dma2 semaphore(%run_scoped3A : memref<!tpu.dma_semaphore, #tpu.memory_space<semaphore_mem>>) src(%arg6 : memref<128xf32, #tpu.memory_space<hbm>>) dst(%dma_wait3A_66 : memref<128xf32, #tpu.memory_space<vmem>>)
      tpu.yield
    }) : () -> ()
    "tpu.region"() ({
      %run_scoped3A = tpu.sem_alloc : memref<!tpu.dma_semaphore, #tpu.memory_space<semaphore_mem>>
      %dma_start3A = arith.constant 1760 : i32
      %dma_start3A_61 = tpu.memref_slice %arg14[%dma_start3A] : memref<1792xf32, #tpu.memory_space<vmem>> -> memref<32xf32, #tpu.memory_space<vmem>>
      %dma_start3A_62 = arith.constant 1760 : i32
      %dma_start3A_63 = tpu.memref_slice %arg14[%dma_start3A_62] : memref<1792xf32, #tpu.memory_space<vmem>> -> memref<32xf32, #tpu.memory_space<vmem>>
      tpu.enqueue_dma source(%arg7 : memref<32xf32, #tpu.memory_space<hbm>>) target(%dma_start3A_63 : memref<32xf32, #tpu.memory_space<vmem>>) target_semaphore(%run_scoped3A : memref<!tpu.dma_semaphore, #tpu.memory_space<semaphore_mem>>)
      %dma_wait3A = arith.constant 1760 : i32
      %dma_wait3A_64 = tpu.memref_slice %arg14[%dma_wait3A] : memref<1792xf32, #tpu.memory_space<vmem>> -> memref<32xf32, #tpu.memory_space<vmem>>
      %dma_wait3A_65 = arith.constant 1760 : i32
      %dma_wait3A_66 = tpu.memref_slice %arg14[%dma_wait3A_65] : memref<1792xf32, #tpu.memory_space<vmem>> -> memref<32xf32, #tpu.memory_space<vmem>>
      tpu.wait_dma2 semaphore(%run_scoped3A : memref<!tpu.dma_semaphore, #tpu.memory_space<semaphore_mem>>) src(%arg7 : memref<32xf32, #tpu.memory_space<hbm>>) dst(%dma_wait3A_66 : memref<32xf32, #tpu.memory_space<vmem>>)
      tpu.yield
    }) : () -> ()
    %get3A = arith.constant 1632 : index
    %get3A_20 = tpu.vector_load %arg14[%get3A] {strides = array<i32>} : memref<1792xf32, #tpu.memory_space<vmem>>, vector<16xf32>,
    %get3A_21 = arith.constant 1648 : index
    %get3A_22 = tpu.vector_load %arg14[%get3A_21] {strides = array<i32>} : memref<1792xf32, #tpu.memory_space<vmem>>, vector<16xf32>,
    %get3A_23 = arith.constant 1664 : index
    %get3A_24 = tpu.vector_load %arg14[%get3A_23] {strides = array<i32>} : memref<1792xf32, #tpu.memory_space<vmem>>, vector<16xf32>,
    %get3A_25 = arith.constant 1680 : index
    %get3A_26 = tpu.vector_load %arg14[%get3A_25] {strides = array<i32>} : memref<1792xf32, #tpu.memory_space<vmem>>, vector<16xf32>,
    %get3A_27 = arith.constant 1696 : index
    %get3A_28 = tpu.vector_load %arg14[%get3A_27] {strides = array<i32>} : memref<1792xf32, #tpu.memory_space<vmem>>, vector<16xf32>,
    %get3A_29 = arith.constant 1712 : index
    %get3A_30 = tpu.vector_load %arg14[%get3A_29] {strides = array<i32>} : memref<1792xf32, #tpu.memory_space<vmem>>, vector<16xf32>,
    %get3A_31 = arith.constant 1728 : index
    %get3A_32 = tpu.vector_load %arg14[%get3A_31] {strides = array<i32>} : memref<1792xf32, #tpu.memory_space<vmem>>, vector<16xf32>,
    %get3A_33 = arith.constant 1744 : index
    %get3A_34 = tpu.vector_load %arg14[%get3A_33] {strides = array<i32>} : memref<1792xf32, #tpu.memory_space<vmem>>, vector<16xf32>,
    %get3A_35 = arith.constant 1760 : index
    %get3A_36 = tpu.vector_load %arg14[%get3A_35] {strides = array<i32>} : memref<1792xf32, #tpu.memory_space<vmem>>, vector<16xf32>,
    %get3A_37 = arith.constant 1776 : index
    %get3A_38 = tpu.vector_load %arg14[%get3A_37] {strides = array<i32>} : memref<1792xf32, #tpu.memory_space<vmem>>, vector<16xf32>,
    %mul3A_39 = arith.constant 32 : i32
    %mul3A_40 = vector.broadcast %mul3A_39 : i32 to vector<16xi32>
    %mul3A_41 = arith.muli %iota3A, %mul3A_40 : vector<16xi32>
    %min3A = arith.constant 1 : i32
    %min3A_42 = vector.broadcast %min3A : i32 to vector<16xi32>
    %min3A_43 = arith.minsi %iota3A, %min3A_42 : vector<16xi32>
    %mul3A_44 = arith.constant 5 : i32
    %mul3A_45 = vector.broadcast %mul3A_44 : i32 to vector<16xi32>
    %mul3A_46 = arith.muli %min3A_43, %mul3A_45 : vector<16xi32>
    %mul3A_47 = arith.constant 215 : i32
    %mul3A_48 = arith.muli %add3A, %mul3A_47 : i32
    %mul3A_49 = arith.constant 48 : i32
    %mul3A_50 = arith.muli %mul3A_48, %mul3A_49 : i32
    %scan3A_51 = arith.constant 0 : i32
    %scan3A_52 = arith.constant 215 : i32
    %scan3A_53 = arith.addi %scan3A_51, %scan3A_52 : i32
    %scan3A_54 = arith.constant 1 : i32
    scf.for %scan3A_61 = %scan3A_51 to %scan3A_53 step %scan3A_54  : i32 {
      %mul3A_62 = arith.constant 1 : i32
      %mul3A_63 = arith.muli %scan3A_61, %mul3A_62 : i32
      %add3A_64 = arith.constant 0 : i32
      %add3A_65 = arith.addi %add3A_64, %mul3A_63 : i32
      %mul3A_66 = arith.constant 48 : i32
      %mul3A_67 = arith.muli %add3A_65, %mul3A_66 : i32
      %add3A_68 = arith.addi %mul3A_50, %mul3A_67 : i32
      "tpu.region"() ({
        %run_scoped3A = tpu.sem_alloc : memref<!tpu.dma_semaphore, #tpu.memory_space<semaphore_mem>>
        %dma_start3A_89 = tpu.memref_slice %arg4[%add3A_68] : memref<330240xi32, #tpu.memory_space<hbm>> -> memref<48xi32, #tpu.memory_space<hbm>>
        %dma_start3A_90 = tpu.memref_slice %arg4[%add3A_68] : memref<330240xi32, #tpu.memory_space<hbm>> -> memref<48xi32, #tpu.memory_space<hbm>>
        tpu.enqueue_dma source(%dma_start3A_90 : memref<48xi32, #tpu.memory_space<hbm>>) target(%arg10 : memref<48xi32, #tpu.memory_space<vmem>>) target_semaphore(%run_scoped3A : memref<!tpu.dma_semaphore, #tpu.memory_space<semaphore_mem>>)
        %dma_wait3A_91 = tpu.memref_slice %arg4[%add3A_68] : memref<330240xi32, #tpu.memory_space<hbm>> -> memref<48xi32, #tpu.memory_space<hbm>>
        %dma_wait3A_92 = tpu.memref_slice %arg4[%add3A_68] : memref<330240xi32, #tpu.memory_space<hbm>> -> memref<48xi32, #tpu.memory_space<hbm>>
        tpu.wait_dma2 semaphore(%run_scoped3A : memref<!tpu.dma_semaphore, #tpu.memory_space<semaphore_mem>>) src(%dma_wait3A_92 : memref<48xi32, #tpu.memory_space<hbm>>) dst(%arg10 : memref<48xi32, #tpu.memory_space<vmem>>)
        tpu.yield
      }) : () -> ()
      "tpu.region"() ({
        %run_scoped3A = tpu.sem_alloc : memref<!tpu.dma_semaphore, #tpu.memory_space<semaphore_mem>>
        %dma_start3A_89 = tpu.memref_slice %arg5[%add3A_68] : memref<330240xi32, #tpu.memory_space<hbm>> -> memref<48xi32, #tpu.memory_space<hbm>>
        %dma_start3A_90 = tpu.memref_slice %arg5[%add3A_68] : memref<330240xi32, #tpu.memory_space<hbm>> -> memref<48xi32, #tpu.memory_space<hbm>>
        tpu.enqueue_dma source(%dma_start3A_90 : memref<48xi32, #tpu.memory_space<hbm>>) target(%arg11 : memref<48xi32, #tpu.memory_space<vmem>>) target_semaphore(%run_scoped3A : memref<!tpu.dma_semaphore, #tpu.memory_space<semaphore_mem>>)
        %dma_wait3A_91 = tpu.memref_slice %arg5[%add3A_68] : memref<330240xi32, #tpu.memory_space<hbm>> -> memref<48xi32, #tpu.memory_space<hbm>>
        %dma_wait3A_92 = tpu.memref_slice %arg5[%add3A_68] : memref<330240xi32, #tpu.memory_space<hbm>> -> memref<48xi32, #tpu.memory_space<hbm>>
        tpu.wait_dma2 semaphore(%run_scoped3A : memref<!tpu.dma_semaphore, #tpu.memory_space<semaphore_mem>>) src(%dma_wait3A_92 : memref<48xi32, #tpu.memory_space<hbm>>) dst(%arg11 : memref<48xi32, #tpu.memory_space<vmem>>)
        tpu.yield
      }) : () -> ()
      %dma_start3A = arith.constant 0 : i32
      %dma_start3A_69 = arith.constant 0 : i32
      %dma_start3A_70 = tpu.memref_slice %arg2[%dma_start3A, %dma_start3A_69] : memref<10240x128xf32, #tpu.memory_space<hbm>> -> memref<10240x128xf32, #tpu.memory_space<hbm>>
      tpu.enqueue_indirect_dma source(%dma_start3A_70 : memref<10240x128xf32, #tpu.memory_space<hbm>>) target(%arg12 : memref<48x128xf32, #tpu.memory_space<vmem>>) offsets(%arg10 : memref<48xi32, #tpu.memory_space<vmem>>) semaphore(%arg17 : memref<!tpu.dma_semaphore, #tpu.memory_space<semaphore_mem>>)
      %dma_start3A_71 = arith.constant 0 : i32
      %dma_start3A_72 = arith.constant 0 : i32
      %dma_start3A_73 = tpu.memref_slice %arg3[%dma_start3A_71, %dma_start3A_72] : memref<10240x128xf32, #tpu.memory_space<hbm>> -> memref<10240x128xf32, #tpu.memory_space<hbm>>
      tpu.enqueue_indirect_dma source(%dma_start3A_73 : memref<10240x128xf32, #tpu.memory_space<hbm>>) target(%arg13 : memref<48x128xf32, #tpu.memory_space<vmem>>) offsets(%arg11 : memref<48xi32, #tpu.memory_space<vmem>>) semaphore(%arg18 : memref<!tpu.dma_semaphore, #tpu.memory_space<semaphore_mem>>)
      %dma_wait3A = arith.constant 0 : i32
      %dma_wait3A_74 = arith.constant 0 : i32
      %dma_wait3A_75 = tpu.memref_slice %arg2[%dma_wait3A, %dma_wait3A_74] : memref<10240x128xf32, #tpu.memory_space<hbm>> -> memref<10240x128xf32, #tpu.memory_space<hbm>>
      tpu.wait_indirect_dma semaphore(%arg17 : memref<!tpu.dma_semaphore, #tpu.memory_space<semaphore_mem>>) src(%dma_wait3A_75 : memref<10240x128xf32, #tpu.memory_space<hbm>>) dst(%arg12 : memref<48x128xf32, #tpu.memory_space<vmem>>)
      %dma_wait3A_76 = arith.constant 0 : i32
      %dma_wait3A_77 = arith.constant 0 : i32
      %dma_wait3A_78 = tpu.memref_slice %arg3[%dma_wait3A_76, %dma_wait3A_77] : memref<10240x128xf32, #tpu.memory_space<hbm>> -> memref<10240x128xf32, #tpu.memory_space<hbm>>
      tpu.wait_indirect_dma semaphore(%arg18 : memref<!tpu.dma_semaphore, #tpu.memory_space<semaphore_mem>>) src(%dma_wait3A_78 : memref<10240x128xf32, #tpu.memory_space<hbm>>) dst(%arg13 : memref<48x128xf32, #tpu.memory_space<vmem>>)
      %parallel_loop3A = arith.constant 0 : i32
      %parallel_loop3A_79 = arith.constant 48 : i32
      %parallel_loop3A_80 = arith.constant 1 : i32
      scf.for %parallel_loop3A_89 = %parallel_loop3A to %parallel_loop3A_79 step %parallel_loop3A_80  : i32 {
        %parallel_loop3A_90 = arith.index_cast %parallel_loop3A_89 : i32 to index
        %parallel_loop3A_91 = arith.constant 0 : index
        %parallel_loop3A_92 = tpu.vector_load %arg12[%parallel_loop3A_90, %parallel_loop3A_91] {strides = array<i32>} : memref<48x128xf32, #tpu.memory_space<vmem>>, vector<16xf32>,
        %parallel_loop3A_93 = arith.index_cast %parallel_loop3A_89 : i32 to index
        %parallel_loop3A_94 = arith.constant 0 : index
        %parallel_loop3A_95 = tpu.vector_load %arg13[%parallel_loop3A_93, %parallel_loop3A_94] {strides = array<i32>} : memref<48x128xf32, #tpu.memory_space<vmem>>, vector<16xf32>,
        %parallel_loop3A_96 = arith.addf %parallel_loop3A_92, %parallel_loop3A_95 : vector<16xf32>
        %parallel_loop3A_97 = arith.constant 2.000000e-01 : f32
        %parallel_loop3A_98 = vector.broadcast %parallel_loop3A_97 : f32 to vector<16xf32>
        %parallel_loop3A_99 = arith.mulf %parallel_loop3A_98, %parallel_loop3A_96 : vector<16xf32>
        %parallel_loop3A_100 = arith.maximumf %parallel_loop3A_96, %parallel_loop3A_99 : vector<16xf32>
        %parallel_loop3A_101 = arith.mulf %parallel_loop3A_100, %get3A_20 : vector<16xf32>
        %parallel_loop3A_102 = arith.addf %broadcast_in_dim3A_1, %parallel_loop3A_101 : vector<16xf32>
        %parallel_loop3A_103 = arith.index_cast %parallel_loop3A_89 : i32 to index
        %parallel_loop3A_104 = arith.constant 16 : index
        %parallel_loop3A_105 = tpu.vector_load %arg12[%parallel_loop3A_103, %parallel_loop3A_104] {strides = array<i32>} : memref<48x128xf32, #tpu.memory_space<vmem>>, vector<16xf32>,
        %parallel_loop3A_106 = arith.index_cast %parallel_loop3A_89 : i32 to index
        %parallel_loop3A_107 = arith.constant 16 : index
        %parallel_loop3A_108 = tpu.vector_load %arg13[%parallel_loop3A_106, %parallel_loop3A_107] {strides = array<i32>} : memref<48x128xf32, #tpu.memory_space<vmem>>, vector<16xf32>,
        %parallel_loop3A_109 = arith.addf %parallel_loop3A_105, %parallel_loop3A_108 : vector<16xf32>
        %parallel_loop3A_110 = arith.constant 2.000000e-01 : f32
        %parallel_loop3A_111 = vector.broadcast %parallel_loop3A_110 : f32 to vector<16xf32>
        %parallel_loop3A_112 = arith.mulf %parallel_loop3A_111, %parallel_loop3A_109 : vector<16xf32>
        %parallel_loop3A_113 = arith.maximumf %parallel_loop3A_109, %parallel_loop3A_112 : vector<16xf32>
        %parallel_loop3A_114 = arith.mulf %parallel_loop3A_113, %get3A_22 : vector<16xf32>
        %parallel_loop3A_115 = arith.addf %parallel_loop3A_102, %parallel_loop3A_114 : vector<16xf32>
        %parallel_loop3A_116 = arith.index_cast %parallel_loop3A_89 : i32 to index
        %parallel_loop3A_117 = arith.constant 32 : index
        %parallel_loop3A_118 = tpu.vector_load %arg12[%parallel_loop3A_116, %parallel_loop3A_117] {strides = array<i32>} : memref<48x128xf32, #tpu.memory_space<vmem>>, vector<16xf32>,
        %parallel_loop3A_119 = arith.index_cast %parallel_loop3A_89 : i32 to index
        %parallel_loop3A_120 = arith.constant 32 : index
        %parallel_loop3A_121 = tpu.vector_load %arg13[%parallel_loop3A_119, %parallel_loop3A_120] {strides = array<i32>} : memref<48x128xf32, #tpu.memory_space<vmem>>, vector<16xf32>,
        %parallel_loop3A_122 = arith.addf %parallel_loop3A_118, %parallel_loop3A_121 : vector<16xf32>
        %parallel_loop3A_123 = arith.constant 2.000000e-01 : f32
        %parallel_loop3A_124 = vector.broadcast %parallel_loop3A_123 : f32 to vector<16xf32>
        %parallel_loop3A_125 = arith.mulf %parallel_loop3A_124, %parallel_loop3A_122 : vector<16xf32>
        %parallel_loop3A_126 = arith.maximumf %parallel_loop3A_122, %parallel_loop3A_125 : vector<16xf32>
        %parallel_loop3A_127 = arith.mulf %parallel_loop3A_126, %get3A_24 : vector<16xf32>
        %parallel_loop3A_128 = arith.addf %parallel_loop3A_115, %parallel_loop3A_127 : vector<16xf32>
        %parallel_loop3A_129 = arith.index_cast %parallel_loop3A_89 : i32 to index
        %parallel_loop3A_130 = arith.constant 48 : index
        %parallel_loop3A_131 = tpu.vector_load %arg12[%parallel_loop3A_129, %parallel_loop3A_130] {strides = array<i32>} : memref<48x128xf32, #tpu.memory_space<vmem>>, vector<16xf32>,
        %parallel_loop3A_132 = arith.index_cast %parallel_loop3A_89 : i32 to index
        %parallel_loop3A_133 = arith.constant 48 : index
        %parallel_loop3A_134 = tpu.vector_load %arg13[%parallel_loop3A_132, %parallel_loop3A_133] {strides = array<i32>} : memref<48x128xf32, #tpu.memory_space<vmem>>, vector<16xf32>,
        %parallel_loop3A_135 = arith.addf %parallel_loop3A_131, %parallel_loop3A_134 : vector<16xf32>
        %parallel_loop3A_136 = arith.constant 2.000000e-01 : f32
        %parallel_loop3A_137 = vector.broadcast %parallel_loop3A_136 : f32 to vector<16xf32>
        %parallel_loop3A_138 = arith.mulf %parallel_loop3A_137, %parallel_loop3A_135 : vector<16xf32>
        %parallel_loop3A_139 = arith.maximumf %parallel_loop3A_135, %parallel_loop3A_138 : vector<16xf32>
        %parallel_loop3A_140 = arith.mulf %parallel_loop3A_139, %get3A_26 : vector<16xf32>
        %parallel_loop3A_141 = arith.addf %parallel_loop3A_128, %parallel_loop3A_140 : vector<16xf32>
        %parallel_loop3A_142 = arith.index_cast %parallel_loop3A_89 : i32 to index
        %parallel_loop3A_143 = arith.constant 64 : index
        %parallel_loop3A_144 = tpu.vector_load %arg12[%parallel_loop3A_142, %parallel_loop3A_143] {strides = array<i32>} : memref<48x128xf32, #tpu.memory_space<vmem>>, vector<16xf32>,
        %parallel_loop3A_145 = arith.index_cast %parallel_loop3A_89 : i32 to index
        %parallel_loop3A_146 = arith.constant 64 : index
        %parallel_loop3A_147 = tpu.vector_load %arg13[%parallel_loop3A_145, %parallel_loop3A_146] {strides = array<i32>} : memref<48x128xf32, #tpu.memory_space<vmem>>, vector<16xf32>,
        %parallel_loop3A_148 = arith.addf %parallel_loop3A_144, %parallel_loop3A_147 : vector<16xf32>
        %parallel_loop3A_149 = arith.constant 2.000000e-01 : f32
        %parallel_loop3A_150 = vector.broadcast %parallel_loop3A_149 : f32 to vector<16xf32>
        %parallel_loop3A_151 = arith.mulf %parallel_loop3A_150, %parallel_loop3A_148 : vector<16xf32>
        %parallel_loop3A_152 = arith.maximumf %parallel_loop3A_148, %parallel_loop3A_151 : vector<16xf32>
        %parallel_loop3A_153 = arith.mulf %parallel_loop3A_152, %get3A_28 : vector<16xf32>
        %parallel_loop3A_154 = arith.addf %broadcast_in_dim3A_1, %parallel_loop3A_153 : vector<16xf32>
        %parallel_loop3A_155 = arith.index_cast %parallel_loop3A_89 : i32 to index
        %parallel_loop3A_156 = arith.constant 80 : index
        %parallel_loop3A_157 = tpu.vector_load %arg12[%parallel_loop3A_155, %parallel_loop3A_156] {strides = array<i32>} : memref<48x128xf32, #tpu.memory_space<vmem>>, vector<16xf32>,
        %parallel_loop3A_158 = arith.index_cast %parallel_loop3A_89 : i32 to index
        %parallel_loop3A_159 = arith.constant 80 : index
        %parallel_loop3A_160 = tpu.vector_load %arg13[%parallel_loop3A_158, %parallel_loop3A_159] {strides = array<i32>} : memref<48x128xf32, #tpu.memory_space<vmem>>, vector<16xf32>,
        %parallel_loop3A_161 = arith.addf %parallel_loop3A_157, %parallel_loop3A_160 : vector<16xf32>
        %parallel_loop3A_162 = arith.constant 2.000000e-01 : f32
        %parallel_loop3A_163 = vector.broadcast %parallel_loop3A_162 : f32 to vector<16xf32>
        %parallel_loop3A_164 = arith.mulf %parallel_loop3A_163, %parallel_loop3A_161 : vector<16xf32>
        %parallel_loop3A_165 = arith.maximumf %parallel_loop3A_161, %parallel_loop3A_164 : vector<16xf32>
        %parallel_loop3A_166 = arith.mulf %parallel_loop3A_165, %get3A_30 : vector<16xf32>
        %parallel_loop3A_167 = arith.addf %parallel_loop3A_154, %parallel_loop3A_166 : vector<16xf32>
        %parallel_loop3A_168 = arith.index_cast %parallel_loop3A_89 : i32 to index
        %parallel_loop3A_169 = arith.constant 96 : index
        %parallel_loop3A_170 = tpu.vector_load %arg12[%parallel_loop3A_168, %parallel_loop3A_169] {strides = array<i32>} : memref<48x128xf32, #tpu.memory_space<vmem>>, vector<16xf32>,
        %parallel_loop3A_171 = arith.index_cast %parallel_loop3A_89 : i32 to index
        %parallel_loop3A_172 = arith.constant 96 : index
        %parallel_loop3A_173 = tpu.vector_load %arg13[%parallel_loop3A_171, %parallel_loop3A_172] {strides = array<i32>} : memref<48x128xf32, #tpu.memory_space<vmem>>, vector<16xf32>,
        %parallel_loop3A_174 = arith.addf %parallel_loop3A_170, %parallel_loop3A_173 : vector<16xf32>
        %parallel_loop3A_175 = arith.constant 2.000000e-01 : f32
        %parallel_loop3A_176 = vector.broadcast %parallel_loop3A_175 : f32 to vector<16xf32>
        %parallel_loop3A_177 = arith.mulf %parallel_loop3A_176, %parallel_loop3A_174 : vector<16xf32>
        %parallel_loop3A_178 = arith.maximumf %parallel_loop3A_174, %parallel_loop3A_177 : vector<16xf32>
        %parallel_loop3A_179 = arith.mulf %parallel_loop3A_178, %get3A_32 : vector<16xf32>
        %parallel_loop3A_180 = arith.addf %parallel_loop3A_167, %parallel_loop3A_179 : vector<16xf32>
        %parallel_loop3A_181 = arith.index_cast %parallel_loop3A_89 : i32 to index
        %parallel_loop3A_182 = arith.constant 112 : index
        %parallel_loop3A_183 = tpu.vector_load %arg12[%parallel_loop3A_181, %parallel_loop3A_182] {strides = array<i32>} : memref<48x128xf32, #tpu.memory_space<vmem>>, vector<16xf32>,
        %parallel_loop3A_184 = arith.index_cast %parallel_loop3A_89 : i32 to index
        %parallel_loop3A_185 = arith.constant 112 : index
        %parallel_loop3A_186 = tpu.vector_load %arg13[%parallel_loop3A_184, %parallel_loop3A_185] {strides = array<i32>} : memref<48x128xf32, #tpu.memory_space<vmem>>, vector<16xf32>,
        %parallel_loop3A_187 = arith.addf %parallel_loop3A_183, %parallel_loop3A_186 : vector<16xf32>
        %parallel_loop3A_188 = arith.constant 2.000000e-01 : f32
        %parallel_loop3A_189 = vector.broadcast %parallel_loop3A_188 : f32 to vector<16xf32>
        %parallel_loop3A_190 = arith.mulf %parallel_loop3A_189, %parallel_loop3A_187 : vector<16xf32>
        %parallel_loop3A_191 = arith.maximumf %parallel_loop3A_187, %parallel_loop3A_190 : vector<16xf32>
        %parallel_loop3A_192 = arith.mulf %parallel_loop3A_191, %get3A_34 : vector<16xf32>
        %parallel_loop3A_193 = arith.addf %parallel_loop3A_180, %parallel_loop3A_192 : vector<16xf32>
        %parallel_loop3A_194 = arith.constant 2 : i32
        %parallel_loop3A_195 = arith.muli %parallel_loop3A_89, %parallel_loop3A_194 : i32
        %parallel_loop3A_196 = arith.constant 16 : i32
        %parallel_loop3A_197 = arith.muli %parallel_loop3A_195, %parallel_loop3A_196 : i32
        %parallel_loop3A_198 = arith.index_cast %parallel_loop3A_197 : i32 to index
        %parallel_loop3A_199 = tpu.vector_load %arg14[%parallel_loop3A_198] {strides = array<i32>} : memref<1792xf32, #tpu.memory_space<vmem>>, vector<16xf32>,
        tpu.vector_store %arg14[%parallel_loop3A_198], %parallel_loop3A_141 {strides = array<i32>} : memref<1792xf32, #tpu.memory_space<vmem>>, vector<16xf32>,
        %parallel_loop3A_200 = arith.constant 2 : i32
        %parallel_loop3A_201 = arith.muli %parallel_loop3A_89, %parallel_loop3A_200 : i32
        %parallel_loop3A_202 = arith.constant 16 : i32
        %parallel_loop3A_203 = arith.muli %parallel_loop3A_201, %parallel_loop3A_202 : i32
        %parallel_loop3A_204 = arith.constant 16 : i32
        %parallel_loop3A_205 = arith.addi %parallel_loop3A_203, %parallel_loop3A_204 : i32
        %parallel_loop3A_206 = arith.index_cast %parallel_loop3A_205 : i32 to index
        %parallel_loop3A_207 = tpu.vector_load %arg14[%parallel_loop3A_206] {strides = array<i32>} : memref<1792xf32, #tpu.memory_space<vmem>>, vector<16xf32>,
        tpu.vector_store %arg14[%parallel_loop3A_206], %parallel_loop3A_193 {strides = array<i32>} : memref<1792xf32, #tpu.memory_space<vmem>>, vector<16xf32>,
      } {sc.loop_unroll_factor = 4 : i64, sc.parallel_access}
      %parallel_loop3A_81 = arith.constant 0 : i32
      %parallel_loop3A_82 = arith.constant 3 : i32
      %parallel_loop3A_83 = arith.constant 1 : i32
      scf.for %parallel_loop3A_89 = %parallel_loop3A_81 to %parallel_loop3A_82 step %parallel_loop3A_83  : i32 {
        %parallel_loop3A_90 = arith.constant 512 : i32
        %parallel_loop3A_91 = arith.muli %parallel_loop3A_89, %parallel_loop3A_90 : i32
        %parallel_loop3A_92 = arith.constant 0 : i32
        %parallel_loop3A_93 = arith.addi %parallel_loop3A_91, %parallel_loop3A_92 : i32
        %parallel_loop3A_94 = arith.constant 0 : i32
        %parallel_loop3A_95 = arith.addi %parallel_loop3A_93, %parallel_loop3A_94 : i32
        %parallel_loop3A_96 = vector.broadcast %parallel_loop3A_95 : i32 to vector<16xi32>
        %parallel_loop3A_97 = arith.addi %mul3A_41, %parallel_loop3A_96 : vector<16xi32>
        %parallel_loop3A_98 = tpu.vector_load_idx %arg14[%parallel_loop3A_97] : memref<1792xf32, #tpu.memory_space<vmem>>[vector<16xi32>], vector<16xf32>,
        %parallel_loop3A_99 = arith.addf %broadcast_in_dim3A_1, %parallel_loop3A_98 : vector<16xf32>
        %parallel_loop3A_100 = arith.constant 0 : i32
        %parallel_loop3A_101 = arith.addi %parallel_loop3A_91, %parallel_loop3A_100 : i32
        %parallel_loop3A_102 = arith.constant 1 : i32
        %parallel_loop3A_103 = arith.addi %parallel_loop3A_101, %parallel_loop3A_102 : i32
        %parallel_loop3A_104 = vector.broadcast %parallel_loop3A_103 : i32 to vector<16xi32>
        %parallel_loop3A_105 = arith.addi %mul3A_41, %parallel_loop3A_104 : vector<16xi32>
        %parallel_loop3A_106 = tpu.vector_load_idx %arg14[%parallel_loop3A_105] : memref<1792xf32, #tpu.memory_space<vmem>>[vector<16xi32>], vector<16xf32>,
        %parallel_loop3A_107 = arith.addf %parallel_loop3A_99, %parallel_loop3A_106 : vector<16xf32>
        %parallel_loop3A_108 = arith.constant 0 : i32
        %parallel_loop3A_109 = arith.addi %parallel_loop3A_91, %parallel_loop3A_108 : i32
        %parallel_loop3A_110 = arith.constant 2 : i32
        %parallel_loop3A_111 = arith.addi %parallel_loop3A_109, %parallel_loop3A_110 : i32
        %parallel_loop3A_112 = vector.broadcast %parallel_loop3A_111 : i32 to vector<16xi32>
        %parallel_loop3A_113 = arith.addi %mul3A_41, %parallel_loop3A_112 : vector<16xi32>
        %parallel_loop3A_114 = tpu.vector_load_idx %arg14[%parallel_loop3A_113] : memref<1792xf32, #tpu.memory_space<vmem>>[vector<16xi32>], vector<16xf32>,
        %parallel_loop3A_115 = arith.addf %parallel_loop3A_107, %parallel_loop3A_114 : vector<16xf32>
        %parallel_loop3A_116 = arith.constant 0 : i32
        %parallel_loop3A_117 = arith.addi %parallel_loop3A_91, %parallel_loop3A_116 : i32
        %parallel_loop3A_118 = arith.constant 3 : i32
        %parallel_loop3A_119 = arith.addi %parallel_loop3A_117, %parallel_loop3A_118 : i32
        %parallel_loop3A_120 = vector.broadcast %parallel_loop3A_119 : i32 to vector<16xi32>
        %parallel_loop3A_121 = arith.addi %mul3A_41, %parallel_loop3A_120 : vector<16xi32>
        %parallel_loop3A_122 = tpu.vector_load_idx %arg14[%parallel_loop3A_121] : memref<1792xf32, #tpu.memory_space<vmem>>[vector<16xi32>], vector<16xf32>,
        %parallel_loop3A_123 = arith.addf %parallel_loop3A_115, %parallel_loop3A_122 : vector<16xf32>
        %parallel_loop3A_124 = arith.constant 0 : i32
        %parallel_loop3A_125 = arith.addi %parallel_loop3A_91, %parallel_loop3A_124 : i32
        %parallel_loop3A_126 = arith.constant 4 : i32
        %parallel_loop3A_127 = arith.addi %parallel_loop3A_125, %parallel_loop3A_126 : i32
        %parallel_loop3A_128 = vector.broadcast %parallel_loop3A_127 : i32 to vector<16xi32>
        %parallel_loop3A_129 = arith.addi %mul3A_41, %parallel_loop3A_128 : vector<16xi32>
        %parallel_loop3A_130 = tpu.vector_load_idx %arg14[%parallel_loop3A_129] : memref<1792xf32, #tpu.memory_space<vmem>>[vector<16xi32>], vector<16xf32>,
        %parallel_loop3A_131 = arith.addf %parallel_loop3A_123, %parallel_loop3A_130 : vector<16xf32>
        %parallel_loop3A_132 = arith.constant 0 : i32
        %parallel_loop3A_133 = arith.addi %parallel_loop3A_91, %parallel_loop3A_132 : i32
        %parallel_loop3A_134 = arith.constant 5 : i32
        %parallel_loop3A_135 = arith.addi %parallel_loop3A_133, %parallel_loop3A_134 : i32
        %parallel_loop3A_136 = vector.broadcast %parallel_loop3A_135 : i32 to vector<16xi32>
        %parallel_loop3A_137 = arith.addi %mul3A_41, %parallel_loop3A_136 : vector<16xi32>
        %parallel_loop3A_138 = tpu.vector_load_idx %arg14[%parallel_loop3A_137] : memref<1792xf32, #tpu.memory_space<vmem>>[vector<16xi32>], vector<16xf32>,
        %parallel_loop3A_139 = arith.addf %parallel_loop3A_131, %parallel_loop3A_138 : vector<16xf32>
        %parallel_loop3A_140 = arith.constant 0 : i32
        %parallel_loop3A_141 = arith.addi %parallel_loop3A_91, %parallel_loop3A_140 : i32
        %parallel_loop3A_142 = arith.constant 6 : i32
        %parallel_loop3A_143 = arith.addi %parallel_loop3A_141, %parallel_loop3A_142 : i32
        %parallel_loop3A_144 = vector.broadcast %parallel_loop3A_143 : i32 to vector<16xi32>
        %parallel_loop3A_145 = arith.addi %mul3A_41, %parallel_loop3A_144 : vector<16xi32>
        %parallel_loop3A_146 = tpu.vector_load_idx %arg14[%parallel_loop3A_145] : memref<1792xf32, #tpu.memory_space<vmem>>[vector<16xi32>], vector<16xf32>,
        %parallel_loop3A_147 = arith.addf %parallel_loop3A_139, %parallel_loop3A_146 : vector<16xf32>
        %parallel_loop3A_148 = arith.constant 0 : i32
        %parallel_loop3A_149 = arith.addi %parallel_loop3A_91, %parallel_loop3A_148 : i32
        %parallel_loop3A_150 = arith.constant 7 : i32
        %parallel_loop3A_151 = arith.addi %parallel_loop3A_149, %parallel_loop3A_150 : i32
        %parallel_loop3A_152 = vector.broadcast %parallel_loop3A_151 : i32 to vector<16xi32>
        %parallel_loop3A_153 = arith.addi %mul3A_41, %parallel_loop3A_152 : vector<16xi32>
        %parallel_loop3A_154 = tpu.vector_load_idx %arg14[%parallel_loop3A_153] : memref<1792xf32, #tpu.memory_space<vmem>>[vector<16xi32>], vector<16xf32>,
        %parallel_loop3A_155 = arith.addf %parallel_loop3A_147, %parallel_loop3A_154 : vector<16xf32>
        %parallel_loop3A_156 = arith.constant 0 : i32
        %parallel_loop3A_157 = arith.addi %parallel_loop3A_91, %parallel_loop3A_156 : i32
        %parallel_loop3A_158 = arith.constant 8 : i32
        %parallel_loop3A_159 = arith.addi %parallel_loop3A_157, %parallel_loop3A_158 : i32
        %parallel_loop3A_160 = vector.broadcast %parallel_loop3A_159 : i32 to vector<16xi32>
        %parallel_loop3A_161 = arith.addi %mul3A_41, %parallel_loop3A_160 : vector<16xi32>
        %parallel_loop3A_162 = tpu.vector_load_idx %arg14[%parallel_loop3A_161] : memref<1792xf32, #tpu.memory_space<vmem>>[vector<16xi32>], vector<16xf32>,
        %parallel_loop3A_163 = arith.addf %parallel_loop3A_155, %parallel_loop3A_162 : vector<16xf32>
        %parallel_loop3A_164 = arith.constant 0 : i32
        %parallel_loop3A_165 = arith.addi %parallel_loop3A_91, %parallel_loop3A_164 : i32
        %parallel_loop3A_166 = arith.constant 9 : i32
        %parallel_loop3A_167 = arith.addi %parallel_loop3A_165, %parallel_loop3A_166 : i32
        %parallel_loop3A_168 = vector.broadcast %parallel_loop3A_167 : i32 to vector<16xi32>
        %parallel_loop3A_169 = arith.addi %mul3A_41, %parallel_loop3A_168 : vector<16xi32>
        %parallel_loop3A_170 = tpu.vector_load_idx %arg14[%parallel_loop3A_169] : memref<1792xf32, #tpu.memory_space<vmem>>[vector<16xi32>], vector<16xf32>,
        %parallel_loop3A_171 = arith.addf %parallel_loop3A_163, %parallel_loop3A_170 : vector<16xf32>
        %parallel_loop3A_172 = arith.constant 0 : i32
        %parallel_loop3A_173 = arith.addi %parallel_loop3A_91, %parallel_loop3A_172 : i32
        %parallel_loop3A_174 = arith.constant 10 : i32
        %parallel_loop3A_175 = arith.addi %parallel_loop3A_173, %parallel_loop3A_174 : i32
        %parallel_loop3A_176 = vector.broadcast %parallel_loop3A_175 : i32 to vector<16xi32>
        %parallel_loop3A_177 = arith.addi %mul3A_41, %parallel_loop3A_176 : vector<16xi32>
        %parallel_loop3A_178 = tpu.vector_load_idx %arg14[%parallel_loop3A_177] : memref<1792xf32, #tpu.memory_space<vmem>>[vector<16xi32>], vector<16xf32>,
        %parallel_loop3A_179 = arith.addf %parallel_loop3A_171, %parallel_loop3A_178 : vector<16xf32>
        %parallel_loop3A_180 = arith.constant 0 : i32
        %parallel_loop3A_181 = arith.addi %parallel_loop3A_91, %parallel_loop3A_180 : i32
        %parallel_loop3A_182 = arith.constant 11 : i32
        %parallel_loop3A_183 = arith.addi %parallel_loop3A_181, %parallel_loop3A_182 : i32
        %parallel_loop3A_184 = vector.broadcast %parallel_loop3A_183 : i32 to vector<16xi32>
        %parallel_loop3A_185 = arith.addi %mul3A_41, %parallel_loop3A_184 : vector<16xi32>
        %parallel_loop3A_186 = tpu.vector_load_idx %arg14[%parallel_loop3A_185] : memref<1792xf32, #tpu.memory_space<vmem>>[vector<16xi32>], vector<16xf32>,
        %parallel_loop3A_187 = arith.addf %parallel_loop3A_179, %parallel_loop3A_186 : vector<16xf32>
        %parallel_loop3A_188 = arith.constant 0 : i32
        %parallel_loop3A_189 = arith.addi %parallel_loop3A_91, %parallel_loop3A_188 : i32
        %parallel_loop3A_190 = arith.constant 12 : i32
        %parallel_loop3A_191 = arith.addi %parallel_loop3A_189, %parallel_loop3A_190 : i32
        %parallel_loop3A_192 = vector.broadcast %parallel_loop3A_191 : i32 to vector<16xi32>
        %parallel_loop3A_193 = arith.addi %mul3A_41, %parallel_loop3A_192 : vector<16xi32>
        %parallel_loop3A_194 = tpu.vector_load_idx %arg14[%parallel_loop3A_193] : memref<1792xf32, #tpu.memory_space<vmem>>[vector<16xi32>], vector<16xf32>,
        %parallel_loop3A_195 = arith.addf %parallel_loop3A_187, %parallel_loop3A_194 : vector<16xf32>
        %parallel_loop3A_196 = arith.constant 0 : i32
        %parallel_loop3A_197 = arith.addi %parallel_loop3A_91, %parallel_loop3A_196 : i32
        %parallel_loop3A_198 = arith.constant 13 : i32
        %parallel_loop3A_199 = arith.addi %parallel_loop3A_197, %parallel_loop3A_198 : i32
        %parallel_loop3A_200 = vector.broadcast %parallel_loop3A_199 : i32 to vector<16xi32>
        %parallel_loop3A_201 = arith.addi %mul3A_41, %parallel_loop3A_200 : vector<16xi32>
        %parallel_loop3A_202 = tpu.vector_load_idx %arg14[%parallel_loop3A_201] : memref<1792xf32, #tpu.memory_space<vmem>>[vector<16xi32>], vector<16xf32>,
        %parallel_loop3A_203 = arith.addf %parallel_loop3A_195, %parallel_loop3A_202 : vector<16xf32>
        %parallel_loop3A_204 = arith.constant 0 : i32
        %parallel_loop3A_205 = arith.addi %parallel_loop3A_91, %parallel_loop3A_204 : i32
        %parallel_loop3A_206 = arith.constant 14 : i32
        %parallel_loop3A_207 = arith.addi %parallel_loop3A_205, %parallel_loop3A_206 : i32
        %parallel_loop3A_208 = vector.broadcast %parallel_loop3A_207 : i32 to vector<16xi32>
        %parallel_loop3A_209 = arith.addi %mul3A_41, %parallel_loop3A_208 : vector<16xi32>
        %parallel_loop3A_210 = tpu.vector_load_idx %arg14[%parallel_loop3A_209] : memref<1792xf32, #tpu.memory_space<vmem>>[vector<16xi32>], vector<16xf32>,
        %parallel_loop3A_211 = arith.addf %parallel_loop3A_203, %parallel_loop3A_210 : vector<16xf32>
        %parallel_loop3A_212 = arith.constant 0 : i32
        %parallel_loop3A_213 = arith.addi %parallel_loop3A_91, %parallel_loop3A_212 : i32
        %parallel_loop3A_214 = arith.constant 15 : i32
        %parallel_loop3A_215 = arith.addi %parallel_loop3A_213, %parallel_loop3A_214 : i32
        %parallel_loop3A_216 = vector.broadcast %parallel_loop3A_215 : i32 to vector<16xi32>
        %parallel_loop3A_217 = arith.addi %mul3A_41, %parallel_loop3A_216 : vector<16xi32>
        %parallel_loop3A_218 = tpu.vector_load_idx %arg14[%parallel_loop3A_217] : memref<1792xf32, #tpu.memory_space<vmem>>[vector<16xi32>], vector<16xf32>,
        %parallel_loop3A_219 = arith.addf %parallel_loop3A_211, %parallel_loop3A_218 : vector<16xf32>
        %parallel_loop3A_220 = arith.constant 16 : i32
        %parallel_loop3A_221 = arith.addi %parallel_loop3A_91, %parallel_loop3A_220 : i32
        %parallel_loop3A_222 = arith.constant 0 : i32
        %parallel_loop3A_223 = arith.addi %parallel_loop3A_221, %parallel_loop3A_222 : i32
        %parallel_loop3A_224 = vector.broadcast %parallel_loop3A_223 : i32 to vector<16xi32>
        %parallel_loop3A_225 = arith.addi %mul3A_41, %parallel_loop3A_224 : vector<16xi32>
        %parallel_loop3A_226 = tpu.vector_load_idx %arg14[%parallel_loop3A_225] : memref<1792xf32, #tpu.memory_space<vmem>>[vector<16xi32>], vector<16xf32>,
        %parallel_loop3A_227 = arith.addf %broadcast_in_dim3A_1, %parallel_loop3A_226 : vector<16xf32>
        %parallel_loop3A_228 = arith.constant 16 : i32
        %parallel_loop3A_229 = arith.addi %parallel_loop3A_91, %parallel_loop3A_228 : i32
        %parallel_loop3A_230 = arith.constant 1 : i32
        %parallel_loop3A_231 = arith.addi %parallel_loop3A_229, %parallel_loop3A_230 : i32
        %parallel_loop3A_232 = vector.broadcast %parallel_loop3A_231 : i32 to vector<16xi32>
        %parallel_loop3A_233 = arith.addi %mul3A_41, %parallel_loop3A_232 : vector<16xi32>
        %parallel_loop3A_234 = tpu.vector_load_idx %arg14[%parallel_loop3A_233] : memref<1792xf32, #tpu.memory_space<vmem>>[vector<16xi32>], vector<16xf32>,
        %parallel_loop3A_235 = arith.addf %parallel_loop3A_227, %parallel_loop3A_234 : vector<16xf32>
        %parallel_loop3A_236 = arith.constant 16 : i32
        %parallel_loop3A_237 = arith.addi %parallel_loop3A_91, %parallel_loop3A_236 : i32
        %parallel_loop3A_238 = arith.constant 2 : i32
        %parallel_loop3A_239 = arith.addi %parallel_loop3A_237, %parallel_loop3A_238 : i32
        %parallel_loop3A_240 = vector.broadcast %parallel_loop3A_239 : i32 to vector<16xi32>
        %parallel_loop3A_241 = arith.addi %mul3A_41, %parallel_loop3A_240 : vector<16xi32>
        %parallel_loop3A_242 = tpu.vector_load_idx %arg14[%parallel_loop3A_241] : memref<1792xf32, #tpu.memory_space<vmem>>[vector<16xi32>], vector<16xf32>,
        %parallel_loop3A_243 = arith.addf %parallel_loop3A_235, %parallel_loop3A_242 : vector<16xf32>
        %parallel_loop3A_244 = arith.constant 16 : i32
        %parallel_loop3A_245 = arith.addi %parallel_loop3A_91, %parallel_loop3A_244 : i32
        %parallel_loop3A_246 = arith.constant 3 : i32
        %parallel_loop3A_247 = arith.addi %parallel_loop3A_245, %parallel_loop3A_246 : i32
        %parallel_loop3A_248 = vector.broadcast %parallel_loop3A_247 : i32 to vector<16xi32>
        %parallel_loop3A_249 = arith.addi %mul3A_41, %parallel_loop3A_248 : vector<16xi32>
        %parallel_loop3A_250 = tpu.vector_load_idx %arg14[%parallel_loop3A_249] : memref<1792xf32, #tpu.memory_space<vmem>>[vector<16xi32>], vector<16xf32>,
        %parallel_loop3A_251 = arith.addf %parallel_loop3A_243, %parallel_loop3A_250 : vector<16xf32>
        %parallel_loop3A_252 = arith.constant 16 : i32
        %parallel_loop3A_253 = arith.addi %parallel_loop3A_91, %parallel_loop3A_252 : i32
        %parallel_loop3A_254 = arith.constant 4 : i32
        %parallel_loop3A_255 = arith.addi %parallel_loop3A_253, %parallel_loop3A_254 : i32
        %parallel_loop3A_256 = vector.broadcast %parallel_loop3A_255 : i32 to vector<16xi32>
        %parallel_loop3A_257 = arith.addi %mul3A_41, %parallel_loop3A_256 : vector<16xi32>
        %parallel_loop3A_258 = tpu.vector_load_idx %arg14[%parallel_loop3A_257] : memref<1792xf32, #tpu.memory_space<vmem>>[vector<16xi32>], vector<16xf32>,
        %parallel_loop3A_259 = arith.addf %parallel_loop3A_251, %parallel_loop3A_258 : vector<16xf32>
        %parallel_loop3A_260 = arith.constant 16 : i32
        %parallel_loop3A_261 = arith.addi %parallel_loop3A_91, %parallel_loop3A_260 : i32
        %parallel_loop3A_262 = arith.constant 5 : i32
        %parallel_loop3A_263 = arith.addi %parallel_loop3A_261, %parallel_loop3A_262 : i32
        %parallel_loop3A_264 = vector.broadcast %parallel_loop3A_263 : i32 to vector<16xi32>
        %parallel_loop3A_265 = arith.addi %mul3A_41, %parallel_loop3A_264 : vector<16xi32>
        %parallel_loop3A_266 = tpu.vector_load_idx %arg14[%parallel_loop3A_265] : memref<1792xf32, #tpu.memory_space<vmem>>[vector<16xi32>], vector<16xf32>,
        %parallel_loop3A_267 = arith.addf %parallel_loop3A_259, %parallel_loop3A_266 : vector<16xf32>
        %parallel_loop3A_268 = arith.constant 16 : i32
        %parallel_loop3A_269 = arith.addi %parallel_loop3A_91, %parallel_loop3A_268 : i32
        %parallel_loop3A_270 = arith.constant 6 : i32
        %parallel_loop3A_271 = arith.addi %parallel_loop3A_269, %parallel_loop3A_270 : i32
        %parallel_loop3A_272 = vector.broadcast %parallel_loop3A_271 : i32 to vector<16xi32>
        %parallel_loop3A_273 = arith.addi %mul3A_41, %parallel_loop3A_272 : vector<16xi32>
        %parallel_loop3A_274 = tpu.vector_load_idx %arg14[%parallel_loop3A_273] : memref<1792xf32, #tpu.memory_space<vmem>>[vector<16xi32>], vector<16xf32>,
        %parallel_loop3A_275 = arith.addf %parallel_loop3A_267, %parallel_loop3A_274 : vector<16xf32>
        %parallel_loop3A_276 = arith.constant 16 : i32
        %parallel_loop3A_277 = arith.addi %parallel_loop3A_91, %parallel_loop3A_276 : i32
        %parallel_loop3A_278 = arith.constant 7 : i32
        %parallel_loop3A_279 = arith.addi %parallel_loop3A_277, %parallel_loop3A_278 : i32
        %parallel_loop3A_280 = vector.broadcast %parallel_loop3A_279 : i32 to vector<16xi32>
        %parallel_loop3A_281 = arith.addi %mul3A_41, %parallel_loop3A_280 : vector<16xi32>
        %parallel_loop3A_282 = tpu.vector_load_idx %arg14[%parallel_loop3A_281] : memref<1792xf32, #tpu.memory_space<vmem>>[vector<16xi32>], vector<16xf32>,
        %parallel_loop3A_283 = arith.addf %parallel_loop3A_275, %parallel_loop3A_282 : vector<16xf32>
        %parallel_loop3A_284 = arith.constant 16 : i32
        %parallel_loop3A_285 = arith.addi %parallel_loop3A_91, %parallel_loop3A_284 : i32
        %parallel_loop3A_286 = arith.constant 8 : i32
        %parallel_loop3A_287 = arith.addi %parallel_loop3A_285, %parallel_loop3A_286 : i32
        %parallel_loop3A_288 = vector.broadcast %parallel_loop3A_287 : i32 to vector<16xi32>
        %parallel_loop3A_289 = arith.addi %mul3A_41, %parallel_loop3A_288 : vector<16xi32>
        %parallel_loop3A_290 = tpu.vector_load_idx %arg14[%parallel_loop3A_289] : memref<1792xf32, #tpu.memory_space<vmem>>[vector<16xi32>], vector<16xf32>,
        %parallel_loop3A_291 = arith.addf %parallel_loop3A_283, %parallel_loop3A_290 : vector<16xf32>
        %parallel_loop3A_292 = arith.constant 16 : i32
        %parallel_loop3A_293 = arith.addi %parallel_loop3A_91, %parallel_loop3A_292 : i32
        %parallel_loop3A_294 = arith.constant 9 : i32
        %parallel_loop3A_295 = arith.addi %parallel_loop3A_293, %parallel_loop3A_294 : i32
        %parallel_loop3A_296 = vector.broadcast %parallel_loop3A_295 : i32 to vector<16xi32>
        %parallel_loop3A_297 = arith.addi %mul3A_41, %parallel_loop3A_296 : vector<16xi32>
        %parallel_loop3A_298 = tpu.vector_load_idx %arg14[%parallel_loop3A_297] : memref<1792xf32, #tpu.memory_space<vmem>>[vector<16xi32>], vector<16xf32>,
        %parallel_loop3A_299 = arith.addf %parallel_loop3A_291, %parallel_loop3A_298 : vector<16xf32>
        %parallel_loop3A_300 = arith.constant 16 : i32
        %parallel_loop3A_301 = arith.addi %parallel_loop3A_91, %parallel_loop3A_300 : i32
        %parallel_loop3A_302 = arith.constant 10 : i32
        %parallel_loop3A_303 = arith.addi %parallel_loop3A_301, %parallel_loop3A_302 : i32
        %parallel_loop3A_304 = vector.broadcast %parallel_loop3A_303 : i32 to vector<16xi32>
        %parallel_loop3A_305 = arith.addi %mul3A_41, %parallel_loop3A_304 : vector<16xi32>
        %parallel_loop3A_306 = tpu.vector_load_idx %arg14[%parallel_loop3A_305] : memref<1792xf32, #tpu.memory_space<vmem>>[vector<16xi32>], vector<16xf32>,
        %parallel_loop3A_307 = arith.addf %parallel_loop3A_299, %parallel_loop3A_306 : vector<16xf32>
        %parallel_loop3A_308 = arith.constant 16 : i32
        %parallel_loop3A_309 = arith.addi %parallel_loop3A_91, %parallel_loop3A_308 : i32
        %parallel_loop3A_310 = arith.constant 11 : i32
        %parallel_loop3A_311 = arith.addi %parallel_loop3A_309, %parallel_loop3A_310 : i32
        %parallel_loop3A_312 = vector.broadcast %parallel_loop3A_311 : i32 to vector<16xi32>
        %parallel_loop3A_313 = arith.addi %mul3A_41, %parallel_loop3A_312 : vector<16xi32>
        %parallel_loop3A_314 = tpu.vector_load_idx %arg14[%parallel_loop3A_313] : memref<1792xf32, #tpu.memory_space<vmem>>[vector<16xi32>], vector<16xf32>,
        %parallel_loop3A_315 = arith.addf %parallel_loop3A_307, %parallel_loop3A_314 : vector<16xf32>
        %parallel_loop3A_316 = arith.constant 16 : i32
        %parallel_loop3A_317 = arith.addi %parallel_loop3A_91, %parallel_loop3A_316 : i32
        %parallel_loop3A_318 = arith.constant 12 : i32
        %parallel_loop3A_319 = arith.addi %parallel_loop3A_317, %parallel_loop3A_318 : i32
        %parallel_loop3A_320 = vector.broadcast %parallel_loop3A_319 : i32 to vector<16xi32>
        %parallel_loop3A_321 = arith.addi %mul3A_41, %parallel_loop3A_320 : vector<16xi32>
        %parallel_loop3A_322 = tpu.vector_load_idx %arg14[%parallel_loop3A_321] : memref<1792xf32, #tpu.memory_space<vmem>>[vector<16xi32>], vector<16xf32>,
        %parallel_loop3A_323 = arith.addf %parallel_loop3A_315, %parallel_loop3A_322 : vector<16xf32>
        %parallel_loop3A_324 = arith.constant 16 : i32
        %parallel_loop3A_325 = arith.addi %parallel_loop3A_91, %parallel_loop3A_324 : i32
        %parallel_loop3A_326 = arith.constant 13 : i32
        %parallel_loop3A_327 = arith.addi %parallel_loop3A_325, %parallel_loop3A_326 : i32
        %parallel_loop3A_328 = vector.broadcast %parallel_loop3A_327 : i32 to vector<16xi32>
        %parallel_loop3A_329 = arith.addi %mul3A_41, %parallel_loop3A_328 : vector<16xi32>
        %parallel_loop3A_330 = tpu.vector_load_idx %arg14[%parallel_loop3A_329] : memref<1792xf32, #tpu.memory_space<vmem>>[vector<16xi32>], vector<16xf32>,
        %parallel_loop3A_331 = arith.addf %parallel_loop3A_323, %parallel_loop3A_330 : vector<16xf32>
        %parallel_loop3A_332 = arith.constant 16 : i32
        %parallel_loop3A_333 = arith.addi %parallel_loop3A_91, %parallel_loop3A_332 : i32
        %parallel_loop3A_334 = arith.constant 14 : i32
        %parallel_loop3A_335 = arith.addi %parallel_loop3A_333, %parallel_loop3A_334 : i32
        %parallel_loop3A_336 = vector.broadcast %parallel_loop3A_335 : i32 to vector<16xi32>
        %parallel_loop3A_337 = arith.addi %mul3A_41, %parallel_loop3A_336 : vector<16xi32>
        %parallel_loop3A_338 = tpu.vector_load_idx %arg14[%parallel_loop3A_337] : memref<1792xf32, #tpu.memory_space<vmem>>[vector<16xi32>], vector<16xf32>,
        %parallel_loop3A_339 = arith.addf %parallel_loop3A_331, %parallel_loop3A_338 : vector<16xf32>
        %parallel_loop3A_340 = arith.constant 16 : i32
        %parallel_loop3A_341 = arith.addi %parallel_loop3A_91, %parallel_loop3A_340 : i32
        %parallel_loop3A_342 = arith.constant 15 : i32
        %parallel_loop3A_343 = arith.addi %parallel_loop3A_341, %parallel_loop3A_342 : i32
        %parallel_loop3A_344 = vector.broadcast %parallel_loop3A_343 : i32 to vector<16xi32>
        %parallel_loop3A_345 = arith.addi %mul3A_41, %parallel_loop3A_344 : vector<16xi32>
        %parallel_loop3A_346 = tpu.vector_load_idx %arg14[%parallel_loop3A_345] : memref<1792xf32, #tpu.memory_space<vmem>>[vector<16xi32>], vector<16xf32>,
        %parallel_loop3A_347 = arith.addf %parallel_loop3A_339, %parallel_loop3A_346 : vector<16xf32>
        %parallel_loop3A_348 = math.exp %parallel_loop3A_219 : vector<16xf32>
        %parallel_loop3A_349 = arith.constant 16 : i32
        %parallel_loop3A_350 = arith.muli %parallel_loop3A_89, %parallel_loop3A_349 : i32
        %parallel_loop3A_351 = arith.constant 1536 : i32
        %parallel_loop3A_352 = arith.addi %parallel_loop3A_351, %parallel_loop3A_350 : i32
        %parallel_loop3A_353 = arith.index_cast %parallel_loop3A_352 : i32 to index
        %parallel_loop3A_354 = tpu.vector_load %arg14[%parallel_loop3A_353] {strides = array<i32>} : memref<1792xf32, #tpu.memory_space<vmem>>, vector<16xf32>,
        tpu.vector_store %arg14[%parallel_loop3A_353], %parallel_loop3A_348 {strides = array<i32>} : memref<1792xf32, #tpu.memory_space<vmem>>, vector<16xf32>,
        %parallel_loop3A_355 = math.exp %parallel_loop3A_347 : vector<16xf32>
        %parallel_loop3A_356 = arith.constant 16 : i32
        %parallel_loop3A_357 = arith.muli %parallel_loop3A_89, %parallel_loop3A_356 : i32
        %parallel_loop3A_358 = arith.constant 1584 : i32
        %parallel_loop3A_359 = arith.addi %parallel_loop3A_358, %parallel_loop3A_357 : i32
        %parallel_loop3A_360 = arith.index_cast %parallel_loop3A_359 : i32 to index
        %parallel_loop3A_361 = tpu.vector_load %arg14[%parallel_loop3A_360] {strides = array<i32>} : memref<1792xf32, #tpu.memory_space<vmem>>, vector<16xf32>,
        tpu.vector_store %arg14[%parallel_loop3A_360], %parallel_loop3A_355 {strides = array<i32>} : memref<1792xf32, #tpu.memory_space<vmem>>, vector<16xf32>,
      } {sc.loop_unroll_factor = 3 : i64, sc.parallel_access}
      %scan3A_84 = arith.constant 0 : i32
      %scan3A_85 = arith.constant 48 : i32
      %scan3A_86 = arith.addi %scan3A_84, %scan3A_85 : i32
      %scan3A_87 = arith.constant 1 : i32
      scf.for %scan3A_89 = %scan3A_84 to %scan3A_86 step %scan3A_87  : i32 {
        %mul3A_90 = arith.constant 1 : i32
        %mul3A_91 = arith.muli %scan3A_89, %mul3A_90 : i32
        %add3A_92 = arith.constant 0 : i32
        %add3A_93 = arith.addi %add3A_92, %mul3A_91 : i32
        %broadcast_in_dim3A_94 = vector.broadcast %add3A_93 : i32 to vector<16xi32>
        %add3A_95 = arith.constant 1536 : i32
        %add3A_96 = vector.broadcast %add3A_95 : i32 to vector<16xi32>
        %add3A_97 = arith.addi %broadcast_in_dim3A_94, %add3A_96 : vector<16xi32>
        %gather3A = tpu.vector_load_idx %arg14[%add3A_97] : memref<1792xf32, #tpu.memory_space<vmem>>[vector<16xi32>], vector<16xf32>,
        %add3A_98 = arith.constant 1536 : i32
        %add3A_99 = vector.broadcast %add3A_98 : i32 to vector<16xi32>
        %add3A_100 = arith.addi %broadcast_in_dim3A_94, %add3A_99 : vector<16xi32>
        %add3A_101 = arith.constant 48 : i32
        %add3A_102 = vector.broadcast %add3A_101 : i32 to vector<16xi32>
        %add3A_103 = arith.addi %add3A_100, %add3A_102 : vector<16xi32>
        %gather3A_104 = tpu.vector_load_idx %arg14[%add3A_103] : memref<1792xf32, #tpu.memory_space<vmem>>[vector<16xi32>], vector<16xf32>,
        %mul3A_105 = arith.mulf %get3A_38, %gather3A_104 : vector<16xf32>
        %add3A_106 = arith.addf %get3A_36, %mul3A_105 : vector<16xf32>
        %mul3A_107 = arith.mulf %gather3A, %add3A_106 : vector<16xf32>
        %mul3A_108 = arith.mulf %get3A_38, %gather3A : vector<16xf32>
        %add3A_109 = arith.addf %get3A_36, %mul3A_108 : vector<16xf32>
        %mul3A_110 = arith.mulf %gather3A_104, %add3A_109 : vector<16xf32>
        %eq3A = arith.constant 0 : i32
        %eq3A_111 = vector.broadcast %eq3A : i32 to vector<16xi32>
        %eq3A_112 = arith.cmpi eq, %iota3A, %eq3A_111 : vector<16xi32>
        %eq3A_113 = arith.constant 1 : i32
        %eq3A_114 = vector.broadcast %eq3A_113 : i32 to vector<16xi32>
        %eq3A_115 = arith.cmpi eq, %iota3A, %eq3A_114 : vector<16xi32>
        %jit3A = arith.constant 0.000000e+00 : f32
        %broadcast_in_dim3A_116 = vector.broadcast %jit3A : f32 to vector<16xf32>
        %select_n3A = arith.select %eq3A_115, %mul3A_110, %broadcast_in_dim3A_116 : vector<16xi1>, vector<16xf32>
        %select_n3A_117 = arith.select %eq3A_112, %mul3A_107, %select_n3A : vector<16xi1>, vector<16xf32>
        %gather3A_118 = tpu.vector_load_idx %arg11[%broadcast_in_dim3A_94] : memref<48xi32, #tpu.memory_space<vmem>>[vector<16xi32>], vector<16xi32>,
        %get3A_119 = arith.index_cast %add3A_93 : i32 to index
        %get3A_120 = arith.constant 0 : index
        %get3A_121 = tpu.vector_load %arg12[%get3A_119, %get3A_120] {strides = array<i32>} : memref<48x128xf32, #tpu.memory_space<vmem>>, vector<16xf32>,
        %mul3A_122 = arith.mulf %get3A_121, %mul3A_107 : vector<16xf32>
        %swap3A = arith.index_cast %add3A_93 : i32 to index
        %swap3A_123 = arith.constant 0 : index
        %swap3A_124 = tpu.vector_load %arg12[%swap3A, %swap3A_123] {strides = array<i32>} : memref<48x128xf32, #tpu.memory_space<vmem>>, vector<16xf32>,
        tpu.vector_store %arg12[%swap3A, %swap3A_123], %mul3A_122 {strides = array<i32>} : memref<48x128xf32, #tpu.memory_space<vmem>>, vector<16xf32>,
        %get3A_125 = arith.index_cast %add3A_93 : i32 to index
        %get3A_126 = arith.constant 16 : index
        %get3A_127 = tpu.vector_load %arg12[%get3A_125, %get3A_126] {strides = array<i32>} : memref<48x128xf32, #tpu.memory_space<vmem>>, vector<16xf32>,
        %mul3A_128 = arith.mulf %get3A_127, %mul3A_107 : vector<16xf32>
        %swap3A_129 = arith.index_cast %add3A_93 : i32 to index
        %swap3A_130 = arith.constant 16 : index
        %swap3A_131 = tpu.vector_load %arg12[%swap3A_129, %swap3A_130] {strides = array<i32>} : memref<48x128xf32, #tpu.memory_space<vmem>>, vector<16xf32>,
        tpu.vector_store %arg12[%swap3A_129, %swap3A_130], %mul3A_128 {strides = array<i32>} : memref<48x128xf32, #tpu.memory_space<vmem>>, vector<16xf32>,
        %get3A_132 = arith.index_cast %add3A_93 : i32 to index
        %get3A_133 = arith.constant 32 : index
        %get3A_134 = tpu.vector_load %arg12[%get3A_132, %get3A_133] {strides = array<i32>} : memref<48x128xf32, #tpu.memory_space<vmem>>, vector<16xf32>,
        %mul3A_135 = arith.mulf %get3A_134, %mul3A_107 : vector<16xf32>
        %swap3A_136 = arith.index_cast %add3A_93 : i32 to index
        %swap3A_137 = arith.constant 32 : index
        %swap3A_138 = tpu.vector_load %arg12[%swap3A_136, %swap3A_137] {strides = array<i32>} : memref<48x128xf32, #tpu.memory_space<vmem>>, vector<16xf32>,
        tpu.vector_store %arg12[%swap3A_136, %swap3A_137], %mul3A_135 {strides = array<i32>} : memref<48x128xf32, #tpu.memory_space<vmem>>, vector<16xf32>,
        %get3A_139 = arith.index_cast %add3A_93 : i32 to index
        %get3A_140 = arith.constant 48 : index
        %get3A_141 = tpu.vector_load %arg12[%get3A_139, %get3A_140] {strides = array<i32>} : memref<48x128xf32, #tpu.memory_space<vmem>>, vector<16xf32>,
        %mul3A_142 = arith.mulf %get3A_141, %mul3A_107 : vector<16xf32>
        %swap3A_143 = arith.index_cast %add3A_93 : i32 to index
        %swap3A_144 = arith.constant 48 : index
        %swap3A_145 = tpu.vector_load %arg12[%swap3A_143, %swap3A_144] {strides = array<i32>} : memref<48x128xf32, #tpu.memory_space<vmem>>, vector<16xf32>,
        tpu.vector_store %arg12[%swap3A_143, %swap3A_144], %mul3A_142 {strides = array<i32>} : memref<48x128xf32, #tpu.memory_space<vmem>>, vector<16xf32>,
        %get3A_146 = arith.index_cast %add3A_93 : i32 to index
        %get3A_147 = arith.constant 64 : index
        %get3A_148 = tpu.vector_load %arg12[%get3A_146, %get3A_147] {strides = array<i32>} : memref<48x128xf32, #tpu.memory_space<vmem>>, vector<16xf32>,
        %mul3A_149 = arith.mulf %get3A_148, %mul3A_110 : vector<16xf32>
        %swap3A_150 = arith.index_cast %add3A_93 : i32 to index
        %swap3A_151 = arith.constant 64 : index
        %swap3A_152 = tpu.vector_load %arg12[%swap3A_150, %swap3A_151] {strides = array<i32>} : memref<48x128xf32, #tpu.memory_space<vmem>>, vector<16xf32>,
        tpu.vector_store %arg12[%swap3A_150, %swap3A_151], %mul3A_149 {strides = array<i32>} : memref<48x128xf32, #tpu.memory_space<vmem>>, vector<16xf32>,
        %get3A_153 = arith.index_cast %add3A_93 : i32 to index
        %get3A_154 = arith.constant 80 : index
        %get3A_155 = tpu.vector_load %arg12[%get3A_153, %get3A_154] {strides = array<i32>} : memref<48x128xf32, #tpu.memory_space<vmem>>, vector<16xf32>,
        %mul3A_156 = arith.mulf %get3A_155, %mul3A_110 : vector<16xf32>
        %swap3A_157 = arith.index_cast %add3A_93 : i32 to index
        %swap3A_158 = arith.constant 80 : index
        %swap3A_159 = tpu.vector_load %arg12[%swap3A_157, %swap3A_158] {strides = array<i32>} : memref<48x128xf32, #tpu.memory_space<vmem>>, vector<16xf32>,
        tpu.vector_store %arg12[%swap3A_157, %swap3A_158], %mul3A_156 {strides = array<i32>} : memref<48x128xf32, #tpu.memory_space<vmem>>, vector<16xf32>,
        %get3A_160 = arith.index_cast %add3A_93 : i32 to index
        %get3A_161 = arith.constant 96 : index
        %get3A_162 = tpu.vector_load %arg12[%get3A_160, %get3A_161] {strides = array<i32>} : memref<48x128xf32, #tpu.memory_space<vmem>>, vector<16xf32>,
        %mul3A_163 = arith.mulf %get3A_162, %mul3A_110 : vector<16xf32>
        %swap3A_164 = arith.index_cast %add3A_93 : i32 to index
        %swap3A_165 = arith.constant 96 : index
        %swap3A_166 = tpu.vector_load %arg12[%swap3A_164, %swap3A_165] {strides = array<i32>} : memref<48x128xf32, #tpu.memory_space<vmem>>, vector<16xf32>,
        tpu.vector_store %arg12[%swap3A_164, %swap3A_165], %mul3A_163 {strides = array<i32>} : memref<48x128xf32, #tpu.memory_space<vmem>>, vector<16xf32>,
        %get3A_167 = arith.index_cast %add3A_93 : i32 to index
        %get3A_168 = arith.constant 112 : index
        %get3A_169 = tpu.vector_load %arg12[%get3A_167, %get3A_168] {strides = array<i32>} : memref<48x128xf32, #tpu.memory_space<vmem>>, vector<16xf32>,
        %mul3A_170 = arith.mulf %get3A_169, %mul3A_110 : vector<16xf32>
        %swap3A_171 = arith.index_cast %add3A_93 : i32 to index
        %swap3A_172 = arith.constant 112 : index
        %swap3A_173 = tpu.vector_load %arg12[%swap3A_171, %swap3A_172] {strides = array<i32>} : memref<48x128xf32, #tpu.memory_space<vmem>>, vector<16xf32>,
        tpu.vector_store %arg12[%swap3A_171, %swap3A_172], %mul3A_170 {strides = array<i32>} : memref<48x128xf32, #tpu.memory_space<vmem>>, vector<16xf32>,
        %shift_right_arithmetic3A = arith.constant 11 : i32
        %shift_right_arithmetic3A_174 = vector.broadcast %shift_right_arithmetic3A : i32 to vector<16xi32>
        %shift_right_arithmetic3A_175 = arith.shrsi %gather3A_118, %shift_right_arithmetic3A_174 : vector<16xi32>
        %add3A_176 = arith.addi %shift_right_arithmetic3A_175, %mul3A_46 : vector<16xi32>
        %and3A = arith.constant 2047 : i32
        %and3A_177 = vector.broadcast %and3A : i32 to vector<16xi32>
        %and3A_178 = arith.andi %gather3A_118, %and3A_177 : vector<16xi32>
        %lt3A = arith.constant 2 : i32
        %lt3A_179 = vector.broadcast %lt3A : i32 to vector<16xi32>
        %lt3A_180 = arith.cmpi slt, %iota3A, %lt3A_179 : vector<16xi32>
        tpu.vector_store_idx %arg15[%add3A_176, %and3A_178], %select_n3A_117 masked %lt3A_180 {add = true} : memref<10x2048xf32, #tpu.memory_space<vmem>>[vector<16xi32>, vector<16xi32>], vector<16xf32>, vector<16xi1>
      }
      %scan3A_88 = arith.constant 48 : i32
      "tpu.region"() ({
        %run_scoped3A = tpu.sem_alloc : memref<!tpu.dma_semaphore, #tpu.memory_space<semaphore_mem>>
        %dma_start3A_89 = arith.constant 0 : i32
        %dma_start3A_90 = arith.constant 0 : i32
        %dma_start3A_91 = tpu.memref_slice %arg16[%dma_start3A_89, %dma_start3A_90] : memref<10240x128xf32, #tpu.memory_space<vmem_shared>> -> memref<10240x128xf32, #tpu.memory_space<vmem_shared>>
        tpu.enqueue_indirect_dma source(%arg12 : memref<48x128xf32, #tpu.memory_space<vmem>>) target(%dma_start3A_91 : memref<10240x128xf32, #tpu.memory_space<vmem_shared>>) offsets(%arg11 : memref<48xi32, #tpu.memory_space<vmem>>) semaphore(%run_scoped3A : memref<!tpu.dma_semaphore, #tpu.memory_space<semaphore_mem>>) {add = true}
        %dma_wait3A_92 = arith.constant 0 : i32
        %dma_wait3A_93 = arith.constant 0 : i32
        %dma_wait3A_94 = tpu.memref_slice %arg16[%dma_wait3A_92, %dma_wait3A_93] : memref<10240x128xf32, #tpu.memory_space<vmem_shared>> -> memref<10240x128xf32, #tpu.memory_space<vmem_shared>>
        tpu.wait_indirect_dma semaphore(%run_scoped3A : memref<!tpu.dma_semaphore, #tpu.memory_space<semaphore_mem>>) src(%arg12 : memref<48x128xf32, #tpu.memory_space<vmem>>) dst(%dma_wait3A_94 : memref<10240x128xf32, #tpu.memory_space<vmem_shared>>)
        tpu.yield
      }) : () -> ()
    }
    %scan3A_55 = arith.constant 215 : i32
    %barrier3A_56 = arith.constant 0 : index
    tpu.barrier barrier_id(%barrier3A_56)
    %mul3A_57 = arith.constant 640 : i32
    %mul3A_58 = arith.muli %arg1, %mul3A_57 : i32
    %mul3A_59 = arith.constant 640 : i32
    %mul3A_60 = arith.muli %arg1, %mul3A_59 : i32
    "tpu.region"() ({
      %run_scoped3A = tpu.sem_alloc : memref<!tpu.dma_semaphore, #tpu.memory_space<semaphore_mem>>
      %dma_start3A = arith.constant 0 : i32
      %dma_start3A_61 = tpu.memref_slice %arg8[%arg0, %mul3A_60, %dma_start3A] : memref<2x10240x128xf32, #tpu.memory_space<hbm>> -> memref<1x640x128xf32, #tpu.memory_space<hbm>>
      %dma_start3A_62 = tpu.memref_squeeze %dma_start3A_61 : memref<1x640x128xf32, #tpu.memory_space<hbm>> -> memref<640x128xf32, #tpu.memory_space<hbm>>
      %dma_start3A_63 = arith.constant 0 : i32
      %dma_start3A_64 = tpu.memref_slice %arg16[%mul3A_58, %dma_start3A_63] : memref<10240x128xf32, #tpu.memory_space<vmem_shared>> -> memref<640x128xf32, #tpu.memory_space<vmem_shared>>
      tpu.enqueue_dma source(%dma_start3A_64 : memref<640x128xf32, #tpu.memory_space<vmem_shared>>) target(%dma_start3A_62 : memref<640x128xf32, #tpu.memory_space<hbm>>) target_semaphore(%run_scoped3A : memref<!tpu.dma_semaphore, #tpu.memory_space<semaphore_mem>>)
      %dma_wait3A = arith.constant 0 : i32
      %dma_wait3A_65 = tpu.memref_slice %arg8[%arg0, %mul3A_60, %dma_wait3A] : memref<2x10240x128xf32, #tpu.memory_space<hbm>> -> memref<1x640x128xf32, #tpu.memory_space<hbm>>
      %dma_wait3A_66 = tpu.memref_squeeze %dma_wait3A_65 : memref<1x640x128xf32, #tpu.memory_space<hbm>> -> memref<640x128xf32, #tpu.memory_space<hbm>>
      %dma_wait3A_67 = arith.constant 0 : i32
      %dma_wait3A_68 = tpu.memref_slice %arg16[%mul3A_58, %dma_wait3A_67] : memref<10240x128xf32, #tpu.memory_space<vmem_shared>> -> memref<640x128xf32, #tpu.memory_space<vmem_shared>>
      tpu.wait_dma2 semaphore(%run_scoped3A : memref<!tpu.dma_semaphore, #tpu.memory_space<semaphore_mem>>) src(%dma_wait3A_68 : memref<640x128xf32, #tpu.memory_space<vmem_shared>>) dst(%dma_wait3A_66 : memref<640x128xf32, #tpu.memory_space<hbm>>)
      tpu.yield
    }) : () -> ()
    "tpu.region"() ({
      %run_scoped3A = tpu.sem_alloc : memref<!tpu.dma_semaphore, #tpu.memory_space<semaphore_mem>>
      %dma_start3A = arith.constant 0 : i32
      %dma_start3A_61 = arith.constant 0 : i32
      %dma_start3A_62 = tpu.memref_slice %arg9[%arg0, %arg1, %dma_start3A, %dma_start3A_61] : memref<2x16x10x2048xf32, #tpu.memory_space<hbm>> -> memref<1x1x10x2048xf32, #tpu.memory_space<hbm>>
      %dma_start3A_63 = tpu.memref_squeeze %dma_start3A_62 : memref<1x1x10x2048xf32, #tpu.memory_space<hbm>> -> memref<10x2048xf32, #tpu.memory_space<hbm>>
      %dma_start3A_64 = arith.constant 0 : i32
      %dma_start3A_65 = arith.constant 0 : i32
      %dma_start3A_66 = tpu.memref_slice %arg9[%arg0, %arg1, %dma_start3A_64, %dma_start3A_65] : memref<2x16x10x2048xf32, #tpu.memory_space<hbm>> -> memref<1x1x10x2048xf32, #tpu.memory_space<hbm>>
      %dma_start3A_67 = tpu.memref_squeeze %dma_start3A_66 : memref<1x1x10x2048xf32, #tpu.memory_space<hbm>> -> memref<10x2048xf32, #tpu.memory_space<hbm>>
      tpu.enqueue_dma source(%arg15 : memref<10x2048xf32, #tpu.memory_space<vmem>>) target(%dma_start3A_67 : memref<10x2048xf32, #tpu.memory_space<hbm>>) target_semaphore(%run_scoped3A : memref<!tpu.dma_semaphore, #tpu.memory_space<semaphore_mem>>)
      %dma_wait3A = arith.constant 0 : i32
      %dma_wait3A_68 = arith.constant 0 : i32
      %dma_wait3A_69 = tpu.memref_slice %arg9[%arg0, %arg1, %dma_wait3A, %dma_wait3A_68] : memref<2x16x10x2048xf32, #tpu.memory_space<hbm>> -> memref<1x1x10x2048xf32, #tpu.memory_space<hbm>>
      %dma_wait3A_70 = tpu.memref_squeeze %dma_wait3A_69 : memref<1x1x10x2048xf32, #tpu.memory_space<hbm>> -> memref<10x2048xf32, #tpu.memory_space<hbm>>
      %dma_wait3A_71 = arith.constant 0 : i32
      %dma_wait3A_72 = arith.constant 0 : i32
      %dma_wait3A_73 = tpu.memref_slice %arg9[%arg0, %arg1, %dma_wait3A_71, %dma_wait3A_72] : memref<2x16x10x2048xf32, #tpu.memory_space<hbm>> -> memref<1x1x10x2048xf32, #tpu.memory_space<hbm>>
      %dma_wait3A_74 = tpu.memref_squeeze %dma_wait3A_73 : memref<1x1x10x2048xf32, #tpu.memory_space<hbm>> -> memref<10x2048xf32, #tpu.memory_space<hbm>>
      tpu.wait_dma2 semaphore(%run_scoped3A : memref<!tpu.dma_semaphore, #tpu.memory_space<semaphore_mem>>) src(%arg15 : memref<10x2048xf32, #tpu.memory_space<vmem>>) dst(%dma_wait3A_74 : memref<10x2048xf32, #tpu.memory_space<hbm>>)
      tpu.yield
    }) : () -> ()
    return
  }
}

module attributes {stable_mosaic.version = 14 : i64} {
  func.func @_mm2_body(%arg0: i32, %arg1: memref<1024x128xf32, #tpu.memory_space<vmem>>, %arg2: memref<128x128xf32, #tpu.memory_space<vmem>>, %arg3: memref<128x128xf32, #tpu.memory_space<vmem>>, %arg4: memref<1024x128xf32, #tpu.memory_space<vmem>>, %arg5: memref<1024x128xf32, #tpu.memory_space<vmem>>) attributes {dimension_semantics = [#tpu.dimension_semantics<arbitrary>], iteration_bounds = array<i64: 10>, scalar_prefetch = 0 : i64, scratch_operands = 0 : i64, tpu.core_type = #tpu.core_type<tc>, window_params = [{transform_indices = @transform_0, window_bounds = array<i64: 1024, 128>}, {pipeline_mode = #tpu.pipeline_mode<synchronous>, transform_indices = @transform_1, window_bounds = array<i64: 128, 128>}, {pipeline_mode = #tpu.pipeline_mode<synchronous>, transform_indices = @transform_2, window_bounds = array<i64: 128, 128>}, {transform_indices = @transform_3, window_bounds = array<i64: 1024, 128>}, {transform_indices = @transform_4, window_bounds = array<i64: 1024, 128>}]} {
    %get3A = arith.constant 0 : index
    %get3A_0 = arith.constant 0 : index
    %get3A_1 = vector.load %arg1[%get3A, %get3A_0] : memref<1024x128xf32, #tpu.memory_space<vmem>>, vector<1024x128xf32>
    %get3A_2 = arith.constant 0 : index
    %get3A_3 = arith.constant 0 : index
    %get3A_4 = vector.load %arg2[%get3A_2, %get3A_3] : memref<128x128xf32, #tpu.memory_space<vmem>>, vector<128x128xf32>
    %dot_general3A = arith.constant dense<0.000000e+00> : vector<1024x128xf32>
    %dot_general3A_5 = tpu.matmul %get3A_1, %get3A_4, %dot_general3A {dimension_numbers = #tpu.dot_dimension_numbers<[1], [0], [0], [1], [0, 0, 1, 1], [], []>, transpose_lhs_hint = false} : vector<1024x128xf32>, vector<128x128xf32>, vector<1024x128xf32> -> vector<1024x128xf32>
    %swap3A = arith.constant 0 : index
    %swap3A_6 = arith.constant 0 : index
    %swap3A_7 = vector.load %arg4[%swap3A, %swap3A_6] : memref<1024x128xf32, #tpu.memory_space<vmem>>, vector<1024x128xf32>
    tpu.vector_store %arg4[%swap3A, %swap3A_6], %dot_general3A_5 {strides = array<i32>} : memref<1024x128xf32, #tpu.memory_space<vmem>>, vector<1024x128xf32>,
    %get3A_8 = arith.constant 0 : index
    %get3A_9 = arith.constant 0 : index
    %get3A_10 = vector.load %arg3[%get3A_8, %get3A_9] : memref<128x128xf32, #tpu.memory_space<vmem>>, vector<128x128xf32>
    %dot_general3A_11 = arith.constant dense<0.000000e+00> : vector<1024x128xf32>
    %dot_general3A_12 = tpu.matmul %get3A_1, %get3A_10, %dot_general3A_11 {dimension_numbers = #tpu.dot_dimension_numbers<[1], [0], [0], [1], [0, 0, 1, 1], [], []>, transpose_lhs_hint = false} : vector<1024x128xf32>, vector<128x128xf32>, vector<1024x128xf32> -> vector<1024x128xf32>
    %swap3A_13 = arith.constant 0 : index
    %swap3A_14 = arith.constant 0 : index
    %swap3A_15 = vector.load %arg5[%swap3A_13, %swap3A_14] : memref<1024x128xf32, #tpu.memory_space<vmem>>, vector<1024x128xf32>
    tpu.vector_store %arg5[%swap3A_13, %swap3A_14], %dot_general3A_12 {strides = array<i32>} : memref<1024x128xf32, #tpu.memory_space<vmem>>, vector<1024x128xf32>,
    return
  }
  func.func @transform_0(%arg0: i32) -> (i32, i32) {
    %c0_i32 = arith.constant 0 : i32
    %c0_i32_0 = arith.constant 0 : i32
    return %arg0, %c0_i32 : i32, i32
  }
  func.func @transform_1(%arg0: i32) -> (i32, i32) {
    %c0_i32 = arith.constant 0 : i32
    %c0_i32_0 = arith.constant 0 : i32
    %c0_i32_1 = arith.constant 0 : i32
    return %c0_i32, %c0_i32_0 : i32, i32
  }
  func.func @transform_2(%arg0: i32) -> (i32, i32) {
    %c0_i32 = arith.constant 0 : i32
    %c0_i32_0 = arith.constant 0 : i32
    %c0_i32_1 = arith.constant 0 : i32
    return %c0_i32, %c0_i32_0 : i32, i32
  }
  func.func @transform_3(%arg0: i32) -> (i32, i32) {
    %c0_i32 = arith.constant 0 : i32
    %c0_i32_0 = arith.constant 0 : i32
    return %arg0, %c0_i32 : i32, i32
  }
  func.func @transform_4(%arg0: i32) -> (i32, i32) {
    %c0_i32 = arith.constant 0 : i32
    %c0_i32_0 = arith.constant 0 : i32
    return %arg0, %c0_i32 : i32, i32
  }
}

module attributes {stable_mosaic.version = 14 : i64} {
  func.func @_mid_body(%arg0: i32, %arg1: memref<2x1024x128xf32, #tpu.memory_space<vmem>>, %arg2: memref<1024x32xf32, #tpu.memory_space<vmem>>, %arg3: memref<1024x32xf32, #tpu.memory_space<vmem>>, %arg4: memref<1x128xf32, #tpu.memory_space<vmem>>, %arg5: memref<128x128xf32, #tpu.memory_space<vmem>>, %arg6: memref<128x128xf32, #tpu.memory_space<vmem>>, %arg7: memref<1024x128xf32, #tpu.memory_space<vmem>>, %arg8: memref<1024x128xf32, #tpu.memory_space<vmem>>) attributes {dimension_semantics = [#tpu.dimension_semantics<arbitrary>], iteration_bounds = array<i64: 10>, scalar_prefetch = 0 : i64, scratch_operands = 0 : i64, tpu.core_type = #tpu.core_type<tc>, window_params = [{transform_indices = @transform_0, window_bounds = array<i64: 2, 1024, 128>}, {transform_indices = @transform_1, window_bounds = array<i64: 1024, 32>}, {transform_indices = @transform_2, window_bounds = array<i64: 1024, 32>}, {pipeline_mode = #tpu.pipeline_mode<synchronous>, transform_indices = @transform_3, window_bounds = array<i64: 1, 128>}, {pipeline_mode = #tpu.pipeline_mode<synchronous>, transform_indices = @transform_4, window_bounds = array<i64: 128, 128>}, {pipeline_mode = #tpu.pipeline_mode<synchronous>, transform_indices = @transform_5, window_bounds = array<i64: 128, 128>}, {transform_indices = @transform_6, window_bounds = array<i64: 1024, 128>}, {transform_indices = @transform_7, window_bounds = array<i64: 1024, 128>}]} {
    %get3A = arith.constant 0 : index
    %get3A_0 = arith.constant 0 : index
    %get3A_1 = vector.load %arg2[%get3A, %get3A_0] : memref<1024x32xf32, #tpu.memory_space<vmem>>, vector<1024x32xf32>
    %reduce_sum3A = arith.constant dense<0.000000e+00> : vector<1024xf32>
    %reduce_sum3A_2 = vector.multi_reduction <add>, %get3A_1, %reduce_sum3A [1] : vector<1024x32xf32> to vector<1024xf32>
    %broadcast_in_dim3A = vector.shape_cast %reduce_sum3A_2 : vector<1024xf32> to vector<1024x1xf32>
    %get3A_3 = arith.constant 0 : index
    %get3A_4 = arith.constant 0 : index
    %get3A_5 = vector.load %arg3[%get3A_3, %get3A_4] : memref<1024x32xf32, #tpu.memory_space<vmem>>, vector<1024x32xf32>
    %reduce_sum3A_6 = arith.constant dense<0.000000e+00> : vector<1024xf32>
    %reduce_sum3A_7 = vector.multi_reduction <add>, %get3A_5, %reduce_sum3A_6 [1] : vector<1024x32xf32> to vector<1024xf32>
    %broadcast_in_dim3A_8 = vector.shape_cast %reduce_sum3A_7 : vector<1024xf32> to vector<1024x1xf32>
    %get3A_9 = arith.constant 0 : index
    %get3A_10 = arith.constant 0 : index
    %get3A_11 = arith.constant 0 : index
    %get3A_12 = vector.load %arg1[%get3A_9, %get3A_10, %get3A_11] : memref<2x1024x128xf32, #tpu.memory_space<vmem>>, vector<1x1024x128xf32>
    %get3A_13 = vector.shape_cast %get3A_12 : vector<1x1024x128xf32> to vector<1024x128xf32>
    %get3A_14 = arith.constant 1 : index
    %get3A_15 = arith.constant 0 : index
    %get3A_16 = arith.constant 0 : index
    %get3A_17 = vector.load %arg1[%get3A_14, %get3A_15, %get3A_16] : memref<2x1024x128xf32, #tpu.memory_space<vmem>>, vector<1x1024x128xf32>
    %get3A_18 = vector.shape_cast %get3A_17 : vector<1x1024x128xf32> to vector<1024x128xf32>
    %add3A = arith.addf %get3A_13, %get3A_18 : vector<1024x128xf32>
    %iota3A = tpu.iota {dimensions = array<i32: 1>} : vector<1024x128xi32>
    %lt3A = arith.constant 64 : i32
    %lt3A_19 = vector.broadcast %lt3A : i32 to vector<1024x128xi32>
    %lt3A_20 = arith.cmpi slt, %iota3A, %lt3A_19 : vector<1024x128xi32>
    %broadcast_in_dim3A_21 = vector.shape_cast %broadcast_in_dim3A : vector<1024x1xf32> to vector<1024x1xf32>
    %broadcast_in_dim3A_22 = vector.broadcast %broadcast_in_dim3A_21 : vector<1024x1xf32> to vector<1024x128xf32>
    %broadcast_in_dim3A_23 = vector.shape_cast %broadcast_in_dim3A_8 : vector<1024x1xf32> to vector<1024x1xf32>
    %broadcast_in_dim3A_24 = vector.broadcast %broadcast_in_dim3A_23 : vector<1024x1xf32> to vector<1024x128xf32>
    %select_n3A = arith.select %lt3A_20, %broadcast_in_dim3A_22, %broadcast_in_dim3A_24 : vector<1024x128xi1>, vector<1024x128xf32>
    %add3A_25 = arith.constant 1.000000e-16 : f32
    %add3A_26 = vector.broadcast %add3A_25 : f32 to vector<1024x128xf32>
    %add3A_27 = arith.addf %select_n3A, %add3A_26 : vector<1024x128xf32>
    %div3A = arith.divf %add3A, %add3A_27 : vector<1024x128xf32>
    %get3A_28 = arith.constant 0 : index
    %get3A_29 = arith.constant 0 : index
    %get3A_30 = vector.load %arg4[%get3A_28, %get3A_29] : memref<1x128xf32, #tpu.memory_space<vmem>>, vector<1x128xf32>
    %add3A_31 = vector.broadcast %get3A_30 : vector<1x128xf32> to vector<1024x128xf32>
    %add3A_32 = arith.addf %div3A, %add3A_31 : vector<1024x128xf32>
    %gt3A = arith.constant 0.000000e+00 : f32
    %gt3A_33 = vector.broadcast %gt3A : f32 to vector<1024x128xf32>
    %gt3A_34 = arith.cmpf ogt, %add3A_32, %gt3A_33 : vector<1024x128xf32>
    %exp3A = math.exp %add3A_32 : vector<1024x128xf32>
    %sub3A = arith.constant 1.000000e+00 : f32
    %sub3A_35 = vector.broadcast %sub3A : f32 to vector<1024x128xf32>
    %sub3A_36 = arith.subf %exp3A, %sub3A_35 : vector<1024x128xf32>
    %select_n3A_37 = arith.select %gt3A_34, %add3A_32, %sub3A_36 : vector<1024x128xi1>, vector<1024x128xf32>
    %mul3A = arith.constant 1024 : i32
    %mul3A_38 = arith.muli %arg0, %mul3A : i32
    %iota3A_39 = tpu.iota {dimensions = array<i32: 0>} : vector<1024x1xi32>
    %add3A_40 = vector.broadcast %mul3A_38 : i32 to vector<1024x1xi32>
    %add3A_41 = arith.addi %add3A_40, %iota3A_39 : vector<1024x1xi32>
    %lt3A_42 = arith.constant 10000 : i32
    %lt3A_43 = vector.broadcast %lt3A_42 : i32 to vector<1024x1xi32>
    %lt3A_44 = arith.cmpi slt, %add3A_41, %lt3A_43 : vector<1024x1xi32>
    %jit3A = arith.constant 0.000000e+00 : f32
    %broadcast_in_dim3A_45 = vector.shape_cast %lt3A_44 : vector<1024x1xi1> to vector<1024x1xi1>
    %broadcast_in_dim3A_46 = vector.broadcast %broadcast_in_dim3A_45 : vector<1024x1xi1> to vector<1024x128xi1>
    %broadcast_in_dim3A_47 = vector.broadcast %jit3A : f32 to vector<1024x128xf32>
    %select_n3A_48 = arith.select %broadcast_in_dim3A_46, %select_n3A_37, %broadcast_in_dim3A_47 : vector<1024x128xi1>, vector<1024x128xf32>
    %get3A_49 = arith.constant 0 : index
    %get3A_50 = arith.constant 0 : index
    %get3A_51 = vector.load %arg5[%get3A_49, %get3A_50] : memref<128x128xf32, #tpu.memory_space<vmem>>, vector<128x128xf32>
    %dot_general3A = arith.constant dense<0.000000e+00> : vector<1024x128xf32>
    %dot_general3A_52 = tpu.matmul %select_n3A_48, %get3A_51, %dot_general3A {dimension_numbers = #tpu.dot_dimension_numbers<[1], [0], [0], [1], [0, 0, 1, 1], [], []>, transpose_lhs_hint = false} : vector<1024x128xf32>, vector<128x128xf32>, vector<1024x128xf32> -> vector<1024x128xf32>
    %swap3A = arith.constant 0 : index
    %swap3A_53 = arith.constant 0 : index
    %swap3A_54 = vector.load %arg7[%swap3A, %swap3A_53] : memref<1024x128xf32, #tpu.memory_space<vmem>>, vector<1024x128xf32>
    tpu.vector_store %arg7[%swap3A, %swap3A_53], %dot_general3A_52 {strides = array<i32>} : memref<1024x128xf32, #tpu.memory_space<vmem>>, vector<1024x128xf32>,
    %get3A_55 = arith.constant 0 : index
    %get3A_56 = arith.constant 0 : index
    %get3A_57 = vector.load %arg6[%get3A_55, %get3A_56] : memref<128x128xf32, #tpu.memory_space<vmem>>, vector<128x128xf32>
    %dot_general3A_58 = arith.constant dense<0.000000e+00> : vector<1024x128xf32>
    %dot_general3A_59 = tpu.matmul %select_n3A_48, %get3A_57, %dot_general3A_58 {dimension_numbers = #tpu.dot_dimension_numbers<[1], [0], [0], [1], [0, 0, 1, 1], [], []>, transpose_lhs_hint = false} : vector<1024x128xf32>, vector<128x128xf32>, vector<1024x128xf32> -> vector<1024x128xf32>
    %swap3A_60 = arith.constant 0 : index
    %swap3A_61 = arith.constant 0 : index
    %swap3A_62 = vector.load %arg8[%swap3A_60, %swap3A_61] : memref<1024x128xf32, #tpu.memory_space<vmem>>, vector<1024x128xf32>
    tpu.vector_store %arg8[%swap3A_60, %swap3A_61], %dot_general3A_59 {strides = array<i32>} : memref<1024x128xf32, #tpu.memory_space<vmem>>, vector<1024x128xf32>,
    return
  }
  func.func @transform_0(%arg0: i32) -> (i32, i32, i32) {
    %c0_i32 = arith.constant 0 : i32
    %c0_i32_0 = arith.constant 0 : i32
    %c0_i32_1 = arith.constant 0 : i32
    return %c0_i32, %arg0, %c0_i32_0 : i32, i32, i32
  }
  func.func @transform_1(%arg0: i32) -> (i32, i32) {
    %c0_i32 = arith.constant 0 : i32
    %c0_i32_0 = arith.constant 0 : i32
    return %arg0, %c0_i32 : i32, i32
  }
  func.func @transform_2(%arg0: i32) -> (i32, i32) {
    %c0_i32 = arith.constant 0 : i32
    %c0_i32_0 = arith.constant 0 : i32
    return %arg0, %c0_i32 : i32, i32
  }
  func.func @transform_3(%arg0: i32) -> (i32, i32) {
    %c0_i32 = arith.constant 0 : i32
    %c0_i32_0 = arith.constant 0 : i32
    %c0_i32_1 = arith.constant 0 : i32
    return %c0_i32, %c0_i32_0 : i32, i32
  }
  func.func @transform_4(%arg0: i32) -> (i32, i32) {
    %c0_i32 = arith.constant 0 : i32
    %c0_i32_0 = arith.constant 0 : i32
    %c0_i32_1 = arith.constant 0 : i32
    return %c0_i32, %c0_i32_0 : i32, i32
  }
  func.func @transform_5(%arg0: i32) -> (i32, i32) {
    %c0_i32 = arith.constant 0 : i32
    %c0_i32_0 = arith.constant 0 : i32
    %c0_i32_1 = arith.constant 0 : i32
    return %c0_i32, %c0_i32_0 : i32, i32
  }
  func.func @transform_6(%arg0: i32) -> (i32, i32) {
    %c0_i32 = arith.constant 0 : i32
    %c0_i32_0 = arith.constant 0 : i32
    return %arg0, %c0_i32 : i32, i32
  }
  func.func @transform_7(%arg0: i32) -> (i32, i32) {
    %c0_i32 = arith.constant 0 : i32
    %c0_i32_0 = arith.constant 0 : i32
    return %arg0, %c0_i32 : i32, i32
  }
}

module attributes {stable_mosaic.version = 14 : i64} {
  func.func @_fin_body(%arg0: i32, %arg1: memref<2x1000x128xf32, #tpu.memory_space<vmem>>, %arg2: memref<1000x32xf32, #tpu.memory_space<vmem>>, %arg3: memref<1x128xf32, #tpu.memory_space<vmem>>, %arg4: memref<1000x128xf32, #tpu.memory_space<vmem>>) attributes {dimension_semantics = [#tpu.dimension_semantics<arbitrary>], iteration_bounds = array<i64: 10>, scalar_prefetch = 0 : i64, scratch_operands = 0 : i64, tpu.core_type = #tpu.core_type<tc>, window_params = [{transform_indices = @transform_0, window_bounds = array<i64: 2, 1000, 128>}, {transform_indices = @transform_1, window_bounds = array<i64: 1000, 32>}, {pipeline_mode = #tpu.pipeline_mode<synchronous>, transform_indices = @transform_2, window_bounds = array<i64: 1, 128>}, {transform_indices = @transform_3, window_bounds = array<i64: 1000, 128>}]} {
    %get3A = arith.constant 0 : index
    %get3A_0 = arith.constant 0 : index
    %get3A_1 = vector.load %arg2[%get3A, %get3A_0] : memref<1000x32xf32, #tpu.memory_space<vmem>>, vector<1000x32xf32>
    %reduce_sum3A = arith.constant dense<0.000000e+00> : vector<1000xf32>
    %reduce_sum3A_2 = vector.multi_reduction <add>, %get3A_1, %reduce_sum3A [1] : vector<1000x32xf32> to vector<1000xf32>
    %broadcast_in_dim3A = vector.shape_cast %reduce_sum3A_2 : vector<1000xf32> to vector<1000x1xf32>
    %get3A_3 = arith.constant 0 : index
    %get3A_4 = arith.constant 0 : index
    %get3A_5 = arith.constant 0 : index
    %get3A_6 = vector.load %arg1[%get3A_3, %get3A_4, %get3A_5] : memref<2x1000x128xf32, #tpu.memory_space<vmem>>, vector<1x1000x128xf32>
    %get3A_7 = vector.shape_cast %get3A_6 : vector<1x1000x128xf32> to vector<1000x128xf32>
    %get3A_8 = arith.constant 1 : index
    %get3A_9 = arith.constant 0 : index
    %get3A_10 = arith.constant 0 : index
    %get3A_11 = vector.load %arg1[%get3A_8, %get3A_9, %get3A_10] : memref<2x1000x128xf32, #tpu.memory_space<vmem>>, vector<1x1000x128xf32>
    %get3A_12 = vector.shape_cast %get3A_11 : vector<1x1000x128xf32> to vector<1000x128xf32>
    %add3A = arith.addf %get3A_7, %get3A_12 : vector<1000x128xf32>
    %add3A_13 = arith.constant 1.000000e-16 : f32
    %add3A_14 = vector.broadcast %add3A_13 : f32 to vector<1000x1xf32>
    %add3A_15 = arith.addf %broadcast_in_dim3A, %add3A_14 : vector<1000x1xf32>
    %div3A = vector.broadcast %add3A_15 : vector<1000x1xf32> to vector<1000x128xf32>
    %div3A_16 = arith.divf %add3A, %div3A : vector<1000x128xf32>
    %get3A_17 = arith.constant 0 : index
    %get3A_18 = arith.constant 0 : index
    %get3A_19 = vector.load %arg3[%get3A_17, %get3A_18] : memref<1x128xf32, #tpu.memory_space<vmem>>, vector<1x128xf32>
    %add3A_20 = vector.broadcast %get3A_19 : vector<1x128xf32> to vector<1000x128xf32>
    %add3A_21 = arith.addf %div3A_16, %add3A_20 : vector<1000x128xf32>
    %gt3A = arith.constant 0.000000e+00 : f32
    %gt3A_22 = vector.broadcast %gt3A : f32 to vector<1000x128xf32>
    %gt3A_23 = arith.cmpf ogt, %add3A_21, %gt3A_22 : vector<1000x128xf32>
    %exp3A = math.exp %add3A_21 : vector<1000x128xf32>
    %sub3A = arith.constant 1.000000e+00 : f32
    %sub3A_24 = vector.broadcast %sub3A : f32 to vector<1000x128xf32>
    %sub3A_25 = arith.subf %exp3A, %sub3A_24 : vector<1000x128xf32>
    %select_n3A = arith.select %gt3A_23, %add3A_21, %sub3A_25 : vector<1000x128xi1>, vector<1000x128xf32>
    %swap3A = arith.constant 0 : index
    %swap3A_26 = arith.constant 0 : index
    %swap3A_27 = vector.load %arg4[%swap3A, %swap3A_26] : memref<1000x128xf32, #tpu.memory_space<vmem>>, vector<1000x128xf32>
    tpu.vector_store %arg4[%swap3A, %swap3A_26], %select_n3A {strides = array<i32>} : memref<1000x128xf32, #tpu.memory_space<vmem>>, vector<1000x128xf32>,
    return
  }
  func.func @transform_0(%arg0: i32) -> (i32, i32, i32) {
    %c0_i32 = arith.constant 0 : i32
    %c0_i32_0 = arith.constant 0 : i32
    %c0_i32_1 = arith.constant 0 : i32
    return %c0_i32, %arg0, %c0_i32_0 : i32, i32, i32
  }
  func.func @transform_1(%arg0: i32) -> (i32, i32) {
    %c0_i32 = arith.constant 0 : i32
    %c0_i32_0 = arith.constant 0 : i32
    return %arg0, %c0_i32 : i32, i32
  }
  func.func @transform_2(%arg0: i32) -> (i32, i32) {
    %c0_i32 = arith.constant 0 : i32
    %c0_i32_0 = arith.constant 0 : i32
    %c0_i32_1 = arith.constant 0 : i32
    return %c0_i32, %c0_i32_0 : i32, i32
  }
  func.func @transform_3(%arg0: i32) -> (i32, i32) {
    %c0_i32 = arith.constant 0 : i32
    %c0_i32_0 = arith.constant 0 : i32
    return %arg0, %c0_i32 : i32, i32
  }
}

</mosaic_0001>

<sc_bundles>
// kernel: gat_edge_pass.4.cloned.1.call-start
scs
__scs_entry_jumppad:
0x0: {  	(pc) =	sbr.rel $0x88, $3  }
0x1: {  	(tag) =	ssettag $0x0;
	lr =	simm.s32 $0x1  }
0x2: {  	[smem:$0x3F97] =	sst lr;
	_ =	strace $0xD0000000  }
0x3: {  	_ = 	snop  }
0x4: {  	_ = 	snop  }
0x5: {  	_ = 	snop  }
0x6: {  	_ = 	snop  }
0x7: {  	_ = 	snop  }
__scs_overlays_trampoline_lowered:
0x8: {  	[smem:$0x3FA6] =	sst s0  }
0x9: {  	[smem:$0x3FA7] =	sst s1  }
0xa: {  	[smem:$0x3FA8] =	sst s2  }
0xb: {  	[smem:$0x3FA9] =	sst s3  }
0xc: {  	[smem:$0x3FAA] =	sst s4  }
0xd: {  	[smem:$0x3FAB] =	sst s5  }
0xe: {  	[smem:$0x3FAC] =	sst s6  }
0xf: {  	[smem:$0x3FAD] =	sst s7  }
0x10: {  	[smem:$0x3FAE] =	sst s8  }
0x11: {  	[smem:$0x3FAF] =	sst s9;
	s0 =	simm.s32 @!p0 $0x0  }
0x12: {  	s1 =	sld [smem:$0x3F95];
	s0 =	simm.s32 @p0 $0x1  }
0x13: {  	[smem:$0x3FB0] =	sst s0;
	s0 =	simm.s32 @!p1 $0x0  }
0x14: {  	s2 =	sld [smem:$0x3F94];
	s0 =	simm.s32 @p1 $0x1  }
0x15: {  	[smem:$0x3FB1] =	sst s0;
	s0 =	simm.s32 @!p2 $0x0  }
0x16: {  	s3 =	sld [smem:$0x3FDB];
	s0 =	simm.s32 @p2 $0x1  }
0x17: {  	s4 =	simm.s32 $0x1BF5;
	[smem:$0x3FB3] =	sst s0  }
0x18: {  	s0 =	sld [smem:$0x3F96];
	_ =	swait.ge [sflag:s4], $0x0  }
0x19: {  	s7 =	sld [smem:$0x3F97]  }
0x1a: {  	s8 =	sadd.s32 $0xFFFFE003, lr  }
0x1b: {  	s9 =	sadd.s32 $0xFFFFFEF7, lr;
	s5 =	simm.s32 $0xFFFFFFFF;
	p2 =	slt.u32 s8, $0xFFFFF086  }
0x1c: {  	p1 =	slt.u32 s9, $0xF7A;
	s5 =	simm.s32 @!p2 $0x0  }
0x1d: {  	s5 =	simm.s32 @p1 $0x1;
	p0 =	seq.s32 s7, s2  }
0x1e: {  	s7 =	smul.u32 @!p0 $0xF7A, s2;
	p2 =	seq.s32 @!p0 s5, $0x0  }
0x1f: {  	s9 =	smul.u32 $0xF7A, s1;
	s8 =	simm.s32 @!p0 $0x1BF5;
	p2 =	por !p2, p0  }
0x20: {  	[sflag:s8] =	ssyncset.s32 @!p0 $0xFFFFF086;
	s6 =	sadd.s32 @!p0 s3, s7;
	s7 =	simm.s32 @!p0 $0x108  }
0x21: {  	s3 =	sadd.s32 s3, s9;
	s6 =	sadd.s32 @!p0 $0x88, s6;
	s7 =	simm.s32 @p2 $0x1082  }
0x22: {  	[simem:s7], [sflag:s8] =	dma.local @!p0 [hbm:s6], $0xF7A  }
0x23: {  	s9 =	sor.u32 $0xD0000000, s2;
	s6 =	simm.s32 $0x108;
	_ =	swait.ge @!p0 [sflag:s8], $0x0  }
0x24: {  	s3 =	sadd.s32 $0x88, s3;
	s6 =	simm.s32 @!p1 $0x1082;
	[sflag:s4] =	ssyncset.s32 $0xFFFFF086  }
0x25: {  	[simem:s6], [sflag:s4] =	dma.local [hbm:s3], $0xF7A  }
0x26: {  	[smem:$0x3F97] =	sst s1;
	(tag) =	ssettag s2;
	_ =	strace s9  }
0x27: {  	s1 =	sld [smem:$0x3FA7]  }
0x28: {  	s2 =	sld [smem:$0x3FA8]  }
0x29: {  	s4 =	sld [smem:$0x3FAA]  }
0x2a: {  	p0 =	seq.s32 s5, $0x0;
	s5 =	sld [smem:$0x3FAB]  }
0x2b: {  	s6 =	sld [smem:$0x3FAC]  }
0x2c: {  	s7 =	sld [smem:$0x3FAD]  }
0x2d: {  	s3 =	simm.s32 $0x108;
	s8 =	sld [smem:$0x3FAE]  }
0x2e: {  	s3 =	simm.s32 @!p0 $0x1082;
	s9 =	sld [smem:$0x3FAF]  }
0x2f: {  	lr =	sadd.s32 s0, s3;
	s0 =	sld [smem:$0x3FA6]  }
0x30: {  	s3 =	sld [smem:$0x3FA9]  }
0x31: {  	[smem:$0x3FB2] =	sst s10  }
0x32: {  	s10 =	sld [smem:$0x3FB0];
	_ =	sdelay $0x3  }
0x33: {  	p0 =	seq.s32 s10, $0x1;
	s10 =	sld [smem:$0x3FB2];
	_ =	sdelay $0x3  }
0x34: {  	[smem:$0x3FB2] =	sst s10  }
0x35: {  	s10 =	sld [smem:$0x3FB1];
	_ =	sdelay $0x3  }
0x36: {  	p1 =	seq.s32 s10, $0x1;
	s10 =	sld [smem:$0x3FB2];
	_ =	sdelay $0x3  }
0x37: {  	[smem:$0x3FB2] =	sst s10  }
0x38: {  	s10 =	sld [smem:$0x3FB3]  }
0x39: {  	_ = 	snop;
	(pc) =	sbr.ind lr, $3  }
0x3a: {  	_ = 	snop  }
0x3b: {  	_ = 	snop  }
0x3c: {  	p2 =	seq.s32 s10, $0x1;
	s10 =	sld [smem:$0x3FB2]  }
0x3d: {  	_ =	shalt  }
0x3e: {  	_ =	shalt  }
0x3f: {  	_ =	shalt  }
0x40: {  	_ =	shalt  }
0x41: {  	_ =	shalt  }
0x42: {  	_ =	shalt  }
0x43: {  	_ =	shalt  }
0x44: {  	_ =	shalt  }
0x45: {  	_ =	shalt  }
0x46: {  	_ =	shalt  }
0x47: {  	_ =	shalt  }
0x48: {  	_ =	shalt  }
0x49: {  	_ =	shalt  }
0x4a: {  	_ =	shalt  }
0x4b: {  	_ =	shalt  }
0x4c: {  	_ =	shalt  }
0x4d: {  	_ =	shalt  }
0x4e: {  	_ =	shalt  }
0x4f: {  	_ =	shalt  }
0x50: {  	_ =	shalt  }
0x51: {  	_ =	shalt  }
0x52: {  	_ =	shalt  }
0x53: {  	_ =	shalt  }
0x54: {  	_ =	shalt  }
0x55: {  	_ =	shalt  }
0x56: {  	_ =	shalt  }
0x57: {  	_ =	shalt  }
0x58: {  	_ =	shalt  }
0x59: {  	_ =	shalt  }
0x5a: {  	_ =	shalt  }
0x5b: {  	_ =	shalt  }
0x5c: {  	_ =	shalt  }
0x5d: {  	_ =	shalt  }
0x5e: {  	_ =	shalt  }
0x5f: {  	_ =	shalt  }
0x60: {  	_ =	shalt  }
0x61: {  	_ =	shalt  }
0x62: {  	_ =	shalt  }
0x63: {  	_ =	shalt  }
0x64: {  	_ =	shalt  }
0x65: {  	_ =	shalt  }
0x66: {  	_ =	shalt  }
0x67: {  	_ =	shalt  }
0x68: {  	_ =	shalt  }
0x69: {  	_ =	shalt  }
0x6a: {  	_ =	shalt  }
0x6b: {  	_ =	shalt  }
0x6c: {  	_ =	shalt  }
0x6d: {  	_ =	shalt  }
0x6e: {  	_ =	shalt  }
0x6f: {  	_ =	shalt  }
0x70: {  	_ =	shalt  }
0x71: {  	_ =	shalt  }
0x72: {  	_ =	shalt  }
0x73: {  	_ =	shalt  }
0x74: {  	_ =	shalt  }
0x75: {  	_ =	shalt  }
0x76: {  	_ =	shalt  }
0x77: {  	_ =	shalt  }
0x78: {  	_ =	shalt  }
0x79: {  	_ =	shalt  }
0x7a: {  	_ =	shalt  }
0x7b: {  	_ =	shalt  }
0x7c: {  	_ =	shalt  }
0x7d: {  	_ =	shalt  }
0x7e: {  	_ =	shalt  }
0x7f: {  	_ =	shalt  }
0x80: {  	_ =	shalt  }
0x81: {  	_ =	shalt  }
0x82: {  	_ =	shalt  }
0x83: {  	_ =	shalt  }
0x84: {  	_ =	shalt  }
0x85: {  	_ =	shalt  }
0x86: {  	_ =	shalt  }
0x87: {  	_ =	shalt  }
.Lfunc_end0:
.L_simem_size_0:
called_computation_lowered:
.L_overlay_start_0:
0x88: {  	s2 =	sld [smem:$0x3FD9]  }
0x89: {  	s3 =	sld [smem:$0x3FFE];
	_ =	sdelay $0x1  }
0x8a: {  	s1 =	srdreg.scid  }
0x8b: {  	s0 =	sand.u32 $0x1, s1  }
0x8c: {  	s17 =	sshll.u32 s0, $0xA;
	s2 =	sadd.s32 s3, s2  }
0x8d: {  	s2 =	sadd.s32 s2, s17  }
0x8e: {  	[smem:$0x3FBE] =	sst s2  }
0x8f: {  	_ = 	snop  }
0x90: {  	s2 =	sld [smem:$0x3FD0];
	(tm) =	ssettm $0x1  }
0x91: {  	s18 =	sld [smem:$0x3FFB];
	_ =	sdelay $0x3  }
0x92: {  	_ =	strace s18  }
0x93: {  	s3 =	sld [smem:$0x3FFC];
	_ =	sdelay $0x3  }
0x94: {  	_ =	strace s3  }
0x95: {  	s3 =	sld [smem:$0x3FFD];
	_ =	sdelay $0x3  }
0x96: {  	_ =	strace s3  }
0x97: {  	_ =	strace $0x8FFFFFFF  }
0x98: {  	s19 =	sld [smem:$0x3FDB];
	_ =	sdelay $0x1  }
0x99: {  	s4 =	simm.s32 $_scs_section_size  }
0x9a: {  	s5 =	simm.s32 $_size__tile_overlayer_lowered;
	s6 =	simm.s32 $_tile_overlayer_lowered  }
0x9b: {  	s22 =	simm.s32 $0x1BFF;
	s21 =	sshll.u32 s6, $0x1;
	s3 =	sadd.s32 s4, s19  }
0x9c: {  	s7 =	simm.s32 $0x0;
	s20 =	sshll.u32 s5, $0x1;
	s5 =	sadd.s32 s21, s3  }
0x9d: {  	[timem:s7], [sflag:s22] =	dma.local [hbm:s5], s20  }
0x9e: {  	_ =	swait.ge [sflag:s22], s20  }
0x9f: {  	s4 =	ssub.s32 $0x0, s20;
	[sflag:s22] =	ssyncset.done $0x0  }
0xa0: {  	[sflag:s22] =	ssyncadd.s32 s4;
	_ =	sdelay $0x1  }
0xa1: {  	s23 =	simm.s32 $0x1B8B  }
0xa2: {  	_ =	swait.ge [sflag:s23], $0x1  }
0xa3: {  	[sflag:s23] =	ssyncset.done $0x0  }
0xa4: {  	s25 =	simm.s32 $0x1B8E;
	s24 =	sld [smem:$0x3FFE];
	[sflag:s23] =	ssyncadd.s32 $0xFFFFFFFF  }
0xa5: {  	s26 =	simm.s32 $execute0_lowered;
	[smem:$0x3FD2] =	sst s25  }
0xa6: {  	s5 =	sshll.u32 s26, $0x1;
	_ =	strace $0x80000046;
	[dreg:$0x1] =	wrdreg $0xFFFFFFFF  }
0xa7: {  	s28 =	simm.s32 $_size_execute0_lowered;
	s3 =	sadd.s32 s3, s5;
	[dreg:$0x0] =	wrdreg $0x0  }
0xa8: {  	s5 =	sshll.u32 s28, $0x1;
	[dreg:$0x2] =	wrdreg s3  }
0xa9: {  	[dreg:$0x3] =	wrdreg s5  }
0xaa: {  	[dreg:$0x4] =	wrdreg $0xC0  }
0xab: {  	_ =	task [dreg:s7], $0x5FFFF  }
0xac: {  	[dreg:$0x1] =	wrdreg $0xFFFFFFFF  }
0xad: {  	[dreg:$0x0] =	wrdreg $0x60  }
0xae: {  	[dreg:$0x2] =	wrdreg s24  }
0xaf: {  	[dreg:$0x3] =	wrdreg s2  }
0xb0: {  	[dreg:$0x4] =	wrdreg $0xB8000  }
0xb1: {  	[dreg:$0x5] =	wrdreg $0x9  }
0xb2: {  	_ =	task.clear_ibuf [dreg:s7], $0x6FFFF;
	_ =	strace $0x90000046  }
0xb3: {  	s29 =	simm.s32 $0x9;
	_ =	strace $0x80000048  }
0xb4: {  	_ =	swait.ge [sflag:s29], $0x1  }
0xb5: {  	[sflag:s29] =	ssyncadd.s32 $0xFFFFFFFF  }
0xb6: {  	_ =	strace $0x90000048  }
0xb7: {  	_ =	sfence  }
0xb8: {  	s30 =	sld [smem:$0x0];
	_ =	sdelay $0x2  }
0xb9: {  	s31 =	sshll.u32 s1, $0xD;
	s1 =	sshrl.u32 s1, $0x2  }
0xba: {  	s3 =	sand.u32 $0x4000, s31;
	s1 =	sadd.s32 s1, s30  }
0xbb: {  	s0 =	sor.u32 s3, s0;
	s1 =	sshll.u32 s1, $0x11  }
0xbc: {  	s0 =	sor.u32 s1, s0  }
0xbd: {  	s0 =	sadd.s32 $0x8F2B, s0  }
0xbe: {  	[sflag:s0] =	ssyncadd.remote.s32 $0x1  }
0xbf: {  	_ =	sfence.sel $0xFFFF  }
0xc0: {  	[dreg:$0x0] =	wrdreg $0xFFFFFFFF;
	(pc) =	sbr.abs _section_cstart, $3  }
0xc1: {  	[dreg:$0x1] =	wrdreg $0xFFFFFFFF  }
0xc2: {  	_ =	task.clear_ibuf [dreg:s7], $0x2FFFF;
	_ =	strace $0x9FFFFFFF  }
0xc3: {  	(tm) =	ssettm $0x7FFFFFFF  }
tec
execute0_lowered:
.L_overlay_start_1:
0x0: {  	(tag) =	ssettag $0x1  }
0x1: {  	s0 =	rddreg [dreg:$0x0]  }
0x2: {  	s2 =	rddreg [dreg:$0x1]  }
0x3: {  	s1 =	rddreg [dreg:$0x2];
	s3 =	simm.s32 $0x0;
	s4 =	srdreg.scid  }
0x4: {  	s12 =	stileid.u32;
	s29 =	simm.s32 $0x100;
	s30 =	simm.s32 $0x3  }
0x5: {  	s31 =	simm.s32 $0x80;
	[smem:$0x7FF] =	sst s3;
	s8 =	sand.u32 $0x1, s4  }
0x6: {  	s4 =	sadd.s32 $0x17600, s0;
	s10 =	smul.u32 $0x14000, s12;
	s5 =	sadd.s32 $0x3F600, s0  }
0x7: {  	v0 =	vlaneseq.u32;
	s6 =	sadd.s32 $0xD400, s0;
	s7 =	sadd.s32 $0x3200, s0;
	s11 =	sadd.s32 $0x3000, s0  }
0x8: {  	s24 =	smul.u32 $0x50000, s12;
	s25 =	sadd.s32 $0x67600, s0;
	s15 =	sshll.u32 s12, $0xC;
	v0 =	vmul.u32 $0x20, v0  }
0x9: {  	s9 =	smul.u32 $0x140000, s8;
	_ =	strace $0x80000047;
	[dreg:$0x4] =	wrdreg s11  }
0xa: {  	[dreg:$0x5] =	wrdreg s25;
	s26 =	ssub.s32 $0x2, s8;
	s14 =	sshll.u32 s8, $0x4;
	v2 =	vor.u32 $0x1, v0  }
0xb: {  	s8 =	sshll.u32 s8, $0x10;
	s2 =	sadd.s32 s2, s15;
	s13 =	sshrl.u32 s26, $0x1;
	[tilespmem:$0x1FF00] =	vst v2;
	v2 =	vor.u32 $0x2, v0  }
0xc: {  	s16 =	sadd.s32 s8, s2;
	s9 =	sadd.s32 s10, s9;
	s10 =	sshrl.u32 s24, $0x2;
	[tilespmem:$0x1FF10] =	vst v2;
	v2 =	vor.u32 $0x3, v0  }
0xd: {  	[dreg:$0x8] =	wrdreg s16;
	s9 =	sshrl.u32 s9, $0x3;
	s10 =	sadd.s32 s10, s1;
	[tilespmem:$0x1FF20] =	vst v2;
	v2 =	vor.u32 $0x4, v0  }
0xe: {  	s0 =	sadd.s32 s9, s0;
	s9 =	ssub.s32 s26, s13;
	s13 =	sadd.s32 $0x13800, s10;
	[tilespmem:$0x1FF30] =	vst v2;
	v2 =	vor.u32 $0x5, v0  }
0xf: {  	s11 =	sor.u32 s12, s14;
	s18 =	sadd.s32 $0x1800, s10;
	[dreg:$0x6] =	wrdreg s13;
	[tilespmem:$0x1FF40] =	vst v2;
	v2 =	vor.u32 $0x6, v0  }
0x10: {  	s2 =	simm.s32 $0x1900;
	s19 =	sadd.s32 $0x3000, s10;
	[dreg:$0xa] =	wrdreg s18;
	[tilespmem:$0x1FF50] =	vst v2;
	v2 =	vor.u32 $0x7, v0  }
0x11: {  	s8 =	simm.s32 $0x1;
	s20 =	sadd.s32 $0x4800, s10;
	[dreg:$0xb] =	wrdreg s19;
	[tilespmem:$0x1FF60] =	vst v2;
	v2 =	vor.u32 $0x8, v0  }
0x12: {  	s14 =	simm.s32 $0x0;
	s21 =	sadd.s32 $0x6000, s10;
	[dreg:$0xc] =	wrdreg s20;
	[tilespmem:$0x1FF70] =	vst v2;
	v2 =	vor.u32 $0x9, v0  }
0x13: {  	s12 =	smul.u32 $0x2850, s11;
	s22 =	sadd.s32 $0x7800, s10;
	[dreg:$0xd] =	wrdreg s21;
	[tilespmem:$0x1FF80] =	vst v2;
	v2 =	vor.u32 $0xA, v0  }
0x14: {  	s11 =	simm.s32 $0x3100;
	s23 =	sadd.s32 $0x9000, s10;
	[dreg:$0xe] =	wrdreg s22;
	[tilespmem:$0x1FF90] =	vst v2;
	v2 =	vor.u32 $0xB, v0  }
0x15: {  	s24 =	sadd.s32 $0xA800, s10;
	s25 =	sadd.s32 $0xC000, s10;
	[dreg:$0xf] =	wrdreg s23;
	[tilespmem:$0x1FFA0] =	vst v2;
	v2 =	vor.u32 $0xC, v0  }
0x16: {  	v1 =	vimm.f32 $0.0e+00;
	s26 =	sadd.s32 $0xD800, s10;
	s28 =	sadd.s32 $0x12000, s10;
	[dreg:$0x10] =	wrdreg s24;
	[tilespmem:$0x1FFB0] =	vst v2;
	v2 =	vor.u32 $0xD, v0  }
0x17: {  	v22 =	vimm.s32 $0x5;
	vm2 =	vcmask $0x300;
	s0 =	sadd.s32 $0x67800, s0;
	s17 =	smax.u32 s9, $0x1;
	[dreg:$0x11] =	wrdreg s25;
	[tilespmem:$0x1FFC0] =	vst v2;
	v2 =	vor.u32 $0xE, v0  }
0x18: {  	vm0 =	vcmask $0x3F08;
	vm1 =	vmmov $0x1;
	[dreg:$0x12] =	wrdreg s26;
	s25 =	sadd.s32 $0xF000, s10;
	s26 =	sadd.s32 $0x10800, s10;
	[tilespmem:$0x1FFD0] =	vst v2;
	v2 =	vor.u32 $0xF, v0  }
0x19: {  	v22 =	vsel vm2, $0x0, v22;
	v18 =	vor.u32 $0x11, v0;
	s9 =	simm.s32 $0x2;
	s13 =	simm.s32 $0x3800;
	[dreg:$0x7] =	wrdreg s0;
	[tilespmem:$0x1FFE0] =	vst v2;
	v2 =	vor.u32 $0x10, v0  }
0x1a: {  	v19 =	vor.u32 $0x12, v0;
	v20 =	vor.u32 $0x13, v0;
	v21 =	vor.u32 $0x14, v0;
	s24 =	simm.s32 $0x40;
	[dreg:$0x9] =	wrdreg s17;
	s0 =	simm.s32 $0x30;
	[tilespmem:$0x1FFF0] =	vst v2  }
.LBB2_1:
0x1b: {  	s15 =	simm.s32 $0xFFFFB000  }
0x1c: {  	s16 =	simm.s32 $0x0;
	s17 =	simm.s32 $0x0;
	s18 =	simm.s32 $0x0  }
.LBB2_2:
0x1d: {  	s19 =	sadd.s32 $0x5000, s15  }
0x1e: {  	s20 =	sand.u32 $0x380, s18;
	s19 =	sand.u32 $0x4000, s19  }
0x1f: {  	s19 =	sor.u32 s20, s19  }
0x20: {  	[tilespmem:s19+$0x3800] =	vst v1  }
0x21: {  	[tilespmem:s19+$0x3810] =	vst v1  }
0x22: {  	[tilespmem:s19+$0x3820] =	vst v1  }
0x23: {  	[tilespmem:s19+$0x3830] =	vst v1  }
0x24: {  	[tilespmem:s19+$0x3840] =	vst v1  }
0x25: {  	[tilespmem:s19+$0x3850] =	vst v1  }
0x26: {  	[tilespmem:s19+$0x3860] =	vst v1  }
0x27: {  	[tilespmem:s19+$0x3870] =	vst v1  }
0x28: {  	[tilespmem:s19+$0x3C00] =	vst v1  }
0x29: {  	[tilespmem:s19+$0x3C10] =	vst v1  }
0x2a: {  	[tilespmem:s19+$0x3C20] =	vst v1  }
0x2b: {  	[tilespmem:s19+$0x3C30] =	vst v1  }
0x2c: {  	[tilespmem:s19+$0x3C40] =	vst v1  }
0x2d: {  	[tilespmem:s19+$0x3C50] =	vst v1  }
0x2e: {  	[tilespmem:s19+$0x3C60] =	vst v1  }
0x2f: {  	[tilespmem:s19+$0x3C70] =	vst v1  }
0x30: {  	[tilespmem:s19+$0x4000] =	vst v1  }
0x31: {  	[tilespmem:s19+$0x4010] =	vst v1  }
0x32: {  	[tilespmem:s19+$0x4020] =	vst v1  }
0x33: {  	[tilespmem:s19+$0x4030] =	vst v1  }
0x34: {  	[tilespmem:s19+$0x4040] =	vst v1  }
0x35: {  	[tilespmem:s19+$0x4050] =	vst v1  }
0x36: {  	[tilespmem:s19+$0x4060] =	vst v1  }
0x37: {  	[tilespmem:s19+$0x4070] =	vst v1  }
0x38: {  	[tilespmem:s19+$0x4400] =	vst v1  }
0x39: {  	[tilespmem:s19+$0x4410] =	vst v1  }
0x3a: {  	[tilespmem:s19+$0x4420] =	vst v1  }
0x3b: {  	[tilespmem:s19+$0x4430] =	vst v1  }
0x3c: {  	[tilespmem:s19+$0x4440] =	vst v1  }
0x3d: {  	[tilespmem:s19+$0x4450] =	vst v1  }
0x3e: {  	[tilespmem:s19+$0x4460] =	vst v1  }
0x3f: {  	[tilespmem:s19+$0x4470] =	vst v1  }
0x40: {  	[tilespmem:s19+$0x4800] =	vst v1  }
0x41: {  	[tilespmem:s19+$0x4810] =	vst v1  }
0x42: {  	[tilespmem:s19+$0x4820] =	vst v1  }
0x43: {  	[tilespmem:s19+$0x4830] =	vst v1  }
0x44: {  	[tilespmem:s19+$0x4840] =	vst v1  }
0x45: {  	[tilespmem:s19+$0x4850] =	vst v1  }
0x46: {  	[tilespmem:s19+$0x4860] =	vst v1  }
0x47: {  	[tilespmem:s19+$0x4870] =	vst v1  }
0x48: {  	[tilespmem:s19+$0x4C00] =	vst v1  }
0x49: {  	[tilespmem:s19+$0x4C10] =	vst v1  }
0x4a: {  	[tilespmem:s19+$0x4C20] =	vst v1  }
0x4b: {  	[tilespmem:s19+$0x4C30] =	vst v1  }
0x4c: {  	[tilespmem:s19+$0x4C40] =	vst v1  }
0x4d: {  	[tilespmem:s19+$0x4C50] =	vst v1  }
0x4e: {  	[tilespmem:s19+$0x4C60] =	vst v1  }
0x4f: {  	[tilespmem:s19+$0x4C70] =	vst v1  }
0x50: {  	[tilespmem:s19+$0x5000] =	vst v1  }
0x51: {  	[tilespmem:s19+$0x5010] =	vst v1  }
0x52: {  	[tilespmem:s19+$0x5020] =	vst v1  }
0x53: {  	[tilespmem:s19+$0x5030] =	vst v1  }
0x54: {  	[tilespmem:s19+$0x5040] =	vst v1  }
0x55: {  	[tilespmem:s19+$0x5050] =	vst v1  }
0x56: {  	[tilespmem:s19+$0x5060] =	vst v1  }
0x57: {  	[tilespmem:s19+$0x5070] =	vst v1  }
0x58: {  	[tilespmem:s19+$0x5400] =	vst v1  }
0x59: {  	[tilespmem:s19+$0x5410] =	vst v1  }
0x5a: {  	[tilespmem:s19+$0x5420] =	vst v1  }
0x5b: {  	[tilespmem:s19+$0x5430] =	vst v1  }
0x5c: {  	[tilespmem:s19+$0x5440] =	vst v1  }
0x5d: {  	[tilespmem:s19+$0x5450] =	vst v1  }
0x5e: {  	[tilespmem:s19+$0x5460] =	vst v1  }
0x5f: {  	[tilespmem:s19+$0x5470] =	vst v1  }
0x60: {  	[tilespmem:s19+$0x5800] =	vst v1  }
0x61: {  	[tilespmem:s19+$0x5810] =	vst v1  }
0x62: {  	[tilespmem:s19+$0x5820] =	vst v1  }
0x63: {  	[tilespmem:s19+$0x5830] =	vst v1  }
0x64: {  	[tilespmem:s19+$0x5840] =	vst v1  }
0x65: {  	[tilespmem:s19+$0x5850] =	vst v1  }
0x66: {  	[tilespmem:s19+$0x5860] =	vst v1  }
0x67: {  	[tilespmem:s19+$0x5870] =	vst v1  }
0x68: {  	[tilespmem:s19+$0x5C00] =	vst v1  }
0x69: {  	[tilespmem:s19+$0x5C10] =	vst v1  }
0x6a: {  	[tilespmem:s19+$0x5C20] =	vst v1  }
0x6b: {  	[tilespmem:s19+$0x5C30] =	vst v1  }
0x6c: {  	[tilespmem:s19+$0x5C40] =	vst v1  }
0x6d: {  	[tilespmem:s19+$0x5C50] =	vst v1  }
0x6e: {  	[tilespmem:s19+$0x5C60] =	vst v1  }
0x6f: {  	[tilespmem:s19+$0x5C70] =	vst v1  }
0x70: {  	[tilespmem:s19+$0x6000] =	vst v1  }
0x71: {  	[tilespmem:s19+$0x6010] =	vst v1  }
0x72: {  	[tilespmem:s19+$0x6020] =	vst v1  }
0x73: {  	[tilespmem:s19+$0x6030] =	vst v1  }
0x74: {  	[tilespmem:s19+$0x6040] =	vst v1  }
0x75: {  	[tilespmem:s19+$0x6050] =	vst v1  }
0x76: {  	[tilespmem:s19+$0x6060] =	vst v1  }
0x77: {  	[tilespmem:s19+$0x6070] =	vst v1  }
0x78: {  	[tilespmem:s19+$0x6400] =	vst v1  }
0x79: {  	[tilespmem:s19+$0x6410] =	vst v1  }
0x7a: {  	[tilespmem:s19+$0x6420] =	vst v1  }
0x7b: {  	[tilespmem:s19+$0x6430] =	vst v1  }
0x7c: {  	[tilespmem:s19+$0x6440] =	vst v1  }
0x7d: {  	[tilespmem:s19+$0x6450] =	vst v1  }
0x7e: {  	[tilespmem:s19+$0x6460] =	vst v1  }
0x7f: {  	[tilespmem:s19+$0x6470] =	vst v1  }
0x80: {  	[tilespmem:s19+$0x6800] =	vst v1  }
0x81: {  	[tilespmem:s19+$0x6810] =	vst v1  }
0x82: {  	[tilespmem:s19+$0x6820] =	vst v1  }
0x83: {  	[tilespmem:s19+$0x6830] =	vst v1  }
0x84: {  	[tilespmem:s19+$0x6840] =	vst v1  }
0x85: {  	[tilespmem:s19+$0x6850] =	vst v1  }
0x86: {  	[tilespmem:s19+$0x6860] =	vst v1  }
0x87: {  	[tilespmem:s19+$0x6870] =	vst v1  }
0x88: {  	[tilespmem:s19+$0x6C00] =	vst v1  }
0x89: {  	[tilespmem:s19+$0x6C10] =	vst v1  }
0x8a: {  	[tilespmem:s19+$0x6C20] =	vst v1  }
0x8b: {  	[tilespmem:s19+$0x6C30] =	vst v1  }
0x8c: {  	s22 =	sand.u32 $0x7, s16;
	[tilespmem:s19+$0x6C40] =	vst v1  }
0x8d: {  	s20 =	sshll.u32 s22, $0x7;
	[tilespmem:s19+$0x6C50] =	vst v1  }
0x8e: {  	s20 =	sadd.s32 s20, s17;
	[tilespmem:s19+$0x6C60] =	vst v1  }
0x8f: {  	[tilespmem:s19+$0x6C70] =	vst v1;
	s23 =	sor.u32 $0x3800, s20  }
0x90: {  	s21 =	sor.u32 $0x3810, s20;
	[tilespmem:s23+$0x3800] =	vst v1  }
0x91: {  	s22 =	sor.u32 $0x3820, s20;
	[tilespmem:s21+$0x3800] =	vst v1  }
0x92: {  	s23 =	sor.u32 $0x3830, s20;
	[tilespmem:s22+$0x3800] =	vst v1  }
0x93: {  	s21 =	sor.u32 $0x3840, s20;
	[tilespmem:s23+$0x3800] =	vst v1  }
0x94: {  	s22 =	sor.u32 $0x3850, s20;
	[tilespmem:s21+$0x3800] =	vst v1  }
0x95: {  	s23 =	sor.u32 $0x3860, s20;
	[tilespmem:s22+$0x3800] =	vst v1  }
0x96: {  	s21 =	sor.u32 $0x3870, s20;
	[tilespmem:s23+$0x3800] =	vst v1  }
0x97: {  	s22 =	sor.u32 $0x3C00, s20;
	[tilespmem:s21+$0x3800] =	vst v1  }
0x98: {  	s23 =	sor.u32 $0x3C10, s20;
	[tilespmem:s22+$0x3800] =	vst v1  }
0x99: {  	s21 =	sor.u32 $0x3C20, s20;
	[tilespmem:s23+$0x3800] =	vst v1  }
0x9a: {  	p0 =	sne.s32 s18, $0x480;
	s22 =	sor.u32 $0x3C30, s20;
	[tilespmem:s21+$0x3800] =	vst v1  }
.Ltmp0:
0x9b: {  	s23 =	sor.u32 $0x3C40, s20;
	[tilespmem:s22+$0x3800] =	vst v1;
	(pc) =	sbr.rel @p0 .LBB2_2-.Ltmp0, $4  }
0x9c: {  	s21 =	sor.u32 $0x3C50, s20;
	[tilespmem:s23+$0x3800] =	vst v1  }
0x9d: {  	s22 =	sor.u32 $0x3C60, s20;
	[tilespmem:s21+$0x3800] =	vst v1  }
0x9e: {  	s16 =	sadd.s32 $0x1, s16;
	s23 =	sor.u32 $0x3C70, s20;
	[tilespmem:s22+$0x3800] =	vst v1  }
0x9f: {  	s15 =	sadd.s32 $0x800, s15;
	s18 =	sadd.s32 $0x80, s18;
	s17 =	sadd.s32 $0x800, s17;
	[tilespmem:s23+$0x3800] =	vst v1  }
0xa0: {  	s15 =	simm.s32 $0x0;
	s16 =	simm.s32 $0x200  }
.LBB2_4:
0xa1: {  	p0 =	sne.s32 s16, $0x5E00;
	[tilespmem:s15+$0x170] =	vst v1  }
0xa2: {  	[tilespmem:s15+$0x100] =	vst v1  }
0xa3: {  	[tilespmem:s15+$0x110] =	vst v1  }
.Ltmp1:
0xa4: {  	[tilespmem:s15+$0x120] =	vst v1;
	(pc) =	sbr.rel @p0 .LBB2_4-.Ltmp1, $4  }
0xa5: {  	[tilespmem:s15+$0x130] =	vst v1  }
0xa6: {  	[tilespmem:s15+$0x140] =	vst v1  }
0xa7: {  	[tilespmem:s15+$0x150] =	vst v1  }
0xa8: {  	[tilespmem:s15+$0x160] =	vst v1;
	s15 =	sshra.s32 s16, $0x2;
	s16 =	sadd.s32 $0x200, s16  }
0xa9: {  	[tilespmem:s15+$0x170] =	vst v1  }
0xaa: {  	[tilespmem:s15+$0x100] =	vst v1  }
0xab: {  	[tilespmem:s15+$0x110] =	vst v1  }
0xac: {  	[tilespmem:s15+$0x120] =	vst v1  }
0xad: {  	[tilespmem:s15+$0x130] =	vst v1  }
0xae: {  	[tilespmem:s15+$0x140] =	vst v1  }
0xaf: {  	[tilespmem:s15+$0x150] =	vst v1  }
0xb0: {  	[tilespmem:s15+$0x160] =	vst v1  }
0xb1: {  	[spmem:s10] =	stream.linear.scatter [tilespmem:s29], [sflag:$0x3], $0x1800, $0x38;
	[tilespmem:$0x1F800] =	vst v63  }
0xb2: {  	_ =	swait.ge [sflag:s30], $0x1800  }
0xb3: {  	[sflag:s30] =	ssyncset.done $0x0  }
0xb4: {  	s20 =	rddreg [dreg:$0xa];
	[sflag:s30] =	ssyncadd.s32 $0xFFFFE800  }
0xb5: {  	[spmem:s20] =	stream.linear.scatter [tilespmem:s29], [sflag:$0x3], $0x1800, $0x38;
	[tilespmem:$0x1F800] =	vst v63  }
0xb6: {  	_ =	swait.ge [sflag:s30], $0x1800  }
0xb7: {  	[sflag:s30] =	ssyncset.done $0x0  }
0xb8: {  	s21 =	rddreg [dreg:$0xb];
	[sflag:s30] =	ssyncadd.s32 $0xFFFFE800  }
0xb9: {  	[spmem:s21] =	stream.linear.scatter [tilespmem:s29], [sflag:$0x3], $0x1800, $0x38;
	[tilespmem:$0x1F800] =	vst v63  }
0xba: {  	_ =	swait.ge [sflag:s30], $0x1800  }
0xbb: {  	[sflag:s30] =	ssyncset.done $0x0  }
0xbc: {  	s22 =	rddreg [dreg:$0xc];
	[sflag:s30] =	ssyncadd.s32 $0xFFFFE800  }
0xbd: {  	[spmem:s22] =	stream.linear.scatter [tilespmem:s29], [sflag:$0x3], $0x1800, $0x38;
	[tilespmem:$0x1F800] =	vst v63  }
0xbe: {  	_ =	swait.ge [sflag:s30], $0x1800  }
0xbf: {  	[sflag:s30] =	ssyncset.done $0x0  }
0xc0: {  	s23 =	rddreg [dreg:$0xd];
	[sflag:s30] =	ssyncadd.s32 $0xFFFFE800  }
0xc1: {  	[spmem:s23] =	stream.linear.scatter [tilespmem:s29], [sflag:$0x3], $0x1800, $0x38;
	[tilespmem:$0x1F800] =	vst v63  }
0xc2: {  	_ =	swait.ge [sflag:s30], $0x1800  }
0xc3: {  	[sflag:s30] =	ssyncset.done $0x0  }
0xc4: {  	s16 =	rddreg [dreg:$0xe];
	[sflag:s30] =	ssyncadd.s32 $0xFFFFE800  }
0xc5: {  	[spmem:s16] =	stream.linear.scatter [tilespmem:s29], [sflag:$0x3], $0x1800, $0x38;
	[tilespmem:$0x1F800] =	vst v63  }
0xc6: {  	_ =	swait.ge [sflag:s30], $0x1800  }
0xc7: {  	[sflag:s30] =	ssyncset.done $0x0  }
0xc8: {  	s17 =	rddreg [dreg:$0xf];
	[sflag:s30] =	ssyncadd.s32 $0xFFFFE800  }
0xc9: {  	[spmem:s17] =	stream.linear.scatter [tilespmem:s29], [sflag:$0x3], $0x1800, $0x38;
	[tilespmem:$0x1F800] =	vst v63  }
0xca: {  	_ =	swait.ge [sflag:s30], $0x1800  }
0xcb: {  	[sflag:s30] =	ssyncset.done $0x0  }
0xcc: {  	s18 =	rddreg [dreg:$0x10];
	[sflag:s30] =	ssyncadd.s32 $0xFFFFE800  }
0xcd: {  	[spmem:s18] =	stream.linear.scatter [tilespmem:s29], [sflag:$0x3], $0x1800, $0x38;
	[tilespmem:$0x1F800] =	vst v63  }
0xce: {  	_ =	swait.ge [sflag:s30], $0x1800  }
0xcf: {  	[sflag:s30] =	ssyncset.done $0x0  }
0xd0: {  	s19 =	rddreg [dreg:$0x11];
	[sflag:s30] =	ssyncadd.s32 $0xFFFFE800  }
0xd1: {  	[spmem:s19] =	stream.linear.scatter [tilespmem:s29], [sflag:$0x3], $0x1800, $0x38;
	[tilespmem:$0x1F800] =	vst v63  }
0xd2: {  	_ =	swait.ge [sflag:s30], $0x1800  }
0xd3: {  	[sflag:s30] =	ssyncset.done $0x0  }
0xd4: {  	s20 =	rddreg [dreg:$0x12];
	[sflag:s30] =	ssyncadd.s32 $0xFFFFE800  }
0xd5: {  	[spmem:s20] =	stream.linear.scatter [tilespmem:s29], [sflag:$0x3], $0x1800, $0x38;
	[tilespmem:$0x1F800] =	vst v63  }
0xd6: {  	_ =	swait.ge [sflag:s30], $0x1800  }
0xd7: {  	[sflag:s30] =	ssyncset.done $0x0  }
0xd8: {  	[sflag:s30] =	ssyncadd.s32 $0xFFFFE800  }
0xd9: {  	[spmem:s25] =	stream.linear.scatter [tilespmem:s29], [sflag:$0x3], $0x1800, $0x38;
	[tilespmem:$0x1F800] =	vst v63  }
0xda: {  	_ =	swait.ge [sflag:s30], $0x1800  }
0xdb: {  	[sflag:s30] =	ssyncset.done $0x0  }
0xdc: {  	[sflag:s30] =	ssyncadd.s32 $0xFFFFE800  }
0xdd: {  	[spmem:s26] =	stream.linear.scatter [tilespmem:s29], [sflag:$0x3], $0x1800, $0x38;
	[tilespmem:$0x1F800] =	vst v63  }
0xde: {  	_ =	swait.ge [sflag:s30], $0x1800  }
0xdf: {  	[sflag:s30] =	ssyncset.done $0x0  }
0xe0: {  	[sflag:s30] =	ssyncadd.s32 $0xFFFFE800  }
0xe1: {  	[spmem:s28] =	stream.linear.scatter [tilespmem:s29], [sflag:$0x3], $0x1800, $0x38;
	[tilespmem:$0x1F800] =	vst v63  }
0xe2: {  	_ =	swait.ge [sflag:s30], $0x1800  }
0xe3: {  	[sflag:s30] =	ssyncset.done $0x0  }
0xe4: {  	s21 =	rddreg [dreg:$0x6];
	[sflag:s30] =	ssyncadd.s32 $0xFFFFE800  }
0xe5: {  	[spmem:s21] =	stream.linear.scatter [tilespmem:s29], [sflag:$0x3], $0x800, $0x38;
	[tilespmem:$0x1F800] =	vst v63  }
0xe6: {  	_ =	swait.ge [sflag:s30], $0x800  }
0xe7: {  	[sflag:s30] =	ssyncset.done $0x0  }
0xe8: {  	[sflag:s30] =	ssyncadd.s32 $0xFFFFF800  }
0xe9: {  	[bflag:$0x0] =	sbarrier.arrive $0xFFFF  }
0xea: {  	s15 =	simm.s32 $0x0;
	s17 =	simm.s32 $0x3760;
	s16 =	rddreg [dreg:$0x4]  }
0xeb: {  	[tilespmem:s17], [sflag:$0x3] =	stream.linear.gather [hbm4b:s16+s15], $0x80, $0x38;
	[tilespmem:$0x1F800] =	vst v63  }
0xec: {  	_ =	swait.ge [sflag:s30], $0x80  }
0xed: {  	[sflag:s30] =	ssyncset.done $0x0  }
0xee: {  	s23 =	simm.s32 $0x37E0;
	s22 =	rddreg [dreg:$0x5];
	[sflag:s30] =	ssyncadd.s32 $0xFFFFFF80  }
0xef: {  	[tilespmem:s23], [sflag:$0x3] =	stream.linear.gather [hbm4b:s22+s15], $0x20, $0x38;
	[tilespmem:$0x1F800] =	vst v63  }
0xf0: {  	_ =	swait.ge [sflag:s30], $0x20  }
0xf1: {  	[sflag:s30] =	ssyncset.done $0x0  }
0xf2: {  	[sflag:s30] =	ssyncadd.s32 $0xFFFFFFE0  }
0xf3: {  	v23 =	vld [tilespmem:$0x3760]  }
0xf4: {  	v24 =	vld [tilespmem:$0x3770]  }
0xf5: {  	v25 =	vld [tilespmem:$0x3780]  }
0xf6: {  	v26 =	vld [tilespmem:$0x3790]  }
0xf7: {  	v27 =	vld [tilespmem:$0x37A0]  }
0xf8: {  	v28 =	vld [tilespmem:$0x37B0]  }
0xf9: {  	v30 =	vld [tilespmem:$0x37D0]  }
0xfa: {  	v29 =	vld [tilespmem:$0x37C0]  }
0xfb: {  	v31 =	vld [tilespmem:$0x37E0]  }
0xfc: {  	v32 =	vld [tilespmem:$0x37F0]  }
.LBB2_6:
0xfd: {  	s16 =	smul.u32 $0x30, s15;
	_ =	sdelay $0x1  }
0xfe: {  	s16 =	sadd.s32 s12, s16  }
0xff: {  	s16 =	sshrl.u32 s16, $0x3  }
0x100: {  	s17 =	sadd.s32 s6, s16  }
0x101: {  	[tilespmem:s3], [sflag:$0x3] =	stream.linear.gather [hbm4b:s17+s3], $0x30, $0x38;
	[tilespmem:$0x1F800] =	vst v63  }
0x102: {  	_ =	swait.ge [sflag:s30], $0x30  }
0x103: {  	[sflag:s30] =	ssyncset.done $0x0  }
0x104: {  	s16 =	sadd.s32 s7, s16;
	[sflag:s30] =	ssyncadd.s32 $0xFFFFFFD0  }
0x105: {  	[tilespmem:s31], [sflag:$0x3] =	stream.linear.gather [hbm4b:s16+s3], $0x30, $0x38;
	[tilespmem:$0x1F800] =	vst v63  }
0x106: {  	_ =	swait.ge [sflag:s30], $0x30  }
0x107: {  	[sflag:s30] =	ssyncset.done $0x0  }
0x108: {  	[sflag:s30] =	ssyncadd.s32 $0xFFFFFFD0  }
0x109: {  	[tilespmem:s29], [sflag:$0x1] =	stream.indirect.gather [hbm4b:s4+s0], $0x80, s3, s0, $0xb8;
	[tilespmem:$0x1F800] =	vst v63  }
0x10a: {  	_ = 	snop  }
0x10b: {  	[tilespmem:s2], [sflag:$0x2] =	stream.indirect.gather [hbm4b:s5+s0], $0x80, s31, s0, $0xb8;
	[tilespmem:$0x1F800] =	vst v63  }
0x10c: {  	_ =	swait.ge [sflag:s8], $0x1800  }
0x10d: {  	[sflag:s8] =	ssyncset.done $0x0  }
0x10e: {  	[sflag:s8] =	ssyncadd.s32 $0xFFFFE800  }
0x10f: {  	_ =	swait.ge [sflag:s9], $0x1800  }
0x110: {  	[sflag:s9] =	ssyncset.done $0x0  }
0x111: {  	s20 =	simm.s32 $0x200;
	[sflag:s9] =	ssyncadd.s32 $0xFFFFE800  }
0x112: {  	s16 =	simm.s32 $0x1A00;
	v33 =	vld [tilespmem:s20+$0xB0]  }
0x113: {  	v34 =	vld [tilespmem:s16+$0xB0]  }
0x114: {  	v35 =	vld [tilespmem:s20+$0xF0]  }
0x115: {  	v36 =	vld [tilespmem:s16+$0xF0]  }
0x116: {  	v37 =	vld [tilespmem:s20+$0xA0]  }
0x117: {  	v38 =	vld [tilespmem:s16+$0xA0]  }
0x118: {  	v39 =	vld [tilespmem:s20+$0xE0]  }
0x119: {  	v40 =	vld [tilespmem:s16+$0xE0]  }
0x11a: {  	v41 =	vld [tilespmem:s20+$0x90]  }
0x11b: {  	v42 =	vld [tilespmem:s16+$0x90]  }
0x11c: {  	v43 =	vld [tilespmem:s20+$0x80]  }
0x11d: {  	v44 =	vld [tilespmem:s16+$0x80]  }
0x11e: {  	v45 =	vld [tilespmem:s20+$0xC0]  }
0x11f: {  	v46 =	vld [tilespmem:s16+$0xC0]  }
0x120: {  	v47 =	vld [tilespmem:s20+$0xD0]  }
0x121: {  	v48 =	vld [tilespmem:s16+$0xD0]  }
0x122: {  	v49 =	vld [tilespmem:s16+$0xFFFFFF00]  }
0x123: {  	v6 =	vld [tilespmem:s20+$0xFFFFFF40]  }
0x124: {  	v8 =	vld [tilespmem:s16+$0xFFFFFF40]  }
0x125: {  	v10 =	vld [tilespmem:s20+$0xFFFFFF80]  }
0x126: {  	v12 =	vld [tilespmem:s16+$0xFFFFFF80]  }
0x127: {  	v53 =	vld [tilespmem:s20+$0x0]  }
0x128: {  	v60 =	vld [tilespmem:s20+$0xFFFFFF00];
	v33 =	vadd.f32 v34, v33;
	v5 =	vadd.f32 v36, v35  }
0x129: {  	v54 =	vld [tilespmem:s16+$0x0];
	v7 =	vadd.f32 v44, v43;
	v37 =	vadd.f32 v38, v37  }
0x12a: {  	v50 =	vld [tilespmem:s20+$0xFFFFFFC0];
	v9 =	vadd.f32 v46, v45;
	v39 =	vadd.f32 v40, v39  }
0x12b: {  	v52 =	vld [tilespmem:s16+$0xFFFFFFC0];
	v41 =	vadd.f32 v42, v41;
	v47 =	vadd.f32 v48, v47  }
0x12c: {  	v40 =	vadd.f32 v12, v10;
	v44 =	vmul.f32 $2.000000030e-01, v7;
	v11 =	vmul.f32 $2.000000030e-01, v33  }
0x12d: {  	v10 =	vadd.f32 v49, v60;
	v46 =	vmul.f32 $2.000000030e-01, v9;
	v13 =	vmul.f32 $2.000000030e-01, v5  }
0x12e: {  	v58 =	vld [tilespmem:s20+$0x40];
	v12 =	vadd.f32 v54, v53;
	v14 =	vmul.f32 $2.000000030e-01, v41;
	v51 =	vmul.f32 $2.000000030e-01, v37  }
0x12f: {  	v59 =	vld [tilespmem:s16+$0x40];
	v35 =	vadd.f32 v8, v6;
	v15 =	vmul.f32 $2.000000030e-01, v47;
	v57 =	vmul.f32 $2.000000030e-01, v39  }
0x130: {  	v62 =	vld [tilespmem:s20+$0xFFFFFF10];
	v8 =	vadd.f32 v52, v50;
	v54 =	vmul.f32 $2.000000030e-01, v10;
	v55 =	vmul.f32 $2.000000030e-01, v12  }
0x131: {  	v63 =	vld [tilespmem:s16+$0xFFFFFF10];
	v36 =	vmax.f32 v7, v44;
	v43 =	vmax.f32 v9, v46;
	v41 =	vmax.f32 v41, v14  }
0x132: {  	v56 =	vld [tilespmem:s16+$0xFFFFFFD0];
	v46 =	vmax.f32 v47, v15;
	v37 =	vmax.f32 v37, v51;
	v39 =	vmax.f32 v39, v57  }
0x133: {  	v6 =	vld [tilespmem:s16+$0xFFFFFF50];
	v33 =	vmax.f32 v33, v11;
	v7 =	vmul.f32 $2.000000030e-01, v35;
	v11 =	vmul.f32 $2.000000030e-01, v40  }
0x134: {  	v34 =	vmax.f32 v5, v13;
	v5 =	vld [tilespmem:s20+$0xFFFFFF50];
	v14 =	vmul.f32 $2.000000030e-01, v8;
	v36 =	vmul.f32 v36, v23  }
0x135: {  	v9 =	vld [tilespmem:s20+$0xFFFFFF90];
	v47 =	vadd.f32 v59, v58;
	v43 =	vmul.f32 v43, v27;
	v41 =	vmul.f32 v41, v24  }
0x136: {  	v13 =	vld [tilespmem:s16+$0xFFFFFF90];
	v38 =	vmax.f32 v10, v54;
	v46 =	vmul.f32 v46, v28;
	v37 =	vmul.f32 v37, v25  }
0x137: {  	v15 =	vld [tilespmem:s20+$0xFFFFFFD0];
	v60 =	vmax.f32 v12, v55;
	v39 =	vmul.f32 v39, v29;
	v33 =	vmul.f32 v33, v26  }
0x138: {  	v59 =	vld [tilespmem:s20+$0x10];
	v34 =	vmul.f32 v34, v30;
	v38 =	vmul.f32 v38, v23;
	v35 =	vmax.f32 v35, v7  }
0x139: {  	v12 =	vld [tilespmem:s20+$0xFFFFFFA0];
	v40 =	vmax.f32 v40, v11;
	v57 =	vmax.f32 v8, v14;
	v36 =	vadd.f32 $0.0e+00, v36  }
0x13a: {  	v55 =	vld [tilespmem:s16+$0x60];
	v58 =	vmul.f32 $2.000000030e-01, v47;
	v43 =	vadd.f32 $0.0e+00, v43;
	v35 =	vmul.f32 v35, v27  }
0x13b: {  	v8 =	vld [tilespmem:s16+$0xFFFFFF20];
	v40 =	vmul.f32 v40, v23;
	v38 =	vadd.f32 $0.0e+00, v38;
	v36 =	vadd.f32 v41, v36  }
0x13c: {  	v11 =	vld [tilespmem:s16+$0xFFFFFF60];
	v42 =	vmax.f32 v47, v58;
	v61 =	vadd.f32 v46, v43;
	v49 =	vadd.f32 v56, v15  }
0x13d: {  	v41 =	vmul.f32 v57, v27;
	v35 =	vadd.f32 $0.0e+00, v35;
	v40 =	vadd.f32 $0.0e+00, v40;
	v15 =	vld [tilespmem:s16+$0xFFFFFFA0]  }
0x13e: {  	v42 =	vmul.f32 v42, v27;
	v57 =	vld [tilespmem:s20+$0xFFFFFFE0];
	v36 =	vadd.f32 v37, v36;
	v4 =	vadd.f32 v39, v61  }
0x13f: {  	v37 =	vadd.f32 v63, v62;
	v61 =	vld [tilespmem:s16+$0x10];
	v39 =	vmul.f32 v60, v23;
	v41 =	vadd.f32 $0.0e+00, v41  }
0x140: {  	v63 =	vld [tilespmem:s20+$0x50];
	v10 =	vmul.f32 $2.000000030e-01, v49;
	v42 =	vadd.f32 $0.0e+00, v42;
	v44 =	vadd.f32 v33, v36  }
0x141: {  	v33 =	vadd.f32 v34, v4;
	v36 =	vadd.f32 v6, v5;
	v62 =	vmul.f32 $2.000000030e-01, v37;
	v5 =	vld [tilespmem:s16+$0x50]  }
0x142: {  	v34 =	vadd.f32 v13, v9;
	v6 =	vld [tilespmem:s20+$0xFFFFFF20];
	v13 =	vmax.f32 v49, v10;
	v39 =	vadd.f32 $0.0e+00, v39  }
0x143: {  	v9 =	vld [tilespmem:s20+$0xFFFFFF60];
	v48 =	vmul.f32 v13, v28;
	v52 =	vadd.f32 v15, v12;
	v4 =	vmul.f32 $2.000000030e-01, v36  }
0x144: {  	v13 =	vld [tilespmem:s16+$0xFFFFFF70];
	v37 =	vmax.f32 v37, v62;
	v7 =	vmul.f32 $2.000000030e-01, v34;
	v43 =	vadd.f32 v61, v59  }
0x145: {  	v62 =	vld [tilespmem:s16+$0x20];
	v37 =	vmul.f32 v37, v24;
	v48 =	vadd.f32 v48, v41;
	v36 =	vmax.f32 v36, v4  }
0x146: {  	v59 =	vld [tilespmem:s16+$0xFFFFFFE0];
	v34 =	vmax.f32 v34, v7;
	v7 =	vmul.f32 $2.000000030e-01, v52;
	v47 =	vadd.f32 v5, v63  }
0x147: {  	v61 =	vld [tilespmem:s20+$0x20];
	v14 =	vmul.f32 $2.000000030e-01, v43;
	v36 =	vmul.f32 v36, v28;
	v46 =	vadd.f32 v8, v6  }
0x148: {  	v45 =	vadd.f32 v11, v9;
	v34 =	vmul.f32 v34, v24;
	v37 =	vadd.f32 v37, v38;
	v63 =	vld [tilespmem:s20+$0x60]  }
0x149: {  	v6 =	vld [tilespmem:s20+$0xFFFFFF30];
	v11 =	vmax.f32 v52, v7;
	v58 =	vmul.f32 $2.000000030e-01, v47;
	v43 =	vmax.f32 v43, v14  }
0x14a: {  	v8 =	vld [tilespmem:s16+$0xFFFFFF30];
	v60 =	vmul.f32 $2.000000030e-01, v46;
	v4 =	vmul.f32 $2.000000030e-01, v45;
	v36 =	vadd.f32 v36, v35  }
0x14b: {  	v9 =	vld [tilespmem:s20+$0xFFFFFF70];
	v34 =	vadd.f32 v34, v40;
	v52 =	vmul.f32 v11, v25;
	v43 =	vmul.f32 v43, v24  }
0x14c: {  	v49 =	vadd.f32 v59, v57;
	v38 =	vadd.f32 v62, v61;
	v47 =	vmax.f32 v47, v58  }
0x14d: {  	v46 =	vmax.f32 v46, v60;
	v45 =	vmax.f32 v45, v4;
	v47 =	vmul.f32 v47, v28  }
0x14e: {  	v5 =	vmul.f32 v46, v25;
	v45 =	vmul.f32 v45, v29;
	v10 =	vadd.f32 v43, v39  }
0x14f: {  	v14 =	vld [tilespmem:s20+$0xFFFFFFB0];
	v12 =	vmul.f32 $2.000000030e-01, v49;
	v50 =	vadd.f32 v55, v63;
	v59 =	vadd.f32 v8, v6  }
0x150: {  	v58 =	vld [tilespmem:s16+$0xFFFFFFB0];
	v15 =	vmul.f32 $2.000000030e-01, v38;
	v43 =	vadd.f32 v13, v9;
	v35 =	vadd.f32 v5, v37  }
0x151: {  	v39 =	vld [tilespmem:s20+$0xFFFFFFF0];
	v57 =	vadd.f32 v47, v42;
	v41 =	vmax.f32 v49, v12;
	v60 =	vmul.f32 $2.000000030e-01, v50  }
0x152: {  	v37 =	vmax.f32 v38, v15;
	v38 =	vadd.f32 v45, v36;
	v61 =	vmul.f32 v41, v29;
	v41 =	vld [tilespmem:s16+$0xFFFFFFF0]  }
0x153: {  	v40 =	vld [tilespmem:s20+$0x30];
	v51 =	vmul.f32 $2.000000030e-01, v59;
	v47 =	vmul.f32 $2.000000030e-01, v43;
	v50 =	vmax.f32 v50, v60  }
0x154: {  	s18 =	simm.s32 $0x60;
	s17 =	simm.s32 $0x3140;
	v36 =	vadd.f32 v52, v34;
	v42 =	vld [tilespmem:s16+$0x30];
	v37 =	vmul.f32 v37, v25;
	v62 =	vmul.f32 v50, v29  }
0x155: {  	s19 =	simm.s32 $0x0;
	s21 =	simm.s32 $0x20;
	s23 =	sor.u32 $0x70, s18;
	[tilespmem:s17+$0x20] =	vst v44;
	v44 =	vld [tilespmem:s20+$0x70];
	v63 =	vmax.f32 v59, v51;
	v46 =	vadd.f32 v58, v14;
	v34 =	vadd.f32 v61, v48  }
0x156: {  	s22 =	sor.u32 $0x30, s21;
	s21 =	sor.u32 $0x50, s24;
	[tilespmem:s23+$0x3100] =	vst v33;
	s20 =	simm.s32 $0x400;
	v45 =	vld [tilespmem:s16+$0x70];
	v37 =	vadd.f32 v37, v10;
	v48 =	vmul.f32 v63, v26;
	v33 =	vadd.f32 v62, v57  }
.LBB2_7:
0x157: {  	v49 =	vld [tilespmem:s20+$0xB0];
	v43 =	vmax.f32 v43, v47;
	v47 =	vmul.f32 $2.000000030e-01, v46;
	v39 =	vadd.f32 v41, v39;
	s16 =	sadd.s32 $0x200, s16  }
0x158: {  	v41 =	vld [tilespmem:s16+$0xB0];
	v35 =	vadd.f32 v48, v35;
	v43 =	vmul.f32 v43, v30  }
0x159: {  	v48 =	vld [tilespmem:s20+$0xF0];
	v46 =	vmax.f32 v46, v47;
	v47 =	vmul.f32 $2.000000030e-01, v39;
	v40 =	vadd.f32 v42, v40  }
0x15a: {  	v42 =	vld [tilespmem:s16+$0xF0];
	v38 =	vadd.f32 v43, v38;
	[tilespmem:s17+$0xFFFFFFC0] =	vst v35;
	v35 =	vmul.f32 v46, v26  }
0x15b: {  	v43 =	vld [tilespmem:s20+$0xA0];
	v39 =	vmax.f32 v39, v47;
	v46 =	vmul.f32 $2.000000030e-01, v40;
	v44 =	vadd.f32 v45, v44  }
0x15c: {  	v45 =	vld [tilespmem:s16+$0xA0];
	[tilespmem:s17+$0xFFFFFFD0] =	vst v38;
	v35 =	vadd.f32 v35, v36;
	v36 =	vmul.f32 v39, v30  }
0x15d: {  	v38 =	vld [tilespmem:s20+$0xE0];
	v39 =	vmax.f32 v40, v46;
	v40 =	vmul.f32 $2.000000030e-01, v44  }
0x15e: {  	v46 =	vld [tilespmem:s16+$0xE0];
	v34 =	vadd.f32 v36, v34;
	[tilespmem:s17+$0xFFFFFFE0] =	vst v35;
	v35 =	vmul.f32 v39, v26  }
0x15f: {  	v36 =	vld [tilespmem:s20+$0x90];
	v39 =	vmax.f32 v44, v40  }
0x160: {  	v40 =	vld [tilespmem:s16+$0x90];
	[tilespmem:s22+$0x3100] =	vst v34;
	v34 =	vadd.f32 v35, v37;
	v35 =	vmul.f32 v39, v30  }
0x161: {  	v37 =	vld [tilespmem:s20+$0x80]  }
0x162: {  	v39 =	vld [tilespmem:s16+$0x80];
	v33 =	vadd.f32 v35, v33;
	[tilespmem:s17+$0x0] =	vst v34  }
0x163: {  	v34 =	vld [tilespmem:s20+$0xC0]  }
0x164: {  	s19 =	sadd.s32 $0x4, s19;
	v35 =	vld [tilespmem:s16+$0xC0];
	[tilespmem:s21+$0x3100] =	vst v33  }
0x165: {  	p0 =	slt.u32 s19, $0x2C;
	v33 =	vld [tilespmem:s20+$0xD0]  }
0x166: {  	v44 =	vld [tilespmem:s16+$0xD0]  }
0x167: {  	v41 =	vadd.f32 v41, v49;
	v42 =	vadd.f32 v42, v48;
	v47 =	vld [tilespmem:s16+$0xFFFFFF00]  }
0x168: {  	v37 =	vadd.f32 v39, v37;
	v39 =	vadd.f32 v45, v43;
	v48 =	vld [tilespmem:s20+$0xFFFFFF40]  }
0x169: {  	v43 =	vld [tilespmem:s16+$0xFFFFFF40];
	v34 =	vadd.f32 v35, v34;
	v35 =	vadd.f32 v46, v38  }
0x16a: {  	v36 =	vadd.f32 v40, v36;
	v40 =	vmul.f32 $2.000000030e-01, v41;
	v45 =	vmul.f32 $2.000000030e-01, v37;
	v38 =	vld [tilespmem:s20+$0xFFFFFF80]  }
0x16b: {  	v46 =	vld [tilespmem:s16+$0xFFFFFF80];
	v49 =	vmul.f32 $2.000000030e-01, v34;
	v33 =	vadd.f32 v44, v33;
	v44 =	vmul.f32 $2.000000030e-01, v42  }
0x16c: {  	v51 =	vmul.f32 $2.000000030e-01, v39;
	v37 =	vmax.f32 v37, v45;
	v45 =	vmul.f32 $2.000000030e-01, v36;
	v50 =	vld [tilespmem:s20+$0xFFFFFFC0]  }
0x16d: {  	v37 =	vmul.f32 v37, v23;
	v52 =	vld [tilespmem:s16+$0xFFFFFFC0];
	v34 =	vmax.f32 v34, v49;
	v49 =	vmul.f32 $2.000000030e-01, v33  }
0x16e: {  	v36 =	vmax.f32 v36, v45;
	v45 =	vmul.f32 $2.000000030e-01, v35;
	v53 =	vld [tilespmem:s20+$0x0];
	v34 =	vmul.f32 v34, v27  }
0x16f: {  	v37 =	vadd.f32 $0.0e+00, v37;
	v36 =	vmul.f32 v36, v24;
	v54 =	vld [tilespmem:s16+$0x0];
	v33 =	vmax.f32 v33, v49  }
0x170: {  	v39 =	vmax.f32 v39, v51;
	v49 =	vld [tilespmem:s20+$0x40];
	v34 =	vadd.f32 $0.0e+00, v34;
	v33 =	vmul.f32 v33, v28  }
0x171: {  	v35 =	vmax.f32 v35, v45;
	v36 =	vadd.f32 v36, v37;
	v37 =	vmul.f32 v39, v25;
	v51 =	vld [tilespmem:s16+$0x40]  }
0x172: {  	v40 =	vmax.f32 v41, v40;
	v39 =	vld [tilespmem:s20+$0xFFFFFF00];
	v33 =	vadd.f32 v33, v34;
	v34 =	vmul.f32 v35, v29  }
0x173: {  	v36 =	vadd.f32 v37, v36;
	v37 =	vmul.f32 v40, v26;
	v40 =	vmax.f32 v42, v44;
	v35 =	vld [tilespmem:s20+$0xFFFFFF10]  }
0x174: {  	v42 =	vadd.f32 v43, v48;
	v41 =	vld [tilespmem:s16+$0xFFFFFF10];
	v33 =	vadd.f32 v34, v33;
	v34 =	vmul.f32 v40, v30  }
0x175: {  	v38 =	vadd.f32 v46, v38;
	v36 =	vadd.f32 v37, v36;
	v40 =	vld [tilespmem:s20+$0xFFFFFF50]  }
0x176: {  	s18 =	sadd.s32 $0x80, s18;
	s17 =	sadd.s32 $0x80, s17;
	v44 =	vadd.f32 v52, v50;
	v37 =	vmul.f32 $2.000000030e-01, v42;
	v43 =	vld [tilespmem:s16+$0xFFFFFF50];
	v33 =	vadd.f32 v34, v33  }
0x177: {  	s23 =	sor.u32 $0x70, s18;
	s21 =	sadd.s32 $0xFFFFFFC0, s18;
	v46 =	vadd.f32 v54, v53;
	v34 =	vadd.f32 v47, v39;
	v39 =	vmul.f32 $2.000000030e-01, v38;
	v45 =	vld [tilespmem:s20+$0xFFFFFF90];
	[tilespmem:s17+$0x20] =	vst v36  }
0x178: {  	s22 =	sor.u32 $0x30, s21;
	s21 =	sadd.s32 $0xFFFFFFE0, s18;
	v36 =	vmax.f32 v42, v37;
	v42 =	vmul.f32 $2.000000030e-01, v44;
	v47 =	vadd.f32 v51, v49;
	v37 =	vld [tilespmem:s16+$0xFFFFFF90];
	[tilespmem:s23+$0x3100] =	vst v33  }
0x179: {  	s21 =	sor.u32 $0x50, s21;
	v48 =	vmul.f32 $2.000000030e-01, v46;
	v33 =	vmul.f32 $2.000000030e-01, v34;
	v35 =	vadd.f32 v41, v35;
	v41 =	vld [tilespmem:s20+$0xFFFFFFD0]  }
0x17a: {  	v38 =	vmax.f32 v38, v39;
	v39 =	vmax.f32 v44, v42;
	v44 =	vmul.f32 $2.000000030e-01, v47;
	v42 =	vld [tilespmem:s16+$0xFFFFFFD0]  }
0x17b: {  	v33 =	vmax.f32 v34, v33;
	v34 =	vadd.f32 v43, v40;
	v40 =	vmax.f32 v46, v48;
	v43 =	vld [tilespmem:s20+$0x10]  }
0x17c: {  	v46 =	vmul.f32 $2.000000030e-01, v35;
	v44 =	vmax.f32 v47, v44;
	v33 =	vmul.f32 v33, v23;
	v48 =	vld [tilespmem:s16+$0x10]  }
0x17d: {  	v36 =	vmul.f32 v36, v27;
	v47 =	vmul.f32 $2.000000030e-01, v34;
	v37 =	vadd.f32 v37, v45;
	v45 =	vld [tilespmem:s20+$0x50]  }
0x17e: {  	v38 =	vmul.f32 v38, v23;
	v39 =	vmul.f32 v39, v27;
	v35 =	vmax.f32 v35, v46;
	v46 =	vld [tilespmem:s16+$0x50]  }
0x17f: {  	v40 =	vmul.f32 v40, v23;
	v49 =	vld [tilespmem:s20+$0xFFFFFF20];
	v50 =	vmul.f32 $2.000000030e-01, v37;
	v41 =	vadd.f32 v42, v41  }
0x180: {  	v44 =	vmul.f32 v44, v27;
	v33 =	vadd.f32 $0.0e+00, v33;
	v34 =	vmax.f32 v34, v47;
	v42 =	vld [tilespmem:s16+$0xFFFFFF20]  }
0x181: {  	v47 =	vld [tilespmem:s20+$0xFFFFFF60];
	v37 =	vmax.f32 v37, v50;
	v50 =	vmul.f32 $2.000000030e-01, v41;
	v43 =	vadd.f32 v48, v43  }
0x182: {  	v36 =	vadd.f32 $0.0e+00, v36;
	v38 =	vadd.f32 $0.0e+00, v38;
	v35 =	vmul.f32 v35, v24;
	v48 =	vld [tilespmem:s16+$0xFFFFFF60]  }
0x183: {  	v51 =	vld [tilespmem:s20+$0xFFFFFFA0];
	v41 =	vmax.f32 v41, v50;
	v50 =	vmul.f32 $2.000000030e-01, v43;
	v45 =	vadd.f32 v46, v45  }
0x184: {  	v39 =	vadd.f32 $0.0e+00, v39;
	v40 =	vadd.f32 $0.0e+00, v40;
	v34 =	vmul.f32 v34, v28;
	v46 =	vld [tilespmem:s16+$0xFFFFFFA0]  }
0x185: {  	v42 =	vadd.f32 v42, v49;
	v49 =	vld [tilespmem:s20+$0xFFFFFFE0];
	v43 =	vmax.f32 v43, v50;
	v50 =	vmul.f32 $2.000000030e-01, v45  }
0x186: {  	v44 =	vadd.f32 $0.0e+00, v44;
	v37 =	vmul.f32 v37, v24;
	v41 =	vmul.f32 v41, v28;
	v52 =	vld [tilespmem:s16+$0xFFFFFFE0]  }
0x187: {  	v53 =	vmul.f32 $2.000000030e-01, v42;
	v47 =	vadd.f32 v48, v47;
	v48 =	vld [tilespmem:s20+$0x20];
	v45 =	vmax.f32 v45, v50  }
0x188: {  	v33 =	vadd.f32 v35, v33;
	v35 =	vmul.f32 v43, v24;
	v43 =	vld [tilespmem:s16+$0x20];
	v45 =	vmul.f32 v45, v28  }
0x189: {  	v42 =	vmax.f32 v42, v53;
	v50 =	vmul.f32 $2.000000030e-01, v47;
	v46 =	vadd.f32 v46, v51;
	v51 =	vld [tilespmem:s20+$0x60]  }
0x18a: {  	v34 =	vadd.f32 v34, v36;
	v36 =	vadd.f32 v37, v38;
	v42 =	vmul.f32 v42, v25;
	v37 =	vld [tilespmem:s16+$0x60]  }
0x18b: {  	v53 =	vld [tilespmem:s20+$0xFFFFFF30];
	v38 =	vmax.f32 v47, v50;
	v47 =	vmul.f32 $2.000000030e-01, v46;
	v49 =	vadd.f32 v52, v49  }
0x18c: {  	v41 =	vadd.f32 v41, v39;
	v52 =	vadd.f32 v35, v40;
	v50 =	vld [tilespmem:s16+$0xFFFFFF30];
	v38 =	vmul.f32 v38, v29  }
0x18d: {  	v40 =	vld [tilespmem:s20+$0xFFFFFF70];
	v39 =	vmax.f32 v46, v47;
	v46 =	vmul.f32 $2.000000030e-01, v49;
	v43 =	vadd.f32 v43, v48  }
0x18e: {  	v45 =	vadd.f32 v45, v44;
	v35 =	vadd.f32 v42, v33;
	v33 =	vld [tilespmem:s16+$0xFFFFFF70];
	v39 =	vmul.f32 v39, v25  }
0x18f: {  	v44 =	vld [tilespmem:s20+$0xFFFFFFB0];
	v42 =	vmax.f32 v49, v46;
	v46 =	vmul.f32 $2.000000030e-01, v43;
	v37 =	vadd.f32 v37, v51  }
0x190: {  	v38 =	vadd.f32 v38, v34;
	v36 =	vadd.f32 v39, v36;
	v48 =	vld [tilespmem:s16+$0xFFFFFFB0];
	v34 =	vmul.f32 v42, v29  }
0x191: {  	v47 =	vadd.f32 v50, v53;
	v39 =	vld [tilespmem:s20+$0xFFFFFFF0];
	v42 =	vmax.f32 v43, v46;
	v46 =	vmul.f32 $2.000000030e-01, v37  }
.Ltmp2:
0x192: {  	v34 =	vadd.f32 v34, v41;
	v41 =	vld [tilespmem:s16+$0xFFFFFFF0];
	v42 =	vmul.f32 v42, v25;
	(pc) =	sbr.rel @p0 .LBB2_7-.Ltmp2, $4  }
0x193: {  	v49 =	vmul.f32 $2.000000030e-01, v47;
	v43 =	vadd.f32 v33, v40;
	v40 =	vld [tilespmem:s20+$0x30];
	v33 =	vmax.f32 v37, v46  }
0x194: {  	v37 =	vadd.f32 v42, v52;
	v42 =	vld [tilespmem:s16+$0x30];
	v33 =	vmul.f32 v33, v29  }
0x195: {  	v49 =	vmax.f32 v47, v49;
	v47 =	vmul.f32 $2.000000030e-01, v43;
	v46 =	vadd.f32 v48, v44;
	v44 =	vld [tilespmem:s20+$0x70]  }
0x196: {  	s20 =	sadd.s32 $0x200, s20;
	v48 =	vmul.f32 v49, v26;
	v33 =	vadd.f32 v33, v45;
	v45 =	vld [tilespmem:s16+$0x70]  }
0x197: {  	_ =	sdelay $0x1  }
0x198: {  	v39 =	vadd.f32 v41, v39  }
0x199: {  	v63 =	vmax.f32 v43, v47;
	v4 =	vmul.f32 $2.000000030e-01, v46;
	v40 =	vadd.f32 v42, v40  }
0x19a: {  	v35 =	vadd.f32 v48, v35;
	v5 =	vmul.f32 $2.000000030e-01, v39;
	v44 =	vadd.f32 v45, v44  }
0x19b: {  	v41 =	vmul.f32 v63, v30;
	v43 =	vmax.f32 v46, v4;
	v6 =	vmul.f32 $2.000000030e-01, v40  }
0x19c: {  	v43 =	vmul.f32 v43, v26;
	v39 =	vmax.f32 v39, v5;
	v7 =	vmul.f32 $2.000000030e-01, v44  }
0x19d: {  	v38 =	vadd.f32 v41, v38;
	v39 =	vmul.f32 v39, v30;
	v40 =	vmax.f32 v40, v6  }
0x19e: {  	[tilespmem:s17+$0xFFFFFFC0] =	vst v35;
	v8 =	vadd.f32 v43, v36;
	v9 =	vmul.f32 v40, v26;
	v10 =	vmax.f32 v44, v7  }
0x19f: {  	[tilespmem:s17+$0xFFFFFFD0] =	vst v38;
	v34 =	vadd.f32 v39, v34;
	v11 =	vmul.f32 v10, v30  }
0x1a0: {  	[tilespmem:s17+$0xFFFFFFE0] =	vst v8;
	v12 =	vadd.f32 v9, v37  }
0x1a1: {  	[tilespmem:s22+$0x3100] =	vst v34;
	v33 =	vadd.f32 v11, v33  }
0x1a2: {  	[tilespmem:s17+$0x0] =	vst v12  }
0x1a3: {  	[tilespmem:s21+$0x3100] =	vst v33  }
0x1a4: {  	v2 =	vld [tilespmem:$0x1FF00];
	_ =	sdelay $0x7  }
0x1a5: {  	v34 =	vld.idx.msk [tilespmem:v2+s11+$0x0], $0xffff  }
0x1a6: {  	v2 =	vld [tilespmem:$0x1FF10];
	_ =	sdelay $0x7  }
0x1a7: {  	v35 =	vld.idx.msk [tilespmem:v2+s11+$0x0], $0xffff  }
0x1a8: {  	v2 =	vld [tilespmem:$0x1FF20];
	_ =	sdelay $0x7  }
0x1a9: {  	v36 =	vld.idx.msk [tilespmem:v2+s11+$0x0], $0xffff  }
0x1aa: {  	v2 =	vld [tilespmem:$0x1FF30];
	_ =	sdelay $0x7  }
0x1ab: {  	v45 =	vld.idx.msk [tilespmem:v2+s11+$0x0], $0xffff  }
0x1ac: {  	v2 =	vld [tilespmem:$0x1FF40];
	_ =	sdelay $0x7  }
0x1ad: {  	v46 =	vld.idx.msk [tilespmem:v2+s11+$0x0], $0xffff  }
0x1ae: {  	v2 =	vld [tilespmem:$0x1FF50];
	_ =	sdelay $0x7  }
0x1af: {  	v47 =	vld.idx.msk [tilespmem:v2+s11+$0x0], $0xffff  }
0x1b0: {  	v2 =	vld [tilespmem:$0x1FF60];
	_ =	sdelay $0x7  }
0x1b1: {  	v48 =	vld.idx.msk [tilespmem:v2+s11+$0x0], $0xffff  }
0x1b2: {  	v2 =	vld [tilespmem:$0x1FF70];
	_ =	sdelay $0x7  }
0x1b3: {  	v49 =	vld.idx.msk [tilespmem:v2+s11+$0x0], $0xffff  }
0x1b4: {  	v2 =	vld [tilespmem:$0x1FF80];
	_ =	sdelay $0x7  }
0x1b5: {  	v50 =	vld.idx.msk [tilespmem:v2+s11+$0x0], $0xffff  }
0x1b6: {  	v2 =	vld [tilespmem:$0x1FF90];
	_ =	sdelay $0x7  }
0x1b7: {  	v51 =	vld.idx.msk [tilespmem:v2+s11+$0x0], $0xffff  }
0x1b8: {  	v2 =	vld [tilespmem:$0x1FFA0];
	_ =	sdelay $0x7  }
0x1b9: {  	v52 =	vld.idx.msk [tilespmem:v2+s11+$0x0], $0xffff  }
0x1ba: {  	v2 =	vld [tilespmem:$0x1FFB0];
	_ =	sdelay $0x7  }
0x1bb: {  	v53 =	vld.idx.msk [tilespmem:v2+s11+$0x0], $0xffff  }
0x1bc: {  	v2 =	vld [tilespmem:$0x1FFC0];
	_ =	sdelay $0x7  }
0x1bd: {  	v54 =	vld.idx.msk [tilespmem:v2+s11+$0x0], $0xffff  }
0x1be: {  	v2 =	vld [tilespmem:$0x1FFD0];
	_ =	sdelay $0x3  }
0x1bf: {  	v33 =	vld.idx.msk [tilespmem:v0+s11+$0x0], $0xffff  }
0x1c0: {  	v39 =	vld.idx.msk [tilespmem:v18+s11+$0x0], $0xffff  }
0x1c1: {  	v13 =	vor.u32 $0x15, v0;
	v56 =	vld.idx.msk [tilespmem:v19+s11+$0x0], $0xffff  }
0x1c2: {  	v14 =	vor.u32 $0x16, v0;
	v57 =	vld.idx.msk [tilespmem:v20+s11+$0x0], $0xffff  }
0x1c3: {  	v4 =	vor.u32 $0x18, v0;
	v55 =	vld.idx.msk [tilespmem:v2+s11+$0x0], $0xffff  }
0x1c4: {  	v5 =	vor.u32 $0x19, v0;
	v2 =	vld [tilespmem:$0x1FFE0]  }
0x1c5: {  	v7 =	vor.u32 $0x1B, v0;
	v58 =	vld.idx.msk [tilespmem:v21+s11+$0x0], $0xffff  }
0x1c6: {  	v9 =	vor.u32 $0x1D, v0;
	v59 =	vld.idx.msk [tilespmem:v13+s11+$0x0], $0xffff  }
0x1c7: {  	v60 =	vld.idx.msk [tilespmem:v14+s11+$0x0], $0xffff  }
0x1c8: {  	v62 =	vld.idx.msk [tilespmem:v4+s11+$0x0], $0xffff  }
0x1c9: {  	v63 =	vld.idx.msk [tilespmem:v5+s11+$0x0], $0xffff;
	v13 =	vor.u32 $0x201, v0  }
0x1ca: {  	v8 =	vor.u32 $0x1C, v0;
	v3 =	vld.idx.msk [tilespmem:v7+s11+$0x0], $0xffff  }
0x1cb: {  	v40 =	vor.u32 $0x205, v0;
	v5 =	vld.idx.msk [tilespmem:v9+s11+$0x0], $0xffff  }
0x1cc: {  	v11 =	vor.u32 $0x1F, v0;
	v43 =	vld.idx.msk [tilespmem:v2+s11+$0x0], $0xffff  }
0x1cd: {  	v12 =	vor.u32 $0x200, v0;
	v2 =	vld [tilespmem:$0x1FFF0]  }
0x1ce: {  	v9 =	vld.idx.msk [tilespmem:v13+s11+$0x0], $0xffff;
	v13 =	vor.u32 $0x208, v0  }
0x1cf: {  	v15 =	vor.u32 $0x17, v0;
	v4 =	vld.idx.msk [tilespmem:v8+s11+$0x0], $0xffff  }
0x1d0: {  	v44 =	vld.idx.msk [tilespmem:v40+s11+$0x0], $0xffff  }
0x1d1: {  	v41 =	vor.u32 $0x206, v0;
	v7 =	vld.idx.msk [tilespmem:v11+s11+$0x0], $0xffff  }
0x1d2: {  	v8 =	vld.idx.msk [tilespmem:v12+s11+$0x0], $0xffff;
	v11 =	vor.u32 $0x207, v0  }
0x1d3: {  	v40 =	vld.idx.msk [tilespmem:v13+s11+$0x0], $0xffff;
	v13 =	vor.u32 $0x20D, v0  }
0x1d4: {  	v6 =	vor.u32 $0x1A, v0;
	v61 =	vld.idx.msk [tilespmem:v15+s11+$0x0], $0xffff;
	v33 =	vadd.f32 $0.0e+00, v33  }
0x1d5: {  	v10 =	vor.u32 $0x1E, v0;
	v37 =	vld.idx.msk [tilespmem:v2+s11+$0x0], $0xffff  }
0x1d6: {  	v14 =	vor.u32 $0x202, v0;
	v42 =	vld.idx.msk [tilespmem:v41+s11+$0x0], $0xffff;
	v33 =	vadd.f32 v34, v33  }
0x1d7: {  	v38 =	vor.u32 $0x204, v0;
	v41 =	vld.idx.msk [tilespmem:v11+s11+$0x0], $0xffff;
	v8 =	vadd.f32 $0.0e+00, v8  }
0x1d8: {  	v15 =	vor.u32 $0x203, v0;
	v33 =	vadd.f32 v35, v33;
	v35 =	vld.idx.msk [tilespmem:v13+s11+$0x0], $0xffff  }
0x1d9: {  	v8 =	vadd.f32 v9, v8;
	v9 =	vor.u32 $0x405, v0;
	v2 =	vld.idx.msk [tilespmem:v6+s11+$0x0], $0xffff  }
0x1da: {  	v13 =	vor.u32 $0x212, v0;
	v6 =	vld.idx.msk [tilespmem:v10+s11+$0x0], $0xffff;
	v37 =	vadd.f32 $0.0e+00, v37  }
0x1db: {  	v11 =	vor.u32 $0x20C, v0;
	v10 =	vld.idx.msk [tilespmem:v14+s11+$0x0], $0xffff  }
0x1dc: {  	v14 =	vld.idx.msk [tilespmem:v38+s11+$0x0], $0xffff;
	v38 =	vor.u32 $0x209, v0;
	v34 =	vadd.f32 v39, v37  }
0x1dd: {  	v16 =	vor.u32 $0x20B, v0;
	v12 =	vld.idx.msk [tilespmem:v15+s11+$0x0], $0xffff  }
0x1de: {  	v15 =	vor.u32 $0x20A, v0;
	v9 =	vld.idx.msk [tilespmem:v9+s11+$0x0], $0xffff;
	v33 =	vadd.f32 v36, v33;
	v34 =	vadd.f32 v56, v34  }
0x1df: {  	v13 =	vld.idx.msk [tilespmem:v13+s11+$0x0], $0xffff;
	v56 =	vor.u32 $0x20F, v0  }
0x1e0: {  	v36 =	vld.idx.msk [tilespmem:v11+s11+$0x0], $0xffff;
	v11 =	vor.u32 $0x211, v0;
	v33 =	vadd.f32 v45, v33;
	v34 =	vadd.f32 v57, v34  }
0x1e1: {  	v17 =	vor.u32 $0x20E, v0;
	v39 =	vld.idx.msk [tilespmem:v38+s11+$0x0], $0xffff  }
0x1e2: {  	v46 =	vadd.f32 v46, v33;
	v37 =	vld.idx.msk [tilespmem:v16+s11+$0x0], $0xffff;
	v16 =	vor.u32 $0x210, v0;
	v58 =	vadd.f32 v58, v34  }
0x1e3: {  	v38 =	vld.idx.msk [tilespmem:v15+s11+$0x0], $0xffff;
	v15 =	vor.u32 $0x214, v0  }
0x1e4: {  	v46 =	vadd.f32 v47, v46;
	v33 =	vld.idx.msk [tilespmem:v56+s11+$0x0], $0xffff;
	v56 =	vor.u32 $0x215, v0;
	v45 =	vadd.f32 v59, v58  }
0x1e5: {  	v11 =	vld.idx.msk [tilespmem:v11+s11+$0x0], $0xffff;
	v57 =	vor.u32 $0x217, v0  }
0x1e6: {  	v46 =	vadd.f32 v48, v46;
	v34 =	vld.idx.msk [tilespmem:v17+s11+$0x0], $0xffff;
	v17 =	vor.u32 $0x213, v0;
	v45 =	vadd.f32 v60, v45  }
0x1e7: {  	v16 =	vld.idx.msk [tilespmem:v16+s11+$0x0], $0xffff;
	v60 =	vor.u32 $0x218, v0  }
0x1e8: {  	v46 =	vadd.f32 v49, v46;
	v15 =	vld.idx.msk [tilespmem:v15+s11+$0x0], $0xffff;
	v58 =	vor.u32 $0x219, v0;
	v45 =	vadd.f32 v61, v45  }
0x1e9: {  	v49 =	vld.idx.msk [tilespmem:v56+s11+$0x0], $0xffff;
	v56 =	vor.u32 $0x21A, v0  }
0x1ea: {  	v46 =	vadd.f32 v50, v46;
	v59 =	vor.u32 $0x21B, v0;
	v50 =	vld.idx.msk [tilespmem:v57+s11+$0x0], $0xffff;
	v45 =	vadd.f32 v62, v45  }
0x1eb: {  	v57 =	vor.u32 $0x21C, v0;
	v17 =	vld.idx.msk [tilespmem:v17+s11+$0x0], $0xffff  }
0x1ec: {  	v48 =	vld.idx.msk [tilespmem:v60+s11+$0x0], $0xffff;
	v60 =	vor.u32 $0x21D, v0;
	v45 =	vadd.f32 v63, v45  }
0x1ed: {  	v46 =	vadd.f32 v51, v46;
	v51 =	vld.idx.msk [tilespmem:v58+s11+$0x0], $0xffff;
	v58 =	vor.u32 $0x21E, v0  }
0x1ee: {  	v2 =	vadd.f32 v2, v45;
	v45 =	vld.idx.msk [tilespmem:v56+s11+$0x0], $0xffff;
	v56 =	vor.u32 $0x21F, v0  }
0x1ef: {  	v46 =	vadd.f32 v52, v46;
	v52 =	vld.idx.msk [tilespmem:v59+s11+$0x0], $0xffff;
	v59 =	vor.u32 $0x400, v0  }
0x1f0: {  	v2 =	vadd.f32 v3, v2;
	v3 =	vld.idx.msk [tilespmem:v57+s11+$0x0], $0xffff;
	v57 =	vor.u32 $0x410, v0  }
0x1f1: {  	v46 =	vadd.f32 v53, v46;
	v53 =	vld.idx.msk [tilespmem:v60+s11+$0x0], $0xffff;
	v60 =	vor.u32 $0x401, v0  }
0x1f2: {  	v2 =	vadd.f32 v4, v2;
	v4 =	vld.idx.msk [tilespmem:v58+s11+$0x0], $0xffff;
	v58 =	vor.u32 $0x411, v0  }
0x1f3: {  	v46 =	vadd.f32 v54, v46;
	v54 =	vld.idx.msk [tilespmem:v56+s11+$0x0], $0xffff;
	v56 =	vor.u32 $0x402, v0  }
0x1f4: {  	v2 =	vadd.f32 v5, v2;
	v5 =	vld.idx.msk [tilespmem:v59+s11+$0x0], $0xffff;
	v59 =	vor.u32 $0x412, v0  }
0x1f5: {  	v46 =	vadd.f32 v55, v46;
	v55 =	vor.u32 $0x403, v0;
	v57 =	vld.idx.msk [tilespmem:v57+s11+$0x0], $0xffff  }
0x1f6: {  	v2 =	vadd.f32 v6, v2;
	v6 =	vld.idx.msk [tilespmem:v60+s11+$0x0], $0xffff;
	v60 =	vor.u32 $0x413, v0  }
0x1f7: {  	v61 =	vor.u32 $0x404, v0;
	v58 =	vld.idx.msk [tilespmem:v58+s11+$0x0], $0xffff  }
0x1f8: {  	v43 =	vadd.f32 v43, v46;
	v62 =	vadd.f32 $0.0e+00, v16;
	v16 =	vld.idx.msk [tilespmem:v56+s11+$0x0], $0xffff;
	v56 =	vor.u32 $0x414, v0  }
0x1f9: {  	v47 =	vor.u32 $0x216, v0;
	v2 =	vadd.f32 v7, v2;
	v5 =	vadd.f32 $0.0e+00, v5;
	v59 =	vld.idx.msk [tilespmem:v59+s11+$0x0], $0xffff  }
0x1fa: {  	v7 =	vadd.f32 v11, v62;
	v11 =	vld.idx.msk [tilespmem:v55+s11+$0x0], $0xffff;
	v63 =	vadd.f32 $0.0e+00, v57;
	v57 =	vor.u32 $0x415, v0  }
0x1fb: {  	v8 =	vadd.f32 v10, v8;
	v5 =	vadd.f32 v6, v5;
	v6 =	vor.u32 $0x406, v0;
	v60 =	vld.idx.msk [tilespmem:v60+s11+$0x0], $0xffff  }
0x1fc: {  	v62 =	vor.u32 $0x416, v0;
	v7 =	vadd.f32 v13, v7;
	v13 =	vld.idx.msk [tilespmem:v61+s11+$0x0], $0xffff;
	v61 =	vadd.f32 v58, v63  }
0x1fd: {  	v8 =	vadd.f32 v12, v8;
	v63 =	vor.u32 $0x407, v0;
	v5 =	vadd.f32 v16, v5;
	v16 =	vld.idx.msk [tilespmem:v56+s11+$0x0], $0xffff  }
0x1fe: {  	v47 =	vld.idx.msk [tilespmem:v47+s11+$0x0], $0xffff;
	v7 =	vadd.f32 v17, v7;
	v56 =	vor.u32 $0x417, v0;
	v17 =	vadd.f32 v59, v61  }
0x1ff: {  	v8 =	vadd.f32 v14, v8;
	v58 =	vor.u32 $0x408, v0;
	v5 =	vadd.f32 v11, v5;
	v59 =	vld.idx.msk [tilespmem:v57+s11+$0x0], $0xffff  }
0x200: {  	v7 =	vadd.f32 v15, v7;
	v6 =	vld.idx.msk [tilespmem:v6+s11+$0x0], $0xffff;
	v10 =	vadd.f32 v60, v17;
	v60 =	vor.u32 $0x418, v0  }
0x201: {  	v8 =	vadd.f32 v44, v8;
	v61 =	vor.u32 $0x409, v0;
	v17 =	vld.idx.msk [tilespmem:v62+s11+$0x0], $0xffff;
	v5 =	vadd.f32 v13, v5  }
0x202: {  	v7 =	vadd.f32 v49, v7;
	v12 =	vld.idx.msk [tilespmem:v63+s11+$0x0], $0xffff;
	v10 =	vadd.f32 v16, v10;
	v16 =	vor.u32 $0x419, v0  }
0x203: {  	v8 =	vadd.f32 v42, v8;
	v62 =	vor.u32 $0x40A, v0;
	v63 =	vld.idx.msk [tilespmem:v56+s11+$0x0], $0xffff;
	v5 =	vadd.f32 v9, v5  }
0x204: {  	v44 =	vor.u32 $0x41A, v0;
	v11 =	vld.idx.msk [tilespmem:v58+s11+$0x0], $0xffff;
	v7 =	vadd.f32 v47, v7;
	v10 =	vadd.f32 v59, v10  }
0x205: {  	v46 =	vor.u32 $0x40B, v0;
	v8 =	vadd.f32 v41, v8;
	v5 =	vadd.f32 v6, v5;
	v15 =	vld.idx.msk [tilespmem:v60+s11+$0x0], $0xffff  }
0x206: {  	v13 =	vld.idx.msk [tilespmem:v61+s11+$0x0], $0xffff;
	v7 =	vadd.f32 v50, v7;
	v10 =	vadd.f32 v17, v10;
	v17 =	vor.u32 $0x41B, v0  }
0x207: {  	v8 =	vadd.f32 v40, v8;
	v47 =	vor.u32 $0x40C, v0;
	v5 =	vadd.f32 v12, v5;
	v16 =	vld.idx.msk [tilespmem:v16+s11+$0x0], $0xffff  }
0x208: {  	v49 =	vor.u32 $0x41C, v0;
	v9 =	vld.idx.msk [tilespmem:v62+s11+$0x0], $0xffff;
	v7 =	vadd.f32 v48, v7;
	v10 =	vadd.f32 v63, v10  }
0x209: {  	v14 =	vld.idx.msk [tilespmem:v44+s11+$0x0], $0xffff;
	v8 =	vadd.f32 v39, v8;
	v50 =	vor.u32 $0x40D, v0;
	v5 =	vadd.f32 v11, v5  }
0x20a: {  	v55 =	vor.u32 $0x41D, v0;
	v6 =	vld.idx.msk [tilespmem:v46+s11+$0x0], $0xffff;
	v7 =	vadd.f32 v51, v7;
	v10 =	vadd.f32 v15, v10  }
0x20b: {  	v8 =	vadd.f32 v38, v8;
	v56 =	vor.u32 $0x40E, v0;
	v5 =	vadd.f32 v13, v5;
	v17 =	vld.idx.msk [tilespmem:v17+s11+$0x0], $0xffff  }
0x20c: {  	v12 =	vld.idx.msk [tilespmem:v47+s11+$0x0], $0xffff;
	v7 =	vadd.f32 v45, v7;
	v10 =	vadd.f32 v16, v10;
	v16 =	vor.u32 $0x41E, v0  }
0x20d: {  	v8 =	vadd.f32 v37, v8;
	v57 =	vor.u32 $0x40F, v0;
	v58 =	vld.idx.msk [tilespmem:v49+s11+$0x0], $0xffff;
	v5 =	vadd.f32 v9, v5  }
0x20e: {  	v59 =	vor.u32 $0x41F, v0;
	v11 =	vld.idx.msk [tilespmem:v50+s11+$0x0], $0xffff;
	v7 =	vadd.f32 v52, v7;
	v10 =	vadd.f32 v14, v10  }
0x20f: {  	v8 =	vadd.f32 v36, v8;
	v60 =	vld.idx.msk [tilespmem:v55+s11+$0x0], $0xffff;
	v5 =	vadd.f32 v6, v5  }
0x210: {  	v62 =	vld.idx.msk [tilespmem:v56+s11+$0x0], $0xffff;
	v3 =	vadd.f32 v3, v7;
	v61 =	vadd.f32 v17, v10  }
0x211: {  	v8 =	vadd.f32 v35, v8;
	v5 =	vadd.f32 v12, v5;
	v63 =	vld.idx.msk [tilespmem:v16+s11+$0x0], $0xffff  }
0x212: {  	v9 =	vld.idx.msk [tilespmem:v57+s11+$0x0], $0xffff;
	v3 =	vadd.f32 v53, v3;
	v7 =	vadd.f32 v58, v61  }
0x213: {  	v8 =	vadd.f32 v34, v8;
	v15 =	vld.idx.msk [tilespmem:v59+s11+$0x0], $0xffff;
	v5 =	vadd.f32 v11, v5  }
0x214: {  	v3 =	vadd.f32 v4, v3;
	v34 =	vadd.f32 v60, v7  }
0x215: {  	v35 =	vmul.f32 $1.442695020e+00, v43;
	v36 =	vadd.f32 v33, v8;
	v5 =	vadd.f32 v62, v5  }
0x216: {  	v2 =	vmul.f32 $1.442695020e+00, v2;
	v3 =	vadd.f32 v54, v3;
	v4 =	vadd.f32 v63, v34  }
0x217: {  	(erf) = vpow2.f32 v35;
	v37 =	vmul.f32 $1.442695020e+00, v36;
	v5 =	vadd.f32 v9, v5  }
0x218: {  	(erf) = vpow2.f32 v2;
	v2 =	vmul.f32 $1.442695020e+00, v3;
	v3 =	vadd.f32 v15, v4  }
0x219: {  	(erf) = vpow2.f32 v37;
	v38 =	vmul.f32 $1.442695020e+00, v5  }
0x21a: {  	(erf) = vpow2.f32 v2;
	v2 =	vmul.f32 $1.442695020e+00, v3  }
0x21b: {  	(erf) = vpow2.f32 v38  }
0x21c: {  	(erf) = vpow2.f32 v2;
	_ =	sdelay $0x3  }
0x21d: {  	s16 =	simm.s32 $0x0;
	v2 =	vpop (erf)  }
0x21e: {  	v3 =	vpop (erf);
	[tilespmem:$0x3700] =	vst v2;
	v2 =	vmov s16  }
0x21f: {  	v39 =	vpop (erf);
	[tilespmem:$0x3730] =	vst v3;
	v3 =	vadd.s32 $0x630, v2  }
0x220: {  	v40 =	vpop (erf);
	[tilespmem:$0x3710] =	vst v39  }
0x221: {  	[tilespmem:$0x3740] =	vst v40;
	v41 =	vpop (erf)  }
0x222: {  	[tilespmem:$0x3720] =	vst v41;
	v42 =	vpop (erf)  }
0x223: {  	v43 =	vor.u32 $0x600, v2;
	[tilespmem:$0x3750] =	vst v42  }
0x224: {  	v3 =	vld.idx.msk [tilespmem:v3+s11+$0x0], $0xffff;
	_ =	sdelay $0x3  }
0x225: {  	v4 =	vld.idx.msk [tilespmem:v43+s11+$0x0], $0xffff  }
0x226: {  	s16 =	simm.s32 $0x140;
	v2 =	vld.idx.msk [tilespmem:v2+s31+$0x0], $0xffff;
	v44 =	vmul.f32 v3, v32  }
0x227: {  	v45 =	vld [tilespmem:s16+$0xFFFFFFC0]  }
0x228: {  	v46 =	vld [tilespmem:s16+$0xFFFFFFD0];
	v5 =	vadd.f32 v44, v31  }
0x229: {  	v47 =	vld [tilespmem:s16+$0xFFFFFFE0]  }
0x22a: {  	v48 =	vld [tilespmem:s16+$0xFFFFFFF0];
	v5 =	vmul.f32 v5, v4;
	v4 =	vmul.f32 v4, v32  }
0x22b: {  	v49 =	vld [tilespmem:s16+$0x0];
	v50 =	vshra.s32 v2, $0xB;
	v51 =	vand.u32 $0x7F, v2;
	v2 =	vshll.u32 v2, $0x3  }
0x22c: {  	v52 =	vld [tilespmem:s16+$0x10];
	v11 =	vadd.s32 v22, v50;
	v4 =	vadd.f32 v4, v31;
	v6 =	vmul.f32 v5, v45  }
0x22d: {  	v53 =	vld [tilespmem:s16+$0x20];
	v2 =	vand.u32 $0x3C00, v2;
	v54 =	vshll.u32 v11, $0x7;
	v7 =	vmul.f32 v46, v5  }
0x22e: {  	v56 =	vld [tilespmem:s16+$0x30];
	v57 =	vshll.u32 v11, $0xB;
	v55 =	vmul.f32 v47, v5;
	v3 =	vmul.f32 v4, v3;
	[tilespmem:s16+$0xFFFFFFC0] =	vst v6  }
0x22f: {  	v2 =	vor.u32 v51, v2;
	v8 =	vand.u32 $0xFFFFC000, v57;
	v58 =	vmul.f32 v48, v5;
	[tilespmem:s16+$0xFFFFFFD0] =	vst v7  }
0x230: {  	s23 =	simm.s32 $0x1;
	v60 =	vand.u32 $0x380, v54;
	v2 =	vor.u32 v8, v2;
	[tilespmem:s16+$0xFFFFFFE0] =	vst v55;
	v59 =	vmul.f32 v49, v3  }
0x231: {  	v34 =	vmov s23;
	v2 =	vor.u32 v60, v2;
	[tilespmem:s16+$0xFFFFFFF0] =	vst v58;
	v61 =	vmul.f32 v52, v3  }
0x232: {  	v62 =	vadd.s32 $0x630, v34;
	v63 =	vmul.f32 v53, v3;
	[tilespmem:s16+$0x0] =	vst v59  }
0x233: {  	v6 =	vmul.f32 v56, v3;
	[tilespmem:s16+$0x10] =	vst v61  }
0x234: {  	v3 =	vsel vm0, $0x0, v3;
	[tilespmem:s16+$0x20] =	vst v63  }
0x235: {  	v35 =	vor.u32 $0x600, v34;
	v3 =	vsel vm1, v5, v3;
	[tilespmem:s16+$0x30] =	vst v6  }
0x236: {  	[tilespmem:v2+s13+$0x0] =	vst.idx.add.f32.msk $0x3, v3  }
0x237: {  	s17 =	simm.s32 $0x2;
	v33 =	vld.idx.msk [tilespmem:v62+s11+$0x0], $0xffff  }
.LBB2_9:
0x238: {  	p0 =	sne.s32 s17, $0x2F;
	_ =	sdelay $0x1  }
0x239: {  	v2 =	vld.idx.msk [tilespmem:v35+s11+$0x0], $0xffff  }
0x23a: {  	v3 =	vld.idx.msk [tilespmem:v34+s31+$0x0], $0xffff  }
0x23b: {  	s16 =	sadd.s32 $0x80, s16;
	v4 =	vmul.f32 v33, v32  }
0x23c: {  	v5 =	vld [tilespmem:s16+$0xFFFFFFC0]  }
0x23d: {  	v4 =	vadd.f32 v4, v31;
	v6 =	vld [tilespmem:s16+$0xFFFFFFD0]  }
0x23e: {  	v7 =	vld [tilespmem:s16+$0xFFFFFFE0]  }
0x23f: {  	v4 =	vmul.f32 v4, v2;
	v2 =	vmul.f32 v2, v32;
	v8 =	vld [tilespmem:s16+$0xFFFFFFF0]  }
0x240: {  	v10 =	vshra.s32 v3, $0xB;
	v11 =	vand.u32 $0x7F, v3;
	v3 =	vshll.u32 v3, $0x3;
	v9 =	vld [tilespmem:s16+$0x0]  }
0x241: {  	v2 =	vadd.f32 v2, v31;
	v10 =	vadd.s32 v22, v10;
	v5 =	vmul.f32 v4, v5;
	v12 =	vld [tilespmem:s16+$0x10]  }
0x242: {  	v3 =	vand.u32 $0x3C00, v3;
	v14 =	vshll.u32 v10, $0x7;
	v6 =	vmul.f32 v6, v4;
	v13 =	vld [tilespmem:s16+$0x20]  }
0x243: {  	v10 =	vshll.u32 v10, $0xB;
	v2 =	vmul.f32 v2, v33;
	[tilespmem:s16+$0xFFFFFFC0] =	vst v5;
	v5 =	vmul.f32 v7, v4;
	v7 =	vld [tilespmem:s16+$0x30]  }
0x244: {  	v3 =	vor.u32 v11, v3;
	[tilespmem:s16+$0xFFFFFFD0] =	vst v6;
	v6 =	vmul.f32 v8, v4;
	v8 =	vand.u32 $0xFFFFC000, v10  }
0x245: {  	[tilespmem:s16+$0xFFFFFFE0] =	vst v5;
	v5 =	vmul.f32 v9, v2;
	v9 =	vand.u32 $0x380, v14;
	v3 =	vor.u32 v8, v3  }
0x246: {  	v34 =	vmov s17;
	[tilespmem:s16+$0xFFFFFFF0] =	vst v6;
	v6 =	vmul.f32 v12, v2;
	v3 =	vor.u32 v9, v3  }
0x247: {  	v8 =	vadd.s32 $0x630, v34;
	[tilespmem:s16+$0x0] =	vst v5;
	v5 =	vmul.f32 v13, v2  }
0x248: {  	[tilespmem:s16+$0x10] =	vst v6;
	v6 =	vmul.f32 v7, v2  }
.Ltmp3:
0x249: {  	v2 =	vsel vm0, $0x0, v2;
	[tilespmem:s16+$0x20] =	vst v5;
	(pc) =	sbr.rel @p0 .LBB2_9-.Ltmp3, $4  }
0x24a: {  	v2 =	vsel vm1, v4, v2;
	[tilespmem:s16+$0x30] =	vst v6  }
0x24b: {  	v35 =	vor.u32 $0x600, v34;
	[tilespmem:v3+s13+$0x0] =	vst.idx.add.f32.msk $0x3, v2  }
0x24c: {  	v33 =	vld.idx.msk [tilespmem:v8+s11+$0x0], $0xffff  }
0x24d: {  	s17 =	sadd.s32 $0x1, s17  }
0x24e: {  	_ =	sdelay $0x3  }
0x24f: {  	v2 =	vld.idx.msk [tilespmem:v35+s11+$0x0], $0xffff  }
0x250: {  	v3 =	vld.idx.msk [tilespmem:v34+s31+$0x0], $0xffff;
	s16 =	sadd.s32 $0x80, s16;
	v4 =	vmul.f32 v33, v32  }
0x251: {  	v5 =	vld [tilespmem:s16+$0xFFFFFFC0]  }
0x252: {  	v6 =	vld [tilespmem:s16+$0xFFFFFFD0];
	v4 =	vadd.f32 v4, v31  }
0x253: {  	v7 =	vld [tilespmem:s16+$0xFFFFFFE0]  }
0x254: {  	v8 =	vld [tilespmem:s16+$0xFFFFFFF0];
	v4 =	vmul.f32 v4, v2;
	v2 =	vmul.f32 v2, v32  }
0x255: {  	v9 =	vld [tilespmem:s16+$0x0];
	v10 =	vshra.s32 v3, $0xB;
	v11 =	vand.u32 $0x7F, v3;
	v3 =	vshll.u32 v3, $0x3  }
0x256: {  	v12 =	vld [tilespmem:s16+$0x10];
	v10 =	vadd.s32 v22, v10;
	v2 =	vadd.f32 v2, v31;
	v5 =	vmul.f32 v4, v5  }
0x257: {  	v13 =	vld [tilespmem:s16+$0x20];
	v3 =	vand.u32 $0x3C00, v3;
	v14 =	vshll.u32 v10, $0x7;
	v6 =	vmul.f32 v6, v4  }
0x258: {  	v56 =	vld [tilespmem:s16+$0x30];
	v10 =	vshll.u32 v10, $0xB;
	v55 =	vmul.f32 v7, v4;
	v2 =	vmul.f32 v2, v33;
	[tilespmem:s16+$0xFFFFFFC0] =	vst v5  }
0x259: {  	v3 =	vor.u32 v11, v3;
	v58 =	vand.u32 $0xFFFFC000, v10;
	v57 =	vmul.f32 v8, v4;
	[tilespmem:s16+$0xFFFFFFD0] =	vst v6  }
0x25a: {  	v60 =	vand.u32 $0x380, v14;
	v3 =	vor.u32 v58, v3;
	[tilespmem:s16+$0xFFFFFFE0] =	vst v55;
	v59 =	vmul.f32 v9, v2  }
0x25b: {  	v3 =	vor.u32 v60, v3;
	[tilespmem:s16+$0xFFFFFFF0] =	vst v57;
	v61 =	vmul.f32 v12, v2  }
0x25c: {  	v62 =	vmul.f32 v13, v2;
	[tilespmem:s16+$0x0] =	vst v59  }
0x25d: {  	v63 =	vmul.f32 v56, v2;
	[tilespmem:s16+$0x10] =	vst v61  }
0x25e: {  	s15 =	sadd.s32 $0x1, s15;
	v2 =	vsel vm0, $0x0, v2;
	[tilespmem:s16+$0x20] =	vst v62  }
0x25f: {  	p0 =	sne.s32 s15, $0xD7;
	v2 =	vsel vm1, v4, v2;
	[tilespmem:s16+$0x30] =	vst v63  }
.Ltmp4:
0x260: {  	[tilespmem:v3+s13+$0x0] =	vst.idx.add.f32.msk $0x3, v2;
	(pc) =	sbr.rel @p0 .LBB2_6-.Ltmp4, $4  }
0x261: {  	[spmem:s1] =	stream.indirect.scatter.add.f32 [tilespmem:s29], [sflag:$0x3], $0x80, s31, s0, $0xb8;
	[tilespmem:$0x1F800] =	vst v63  }
0x262: {  	_ =	swait.ge [sflag:s30], $0x1800  }
0x263: {  	[sflag:s30] =	ssyncset.done $0x0  }
0x264: {  	[sflag:s30] =	ssyncadd.s32 $0xFFFFE800  }
0x265: {  	s15 =	stileid.u32  }
0x266: {  	[bflag:$0x0] =	sbarrier.arrive $0xFFFF;
	s15 =	sshll.u32 s15, $0x6  }
0x267: {  	s16 =	sshrl.u32 s10, $0x3;
	s17 =	rddreg [dreg:$0x7];
	s15 =	sor.u32 $0x1C03, s15  }
0x268: {  	[hbm:s17], [sflag:s15] =	dma.local [spmem:s16], $0x2800  }
0x269: {  	_ =	swait.ge [sflag:s30], $0x2800  }
0x26a: {  	[sflag:s30] =	ssyncset.done $0x0  }
0x26b: {  	s22 =	rddreg [dreg:$0x8];
	[sflag:s30] =	ssyncadd.s32 $0xFFFFD800  }
0x26c: {  	[hbm4b:s22+s3] =	stream.linear.scatter [tilespmem:s13], [sflag:$0x3], $0x8000, $0x38;
	[tilespmem:$0x1F800] =	vst v63  }
0x26d: {  	_ =	swait.ge [sflag:s30], $0x8000  }
0x26e: {  	s14 =	sadd.s32 $0x1, s14;
	s23 =	rddreg [dreg:$0x9]  }
0x26f: {  	p0 =	sne.s32 s14, s23  }
.Ltmp5:
0x270: {  	_ = 	snop;
	(pc) =	sbr.rel @p0 .LBB2_1-.Ltmp5, $3  }
0x271: {  	_ =	sdelay $0x1  }
0x272: {  	[sflag:s30] =	ssyncset.done $0x0  }
0x273: {  	[sflag:s30] =	ssyncadd.s32 $0xFFFF8000  }
0x274: {  	_ =	sfence.sel $0x180000  }
0x275: {  	[bflag:$0x0] =	sbarrier.arrive $0xFFFF  }
0x276: {  	_ =	strace $0x90000047  }
0x277: {  	s0 =	stileid.u32;
	[bflag:$0x2] =	sbarrier.arrive $0xFFFF  }
0x278: {  	p0 =	sne.s32 s0, $0x0;
	s0 =	rddreg [dreg:$0x3]  }
0x279: {  	s0 =	sadd.s32 @!p0 $0x100000, s0  }
0x27a: {  	[sflag:s0] =	ssyncadd.tile.s32 @!p0 $0x1;
	_ =	shalt  }
.Lfunc_end2:
_tile_overlayer_lowered:
.L_overlay_start_2:
0x27b: {  	(tag) =	ssettag $0x2  }
0x27c: {  	s0 =	rddreg [dreg:$0x0];
	s2 =	stileid.u32  }
0x27d: {  	s1 =	rddreg [dreg:$0x1];
	p0 =	sne.s32 s2, $0x0  }
0x27e: {  	s3 =	rddreg [dreg:$0x2];
	[bflag:$0x3] =	sbarrier.arrive $0xFFFF;
	s2 =	simm.s32 @!p0 $0x1C03  }
0x27f: {  	[timem:s3], [sflag:s2] =	dma.local @!p0 [hbm:s0], s1  }
0x280: {  	s0 =	simm.s32 @!p0 $0x3  }
0x281: {  	_ =	swait.ge @!p0 [sflag:s0], s1  }
0x282: {  	s1 =	ssub.s32 @!p0 $0x0, s1;
	[sflag:s0] =	ssyncset.done @!p0 $0x0  }
0x283: {  	[sflag:s0] =	ssyncadd.s32 @!p0 s1  }
0x284: {  	[bflag:$0x3] =	sbarrier.arrive $0xFFFF  }
0x285: {  	_ =	shalt  }

// kernel: gat_edge_pass.7.cloned.1.call-start
scs
__scs_entry_jumppad:
0x0: {  	(pc) =	sbr.rel $0x88, $3  }
0x1: {  	(tag) =	ssettag $0x0;
	lr =	simm.s32 $0x1  }
0x2: {  	[smem:$0x3F97] =	sst lr;
	_ =	strace $0xD0000000  }
0x3: {  	_ = 	snop  }
0x4: {  	_ = 	snop  }
0x5: {  	_ = 	snop  }
0x6: {  	_ = 	snop  }
0x7: {  	_ = 	snop  }
__scs_overlays_trampoline_lowered:
0x8: {  	[smem:$0x3FA6] =	sst s0  }
0x9: {  	[smem:$0x3FA7] =	sst s1  }
0xa: {  	[smem:$0x3FA8] =	sst s2  }
0xb: {  	[smem:$0x3FA9] =	sst s3  }
0xc: {  	[smem:$0x3FAA] =	sst s4  }
0xd: {  	[smem:$0x3FAB] =	sst s5  }
0xe: {  	[smem:$0x3FAC] =	sst s6  }
0xf: {  	[smem:$0x3FAD] =	sst s7  }
0x10: {  	[smem:$0x3FAE] =	sst s8  }
0x11: {  	[smem:$0x3FAF] =	sst s9;
	s0 =	simm.s32 @!p0 $0x0  }
0x12: {  	s1 =	sld [smem:$0x3F95];
	s0 =	simm.s32 @p0 $0x1  }
0x13: {  	[smem:$0x3FB0] =	sst s0;
	s0 =	simm.s32 @!p1 $0x0  }
0x14: {  	s2 =	sld [smem:$0x3F94];
	s0 =	simm.s32 @p1 $0x1  }
0x15: {  	[smem:$0x3FB1] =	sst s0;
	s0 =	simm.s32 @!p2 $0x0  }
0x16: {  	s3 =	sld [smem:$0x3FDB];
	s0 =	simm.s32 @p2 $0x1  }
0x17: {  	s4 =	simm.s32 $0x1BF5;
	[smem:$0x3FB3] =	sst s0  }
0x18: {  	s0 =	sld [smem:$0x3F96];
	_ =	swait.ge [sflag:s4], $0x0  }
0x19: {  	s7 =	sld [smem:$0x3F97]  }
0x1a: {  	s8 =	sadd.s32 $0xFFFFE003, lr  }
0x1b: {  	s9 =	sadd.s32 $0xFFFFFEF7, lr;
	s5 =	simm.s32 $0xFFFFFFFF;
	p2 =	slt.u32 s8, $0xFFFFF086  }
0x1c: {  	p1 =	slt.u32 s9, $0xF7A;
	s5 =	simm.s32 @!p2 $0x0  }
0x1d: {  	s5 =	simm.s32 @p1 $0x1;
	p0 =	seq.s32 s7, s2  }
0x1e: {  	s7 =	smul.u32 @!p0 $0xF7A, s2;
	p2 =	seq.s32 @!p0 s5, $0x0  }
0x1f: {  	s9 =	smul.u32 $0xF7A, s1;
	s8 =	simm.s32 @!p0 $0x1BF5;
	p2 =	por !p2, p0  }
0x20: {  	[sflag:s8] =	ssyncset.s32 @!p0 $0xFFFFF086;
	s6 =	sadd.s32 @!p0 s3, s7;
	s7 =	simm.s32 @!p0 $0x108  }
0x21: {  	s3 =	sadd.s32 s3, s9;
	s6 =	sadd.s32 @!p0 $0x88, s6;
	s7 =	simm.s32 @p2 $0x1082  }
0x22: {  	[simem:s7], [sflag:s8] =	dma.local @!p0 [hbm:s6], $0xF7A  }
0x23: {  	s9 =	sor.u32 $0xD0000000, s2;
	s6 =	simm.s32 $0x108;
	_ =	swait.ge @!p0 [sflag:s8], $0x0  }
0x24: {  	s3 =	sadd.s32 $0x88, s3;
	s6 =	simm.s32 @!p1 $0x1082;
	[sflag:s4] =	ssyncset.s32 $0xFFFFF086  }
0x25: {  	[simem:s6], [sflag:s4] =	dma.local [hbm:s3], $0xF7A  }
0x26: {  	[smem:$0x3F97] =	sst s1;
	(tag) =	ssettag s2;
	_ =	strace s9  }
0x27: {  	s1 =	sld [smem:$0x3FA7]  }
0x28: {  	s2 =	sld [smem:$0x3FA8]  }
0x29: {  	s4 =	sld [smem:$0x3FAA]  }
0x2a: {  	p0 =	seq.s32 s5, $0x0;
	s5 =	sld [smem:$0x3FAB]  }
0x2b: {  	s6 =	sld [smem:$0x3FAC]  }
0x2c: {  	s7 =	sld [smem:$0x3FAD]  }
0x2d: {  	s3 =	simm.s32 $0x108;
	s8 =	sld [smem:$0x3FAE]  }
0x2e: {  	s3 =	simm.s32 @!p0 $0x1082;
	s9 =	sld [smem:$0x3FAF]  }
0x2f: {  	lr =	sadd.s32 s0, s3;
	s0 =	sld [smem:$0x3FA6]  }
0x30: {  	s3 =	sld [smem:$0x3FA9]  }
0x31: {  	[smem:$0x3FB2] =	sst s10  }
0x32: {  	s10 =	sld [smem:$0x3FB0];
	_ =	sdelay $0x3  }
0x33: {  	p0 =	seq.s32 s10, $0x1;
	s10 =	sld [smem:$0x3FB2];
	_ =	sdelay $0x3  }
0x34: {  	[smem:$0x3FB2] =	sst s10  }
0x35: {  	s10 =	sld [smem:$0x3FB1];
	_ =	sdelay $0x3  }
0x36: {  	p1 =	seq.s32 s10, $0x1;
	s10 =	sld [smem:$0x3FB2];
	_ =	sdelay $0x3  }
0x37: {  	[smem:$0x3FB2] =	sst s10  }
0x38: {  	s10 =	sld [smem:$0x3FB3]  }
0x39: {  	_ = 	snop;
	(pc) =	sbr.ind lr, $3  }
0x3a: {  	_ = 	snop  }
0x3b: {  	_ = 	snop  }
0x3c: {  	p2 =	seq.s32 s10, $0x1;
	s10 =	sld [smem:$0x3FB2]  }
0x3d: {  	_ =	shalt  }
0x3e: {  	_ =	shalt  }
0x3f: {  	_ =	shalt  }
0x40: {  	_ =	shalt  }
0x41: {  	_ =	shalt  }
0x42: {  	_ =	shalt  }
0x43: {  	_ =	shalt  }
0x44: {  	_ =	shalt  }
0x45: {  	_ =	shalt  }
0x46: {  	_ =	shalt  }
0x47: {  	_ =	shalt  }
0x48: {  	_ =	shalt  }
0x49: {  	_ =	shalt  }
0x4a: {  	_ =	shalt  }
0x4b: {  	_ =	shalt  }
0x4c: {  	_ =	shalt  }
0x4d: {  	_ =	shalt  }
0x4e: {  	_ =	shalt  }
0x4f: {  	_ =	shalt  }
0x50: {  	_ =	shalt  }
0x51: {  	_ =	shalt  }
0x52: {  	_ =	shalt  }
0x53: {  	_ =	shalt  }
0x54: {  	_ =	shalt  }
0x55: {  	_ =	shalt  }
0x56: {  	_ =	shalt  }
0x57: {  	_ =	shalt  }
0x58: {  	_ =	shalt  }
0x59: {  	_ =	shalt  }
0x5a: {  	_ =	shalt  }
0x5b: {  	_ =	shalt  }
0x5c: {  	_ =	shalt  }
0x5d: {  	_ =	shalt  }
0x5e: {  	_ =	shalt  }
0x5f: {  	_ =	shalt  }
0x60: {  	_ =	shalt  }
0x61: {  	_ =	shalt  }
0x62: {  	_ =	shalt  }
0x63: {  	_ =	shalt  }
0x64: {  	_ =	shalt  }
0x65: {  	_ =	shalt  }
0x66: {  	_ =	shalt  }
0x67: {  	_ =	shalt  }
0x68: {  	_ =	shalt  }
0x69: {  	_ =	shalt  }
0x6a: {  	_ =	shalt  }
0x6b: {  	_ =	shalt  }
0x6c: {  	_ =	shalt  }
0x6d: {  	_ =	shalt  }
0x6e: {  	_ =	shalt  }
0x6f: {  	_ =	shalt  }
0x70: {  	_ =	shalt  }
0x71: {  	_ =	shalt  }
0x72: {  	_ =	shalt  }
0x73: {  	_ =	shalt  }
0x74: {  	_ =	shalt  }
0x75: {  	_ =	shalt  }
0x76: {  	_ =	shalt  }
0x77: {  	_ =	shalt  }
0x78: {  	_ =	shalt  }
0x79: {  	_ =	shalt  }
0x7a: {  	_ =	shalt  }
0x7b: {  	_ =	shalt  }
0x7c: {  	_ =	shalt  }
0x7d: {  	_ =	shalt  }
0x7e: {  	_ =	shalt  }
0x7f: {  	_ =	shalt  }
0x80: {  	_ =	shalt  }
0x81: {  	_ =	shalt  }
0x82: {  	_ =	shalt  }
0x83: {  	_ =	shalt  }
0x84: {  	_ =	shalt  }
0x85: {  	_ =	shalt  }
0x86: {  	_ =	shalt  }
0x87: {  	_ =	shalt  }
.Lfunc_end0:
.L_simem_size_0:
called_computation.1_lowered:
.L_overlay_start_0:
0x88: {  	s2 =	sld [smem:$0x3FD9]  }
0x89: {  	s3 =	sld [smem:$0x3FFE];
	_ =	sdelay $0x1  }
0x8a: {  	s1 =	srdreg.scid  }
0x8b: {  	s0 =	sand.u32 $0x1, s1  }
0x8c: {  	s17 =	sshll.u32 s0, $0xA;
	s2 =	sadd.s32 s3, s2  }
0x8d: {  	s2 =	sadd.s32 s2, s17  }
0x8e: {  	[smem:$0x3FBE] =	sst s2  }
0x8f: {  	_ = 	snop  }
0x90: {  	s2 =	sld [smem:$0x3FC1]  }
0x91: {  	s18 =	sld [smem:$0x3FD0];
	(tm) =	ssettm $0x1  }
0x92: {  	s4 =	sld [smem:$0x3FFB];
	_ =	sdelay $0x3  }
0x93: {  	_ =	strace s4  }
0x94: {  	s4 =	sld [smem:$0x3FFC];
	_ =	sdelay $0x3  }
0x95: {  	_ =	strace s4  }
0x96: {  	s4 =	sld [smem:$0x3FFD];
	_ =	sdelay $0x3  }
0x97: {  	_ =	strace s4  }
0x98: {  	_ =	strace $0x8FFFFFFF  }
0x99: {  	s19 =	sld [smem:$0x3FDB];
	_ =	sdelay $0x1  }
0x9a: {  	s5 =	simm.s32 $_scs_section_size  }
0x9b: {  	s6 =	simm.s32 $_size__tile_overlayer_lowered;
	s7 =	simm.s32 $_tile_overlayer_lowered  }
0x9c: {  	s22 =	simm.s32 $0x1BFF;
	s21 =	sshll.u32 s7, $0x1;
	s4 =	sadd.s32 s5, s19  }
0x9d: {  	s8 =	simm.s32 $0x0;
	s20 =	sshll.u32 s6, $0x1;
	s6 =	sadd.s32 s21, s4  }
0x9e: {  	[timem:s8], [sflag:s22] =	dma.local [hbm:s6], s20  }
0x9f: {  	_ =	swait.ge [sflag:s22], s20  }
0xa0: {  	s5 =	ssub.s32 $0x0, s20;
	[sflag:s22] =	ssyncset.done $0x0  }
0xa1: {  	[sflag:s22] =	ssyncadd.s32 s5;
	_ =	sdelay $0x1  }
0xa2: {  	s23 =	simm.s32 $0x1B8B  }
0xa3: {  	_ =	swait.ge [sflag:s23], $0x1  }
0xa4: {  	[sflag:s23] =	ssyncset.done $0x0  }
0xa5: {  	s25 =	simm.s32 $0x1B8E;
	s24 =	sld [smem:$0x3FFE];
	[sflag:s23] =	ssyncadd.s32 $0xFFFFFFFF  }
0xa6: {  	s26 =	simm.s32 $execute0_lowered;
	[smem:$0x3FD2] =	sst s25  }
0xa7: {  	s6 =	sshll.u32 s26, $0x1;
	_ =	strace $0x80000049;
	[dreg:$0x1] =	wrdreg $0xFFFFFFFF  }
0xa8: {  	s28 =	simm.s32 $_size_execute0_lowered;
	s4 =	sadd.s32 s4, s6;
	[dreg:$0x0] =	wrdreg $0x0  }
0xa9: {  	s6 =	sshll.u32 s28, $0x1;
	[dreg:$0x2] =	wrdreg s4  }
0xaa: {  	[dreg:$0x3] =	wrdreg s6  }
0xab: {  	[dreg:$0x4] =	wrdreg $0xC0  }
0xac: {  	_ =	task [dreg:s8], $0x5FFFF  }
0xad: {  	[dreg:$0x1] =	wrdreg $0xFFFFFFFF  }
0xae: {  	[dreg:$0x0] =	wrdreg $0x60  }
0xaf: {  	[dreg:$0x2] =	wrdreg s24  }
0xb0: {  	[dreg:$0x3] =	wrdreg s2  }
0xb1: {  	[dreg:$0x4] =	wrdreg s18  }
0xb2: {  	[dreg:$0x5] =	wrdreg $0xB8000  }
0xb3: {  	[dreg:$0x6] =	wrdreg $0x9  }
0xb4: {  	_ =	task.clear_ibuf [dreg:s8], $0x7FFFF;
	_ =	strace $0x90000049  }
0xb5: {  	s29 =	simm.s32 $0x9;
	_ =	strace $0x8000004B  }
0xb6: {  	_ =	swait.ge [sflag:s29], $0x1  }
0xb7: {  	[sflag:s29] =	ssyncadd.s32 $0xFFFFFFFF  }
0xb8: {  	_ =	strace $0x9000004B  }
0xb9: {  	_ =	sfence  }
0xba: {  	s30 =	sld [smem:$0x0];
	_ =	sdelay $0x2  }
0xbb: {  	s31 =	sshll.u32 s1, $0xD;
	s1 =	sshrl.u32 s1, $0x2  }
0xbc: {  	s3 =	sand.u32 $0x4000, s31;
	s1 =	sadd.s32 s1, s30  }
0xbd: {  	s0 =	sor.u32 s3, s0;
	s1 =	sshll.u32 s1, $0x11  }
0xbe: {  	s0 =	sor.u32 s1, s0  }
0xbf: {  	s0 =	sadd.s32 $0x8F2B, s0  }
0xc0: {  	[sflag:s0] =	ssyncadd.remote.s32 $0x1  }
0xc1: {  	_ =	sfence.sel $0xFFFF  }
0xc2: {  	[dreg:$0x0] =	wrdreg $0xFFFFFFFF;
	(pc) =	sbr.abs _section_cstart, $3  }
0xc3: {  	[dreg:$0x1] =	wrdreg $0xFFFFFFFF  }
0xc4: {  	_ =	task.clear_ibuf [dreg:s8], $0x2FFFF;
	_ =	strace $0x9FFFFFFF  }
0xc5: {  	(tm) =	ssettm $0x7FFFFFFF  }
tec
execute0_lowered:
.L_overlay_start_1:
0x0: {  	(tag) =	ssettag $0x1  }
0x1: {  	s0 =	rddreg [dreg:$0x0]  }
0x2: {  	s1 =	rddreg [dreg:$0x2]  }
0x3: {  	s2 =	rddreg [dreg:$0x3]  }
0x4: {  	s4 =	simm.s32 $0x0;
	s3 =	srdreg.scid;
	s12 =	stileid.u32  }
0x5: {  	s29 =	simm.s32 $0x100;
	s30 =	simm.s32 $0x3;
	s31 =	simm.s32 $0x30  }
0x6: {  	[smem:$0x7FF] =	sst s4;
	s3 =	sand.u32 $0x1, s3;
	s10 =	smul.u32 $0x14000, s12  }
0x7: {  	v0 =	vlaneseq.u32;
	s5 =	sadd.s32 $0x17600, s0;
	s6 =	sadd.s32 $0x3F600, s0;
	s7 =	sadd.s32 $0xD400, s0  }
0x8: {  	s8 =	sadd.s32 $0x3200, s0;
	s25 =	smul.u32 $0x50000, s12;
	s11 =	sadd.s32 $0x3000, s0;
	v0 =	vmul.u32 $0x20, v0  }
0x9: {  	s15 =	sshll.u32 s12, $0xC;
	s9 =	smul.u32 $0x140000, s3;
	_ =	strace $0x8000004A  }
0xa: {  	[dreg:$0x5] =	wrdreg s11;
	s26 =	ssub.s32 $0x2, s3;
	s14 =	sshll.u32 s3, $0x4;
	v2 =	vor.u32 $0x1, v0  }
0xb: {  	s3 =	sshll.u32 s3, $0x10;
	s1 =	sadd.s32 s1, s15;
	s13 =	sshrl.u32 s26, $0x1;
	[tilespmem:$0x1FF00] =	vst v2;
	v2 =	vor.u32 $0x2, v0  }
0xc: {  	s16 =	sadd.s32 s3, s1;
	s9 =	sadd.s32 s10, s9;
	s10 =	sshrl.u32 s25, $0x2;
	[tilespmem:$0x1FF10] =	vst v2;
	v2 =	vor.u32 $0x3, v0  }
0xd: {  	[dreg:$0x8] =	wrdreg s16;
	s9 =	sshrl.u32 s9, $0x3;
	s10 =	sadd.s32 s10, s2;
	[tilespmem:$0x1FF20] =	vst v2;
	v2 =	vor.u32 $0x4, v0  }
0xe: {  	s0 =	sadd.s32 s9, s0;
	s9 =	ssub.s32 s26, s13;
	s13 =	sadd.s32 $0x13800, s10;
	[tilespmem:$0x1FF30] =	vst v2;
	v2 =	vor.u32 $0x5, v0  }
0xf: {  	s11 =	sor.u32 s12, s14;
	s18 =	sadd.s32 $0x1800, s10;
	[dreg:$0x6] =	wrdreg s13;
	[tilespmem:$0x1FF40] =	vst v2;
	v2 =	vor.u32 $0x6, v0  }
0x10: {  	s1 =	simm.s32 $0x80;
	s19 =	sadd.s32 $0x3000, s10;
	[dreg:$0xa] =	wrdreg s18;
	[tilespmem:$0x1FF50] =	vst v2;
	v2 =	vor.u32 $0x7, v0  }
0x11: {  	s3 =	simm.s32 $0x1;
	s20 =	sadd.s32 $0x4800, s10;
	[dreg:$0xb] =	wrdreg s19;
	[tilespmem:$0x1FF60] =	vst v2;
	v2 =	vor.u32 $0x8, v0  }
0x12: {  	s14 =	simm.s32 $0x0;
	s21 =	sadd.s32 $0x6000, s10;
	[dreg:$0xc] =	wrdreg s20;
	[tilespmem:$0x1FF70] =	vst v2;
	v2 =	vor.u32 $0x9, v0  }
0x13: {  	s12 =	smul.u32 $0x2850, s11;
	s22 =	sadd.s32 $0x7800, s10;
	[dreg:$0xd] =	wrdreg s21;
	[tilespmem:$0x1FF80] =	vst v2;
	v2 =	vor.u32 $0xA, v0  }
0x14: {  	s11 =	simm.s32 $0x3100;
	s23 =	sadd.s32 $0x9000, s10;
	[dreg:$0xe] =	wrdreg s22;
	[tilespmem:$0x1FF90] =	vst v2;
	v2 =	vor.u32 $0xB, v0  }
0x15: {  	s24 =	sadd.s32 $0xA800, s10;
	s25 =	sadd.s32 $0xC000, s10;
	[dreg:$0xf] =	wrdreg s23;
	[tilespmem:$0x1FFA0] =	vst v2;
	v2 =	vor.u32 $0xC, v0  }
0x16: {  	v1 =	vimm.f32 $0.0e+00;
	s26 =	sadd.s32 $0xD800, s10;
	s28 =	sadd.s32 $0x12000, s10;
	[dreg:$0x10] =	wrdreg s24;
	[tilespmem:$0x1FFB0] =	vst v2;
	v2 =	vor.u32 $0xD, v0  }
0x17: {  	v22 =	vimm.s32 $0x5;
	vm2 =	vcmask $0x300;
	s0 =	sadd.s32 $0x67600, s0;
	s17 =	smax.u32 s9, $0x1;
	[dreg:$0x11] =	wrdreg s25;
	[tilespmem:$0x1FFC0] =	vst v2;
	v2 =	vor.u32 $0xE, v0  }
0x18: {  	vm0 =	vcmask $0x3F08;
	vm1 =	vmmov $0x1;
	[dreg:$0x12] =	wrdreg s26;
	s25 =	sadd.s32 $0xF000, s10;
	s26 =	sadd.s32 $0x10800, s10;
	[tilespmem:$0x1FFD0] =	vst v2;
	v2 =	vor.u32 $0xF, v0  }
0x19: {  	v22 =	vsel vm2, $0x0, v22;
	v18 =	vor.u32 $0x11, v0;
	s9 =	simm.s32 $0x2;
	s13 =	simm.s32 $0x3800;
	[dreg:$0x7] =	wrdreg s0;
	[tilespmem:$0x1FFE0] =	vst v2;
	v2 =	vor.u32 $0x10, v0  }
0x1a: {  	v19 =	vor.u32 $0x12, v0;
	v20 =	vor.u32 $0x13, v0;
	v21 =	vor.u32 $0x14, v0;
	s24 =	simm.s32 $0x40;
	[dreg:$0x9] =	wrdreg s17;
	s0 =	simm.s32 $0x1900;
	[tilespmem:$0x1FFF0] =	vst v2  }
.LBB2_1:
0x1b: {  	s15 =	simm.s32 $0xFFFFB000  }
0x1c: {  	s16 =	simm.s32 $0x0;
	s17 =	simm.s32 $0x0;
	s18 =	simm.s32 $0x0  }
.LBB2_2:
0x1d: {  	s19 =	sadd.s32 $0x5000, s15  }
0x1e: {  	s20 =	sand.u32 $0x380, s18;
	s19 =	sand.u32 $0x4000, s19  }
0x1f: {  	s19 =	sor.u32 s20, s19  }
0x20: {  	[tilespmem:s19+$0x3800] =	vst v1  }
0x21: {  	[tilespmem:s19+$0x3810] =	vst v1  }
0x22: {  	[tilespmem:s19+$0x3820] =	vst v1  }
0x23: {  	[tilespmem:s19+$0x3830] =	vst v1  }
0x24: {  	[tilespmem:s19+$0x3840] =	vst v1  }
0x25: {  	[tilespmem:s19+$0x3850] =	vst v1  }
0x26: {  	[tilespmem:s19+$0x3860] =	vst v1  }
0x27: {  	[tilespmem:s19+$0x3870] =	vst v1  }
0x28: {  	[tilespmem:s19+$0x3C00] =	vst v1  }
0x29: {  	[tilespmem:s19+$0x3C10] =	vst v1  }
0x2a: {  	[tilespmem:s19+$0x3C20] =	vst v1  }
0x2b: {  	[tilespmem:s19+$0x3C30] =	vst v1  }
0x2c: {  	[tilespmem:s19+$0x3C40] =	vst v1  }
0x2d: {  	[tilespmem:s19+$0x3C50] =	vst v1  }
0x2e: {  	[tilespmem:s19+$0x3C60] =	vst v1  }
0x2f: {  	[tilespmem:s19+$0x3C70] =	vst v1  }
0x30: {  	[tilespmem:s19+$0x4000] =	vst v1  }
0x31: {  	[tilespmem:s19+$0x4010] =	vst v1  }
0x32: {  	[tilespmem:s19+$0x4020] =	vst v1  }
0x33: {  	[tilespmem:s19+$0x4030] =	vst v1  }
0x34: {  	[tilespmem:s19+$0x4040] =	vst v1  }
0x35: {  	[tilespmem:s19+$0x4050] =	vst v1  }
0x36: {  	[tilespmem:s19+$0x4060] =	vst v1  }
0x37: {  	[tilespmem:s19+$0x4070] =	vst v1  }
0x38: {  	[tilespmem:s19+$0x4400] =	vst v1  }
0x39: {  	[tilespmem:s19+$0x4410] =	vst v1  }
0x3a: {  	[tilespmem:s19+$0x4420] =	vst v1  }
0x3b: {  	[tilespmem:s19+$0x4430] =	vst v1  }
0x3c: {  	[tilespmem:s19+$0x4440] =	vst v1  }
0x3d: {  	[tilespmem:s19+$0x4450] =	vst v1  }
0x3e: {  	[tilespmem:s19+$0x4460] =	vst v1  }
0x3f: {  	[tilespmem:s19+$0x4470] =	vst v1  }
0x40: {  	[tilespmem:s19+$0x4800] =	vst v1  }
0x41: {  	[tilespmem:s19+$0x4810] =	vst v1  }
0x42: {  	[tilespmem:s19+$0x4820] =	vst v1  }
0x43: {  	[tilespmem:s19+$0x4830] =	vst v1  }
0x44: {  	[tilespmem:s19+$0x4840] =	vst v1  }
0x45: {  	[tilespmem:s19+$0x4850] =	vst v1  }
0x46: {  	[tilespmem:s19+$0x4860] =	vst v1  }
0x47: {  	[tilespmem:s19+$0x4870] =	vst v1  }
0x48: {  	[tilespmem:s19+$0x4C00] =	vst v1  }
0x49: {  	[tilespmem:s19+$0x4C10] =	vst v1  }
0x4a: {  	[tilespmem:s19+$0x4C20] =	vst v1  }
0x4b: {  	[tilespmem:s19+$0x4C30] =	vst v1  }
0x4c: {  	[tilespmem:s19+$0x4C40] =	vst v1  }
0x4d: {  	[tilespmem:s19+$0x4C50] =	vst v1  }
0x4e: {  	[tilespmem:s19+$0x4C60] =	vst v1  }
0x4f: {  	[tilespmem:s19+$0x4C70] =	vst v1  }
0x50: {  	[tilespmem:s19+$0x5000] =	vst v1  }
0x51: {  	[tilespmem:s19+$0x5010] =	vst v1  }
0x52: {  	[tilespmem:s19+$0x5020] =	vst v1  }
0x53: {  	[tilespmem:s19+$0x5030] =	vst v1  }
0x54: {  	[tilespmem:s19+$0x5040] =	vst v1  }
0x55: {  	[tilespmem:s19+$0x5050] =	vst v1  }
0x56: {  	[tilespmem:s19+$0x5060] =	vst v1  }
0x57: {  	[tilespmem:s19+$0x5070] =	vst v1  }
0x58: {  	[tilespmem:s19+$0x5400] =	vst v1  }
0x59: {  	[tilespmem:s19+$0x5410] =	vst v1  }
0x5a: {  	[tilespmem:s19+$0x5420] =	vst v1  }
0x5b: {  	[tilespmem:s19+$0x5430] =	vst v1  }
0x5c: {  	[tilespmem:s19+$0x5440] =	vst v1  }
0x5d: {  	[tilespmem:s19+$0x5450] =	vst v1  }
0x5e: {  	[tilespmem:s19+$0x5460] =	vst v1  }
0x5f: {  	[tilespmem:s19+$0x5470] =	vst v1  }
0x60: {  	[tilespmem:s19+$0x5800] =	vst v1  }
0x61: {  	[tilespmem:s19+$0x5810] =	vst v1  }
0x62: {  	[tilespmem:s19+$0x5820] =	vst v1  }
0x63: {  	[tilespmem:s19+$0x5830] =	vst v1  }
0x64: {  	[tilespmem:s19+$0x5840] =	vst v1  }
0x65: {  	[tilespmem:s19+$0x5850] =	vst v1  }
0x66: {  	[tilespmem:s19+$0x5860] =	vst v1  }
0x67: {  	[tilespmem:s19+$0x5870] =	vst v1  }
0x68: {  	[tilespmem:s19+$0x5C00] =	vst v1  }
0x69: {  	[tilespmem:s19+$0x5C10] =	vst v1  }
0x6a: {  	[tilespmem:s19+$0x5C20] =	vst v1  }
0x6b: {  	[tilespmem:s19+$0x5C30] =	vst v1  }
0x6c: {  	[tilespmem:s19+$0x5C40] =	vst v1  }
0x6d: {  	[tilespmem:s19+$0x5C50] =	vst v1  }
0x6e: {  	[tilespmem:s19+$0x5C60] =	vst v1  }
0x6f: {  	[tilespmem:s19+$0x5C70] =	vst v1  }
0x70: {  	[tilespmem:s19+$0x6000] =	vst v1  }
0x71: {  	[tilespmem:s19+$0x6010] =	vst v1  }
0x72: {  	[tilespmem:s19+$0x6020] =	vst v1  }
0x73: {  	[tilespmem:s19+$0x6030] =	vst v1  }
0x74: {  	[tilespmem:s19+$0x6040] =	vst v1  }
0x75: {  	[tilespmem:s19+$0x6050] =	vst v1  }
0x76: {  	[tilespmem:s19+$0x6060] =	vst v1  }
0x77: {  	[tilespmem:s19+$0x6070] =	vst v1  }
0x78: {  	[tilespmem:s19+$0x6400] =	vst v1  }
0x79: {  	[tilespmem:s19+$0x6410] =	vst v1  }
0x7a: {  	[tilespmem:s19+$0x6420] =	vst v1  }
0x7b: {  	[tilespmem:s19+$0x6430] =	vst v1  }
0x7c: {  	[tilespmem:s19+$0x6440] =	vst v1  }
0x7d: {  	[tilespmem:s19+$0x6450] =	vst v1  }
0x7e: {  	[tilespmem:s19+$0x6460] =	vst v1  }
0x7f: {  	[tilespmem:s19+$0x6470] =	vst v1  }
0x80: {  	[tilespmem:s19+$0x6800] =	vst v1  }
0x81: {  	[tilespmem:s19+$0x6810] =	vst v1  }
0x82: {  	[tilespmem:s19+$0x6820] =	vst v1  }
0x83: {  	[tilespmem:s19+$0x6830] =	vst v1  }
0x84: {  	[tilespmem:s19+$0x6840] =	vst v1  }
0x85: {  	[tilespmem:s19+$0x6850] =	vst v1  }
0x86: {  	[tilespmem:s19+$0x6860] =	vst v1  }
0x87: {  	[tilespmem:s19+$0x6870] =	vst v1  }
0x88: {  	[tilespmem:s19+$0x6C00] =	vst v1  }
0x89: {  	[tilespmem:s19+$0x6C10] =	vst v1  }
0x8a: {  	[tilespmem:s19+$0x6C20] =	vst v1  }
0x8b: {  	[tilespmem:s19+$0x6C30] =	vst v1  }
0x8c: {  	s22 =	sand.u32 $0x7, s16;
	[tilespmem:s19+$0x6C40] =	vst v1  }
0x8d: {  	s20 =	sshll.u32 s22, $0x7;
	[tilespmem:s19+$0x6C50] =	vst v1  }
0x8e: {  	s20 =	sadd.s32 s20, s17;
	[tilespmem:s19+$0x6C60] =	vst v1  }
0x8f: {  	[tilespmem:s19+$0x6C70] =	vst v1;
	s23 =	sor.u32 $0x3800, s20  }
0x90: {  	s21 =	sor.u32 $0x3810, s20;
	[tilespmem:s23+$0x3800] =	vst v1  }
0x91: {  	s22 =	sor.u32 $0x3820, s20;
	[tilespmem:s21+$0x3800] =	vst v1  }
0x92: {  	s23 =	sor.u32 $0x3830, s20;
	[tilespmem:s22+$0x3800] =	vst v1  }
0x93: {  	s21 =	sor.u32 $0x3840, s20;
	[tilespmem:s23+$0x3800] =	vst v1  }
0x94: {  	s22 =	sor.u32 $0x3850, s20;
	[tilespmem:s21+$0x3800] =	vst v1  }
0x95: {  	s23 =	sor.u32 $0x3860, s20;
	[tilespmem:s22+$0x3800] =	vst v1  }
0x96: {  	s21 =	sor.u32 $0x3870, s20;
	[tilespmem:s23+$0x3800] =	vst v1  }
0x97: {  	s22 =	sor.u32 $0x3C00, s20;
	[tilespmem:s21+$0x3800] =	vst v1  }
0x98: {  	s23 =	sor.u32 $0x3C10, s20;
	[tilespmem:s22+$0x3800] =	vst v1  }
0x99: {  	s21 =	sor.u32 $0x3C20, s20;
	[tilespmem:s23+$0x3800] =	vst v1  }
0x9a: {  	p0 =	sne.s32 s18, $0x480;
	s22 =	sor.u32 $0x3C30, s20;
	[tilespmem:s21+$0x3800] =	vst v1  }
.Ltmp0:
0x9b: {  	s23 =	sor.u32 $0x3C40, s20;
	[tilespmem:s22+$0x3800] =	vst v1;
	(pc) =	sbr.rel @p0 .LBB2_2-.Ltmp0, $4  }
0x9c: {  	s21 =	sor.u32 $0x3C50, s20;
	[tilespmem:s23+$0x3800] =	vst v1  }
0x9d: {  	s22 =	sor.u32 $0x3C60, s20;
	[tilespmem:s21+$0x3800] =	vst v1  }
0x9e: {  	s16 =	sadd.s32 $0x1, s16;
	s23 =	sor.u32 $0x3C70, s20;
	[tilespmem:s22+$0x3800] =	vst v1  }
0x9f: {  	s15 =	sadd.s32 $0x800, s15;
	s18 =	sadd.s32 $0x80, s18;
	s17 =	sadd.s32 $0x800, s17;
	[tilespmem:s23+$0x3800] =	vst v1  }
0xa0: {  	s15 =	simm.s32 $0x0;
	s16 =	simm.s32 $0x200  }
.LBB2_4:
0xa1: {  	p0 =	sne.s32 s16, $0x5E00;
	[tilespmem:s15+$0x170] =	vst v1  }
0xa2: {  	[tilespmem:s15+$0x100] =	vst v1  }
0xa3: {  	[tilespmem:s15+$0x110] =	vst v1  }
.Ltmp1:
0xa4: {  	[tilespmem:s15+$0x120] =	vst v1;
	(pc) =	sbr.rel @p0 .LBB2_4-.Ltmp1, $4  }
0xa5: {  	[tilespmem:s15+$0x130] =	vst v1  }
0xa6: {  	[tilespmem:s15+$0x140] =	vst v1  }
0xa7: {  	[tilespmem:s15+$0x150] =	vst v1  }
0xa8: {  	[tilespmem:s15+$0x160] =	vst v1;
	s15 =	sshra.s32 s16, $0x2;
	s16 =	sadd.s32 $0x200, s16  }
0xa9: {  	[tilespmem:s15+$0x170] =	vst v1  }
0xaa: {  	[tilespmem:s15+$0x100] =	vst v1  }
0xab: {  	[tilespmem:s15+$0x110] =	vst v1  }
0xac: {  	[tilespmem:s15+$0x120] =	vst v1  }
0xad: {  	[tilespmem:s15+$0x130] =	vst v1  }
0xae: {  	[tilespmem:s15+$0x140] =	vst v1  }
0xaf: {  	[tilespmem:s15+$0x150] =	vst v1  }
0xb0: {  	[tilespmem:s15+$0x160] =	vst v1  }
0xb1: {  	[spmem:s10] =	stream.linear.scatter [tilespmem:s29], [sflag:$0x3], $0x1800, $0x38;
	[tilespmem:$0x1F800] =	vst v63  }
0xb2: {  	_ =	swait.ge [sflag:s30], $0x1800  }
0xb3: {  	[sflag:s30] =	ssyncset.done $0x0  }
0xb4: {  	s20 =	rddreg [dreg:$0xa];
	[sflag:s30] =	ssyncadd.s32 $0xFFFFE800  }
0xb5: {  	[spmem:s20] =	stream.linear.scatter [tilespmem:s29], [sflag:$0x3], $0x1800, $0x38;
	[tilespmem:$0x1F800] =	vst v63  }
0xb6: {  	_ =	swait.ge [sflag:s30], $0x1800  }
0xb7: {  	[sflag:s30] =	ssyncset.done $0x0  }
0xb8: {  	s21 =	rddreg [dreg:$0xb];
	[sflag:s30] =	ssyncadd.s32 $0xFFFFE800  }
0xb9: {  	[spmem:s21] =	stream.linear.scatter [tilespmem:s29], [sflag:$0x3], $0x1800, $0x38;
	[tilespmem:$0x1F800] =	vst v63  }
0xba: {  	_ =	swait.ge [sflag:s30], $0x1800  }
0xbb: {  	[sflag:s30] =	ssyncset.done $0x0  }
0xbc: {  	s22 =	rddreg [dreg:$0xc];
	[sflag:s30] =	ssyncadd.s32 $0xFFFFE800  }
0xbd: {  	[spmem:s22] =	stream.linear.scatter [tilespmem:s29], [sflag:$0x3], $0x1800, $0x38;
	[tilespmem:$0x1F800] =	vst v63  }
0xbe: {  	_ =	swait.ge [sflag:s30], $0x1800  }
0xbf: {  	[sflag:s30] =	ssyncset.done $0x0  }
0xc0: {  	s23 =	rddreg [dreg:$0xd];
	[sflag:s30] =	ssyncadd.s32 $0xFFFFE800  }
0xc1: {  	[spmem:s23] =	stream.linear.scatter [tilespmem:s29], [sflag:$0x3], $0x1800, $0x38;
	[tilespmem:$0x1F800] =	vst v63  }
0xc2: {  	_ =	swait.ge [sflag:s30], $0x1800  }
0xc3: {  	[sflag:s30] =	ssyncset.done $0x0  }
0xc4: {  	s16 =	rddreg [dreg:$0xe];
	[sflag:s30] =	ssyncadd.s32 $0xFFFFE800  }
0xc5: {  	[spmem:s16] =	stream.linear.scatter [tilespmem:s29], [sflag:$0x3], $0x1800, $0x38;
	[tilespmem:$0x1F800] =	vst v63  }
0xc6: {  	_ =	swait.ge [sflag:s30], $0x1800  }
0xc7: {  	[sflag:s30] =	ssyncset.done $0x0  }
0xc8: {  	s17 =	rddreg [dreg:$0xf];
	[sflag:s30] =	ssyncadd.s32 $0xFFFFE800  }
0xc9: {  	[spmem:s17] =	stream.linear.scatter [tilespmem:s29], [sflag:$0x3], $0x1800, $0x38;
	[tilespmem:$0x1F800] =	vst v63  }
0xca: {  	_ =	swait.ge [sflag:s30], $0x1800  }
0xcb: {  	[sflag:s30] =	ssyncset.done $0x0  }
0xcc: {  	s18 =	rddreg [dreg:$0x10];
	[sflag:s30] =	ssyncadd.s32 $0xFFFFE800  }
0xcd: {  	[spmem:s18] =	stream.linear.scatter [tilespmem:s29], [sflag:$0x3], $0x1800, $0x38;
	[tilespmem:$0x1F800] =	vst v63  }
0xce: {  	_ =	swait.ge [sflag:s30], $0x1800  }
0xcf: {  	[sflag:s30] =	ssyncset.done $0x0  }
0xd0: {  	s19 =	rddreg [dreg:$0x11];
	[sflag:s30] =	ssyncadd.s32 $0xFFFFE800  }
0xd1: {  	[spmem:s19] =	stream.linear.scatter [tilespmem:s29], [sflag:$0x3], $0x1800, $0x38;
	[tilespmem:$0x1F800] =	vst v63  }
0xd2: {  	_ =	swait.ge [sflag:s30], $0x1800  }
0xd3: {  	[sflag:s30] =	ssyncset.done $0x0  }
0xd4: {  	s20 =	rddreg [dreg:$0x12];
	[sflag:s30] =	ssyncadd.s32 $0xFFFFE800  }
0xd5: {  	[spmem:s20] =	stream.linear.scatter [tilespmem:s29], [sflag:$0x3], $0x1800, $0x38;
	[tilespmem:$0x1F800] =	vst v63  }
0xd6: {  	_ =	swait.ge [sflag:s30], $0x1800  }
0xd7: {  	[sflag:s30] =	ssyncset.done $0x0  }
0xd8: {  	[sflag:s30] =	ssyncadd.s32 $0xFFFFE800  }
0xd9: {  	[spmem:s25] =	stream.linear.scatter [tilespmem:s29], [sflag:$0x3], $0x1800, $0x38;
	[tilespmem:$0x1F800] =	vst v63  }
0xda: {  	_ =	swait.ge [sflag:s30], $0x1800  }
0xdb: {  	[sflag:s30] =	ssyncset.done $0x0  }
0xdc: {  	[sflag:s30] =	ssyncadd.s32 $0xFFFFE800  }
0xdd: {  	[spmem:s26] =	stream.linear.scatter [tilespmem:s29], [sflag:$0x3], $0x1800, $0x38;
	[tilespmem:$0x1F800] =	vst v63  }
0xde: {  	_ =	swait.ge [sflag:s30], $0x1800  }
0xdf: {  	[sflag:s30] =	ssyncset.done $0x0  }
0xe0: {  	[sflag:s30] =	ssyncadd.s32 $0xFFFFE800  }
0xe1: {  	[spmem:s28] =	stream.linear.scatter [tilespmem:s29], [sflag:$0x3], $0x1800, $0x38;
	[tilespmem:$0x1F800] =	vst v63  }
0xe2: {  	_ =	swait.ge [sflag:s30], $0x1800  }
0xe3: {  	[sflag:s30] =	ssyncset.done $0x0  }
0xe4: {  	s21 =	rddreg [dreg:$0x6];
	[sflag:s30] =	ssyncadd.s32 $0xFFFFE800  }
0xe5: {  	[spmem:s21] =	stream.linear.scatter [tilespmem:s29], [sflag:$0x3], $0x800, $0x38;
	[tilespmem:$0x1F800] =	vst v63  }
0xe6: {  	_ =	swait.ge [sflag:s30], $0x800  }
0xe7: {  	[sflag:s30] =	ssyncset.done $0x0  }
0xe8: {  	[sflag:s30] =	ssyncadd.s32 $0xFFFFF800  }
0xe9: {  	[bflag:$0x0] =	sbarrier.arrive $0xFFFF  }
0xea: {  	s15 =	simm.s32 $0x0;
	s17 =	simm.s32 $0x3760;
	s16 =	rddreg [dreg:$0x1]  }
0xeb: {  	[tilespmem:s17], [sflag:$0x3] =	stream.linear.gather [hbm4b:s16+s15], $0x80, $0x38;
	[tilespmem:$0x1F800] =	vst v63  }
0xec: {  	_ =	swait.ge [sflag:s30], $0x80  }
0xed: {  	[sflag:s30] =	ssyncset.done $0x0  }
0xee: {  	s23 =	simm.s32 $0x37E0;
	s22 =	rddreg [dreg:$0x5];
	[sflag:s30] =	ssyncadd.s32 $0xFFFFFF80  }
0xef: {  	[tilespmem:s23], [sflag:$0x3] =	stream.linear.gather [hbm4b:s22+s15], $0x20, $0x38;
	[tilespmem:$0x1F800] =	vst v63  }
0xf0: {  	_ =	swait.ge [sflag:s30], $0x20  }
0xf1: {  	[sflag:s30] =	ssyncset.done $0x0  }
0xf2: {  	[sflag:s30] =	ssyncadd.s32 $0xFFFFFFE0  }
0xf3: {  	v23 =	vld [tilespmem:$0x3760]  }
0xf4: {  	v24 =	vld [tilespmem:$0x3770]  }
0xf5: {  	v25 =	vld [tilespmem:$0x3780]  }
0xf6: {  	v26 =	vld [tilespmem:$0x3790]  }
0xf7: {  	v27 =	vld [tilespmem:$0x37A0]  }
0xf8: {  	v28 =	vld [tilespmem:$0x37B0]  }
0xf9: {  	v30 =	vld [tilespmem:$0x37D0]  }
0xfa: {  	v29 =	vld [tilespmem:$0x37C0]  }
0xfb: {  	v31 =	vld [tilespmem:$0x37E0]  }
0xfc: {  	v32 =	vld [tilespmem:$0x37F0]  }
.LBB2_6:
0xfd: {  	s16 =	smul.u32 $0x30, s15;
	_ =	sdelay $0x1  }
0xfe: {  	s16 =	sadd.s32 s12, s16  }
0xff: {  	s16 =	sshrl.u32 s16, $0x3  }
0x100: {  	s17 =	sadd.s32 s7, s16  }
0x101: {  	[tilespmem:s4], [sflag:$0x3] =	stream.linear.gather [hbm4b:s17+s4], $0x30, $0x38;
	[tilespmem:$0x1F800] =	vst v63  }
0x102: {  	_ =	swait.ge [sflag:s30], $0x30  }
0x103: {  	[sflag:s30] =	ssyncset.done $0x0  }
0x104: {  	s16 =	sadd.s32 s8, s16;
	[sflag:s30] =	ssyncadd.s32 $0xFFFFFFD0  }
0x105: {  	[tilespmem:s1], [sflag:$0x3] =	stream.linear.gather [hbm4b:s16+s4], $0x30, $0x38;
	[tilespmem:$0x1F800] =	vst v63  }
0x106: {  	_ =	swait.ge [sflag:s30], $0x30  }
0x107: {  	[sflag:s30] =	ssyncset.done $0x0  }
0x108: {  	[sflag:s30] =	ssyncadd.s32 $0xFFFFFFD0  }
0x109: {  	[tilespmem:s29], [sflag:$0x1] =	stream.indirect.gather [hbm4b:s5+s31], $0x80, s4, s31, $0xb8;
	[tilespmem:$0x1F800] =	vst v63  }
0x10a: {  	_ = 	snop  }
0x10b: {  	[tilespmem:s0], [sflag:$0x2] =	stream.indirect.gather [hbm4b:s6+s31], $0x80, s1, s31, $0xb8;
	[tilespmem:$0x1F800] =	vst v63  }
0x10c: {  	_ =	swait.ge [sflag:s3], $0x1800  }
0x10d: {  	[sflag:s3] =	ssyncset.done $0x0  }
0x10e: {  	[sflag:s3] =	ssyncadd.s32 $0xFFFFE800  }
0x10f: {  	_ =	swait.ge [sflag:s9], $0x1800  }
0x110: {  	[sflag:s9] =	ssyncset.done $0x0  }
0x111: {  	s20 =	simm.s32 $0x200;
	[sflag:s9] =	ssyncadd.s32 $0xFFFFE800  }
0x112: {  	s16 =	simm.s32 $0x1A00;
	v33 =	vld [tilespmem:s20+$0xB0]  }
0x113: {  	v34 =	vld [tilespmem:s16+$0xB0]  }
0x114: {  	v35 =	vld [tilespmem:s20+$0xF0]  }
0x115: {  	v36 =	vld [tilespmem:s16+$0xF0]  }
0x116: {  	v37 =	vld [tilespmem:s20+$0xA0]  }
0x117: {  	v38 =	vld [tilespmem:s16+$0xA0]  }
0x118: {  	v39 =	vld [tilespmem:s20+$0xE0]  }
0x119: {  	v40 =	vld [tilespmem:s16+$0xE0]  }
0x11a: {  	v41 =	vld [tilespmem:s20+$0x90]  }
0x11b: {  	v42 =	vld [tilespmem:s16+$0x90]  }
0x11c: {  	v43 =	vld [tilespmem:s20+$0x80]  }
0x11d: {  	v44 =	vld [tilespmem:s16+$0x80]  }
0x11e: {  	v45 =	vld [tilespmem:s20+$0xC0]  }
0x11f: {  	v46 =	vld [tilespmem:s16+$0xC0]  }
0x120: {  	v47 =	vld [tilespmem:s20+$0xD0]  }
0x121: {  	v48 =	vld [tilespmem:s16+$0xD0]  }
0x122: {  	v49 =	vld [tilespmem:s16+$0xFFFFFF00]  }
0x123: {  	v6 =	vld [tilespmem:s20+$0xFFFFFF40]  }
0x124: {  	v8 =	vld [tilespmem:s16+$0xFFFFFF40]  }
0x125: {  	v10 =	vld [tilespmem:s20+$0xFFFFFF80]  }
0x126: {  	v12 =	vld [tilespmem:s16+$0xFFFFFF80]  }
0x127: {  	v53 =	vld [tilespmem:s20+$0x0]  }
0x128: {  	v60 =	vld [tilespmem:s20+$0xFFFFFF00];
	v33 =	vadd.f32 v34, v33;
	v5 =	vadd.f32 v36, v35  }
0x129: {  	v54 =	vld [tilespmem:s16+$0x0];
	v7 =	vadd.f32 v44, v43;
	v37 =	vadd.f32 v38, v37  }
0x12a: {  	v50 =	vld [tilespmem:s20+$0xFFFFFFC0];
	v9 =	vadd.f32 v46, v45;
	v39 =	vadd.f32 v40, v39  }
0x12b: {  	v52 =	vld [tilespmem:s16+$0xFFFFFFC0];
	v41 =	vadd.f32 v42, v41;
	v47 =	vadd.f32 v48, v47  }
0x12c: {  	v40 =	vadd.f32 v12, v10;
	v44 =	vmul.f32 $2.000000030e-01, v7;
	v11 =	vmul.f32 $2.000000030e-01, v33  }
0x12d: {  	v10 =	vadd.f32 v49, v60;
	v46 =	vmul.f32 $2.000000030e-01, v9;
	v13 =	vmul.f32 $2.000000030e-01, v5  }
0x12e: {  	v58 =	vld [tilespmem:s20+$0x40];
	v12 =	vadd.f32 v54, v53;
	v14 =	vmul.f32 $2.000000030e-01, v41;
	v51 =	vmul.f32 $2.000000030e-01, v37  }
0x12f: {  	v59 =	vld [tilespmem:s16+$0x40];
	v35 =	vadd.f32 v8, v6;
	v15 =	vmul.f32 $2.000000030e-01, v47;
	v57 =	vmul.f32 $2.000000030e-01, v39  }
0x130: {  	v62 =	vld [tilespmem:s20+$0xFFFFFF10];
	v8 =	vadd.f32 v52, v50;
	v54 =	vmul.f32 $2.000000030e-01, v10;
	v55 =	vmul.f32 $2.000000030e-01, v12  }
0x131: {  	v63 =	vld [tilespmem:s16+$0xFFFFFF10];
	v36 =	vmax.f32 v7, v44;
	v43 =	vmax.f32 v9, v46;
	v41 =	vmax.f32 v41, v14  }
0x132: {  	v56 =	vld [tilespmem:s16+$0xFFFFFFD0];
	v46 =	vmax.f32 v47, v15;
	v37 =	vmax.f32 v37, v51;
	v39 =	vmax.f32 v39, v57  }
0x133: {  	v6 =	vld [tilespmem:s16+$0xFFFFFF50];
	v33 =	vmax.f32 v33, v11;
	v7 =	vmul.f32 $2.000000030e-01, v35;
	v11 =	vmul.f32 $2.000000030e-01, v40  }
0x134: {  	v34 =	vmax.f32 v5, v13;
	v5 =	vld [tilespmem:s20+$0xFFFFFF50];
	v14 =	vmul.f32 $2.000000030e-01, v8;
	v36 =	vmul.f32 v36, v23  }
0x135: {  	v9 =	vld [tilespmem:s20+$0xFFFFFF90];
	v47 =	vadd.f32 v59, v58;
	v43 =	vmul.f32 v43, v27;
	v41 =	vmul.f32 v41, v24  }
0x136: {  	v13 =	vld [tilespmem:s16+$0xFFFFFF90];
	v38 =	vmax.f32 v10, v54;
	v46 =	vmul.f32 v46, v28;
	v37 =	vmul.f32 v37, v25  }
0x137: {  	v15 =	vld [tilespmem:s20+$0xFFFFFFD0];
	v60 =	vmax.f32 v12, v55;
	v39 =	vmul.f32 v39, v29;
	v33 =	vmul.f32 v33, v26  }
0x138: {  	v59 =	vld [tilespmem:s20+$0x10];
	v34 =	vmul.f32 v34, v30;
	v38 =	vmul.f32 v38, v23;
	v35 =	vmax.f32 v35, v7  }
0x139: {  	v12 =	vld [tilespmem:s20+$0xFFFFFFA0];
	v40 =	vmax.f32 v40, v11;
	v57 =	vmax.f32 v8, v14;
	v36 =	vadd.f32 $0.0e+00, v36  }
0x13a: {  	v55 =	vld [tilespmem:s16+$0x60];
	v58 =	vmul.f32 $2.000000030e-01, v47;
	v43 =	vadd.f32 $0.0e+00, v43;
	v35 =	vmul.f32 v35, v27  }
0x13b: {  	v8 =	vld [tilespmem:s16+$0xFFFFFF20];
	v40 =	vmul.f32 v40, v23;
	v38 =	vadd.f32 $0.0e+00, v38;
	v36 =	vadd.f32 v41, v36  }
0x13c: {  	v11 =	vld [tilespmem:s16+$0xFFFFFF60];
	v42 =	vmax.f32 v47, v58;
	v61 =	vadd.f32 v46, v43;
	v49 =	vadd.f32 v56, v15  }
0x13d: {  	v41 =	vmul.f32 v57, v27;
	v35 =	vadd.f32 $0.0e+00, v35;
	v40 =	vadd.f32 $0.0e+00, v40;
	v15 =	vld [tilespmem:s16+$0xFFFFFFA0]  }
0x13e: {  	v42 =	vmul.f32 v42, v27;
	v57 =	vld [tilespmem:s20+$0xFFFFFFE0];
	v36 =	vadd.f32 v37, v36;
	v4 =	vadd.f32 v39, v61  }
0x13f: {  	v37 =	vadd.f32 v63, v62;
	v61 =	vld [tilespmem:s16+$0x10];
	v39 =	vmul.f32 v60, v23;
	v41 =	vadd.f32 $0.0e+00, v41  }
0x140: {  	v63 =	vld [tilespmem:s20+$0x50];
	v10 =	vmul.f32 $2.000000030e-01, v49;
	v42 =	vadd.f32 $0.0e+00, v42;
	v44 =	vadd.f32 v33, v36  }
0x141: {  	v33 =	vadd.f32 v34, v4;
	v36 =	vadd.f32 v6, v5;
	v62 =	vmul.f32 $2.000000030e-01, v37;
	v5 =	vld [tilespmem:s16+$0x50]  }
0x142: {  	v34 =	vadd.f32 v13, v9;
	v6 =	vld [tilespmem:s20+$0xFFFFFF20];
	v13 =	vmax.f32 v49, v10;
	v39 =	vadd.f32 $0.0e+00, v39  }
0x143: {  	v9 =	vld [tilespmem:s20+$0xFFFFFF60];
	v48 =	vmul.f32 v13, v28;
	v52 =	vadd.f32 v15, v12;
	v4 =	vmul.f32 $2.000000030e-01, v36  }
0x144: {  	v13 =	vld [tilespmem:s16+$0xFFFFFF70];
	v37 =	vmax.f32 v37, v62;
	v7 =	vmul.f32 $2.000000030e-01, v34;
	v43 =	vadd.f32 v61, v59  }
0x145: {  	v62 =	vld [tilespmem:s16+$0x20];
	v37 =	vmul.f32 v37, v24;
	v48 =	vadd.f32 v48, v41;
	v36 =	vmax.f32 v36, v4  }
0x146: {  	v59 =	vld [tilespmem:s16+$0xFFFFFFE0];
	v34 =	vmax.f32 v34, v7;
	v7 =	vmul.f32 $2.000000030e-01, v52;
	v47 =	vadd.f32 v5, v63  }
0x147: {  	v61 =	vld [tilespmem:s20+$0x20];
	v14 =	vmul.f32 $2.000000030e-01, v43;
	v36 =	vmul.f32 v36, v28;
	v46 =	vadd.f32 v8, v6  }
0x148: {  	v45 =	vadd.f32 v11, v9;
	v34 =	vmul.f32 v34, v24;
	v37 =	vadd.f32 v37, v38;
	v63 =	vld [tilespmem:s20+$0x60]  }
0x149: {  	v6 =	vld [tilespmem:s20+$0xFFFFFF30];
	v11 =	vmax.f32 v52, v7;
	v58 =	vmul.f32 $2.000000030e-01, v47;
	v43 =	vmax.f32 v43, v14  }
0x14a: {  	v8 =	vld [tilespmem:s16+$0xFFFFFF30];
	v60 =	vmul.f32 $2.000000030e-01, v46;
	v4 =	vmul.f32 $2.000000030e-01, v45;
	v36 =	vadd.f32 v36, v35  }
0x14b: {  	v9 =	vld [tilespmem:s20+$0xFFFFFF70];
	v34 =	vadd.f32 v34, v40;
	v52 =	vmul.f32 v11, v25;
	v43 =	vmul.f32 v43, v24  }
0x14c: {  	v49 =	vadd.f32 v59, v57;
	v38 =	vadd.f32 v62, v61;
	v47 =	vmax.f32 v47, v58  }
0x14d: {  	v46 =	vmax.f32 v46, v60;
	v45 =	vmax.f32 v45, v4;
	v47 =	vmul.f32 v47, v28  }
0x14e: {  	v5 =	vmul.f32 v46, v25;
	v45 =	vmul.f32 v45, v29;
	v10 =	vadd.f32 v43, v39  }
0x14f: {  	v14 =	vld [tilespmem:s20+$0xFFFFFFB0];
	v12 =	vmul.f32 $2.000000030e-01, v49;
	v50 =	vadd.f32 v55, v63;
	v59 =	vadd.f32 v8, v6  }
0x150: {  	v58 =	vld [tilespmem:s16+$0xFFFFFFB0];
	v15 =	vmul.f32 $2.000000030e-01, v38;
	v43 =	vadd.f32 v13, v9;
	v35 =	vadd.f32 v5, v37  }
0x151: {  	v39 =	vld [tilespmem:s20+$0xFFFFFFF0];
	v57 =	vadd.f32 v47, v42;
	v41 =	vmax.f32 v49, v12;
	v60 =	vmul.f32 $2.000000030e-01, v50  }
0x152: {  	v37 =	vmax.f32 v38, v15;
	v38 =	vadd.f32 v45, v36;
	v61 =	vmul.f32 v41, v29;
	v41 =	vld [tilespmem:s16+$0xFFFFFFF0]  }
0x153: {  	v40 =	vld [tilespmem:s20+$0x30];
	v51 =	vmul.f32 $2.000000030e-01, v59;
	v47 =	vmul.f32 $2.000000030e-01, v43;
	v50 =	vmax.f32 v50, v60  }
0x154: {  	s18 =	simm.s32 $0x60;
	s17 =	simm.s32 $0x3140;
	v36 =	vadd.f32 v52, v34;
	v42 =	vld [tilespmem:s16+$0x30];
	v37 =	vmul.f32 v37, v25;
	v62 =	vmul.f32 v50, v29  }
0x155: {  	s19 =	simm.s32 $0x0;
	s21 =	simm.s32 $0x20;
	s23 =	sor.u32 $0x70, s18;
	[tilespmem:s17+$0x20] =	vst v44;
	v44 =	vld [tilespmem:s20+$0x70];
	v63 =	vmax.f32 v59, v51;
	v46 =	vadd.f32 v58, v14;
	v34 =	vadd.f32 v61, v48  }
0x156: {  	s22 =	sor.u32 $0x30, s21;
	s21 =	sor.u32 $0x50, s24;
	[tilespmem:s23+$0x3100] =	vst v33;
	s20 =	simm.s32 $0x400;
	v45 =	vld [tilespmem:s16+$0x70];
	v37 =	vadd.f32 v37, v10;
	v48 =	vmul.f32 v63, v26;
	v33 =	vadd.f32 v62, v57  }
.LBB2_7:
0x157: {  	v49 =	vld [tilespmem:s20+$0xB0];
	v43 =	vmax.f32 v43, v47;
	v47 =	vmul.f32 $2.000000030e-01, v46;
	v39 =	vadd.f32 v41, v39;
	s16 =	sadd.s32 $0x200, s16  }
0x158: {  	v41 =	vld [tilespmem:s16+$0xB0];
	v35 =	vadd.f32 v48, v35;
	v43 =	vmul.f32 v43, v30  }
0x159: {  	v48 =	vld [tilespmem:s20+$0xF0];
	v46 =	vmax.f32 v46, v47;
	v47 =	vmul.f32 $2.000000030e-01, v39;
	v40 =	vadd.f32 v42, v40  }
0x15a: {  	v42 =	vld [tilespmem:s16+$0xF0];
	v38 =	vadd.f32 v43, v38;
	[tilespmem:s17+$0xFFFFFFC0] =	vst v35;
	v35 =	vmul.f32 v46, v26  }
0x15b: {  	v43 =	vld [tilespmem:s20+$0xA0];
	v39 =	vmax.f32 v39, v47;
	v46 =	vmul.f32 $2.000000030e-01, v40;
	v44 =	vadd.f32 v45, v44  }
0x15c: {  	v45 =	vld [tilespmem:s16+$0xA0];
	[tilespmem:s17+$0xFFFFFFD0] =	vst v38;
	v35 =	vadd.f32 v35, v36;
	v36 =	vmul.f32 v39, v30  }
0x15d: {  	v38 =	vld [tilespmem:s20+$0xE0];
	v39 =	vmax.f32 v40, v46;
	v40 =	vmul.f32 $2.000000030e-01, v44  }
0x15e: {  	v46 =	vld [tilespmem:s16+$0xE0];
	v34 =	vadd.f32 v36, v34;
	[tilespmem:s17+$0xFFFFFFE0] =	vst v35;
	v35 =	vmul.f32 v39, v26  }
0x15f: {  	v36 =	vld [tilespmem:s20+$0x90];
	v39 =	vmax.f32 v44, v40  }
0x160: {  	v40 =	vld [tilespmem:s16+$0x90];
	[tilespmem:s22+$0x3100] =	vst v34;
	v34 =	vadd.f32 v35, v37;
	v35 =	vmul.f32 v39, v30  }
0x161: {  	v37 =	vld [tilespmem:s20+$0x80]  }
0x162: {  	v39 =	vld [tilespmem:s16+$0x80];
	v33 =	vadd.f32 v35, v33;
	[tilespmem:s17+$0x0] =	vst v34  }
0x163: {  	v34 =	vld [tilespmem:s20+$0xC0]  }
0x164: {  	s19 =	sadd.s32 $0x4, s19;
	v35 =	vld [tilespmem:s16+$0xC0];
	[tilespmem:s21+$0x3100] =	vst v33  }
0x165: {  	p0 =	slt.u32 s19, $0x2C;
	v33 =	vld [tilespmem:s20+$0xD0]  }
0x166: {  	v44 =	vld [tilespmem:s16+$0xD0]  }
0x167: {  	v41 =	vadd.f32 v41, v49;
	v42 =	vadd.f32 v42, v48;
	v47 =	vld [tilespmem:s16+$0xFFFFFF00]  }
0x168: {  	v37 =	vadd.f32 v39, v37;
	v39 =	vadd.f32 v45, v43;
	v48 =	vld [tilespmem:s20+$0xFFFFFF40]  }
0x169: {  	v43 =	vld [tilespmem:s16+$0xFFFFFF40];
	v34 =	vadd.f32 v35, v34;
	v35 =	vadd.f32 v46, v38  }
0x16a: {  	v36 =	vadd.f32 v40, v36;
	v40 =	vmul.f32 $2.000000030e-01, v41;
	v45 =	vmul.f32 $2.000000030e-01, v37;
	v38 =	vld [tilespmem:s20+$0xFFFFFF80]  }
0x16b: {  	v46 =	vld [tilespmem:s16+$0xFFFFFF80];
	v49 =	vmul.f32 $2.000000030e-01, v34;
	v33 =	vadd.f32 v44, v33;
	v44 =	vmul.f32 $2.000000030e-01, v42  }
0x16c: {  	v51 =	vmul.f32 $2.000000030e-01, v39;
	v37 =	vmax.f32 v37, v45;
	v45 =	vmul.f32 $2.000000030e-01, v36;
	v50 =	vld [tilespmem:s20+$0xFFFFFFC0]  }
0x16d: {  	v37 =	vmul.f32 v37, v23;
	v52 =	vld [tilespmem:s16+$0xFFFFFFC0];
	v34 =	vmax.f32 v34, v49;
	v49 =	vmul.f32 $2.000000030e-01, v33  }
0x16e: {  	v36 =	vmax.f32 v36, v45;
	v45 =	vmul.f32 $2.000000030e-01, v35;
	v53 =	vld [tilespmem:s20+$0x0];
	v34 =	vmul.f32 v34, v27  }
0x16f: {  	v37 =	vadd.f32 $0.0e+00, v37;
	v36 =	vmul.f32 v36, v24;
	v54 =	vld [tilespmem:s16+$0x0];
	v33 =	vmax.f32 v33, v49  }
0x170: {  	v39 =	vmax.f32 v39, v51;
	v49 =	vld [tilespmem:s20+$0x40];
	v34 =	vadd.f32 $0.0e+00, v34;
	v33 =	vmul.f32 v33, v28  }
0x171: {  	v35 =	vmax.f32 v35, v45;
	v36 =	vadd.f32 v36, v37;
	v37 =	vmul.f32 v39, v25;
	v51 =	vld [tilespmem:s16+$0x40]  }
0x172: {  	v40 =	vmax.f32 v41, v40;
	v39 =	vld [tilespmem:s20+$0xFFFFFF00];
	v33 =	vadd.f32 v33, v34;
	v34 =	vmul.f32 v35, v29  }
0x173: {  	v36 =	vadd.f32 v37, v36;
	v37 =	vmul.f32 v40, v26;
	v40 =	vmax.f32 v42, v44;
	v35 =	vld [tilespmem:s20+$0xFFFFFF10]  }
0x174: {  	v42 =	vadd.f32 v43, v48;
	v41 =	vld [tilespmem:s16+$0xFFFFFF10];
	v33 =	vadd.f32 v34, v33;
	v34 =	vmul.f32 v40, v30  }
0x175: {  	v38 =	vadd.f32 v46, v38;
	v36 =	vadd.f32 v37, v36;
	v40 =	vld [tilespmem:s20+$0xFFFFFF50]  }
0x176: {  	s18 =	sadd.s32 $0x80, s18;
	s17 =	sadd.s32 $0x80, s17;
	v44 =	vadd.f32 v52, v50;
	v37 =	vmul.f32 $2.000000030e-01, v42;
	v43 =	vld [tilespmem:s16+$0xFFFFFF50];
	v33 =	vadd.f32 v34, v33  }
0x177: {  	s23 =	sor.u32 $0x70, s18;
	s21 =	sadd.s32 $0xFFFFFFC0, s18;
	v46 =	vadd.f32 v54, v53;
	v34 =	vadd.f32 v47, v39;
	v39 =	vmul.f32 $2.000000030e-01, v38;
	v45 =	vld [tilespmem:s20+$0xFFFFFF90];
	[tilespmem:s17+$0x20] =	vst v36  }
0x178: {  	s22 =	sor.u32 $0x30, s21;
	s21 =	sadd.s32 $0xFFFFFFE0, s18;
	v36 =	vmax.f32 v42, v37;
	v42 =	vmul.f32 $2.000000030e-01, v44;
	v47 =	vadd.f32 v51, v49;
	v37 =	vld [tilespmem:s16+$0xFFFFFF90];
	[tilespmem:s23+$0x3100] =	vst v33  }
0x179: {  	s21 =	sor.u32 $0x50, s21;
	v48 =	vmul.f32 $2.000000030e-01, v46;
	v33 =	vmul.f32 $2.000000030e-01, v34;
	v35 =	vadd.f32 v41, v35;
	v41 =	vld [tilespmem:s20+$0xFFFFFFD0]  }
0x17a: {  	v38 =	vmax.f32 v38, v39;
	v39 =	vmax.f32 v44, v42;
	v44 =	vmul.f32 $2.000000030e-01, v47;
	v42 =	vld [tilespmem:s16+$0xFFFFFFD0]  }
0x17b: {  	v33 =	vmax.f32 v34, v33;
	v34 =	vadd.f32 v43, v40;
	v40 =	vmax.f32 v46, v48;
	v43 =	vld [tilespmem:s20+$0x10]  }
0x17c: {  	v46 =	vmul.f32 $2.000000030e-01, v35;
	v44 =	vmax.f32 v47, v44;
	v33 =	vmul.f32 v33, v23;
	v48 =	vld [tilespmem:s16+$0x10]  }
0x17d: {  	v36 =	vmul.f32 v36, v27;
	v47 =	vmul.f32 $2.000000030e-01, v34;
	v37 =	vadd.f32 v37, v45;
	v45 =	vld [tilespmem:s20+$0x50]  }
0x17e: {  	v38 =	vmul.f32 v38, v23;
	v39 =	vmul.f32 v39, v27;
	v35 =	vmax.f32 v35, v46;
	v46 =	vld [tilespmem:s16+$0x50]  }
0x17f: {  	v40 =	vmul.f32 v40, v23;
	v49 =	vld [tilespmem:s20+$0xFFFFFF20];
	v50 =	vmul.f32 $2.000000030e-01, v37;
	v41 =	vadd.f32 v42, v41  }
0x180: {  	v44 =	vmul.f32 v44, v27;
	v33 =	vadd.f32 $0.0e+00, v33;
	v34 =	vmax.f32 v34, v47;
	v42 =	vld [tilespmem:s16+$0xFFFFFF20]  }
0x181: {  	v47 =	vld [tilespmem:s20+$0xFFFFFF60];
	v37 =	vmax.f32 v37, v50;
	v50 =	vmul.f32 $2.000000030e-01, v41;
	v43 =	vadd.f32 v48, v43  }
0x182: {  	v36 =	vadd.f32 $0.0e+00, v36;
	v38 =	vadd.f32 $0.0e+00, v38;
	v35 =	vmul.f32 v35, v24;
	v48 =	vld [tilespmem:s16+$0xFFFFFF60]  }
0x183: {  	v51 =	vld [tilespmem:s20+$0xFFFFFFA0];
	v41 =	vmax.f32 v41, v50;
	v50 =	vmul.f32 $2.000000030e-01, v43;
	v45 =	vadd.f32 v46, v45  }
0x184: {  	v39 =	vadd.f32 $0.0e+00, v39;
	v40 =	vadd.f32 $0.0e+00, v40;
	v34 =	vmul.f32 v34, v28;
	v46 =	vld [tilespmem:s16+$0xFFFFFFA0]  }
0x185: {  	v42 =	vadd.f32 v42, v49;
	v49 =	vld [tilespmem:s20+$0xFFFFFFE0];
	v43 =	vmax.f32 v43, v50;
	v50 =	vmul.f32 $2.000000030e-01, v45  }
0x186: {  	v44 =	vadd.f32 $0.0e+00, v44;
	v37 =	vmul.f32 v37, v24;
	v41 =	vmul.f32 v41, v28;
	v52 =	vld [tilespmem:s16+$0xFFFFFFE0]  }
0x187: {  	v53 =	vmul.f32 $2.000000030e-01, v42;
	v47 =	vadd.f32 v48, v47;
	v48 =	vld [tilespmem:s20+$0x20];
	v45 =	vmax.f32 v45, v50  }
0x188: {  	v33 =	vadd.f32 v35, v33;
	v35 =	vmul.f32 v43, v24;
	v43 =	vld [tilespmem:s16+$0x20];
	v45 =	vmul.f32 v45, v28  }
0x189: {  	v42 =	vmax.f32 v42, v53;
	v50 =	vmul.f32 $2.000000030e-01, v47;
	v46 =	vadd.f32 v46, v51;
	v51 =	vld [tilespmem:s20+$0x60]  }
0x18a: {  	v34 =	vadd.f32 v34, v36;
	v36 =	vadd.f32 v37, v38;
	v42 =	vmul.f32 v42, v25;
	v37 =	vld [tilespmem:s16+$0x60]  }
0x18b: {  	v53 =	vld [tilespmem:s20+$0xFFFFFF30];
	v38 =	vmax.f32 v47, v50;
	v47 =	vmul.f32 $2.000000030e-01, v46;
	v49 =	vadd.f32 v52, v49  }
0x18c: {  	v41 =	vadd.f32 v41, v39;
	v52 =	vadd.f32 v35, v40;
	v50 =	vld [tilespmem:s16+$0xFFFFFF30];
	v38 =	vmul.f32 v38, v29  }
0x18d: {  	v40 =	vld [tilespmem:s20+$0xFFFFFF70];
	v39 =	vmax.f32 v46, v47;
	v46 =	vmul.f32 $2.000000030e-01, v49;
	v43 =	vadd.f32 v43, v48  }
0x18e: {  	v45 =	vadd.f32 v45, v44;
	v35 =	vadd.f32 v42, v33;
	v33 =	vld [tilespmem:s16+$0xFFFFFF70];
	v39 =	vmul.f32 v39, v25  }
0x18f: {  	v44 =	vld [tilespmem:s20+$0xFFFFFFB0];
	v42 =	vmax.f32 v49, v46;
	v46 =	vmul.f32 $2.000000030e-01, v43;
	v37 =	vadd.f32 v37, v51  }
0x190: {  	v38 =	vadd.f32 v38, v34;
	v36 =	vadd.f32 v39, v36;
	v48 =	vld [tilespmem:s16+$0xFFFFFFB0];
	v34 =	vmul.f32 v42, v29  }
0x191: {  	v47 =	vadd.f32 v50, v53;
	v39 =	vld [tilespmem:s20+$0xFFFFFFF0];
	v42 =	vmax.f32 v43, v46;
	v46 =	vmul.f32 $2.000000030e-01, v37  }
.Ltmp2:
0x192: {  	v34 =	vadd.f32 v34, v41;
	v41 =	vld [tilespmem:s16+$0xFFFFFFF0];
	v42 =	vmul.f32 v42, v25;
	(pc) =	sbr.rel @p0 .LBB2_7-.Ltmp2, $4  }
0x193: {  	v49 =	vmul.f32 $2.000000030e-01, v47;
	v43 =	vadd.f32 v33, v40;
	v40 =	vld [tilespmem:s20+$0x30];
	v33 =	vmax.f32 v37, v46  }
0x194: {  	v37 =	vadd.f32 v42, v52;
	v42 =	vld [tilespmem:s16+$0x30];
	v33 =	vmul.f32 v33, v29  }
0x195: {  	v49 =	vmax.f32 v47, v49;
	v47 =	vmul.f32 $2.000000030e-01, v43;
	v46 =	vadd.f32 v48, v44;
	v44 =	vld [tilespmem:s20+$0x70]  }
0x196: {  	s20 =	sadd.s32 $0x200, s20;
	v48 =	vmul.f32 v49, v26;
	v33 =	vadd.f32 v33, v45;
	v45 =	vld [tilespmem:s16+$0x70]  }
0x197: {  	_ =	sdelay $0x1  }
0x198: {  	v39 =	vadd.f32 v41, v39  }
0x199: {  	v63 =	vmax.f32 v43, v47;
	v4 =	vmul.f32 $2.000000030e-01, v46;
	v40 =	vadd.f32 v42, v40  }
0x19a: {  	v35 =	vadd.f32 v48, v35;
	v5 =	vmul.f32 $2.000000030e-01, v39;
	v44 =	vadd.f32 v45, v44  }
0x19b: {  	v41 =	vmul.f32 v63, v30;
	v43 =	vmax.f32 v46, v4;
	v6 =	vmul.f32 $2.000000030e-01, v40  }
0x19c: {  	v43 =	vmul.f32 v43, v26;
	v39 =	vmax.f32 v39, v5;
	v7 =	vmul.f32 $2.000000030e-01, v44  }
0x19d: {  	v38 =	vadd.f32 v41, v38;
	v39 =	vmul.f32 v39, v30;
	v40 =	vmax.f32 v40, v6  }
0x19e: {  	[tilespmem:s17+$0xFFFFFFC0] =	vst v35;
	v8 =	vadd.f32 v43, v36;
	v9 =	vmul.f32 v40, v26;
	v10 =	vmax.f32 v44, v7  }
0x19f: {  	[tilespmem:s17+$0xFFFFFFD0] =	vst v38;
	v34 =	vadd.f32 v39, v34;
	v11 =	vmul.f32 v10, v30  }
0x1a0: {  	[tilespmem:s17+$0xFFFFFFE0] =	vst v8;
	v12 =	vadd.f32 v9, v37  }
0x1a1: {  	[tilespmem:s22+$0x3100] =	vst v34;
	v33 =	vadd.f32 v11, v33  }
0x1a2: {  	[tilespmem:s17+$0x0] =	vst v12  }
0x1a3: {  	[tilespmem:s21+$0x3100] =	vst v33  }
0x1a4: {  	v2 =	vld [tilespmem:$0x1FF00];
	_ =	sdelay $0x7  }
0x1a5: {  	v34 =	vld.idx.msk [tilespmem:v2+s11+$0x0], $0xffff  }
0x1a6: {  	v2 =	vld [tilespmem:$0x1FF10];
	_ =	sdelay $0x7  }
0x1a7: {  	v35 =	vld.idx.msk [tilespmem:v2+s11+$0x0], $0xffff  }
0x1a8: {  	v2 =	vld [tilespmem:$0x1FF20];
	_ =	sdelay $0x7  }
0x1a9: {  	v36 =	vld.idx.msk [tilespmem:v2+s11+$0x0], $0xffff  }
0x1aa: {  	v2 =	vld [tilespmem:$0x1FF30];
	_ =	sdelay $0x7  }
0x1ab: {  	v45 =	vld.idx.msk [tilespmem:v2+s11+$0x0], $0xffff  }
0x1ac: {  	v2 =	vld [tilespmem:$0x1FF40];
	_ =	sdelay $0x7  }
0x1ad: {  	v46 =	vld.idx.msk [tilespmem:v2+s11+$0x0], $0xffff  }
0x1ae: {  	v2 =	vld [tilespmem:$0x1FF50];
	_ =	sdelay $0x7  }
0x1af: {  	v47 =	vld.idx.msk [tilespmem:v2+s11+$0x0], $0xffff  }
0x1b0: {  	v2 =	vld [tilespmem:$0x1FF60];
	_ =	sdelay $0x7  }
0x1b1: {  	v48 =	vld.idx.msk [tilespmem:v2+s11+$0x0], $0xffff  }
0x1b2: {  	v2 =	vld [tilespmem:$0x1FF70];
	_ =	sdelay $0x7  }
0x1b3: {  	v49 =	vld.idx.msk [tilespmem:v2+s11+$0x0], $0xffff  }
0x1b4: {  	v2 =	vld [tilespmem:$0x1FF80];
	_ =	sdelay $0x7  }
0x1b5: {  	v50 =	vld.idx.msk [tilespmem:v2+s11+$0x0], $0xffff  }
0x1b6: {  	v2 =	vld [tilespmem:$0x1FF90];
	_ =	sdelay $0x7  }
0x1b7: {  	v51 =	vld.idx.msk [tilespmem:v2+s11+$0x0], $0xffff  }
0x1b8: {  	v2 =	vld [tilespmem:$0x1FFA0];
	_ =	sdelay $0x7  }
0x1b9: {  	v52 =	vld.idx.msk [tilespmem:v2+s11+$0x0], $0xffff  }
0x1ba: {  	v2 =	vld [tilespmem:$0x1FFB0];
	_ =	sdelay $0x7  }
0x1bb: {  	v53 =	vld.idx.msk [tilespmem:v2+s11+$0x0], $0xffff  }
0x1bc: {  	v2 =	vld [tilespmem:$0x1FFC0];
	_ =	sdelay $0x7  }
0x1bd: {  	v54 =	vld.idx.msk [tilespmem:v2+s11+$0x0], $0xffff  }
0x1be: {  	v2 =	vld [tilespmem:$0x1FFD0];
	_ =	sdelay $0x3  }
0x1bf: {  	v33 =	vld.idx.msk [tilespmem:v0+s11+$0x0], $0xffff  }
0x1c0: {  	v39 =	vld.idx.msk [tilespmem:v18+s11+$0x0], $0xffff  }
0x1c1: {  	v13 =	vor.u32 $0x15, v0;
	v56 =	vld.idx.msk [tilespmem:v19+s11+$0x0], $0xffff  }
0x1c2: {  	v14 =	vor.u32 $0x16, v0;
	v57 =	vld.idx.msk [tilespmem:v20+s11+$0x0], $0xffff  }
0x1c3: {  	v4 =	vor.u32 $0x18, v0;
	v55 =	vld.idx.msk [tilespmem:v2+s11+$0x0], $0xffff  }
0x1c4: {  	v5 =	vor.u32 $0x19, v0;
	v2 =	vld [tilespmem:$0x1FFE0]  }
0x1c5: {  	v7 =	vor.u32 $0x1B, v0;
	v58 =	vld.idx.msk [tilespmem:v21+s11+$0x0], $0xffff  }
0x1c6: {  	v9 =	vor.u32 $0x1D, v0;
	v59 =	vld.idx.msk [tilespmem:v13+s11+$0x0], $0xffff  }
0x1c7: {  	v60 =	vld.idx.msk [tilespmem:v14+s11+$0x0], $0xffff  }
0x1c8: {  	v62 =	vld.idx.msk [tilespmem:v4+s11+$0x0], $0xffff  }
0x1c9: {  	v63 =	vld.idx.msk [tilespmem:v5+s11+$0x0], $0xffff;
	v13 =	vor.u32 $0x201, v0  }
0x1ca: {  	v8 =	vor.u32 $0x1C, v0;
	v3 =	vld.idx.msk [tilespmem:v7+s11+$0x0], $0xffff  }
0x1cb: {  	v40 =	vor.u32 $0x205, v0;
	v5 =	vld.idx.msk [tilespmem:v9+s11+$0x0], $0xffff  }
0x1cc: {  	v11 =	vor.u32 $0x1F, v0;
	v43 =	vld.idx.msk [tilespmem:v2+s11+$0x0], $0xffff  }
0x1cd: {  	v12 =	vor.u32 $0x200, v0;
	v2 =	vld [tilespmem:$0x1FFF0]  }
0x1ce: {  	v9 =	vld.idx.msk [tilespmem:v13+s11+$0x0], $0xffff;
	v13 =	vor.u32 $0x208, v0  }
0x1cf: {  	v15 =	vor.u32 $0x17, v0;
	v4 =	vld.idx.msk [tilespmem:v8+s11+$0x0], $0xffff  }
0x1d0: {  	v44 =	vld.idx.msk [tilespmem:v40+s11+$0x0], $0xffff  }
0x1d1: {  	v41 =	vor.u32 $0x206, v0;
	v7 =	vld.idx.msk [tilespmem:v11+s11+$0x0], $0xffff  }
0x1d2: {  	v8 =	vld.idx.msk [tilespmem:v12+s11+$0x0], $0xffff;
	v11 =	vor.u32 $0x207, v0  }
0x1d3: {  	v40 =	vld.idx.msk [tilespmem:v13+s11+$0x0], $0xffff;
	v13 =	vor.u32 $0x20D, v0  }
0x1d4: {  	v6 =	vor.u32 $0x1A, v0;
	v61 =	vld.idx.msk [tilespmem:v15+s11+$0x0], $0xffff;
	v33 =	vadd.f32 $0.0e+00, v33  }
0x1d5: {  	v10 =	vor.u32 $0x1E, v0;
	v37 =	vld.idx.msk [tilespmem:v2+s11+$0x0], $0xffff  }
0x1d6: {  	v14 =	vor.u32 $0x202, v0;
	v42 =	vld.idx.msk [tilespmem:v41+s11+$0x0], $0xffff;
	v33 =	vadd.f32 v34, v33  }
0x1d7: {  	v38 =	vor.u32 $0x204, v0;
	v41 =	vld.idx.msk [tilespmem:v11+s11+$0x0], $0xffff;
	v8 =	vadd.f32 $0.0e+00, v8  }
0x1d8: {  	v15 =	vor.u32 $0x203, v0;
	v33 =	vadd.f32 v35, v33;
	v35 =	vld.idx.msk [tilespmem:v13+s11+$0x0], $0xffff  }
0x1d9: {  	v8 =	vadd.f32 v9, v8;
	v9 =	vor.u32 $0x405, v0;
	v2 =	vld.idx.msk [tilespmem:v6+s11+$0x0], $0xffff  }
0x1da: {  	v13 =	vor.u32 $0x212, v0;
	v6 =	vld.idx.msk [tilespmem:v10+s11+$0x0], $0xffff;
	v37 =	vadd.f32 $0.0e+00, v37  }
0x1db: {  	v11 =	vor.u32 $0x20C, v0;
	v10 =	vld.idx.msk [tilespmem:v14+s11+$0x0], $0xffff  }
0x1dc: {  	v14 =	vld.idx.msk [tilespmem:v38+s11+$0x0], $0xffff;
	v38 =	vor.u32 $0x209, v0;
	v34 =	vadd.f32 v39, v37  }
0x1dd: {  	v16 =	vor.u32 $0x20B, v0;
	v12 =	vld.idx.msk [tilespmem:v15+s11+$0x0], $0xffff  }
0x1de: {  	v15 =	vor.u32 $0x20A, v0;
	v9 =	vld.idx.msk [tilespmem:v9+s11+$0x0], $0xffff;
	v33 =	vadd.f32 v36, v33;
	v34 =	vadd.f32 v56, v34  }
0x1df: {  	v13 =	vld.idx.msk [tilespmem:v13+s11+$0x0], $0xffff;
	v56 =	vor.u32 $0x20F, v0  }
0x1e0: {  	v36 =	vld.idx.msk [tilespmem:v11+s11+$0x0], $0xffff;
	v11 =	vor.u32 $0x211, v0;
	v33 =	vadd.f32 v45, v33;
	v34 =	vadd.f32 v57, v34  }
0x1e1: {  	v17 =	vor.u32 $0x20E, v0;
	v39 =	vld.idx.msk [tilespmem:v38+s11+$0x0], $0xffff  }
0x1e2: {  	v46 =	vadd.f32 v46, v33;
	v37 =	vld.idx.msk [tilespmem:v16+s11+$0x0], $0xffff;
	v16 =	vor.u32 $0x210, v0;
	v58 =	vadd.f32 v58, v34  }
0x1e3: {  	v38 =	vld.idx.msk [tilespmem:v15+s11+$0x0], $0xffff;
	v15 =	vor.u32 $0x214, v0  }
0x1e4: {  	v46 =	vadd.f32 v47, v46;
	v33 =	vld.idx.msk [tilespmem:v56+s11+$0x0], $0xffff;
	v56 =	vor.u32 $0x215, v0;
	v45 =	vadd.f32 v59, v58  }
0x1e5: {  	v11 =	vld.idx.msk [tilespmem:v11+s11+$0x0], $0xffff;
	v57 =	vor.u32 $0x217, v0  }
0x1e6: {  	v46 =	vadd.f32 v48, v46;
	v34 =	vld.idx.msk [tilespmem:v17+s11+$0x0], $0xffff;
	v17 =	vor.u32 $0x213, v0;
	v45 =	vadd.f32 v60, v45  }
0x1e7: {  	v16 =	vld.idx.msk [tilespmem:v16+s11+$0x0], $0xffff;
	v60 =	vor.u32 $0x218, v0  }
0x1e8: {  	v46 =	vadd.f32 v49, v46;
	v15 =	vld.idx.msk [tilespmem:v15+s11+$0x0], $0xffff;
	v58 =	vor.u32 $0x219, v0;
	v45 =	vadd.f32 v61, v45  }
0x1e9: {  	v49 =	vld.idx.msk [tilespmem:v56+s11+$0x0], $0xffff;
	v56 =	vor.u32 $0x21A, v0  }
0x1ea: {  	v46 =	vadd.f32 v50, v46;
	v59 =	vor.u32 $0x21B, v0;
	v50 =	vld.idx.msk [tilespmem:v57+s11+$0x0], $0xffff;
	v45 =	vadd.f32 v62, v45  }
0x1eb: {  	v57 =	vor.u32 $0x21C, v0;
	v17 =	vld.idx.msk [tilespmem:v17+s11+$0x0], $0xffff  }
0x1ec: {  	v48 =	vld.idx.msk [tilespmem:v60+s11+$0x0], $0xffff;
	v60 =	vor.u32 $0x21D, v0;
	v45 =	vadd.f32 v63, v45  }
0x1ed: {  	v46 =	vadd.f32 v51, v46;
	v51 =	vld.idx.msk [tilespmem:v58+s11+$0x0], $0xffff;
	v58 =	vor.u32 $0x21E, v0  }
0x1ee: {  	v2 =	vadd.f32 v2, v45;
	v45 =	vld.idx.msk [tilespmem:v56+s11+$0x0], $0xffff;
	v56 =	vor.u32 $0x21F, v0  }
0x1ef: {  	v46 =	vadd.f32 v52, v46;
	v52 =	vld.idx.msk [tilespmem:v59+s11+$0x0], $0xffff;
	v59 =	vor.u32 $0x400, v0  }
0x1f0: {  	v2 =	vadd.f32 v3, v2;
	v3 =	vld.idx.msk [tilespmem:v57+s11+$0x0], $0xffff;
	v57 =	vor.u32 $0x410, v0  }
0x1f1: {  	v46 =	vadd.f32 v53, v46;
	v53 =	vld.idx.msk [tilespmem:v60+s11+$0x0], $0xffff;
	v60 =	vor.u32 $0x401, v0  }
0x1f2: {  	v2 =	vadd.f32 v4, v2;
	v4 =	vld.idx.msk [tilespmem:v58+s11+$0x0], $0xffff;
	v58 =	vor.u32 $0x411, v0  }
0x1f3: {  	v46 =	vadd.f32 v54, v46;
	v54 =	vld.idx.msk [tilespmem:v56+s11+$0x0], $0xffff;
	v56 =	vor.u32 $0x402, v0  }
0x1f4: {  	v2 =	vadd.f32 v5, v2;
	v5 =	vld.idx.msk [tilespmem:v59+s11+$0x0], $0xffff;
	v59 =	vor.u32 $0x412, v0  }
0x1f5: {  	v46 =	vadd.f32 v55, v46;
	v55 =	vor.u32 $0x403, v0;
	v57 =	vld.idx.msk [tilespmem:v57+s11+$0x0], $0xffff  }
0x1f6: {  	v2 =	vadd.f32 v6, v2;
	v6 =	vld.idx.msk [tilespmem:v60+s11+$0x0], $0xffff;
	v60 =	vor.u32 $0x413, v0  }
0x1f7: {  	v61 =	vor.u32 $0x404, v0;
	v58 =	vld.idx.msk [tilespmem:v58+s11+$0x0], $0xffff  }
0x1f8: {  	v43 =	vadd.f32 v43, v46;
	v62 =	vadd.f32 $0.0e+00, v16;
	v16 =	vld.idx.msk [tilespmem:v56+s11+$0x0], $0xffff;
	v56 =	vor.u32 $0x414, v0  }
0x1f9: {  	v47 =	vor.u32 $0x216, v0;
	v2 =	vadd.f32 v7, v2;
	v5 =	vadd.f32 $0.0e+00, v5;
	v59 =	vld.idx.msk [tilespmem:v59+s11+$0x0], $0xffff  }
0x1fa: {  	v7 =	vadd.f32 v11, v62;
	v11 =	vld.idx.msk [tilespmem:v55+s11+$0x0], $0xffff;
	v63 =	vadd.f32 $0.0e+00, v57;
	v57 =	vor.u32 $0x415, v0  }
0x1fb: {  	v8 =	vadd.f32 v10, v8;
	v5 =	vadd.f32 v6, v5;
	v6 =	vor.u32 $0x406, v0;
	v60 =	vld.idx.msk [tilespmem:v60+s11+$0x0], $0xffff  }
0x1fc: {  	v62 =	vor.u32 $0x416, v0;
	v7 =	vadd.f32 v13, v7;
	v13 =	vld.idx.msk [tilespmem:v61+s11+$0x0], $0xffff;
	v61 =	vadd.f32 v58, v63  }
0x1fd: {  	v8 =	vadd.f32 v12, v8;
	v63 =	vor.u32 $0x407, v0;
	v5 =	vadd.f32 v16, v5;
	v16 =	vld.idx.msk [tilespmem:v56+s11+$0x0], $0xffff  }
0x1fe: {  	v47 =	vld.idx.msk [tilespmem:v47+s11+$0x0], $0xffff;
	v7 =	vadd.f32 v17, v7;
	v56 =	vor.u32 $0x417, v0;
	v17 =	vadd.f32 v59, v61  }
0x1ff: {  	v8 =	vadd.f32 v14, v8;
	v58 =	vor.u32 $0x408, v0;
	v5 =	vadd.f32 v11, v5;
	v59 =	vld.idx.msk [tilespmem:v57+s11+$0x0], $0xffff  }
0x200: {  	v7 =	vadd.f32 v15, v7;
	v6 =	vld.idx.msk [tilespmem:v6+s11+$0x0], $0xffff;
	v10 =	vadd.f32 v60, v17;
	v60 =	vor.u32 $0x418, v0  }
0x201: {  	v8 =	vadd.f32 v44, v8;
	v61 =	vor.u32 $0x409, v0;
	v17 =	vld.idx.msk [tilespmem:v62+s11+$0x0], $0xffff;
	v5 =	vadd.f32 v13, v5  }
0x202: {  	v7 =	vadd.f32 v49, v7;
	v12 =	vld.idx.msk [tilespmem:v63+s11+$0x0], $0xffff;
	v10 =	vadd.f32 v16, v10;
	v16 =	vor.u32 $0x419, v0  }
0x203: {  	v8 =	vadd.f32 v42, v8;
	v62 =	vor.u32 $0x40A, v0;
	v63 =	vld.idx.msk [tilespmem:v56+s11+$0x0], $0xffff;
	v5 =	vadd.f32 v9, v5  }
0x204: {  	v44 =	vor.u32 $0x41A, v0;
	v11 =	vld.idx.msk [tilespmem:v58+s11+$0x0], $0xffff;
	v7 =	vadd.f32 v47, v7;
	v10 =	vadd.f32 v59, v10  }
0x205: {  	v46 =	vor.u32 $0x40B, v0;
	v8 =	vadd.f32 v41, v8;
	v5 =	vadd.f32 v6, v5;
	v15 =	vld.idx.msk [tilespmem:v60+s11+$0x0], $0xffff  }
0x206: {  	v13 =	vld.idx.msk [tilespmem:v61+s11+$0x0], $0xffff;
	v7 =	vadd.f32 v50, v7;
	v10 =	vadd.f32 v17, v10;
	v17 =	vor.u32 $0x41B, v0  }
0x207: {  	v8 =	vadd.f32 v40, v8;
	v47 =	vor.u32 $0x40C, v0;
	v5 =	vadd.f32 v12, v5;
	v16 =	vld.idx.msk [tilespmem:v16+s11+$0x0], $0xffff  }
0x208: {  	v49 =	vor.u32 $0x41C, v0;
	v9 =	vld.idx.msk [tilespmem:v62+s11+$0x0], $0xffff;
	v7 =	vadd.f32 v48, v7;
	v10 =	vadd.f32 v63, v10  }
0x209: {  	v14 =	vld.idx.msk [tilespmem:v44+s11+$0x0], $0xffff;
	v8 =	vadd.f32 v39, v8;
	v50 =	vor.u32 $0x40D, v0;
	v5 =	vadd.f32 v11, v5  }
0x20a: {  	v55 =	vor.u32 $0x41D, v0;
	v6 =	vld.idx.msk [tilespmem:v46+s11+$0x0], $0xffff;
	v7 =	vadd.f32 v51, v7;
	v10 =	vadd.f32 v15, v10  }
0x20b: {  	v8 =	vadd.f32 v38, v8;
	v56 =	vor.u32 $0x40E, v0;
	v5 =	vadd.f32 v13, v5;
	v17 =	vld.idx.msk [tilespmem:v17+s11+$0x0], $0xffff  }
0x20c: {  	v12 =	vld.idx.msk [tilespmem:v47+s11+$0x0], $0xffff;
	v7 =	vadd.f32 v45, v7;
	v10 =	vadd.f32 v16, v10;
	v16 =	vor.u32 $0x41E, v0  }
0x20d: {  	v8 =	vadd.f32 v37, v8;
	v57 =	vor.u32 $0x40F, v0;
	v58 =	vld.idx.msk [tilespmem:v49+s11+$0x0], $0xffff;
	v5 =	vadd.f32 v9, v5  }
0x20e: {  	v59 =	vor.u32 $0x41F, v0;
	v11 =	vld.idx.msk [tilespmem:v50+s11+$0x0], $0xffff;
	v7 =	vadd.f32 v52, v7;
	v10 =	vadd.f32 v14, v10  }
0x20f: {  	v8 =	vadd.f32 v36, v8;
	v60 =	vld.idx.msk [tilespmem:v55+s11+$0x0], $0xffff;
	v5 =	vadd.f32 v6, v5  }
0x210: {  	v62 =	vld.idx.msk [tilespmem:v56+s11+$0x0], $0xffff;
	v3 =	vadd.f32 v3, v7;
	v61 =	vadd.f32 v17, v10  }
0x211: {  	v8 =	vadd.f32 v35, v8;
	v5 =	vadd.f32 v12, v5;
	v63 =	vld.idx.msk [tilespmem:v16+s11+$0x0], $0xffff  }
0x212: {  	v9 =	vld.idx.msk [tilespmem:v57+s11+$0x0], $0xffff;
	v3 =	vadd.f32 v53, v3;
	v7 =	vadd.f32 v58, v61  }
0x213: {  	v8 =	vadd.f32 v34, v8;
	v15 =	vld.idx.msk [tilespmem:v59+s11+$0x0], $0xffff;
	v5 =	vadd.f32 v11, v5  }
0x214: {  	v3 =	vadd.f32 v4, v3;
	v34 =	vadd.f32 v60, v7  }
0x215: {  	v35 =	vmul.f32 $1.442695020e+00, v43;
	v36 =	vadd.f32 v33, v8;
	v5 =	vadd.f32 v62, v5  }
0x216: {  	v2 =	vmul.f32 $1.442695020e+00, v2;
	v3 =	vadd.f32 v54, v3;
	v4 =	vadd.f32 v63, v34  }
0x217: {  	(erf) = vpow2.f32 v35;
	v37 =	vmul.f32 $1.442695020e+00, v36;
	v5 =	vadd.f32 v9, v5  }
0x218: {  	(erf) = vpow2.f32 v2;
	v2 =	vmul.f32 $1.442695020e+00, v3;
	v3 =	vadd.f32 v15, v4  }
0x219: {  	(erf) = vpow2.f32 v37;
	v38 =	vmul.f32 $1.442695020e+00, v5  }
0x21a: {  	(erf) = vpow2.f32 v2;
	v2 =	vmul.f32 $1.442695020e+00, v3  }
0x21b: {  	(erf) = vpow2.f32 v38  }
0x21c: {  	(erf) = vpow2.f32 v2;
	_ =	sdelay $0x3  }
0x21d: {  	s16 =	simm.s32 $0x0;
	v2 =	vpop (erf)  }
0x21e: {  	v3 =	vpop (erf);
	[tilespmem:$0x3700] =	vst v2;
	v2 =	vmov s16  }
0x21f: {  	v39 =	vpop (erf);
	[tilespmem:$0x3730] =	vst v3;
	v3 =	vadd.s32 $0x630, v2  }
0x220: {  	v40 =	vpop (erf);
	[tilespmem:$0x3710] =	vst v39  }
0x221: {  	[tilespmem:$0x3740] =	vst v40;
	v41 =	vpop (erf)  }
0x222: {  	[tilespmem:$0x3720] =	vst v41;
	v42 =	vpop (erf)  }
0x223: {  	v43 =	vor.u32 $0x600, v2;
	[tilespmem:$0x3750] =	vst v42  }
0x224: {  	v3 =	vld.idx.msk [tilespmem:v3+s11+$0x0], $0xffff;
	_ =	sdelay $0x3  }
0x225: {  	v4 =	vld.idx.msk [tilespmem:v43+s11+$0x0], $0xffff  }
0x226: {  	s16 =	simm.s32 $0x140;
	v2 =	vld.idx.msk [tilespmem:v2+s1+$0x0], $0xffff;
	v44 =	vmul.f32 v3, v32  }
0x227: {  	v45 =	vld [tilespmem:s16+$0xFFFFFFC0]  }
0x228: {  	v46 =	vld [tilespmem:s16+$0xFFFFFFD0];
	v5 =	vadd.f32 v44, v31  }
0x229: {  	v47 =	vld [tilespmem:s16+$0xFFFFFFE0]  }
0x22a: {  	v48 =	vld [tilespmem:s16+$0xFFFFFFF0];
	v5 =	vmul.f32 v5, v4;
	v4 =	vmul.f32 v4, v32  }
0x22b: {  	v49 =	vld [tilespmem:s16+$0x0];
	v50 =	vshra.s32 v2, $0xB;
	v51 =	vand.u32 $0x7F, v2;
	v2 =	vshll.u32 v2, $0x3  }
0x22c: {  	v52 =	vld [tilespmem:s16+$0x10];
	v11 =	vadd.s32 v22, v50;
	v4 =	vadd.f32 v4, v31;
	v6 =	vmul.f32 v5, v45  }
0x22d: {  	v53 =	vld [tilespmem:s16+$0x20];
	v2 =	vand.u32 $0x3C00, v2;
	v54 =	vshll.u32 v11, $0x7;
	v7 =	vmul.f32 v46, v5  }
0x22e: {  	v56 =	vld [tilespmem:s16+$0x30];
	v57 =	vshll.u32 v11, $0xB;
	v55 =	vmul.f32 v47, v5;
	v3 =	vmul.f32 v4, v3;
	[tilespmem:s16+$0xFFFFFFC0] =	vst v6  }
0x22f: {  	v2 =	vor.u32 v51, v2;
	v8 =	vand.u32 $0xFFFFC000, v57;
	v58 =	vmul.f32 v48, v5;
	[tilespmem:s16+$0xFFFFFFD0] =	vst v7  }
0x230: {  	s23 =	simm.s32 $0x1;
	v60 =	vand.u32 $0x380, v54;
	v2 =	vor.u32 v8, v2;
	[tilespmem:s16+$0xFFFFFFE0] =	vst v55;
	v59 =	vmul.f32 v49, v3  }
0x231: {  	v34 =	vmov s23;
	v2 =	vor.u32 v60, v2;
	[tilespmem:s16+$0xFFFFFFF0] =	vst v58;
	v61 =	vmul.f32 v52, v3  }
0x232: {  	v62 =	vadd.s32 $0x630, v34;
	v63 =	vmul.f32 v53, v3;
	[tilespmem:s16+$0x0] =	vst v59  }
0x233: {  	v6 =	vmul.f32 v56, v3;
	[tilespmem:s16+$0x10] =	vst v61  }
0x234: {  	v3 =	vsel vm0, $0x0, v3;
	[tilespmem:s16+$0x20] =	vst v63  }
0x235: {  	v35 =	vor.u32 $0x600, v34;
	v3 =	vsel vm1, v5, v3;
	[tilespmem:s16+$0x30] =	vst v6  }
0x236: {  	[tilespmem:v2+s13+$0x0] =	vst.idx.add.f32.msk $0x3, v3  }
0x237: {  	s17 =	simm.s32 $0x2;
	v33 =	vld.idx.msk [tilespmem:v62+s11+$0x0], $0xffff  }
.LBB2_9:
0x238: {  	p0 =	sne.s32 s17, $0x2F;
	_ =	sdelay $0x1  }
0x239: {  	v2 =	vld.idx.msk [tilespmem:v35+s11+$0x0], $0xffff  }
0x23a: {  	v3 =	vld.idx.msk [tilespmem:v34+s1+$0x0], $0xffff  }
0x23b: {  	s16 =	sadd.s32 $0x80, s16;
	v4 =	vmul.f32 v33, v32  }
0x23c: {  	v5 =	vld [tilespmem:s16+$0xFFFFFFC0]  }
0x23d: {  	v4 =	vadd.f32 v4, v31;
	v6 =	vld [tilespmem:s16+$0xFFFFFFD0]  }
0x23e: {  	v7 =	vld [tilespmem:s16+$0xFFFFFFE0]  }
0x23f: {  	v4 =	vmul.f32 v4, v2;
	v2 =	vmul.f32 v2, v32;
	v8 =	vld [tilespmem:s16+$0xFFFFFFF0]  }
0x240: {  	v10 =	vshra.s32 v3, $0xB;
	v11 =	vand.u32 $0x7F, v3;
	v3 =	vshll.u32 v3, $0x3;
	v9 =	vld [tilespmem:s16+$0x0]  }
0x241: {  	v2 =	vadd.f32 v2, v31;
	v10 =	vadd.s32 v22, v10;
	v5 =	vmul.f32 v4, v5;
	v12 =	vld [tilespmem:s16+$0x10]  }
0x242: {  	v3 =	vand.u32 $0x3C00, v3;
	v14 =	vshll.u32 v10, $0x7;
	v6 =	vmul.f32 v6, v4;
	v13 =	vld [tilespmem:s16+$0x20]  }
0x243: {  	v10 =	vshll.u32 v10, $0xB;
	v2 =	vmul.f32 v2, v33;
	[tilespmem:s16+$0xFFFFFFC0] =	vst v5;
	v5 =	vmul.f32 v7, v4;
	v7 =	vld [tilespmem:s16+$0x30]  }
0x244: {  	v3 =	vor.u32 v11, v3;
	[tilespmem:s16+$0xFFFFFFD0] =	vst v6;
	v6 =	vmul.f32 v8, v4;
	v8 =	vand.u32 $0xFFFFC000, v10  }
0x245: {  	[tilespmem:s16+$0xFFFFFFE0] =	vst v5;
	v5 =	vmul.f32 v9, v2;
	v9 =	vand.u32 $0x380, v14;
	v3 =	vor.u32 v8, v3  }
0x246: {  	v34 =	vmov s17;
	[tilespmem:s16+$0xFFFFFFF0] =	vst v6;
	v6 =	vmul.f32 v12, v2;
	v3 =	vor.u32 v9, v3  }
0x247: {  	v8 =	vadd.s32 $0x630, v34;
	[tilespmem:s16+$0x0] =	vst v5;
	v5 =	vmul.f32 v13, v2  }
0x248: {  	[tilespmem:s16+$0x10] =	vst v6;
	v6 =	vmul.f32 v7, v2  }
.Ltmp3:
0x249: {  	v2 =	vsel vm0, $0x0, v2;
	[tilespmem:s16+$0x20] =	vst v5;
	(pc) =	sbr.rel @p0 .LBB2_9-.Ltmp3, $4  }
0x24a: {  	v2 =	vsel vm1, v4, v2;
	[tilespmem:s16+$0x30] =	vst v6  }
0x24b: {  	v35 =	vor.u32 $0x600, v34;
	[tilespmem:v3+s13+$0x0] =	vst.idx.add.f32.msk $0x3, v2  }
0x24c: {  	v33 =	vld.idx.msk [tilespmem:v8+s11+$0x0], $0xffff  }
0x24d: {  	s17 =	sadd.s32 $0x1, s17  }
0x24e: {  	_ =	sdelay $0x3  }
0x24f: {  	v2 =	vld.idx.msk [tilespmem:v35+s11+$0x0], $0xffff  }
0x250: {  	v3 =	vld.idx.msk [tilespmem:v34+s1+$0x0], $0xffff;
	s16 =	sadd.s32 $0x80, s16;
	v4 =	vmul.f32 v33, v32  }
0x251: {  	v5 =	vld [tilespmem:s16+$0xFFFFFFC0]  }
0x252: {  	v6 =	vld [tilespmem:s16+$0xFFFFFFD0];
	v4 =	vadd.f32 v4, v31  }
0x253: {  	v7 =	vld [tilespmem:s16+$0xFFFFFFE0]  }
0x254: {  	v8 =	vld [tilespmem:s16+$0xFFFFFFF0];
	v4 =	vmul.f32 v4, v2;
	v2 =	vmul.f32 v2, v32  }
0x255: {  	v9 =	vld [tilespmem:s16+$0x0];
	v10 =	vshra.s32 v3, $0xB;
	v11 =	vand.u32 $0x7F, v3;
	v3 =	vshll.u32 v3, $0x3  }
0x256: {  	v12 =	vld [tilespmem:s16+$0x10];
	v10 =	vadd.s32 v22, v10;
	v2 =	vadd.f32 v2, v31;
	v5 =	vmul.f32 v4, v5  }
0x257: {  	v13 =	vld [tilespmem:s16+$0x20];
	v3 =	vand.u32 $0x3C00, v3;
	v14 =	vshll.u32 v10, $0x7;
	v6 =	vmul.f32 v6, v4  }
0x258: {  	v56 =	vld [tilespmem:s16+$0x30];
	v10 =	vshll.u32 v10, $0xB;
	v55 =	vmul.f32 v7, v4;
	v2 =	vmul.f32 v2, v33;
	[tilespmem:s16+$0xFFFFFFC0] =	vst v5  }
0x259: {  	v3 =	vor.u32 v11, v3;
	v58 =	vand.u32 $0xFFFFC000, v10;
	v57 =	vmul.f32 v8, v4;
	[tilespmem:s16+$0xFFFFFFD0] =	vst v6  }
0x25a: {  	v60 =	vand.u32 $0x380, v14;
	v3 =	vor.u32 v58, v3;
	[tilespmem:s16+$0xFFFFFFE0] =	vst v55;
	v59 =	vmul.f32 v9, v2  }
0x25b: {  	v3 =	vor.u32 v60, v3;
	[tilespmem:s16+$0xFFFFFFF0] =	vst v57;
	v61 =	vmul.f32 v12, v2  }
0x25c: {  	v62 =	vmul.f32 v13, v2;
	[tilespmem:s16+$0x0] =	vst v59  }
0x25d: {  	v63 =	vmul.f32 v56, v2;
	[tilespmem:s16+$0x10] =	vst v61  }
0x25e: {  	s15 =	sadd.s32 $0x1, s15;
	v2 =	vsel vm0, $0x0, v2;
	[tilespmem:s16+$0x20] =	vst v62  }
0x25f: {  	p0 =	sne.s32 s15, $0xD7;
	v2 =	vsel vm1, v4, v2;
	[tilespmem:s16+$0x30] =	vst v63  }
.Ltmp4:
0x260: {  	[tilespmem:v3+s13+$0x0] =	vst.idx.add.f32.msk $0x3, v2;
	(pc) =	sbr.rel @p0 .LBB2_6-.Ltmp4, $4  }
0x261: {  	[spmem:s2] =	stream.indirect.scatter.add.f32 [tilespmem:s29], [sflag:$0x3], $0x80, s1, s31, $0xb8;
	[tilespmem:$0x1F800] =	vst v63  }
0x262: {  	_ =	swait.ge [sflag:s30], $0x1800  }
0x263: {  	[sflag:s30] =	ssyncset.done $0x0  }
0x264: {  	[sflag:s30] =	ssyncadd.s32 $0xFFFFE800  }
0x265: {  	s15 =	stileid.u32  }
0x266: {  	[bflag:$0x0] =	sbarrier.arrive $0xFFFF;
	s15 =	sshll.u32 s15, $0x6  }
0x267: {  	s16 =	sshrl.u32 s10, $0x3;
	s17 =	rddreg [dreg:$0x7];
	s15 =	sor.u32 $0x1C03, s15  }
0x268: {  	[hbm:s17], [sflag:s15] =	dma.local [spmem:s16], $0x2800  }
0x269: {  	_ =	swait.ge [sflag:s30], $0x2800  }
0x26a: {  	[sflag:s30] =	ssyncset.done $0x0  }
0x26b: {  	s22 =	rddreg [dreg:$0x8];
	[sflag:s30] =	ssyncadd.s32 $0xFFFFD800  }
0x26c: {  	[hbm4b:s22+s4] =	stream.linear.scatter [tilespmem:s13], [sflag:$0x3], $0x8000, $0x38;
	[tilespmem:$0x1F800] =	vst v63  }
0x26d: {  	_ =	swait.ge [sflag:s30], $0x8000  }
0x26e: {  	s14 =	sadd.s32 $0x1, s14;
	s23 =	rddreg [dreg:$0x9]  }
0x26f: {  	p0 =	sne.s32 s14, s23  }
.Ltmp5:
0x270: {  	_ = 	snop;
	(pc) =	sbr.rel @p0 .LBB2_1-.Ltmp5, $3  }
0x271: {  	_ =	sdelay $0x1  }
0x272: {  	[sflag:s30] =	ssyncset.done $0x0  }
0x273: {  	[sflag:s30] =	ssyncadd.s32 $0xFFFF8000  }
0x274: {  	_ =	sfence.sel $0x180000  }
0x275: {  	[bflag:$0x0] =	sbarrier.arrive $0xFFFF  }
0x276: {  	_ =	strace $0x9000004A  }
0x277: {  	s0 =	stileid.u32;
	[bflag:$0x2] =	sbarrier.arrive $0xFFFF  }
0x278: {  	p0 =	sne.s32 s0, $0x0;
	s0 =	rddreg [dreg:$0x4]  }
0x279: {  	s0 =	sadd.s32 @!p0 $0x100000, s0  }
0x27a: {  	[sflag:s0] =	ssyncadd.tile.s32 @!p0 $0x1;
	_ =	shalt  }
.Lfunc_end2:
_tile_overlayer_lowered:
.L_overlay_start_2:
0x27b: {  	(tag) =	ssettag $0x2  }
0x27c: {  	s0 =	rddreg [dreg:$0x0];
	s2 =	stileid.u32  }
0x27d: {  	s1 =	rddreg [dreg:$0x1];
	p0 =	sne.s32 s2, $0x0  }
0x27e: {  	s3 =	rddreg [dreg:$0x2];
	[bflag:$0x3] =	sbarrier.arrive $0xFFFF;
	s2 =	simm.s32 @!p0 $0x1C03  }
0x27f: {  	[timem:s3], [sflag:s2] =	dma.local @!p0 [hbm:s0], s1  }
0x280: {  	s0 =	simm.s32 @!p0 $0x3  }
0x281: {  	_ =	swait.ge @!p0 [sflag:s0], s1  }
0x282: {  	s1 =	ssub.s32 @!p0 $0x0, s1;
	[sflag:s0] =	ssyncset.done @!p0 $0x0  }
0x283: {  	[sflag:s0] =	ssyncadd.s32 @!p0 s1  }
0x284: {  	[bflag:$0x3] =	sbarrier.arrive $0xFFFF  }
0x285: {  	_ =	shalt  }

</sc_bundles>
